<compile_context>
chip_gen: v7x
topology: tpu7x:2x2x1
jax: 0.10.2.dev20260603
libtpu: 0.0.44.dev20260713+nightly
codegen_flags: <defaults>
</compile_context>

<pallas_src>
import functools

import jax
import jax.numpy as jnp
from jax import lax
from jax.experimental import pallas as pl
from jax.experimental.pallas import tpu as pltpu
from jax.experimental.pallas import tpu_sc as plsc

_F32 = jnp.float32
_CH = 128
_NSPLIT = 25000
_NTRASH = 400
_ACC_CH = 40




def _mm_bias_body(x_ref, w_ref, b_ref, o_ref):
    o_ref[...] = (
        jnp.dot(x_ref[...], w_ref[...], preferred_element_type=_F32) + b_ref[0]
    )


def _tc_matmul_bias(x, w, b, block_rows):
    R, K = x.shape
    C = w.shape[1]
    return pl.pallas_call(
        _mm_bias_body,
        grid=(R // block_rows,),
        in_specs=[
            pl.BlockSpec((block_rows, K), lambda i: (i, 0)),
            pl.BlockSpec((K, C), lambda i: (0, 0)),
            pl.BlockSpec((1, C), lambda i: (0, 0)),
        ],
        out_specs=pl.BlockSpec((block_rows, C), lambda i: (i, 0)),
        out_shape=jax.ShapeDtypeStruct((R, C), _F32),
    )(x, w, b.reshape(1, -1))


def _embx_body(x_ref, w_ref, b_ref, o_ref):
    mm = jnp.dot(x_ref[...], w_ref[...], preferred_element_type=_F32) + b_ref[0]
    o_ref[...] = jnp.concatenate([mm, jnp.zeros_like(mm)], axis=1)


def _embx_call(x, w, b, block_rows=1000):
    R, K = x.shape
    C = w.shape[1]
    return pl.pallas_call(
        _embx_body,
        grid=(R // block_rows,),
        in_specs=[
            pl.BlockSpec((block_rows, K), lambda i: (i, 0)),
            pl.BlockSpec((K, C), lambda i: (0, 0)),
            pl.BlockSpec((1, C), lambda i: (0, 0)),
        ],
        out_specs=pl.BlockSpec((block_rows, 2 * C), lambda i: (i, 0)),
        out_shape=jax.ShapeDtypeStruct((R, 2 * C), _F32),
    )(x, w, b.reshape(1, -1))


def _nodeA_body(xp_ref, a_ref, w1_ref, b1_ref, w2_ref, b2_ref, h_ref, stats_ref):
    i = pl.program_id(0)
    h0 = xp_ref[...] + a_ref[...]
    h1 = jnp.maximum(
        jnp.dot(h0, w1_ref[...], preferred_element_type=_F32) + b1_ref[0], 0.0
    )
    h = jnp.dot(h1, w2_ref[...], preferred_element_type=_F32) + b2_ref[0]
    h_ref[...] = h

    @pl.when(i == 0)
    def _():
        stats_ref[...] = jnp.zeros_like(stats_ref)

    sums = jnp.concatenate(
        [jnp.sum(h, axis=0, keepdims=True), jnp.sum(h * h, axis=0, keepdims=True)],
        axis=0,
    )
    stats_ref[...] += sums


def _nodeA_call(xp, aggr, w1, b1, w2, b2, block_rows=1000):
    N_ = xp.shape[0]
    H = aggr.shape[1]
    return pl.pallas_call(
        _nodeA_body,
        grid=(N_ // block_rows,),
        in_specs=[
            pl.BlockSpec((block_rows, H), lambda i: (i, 0)),
            pl.BlockSpec((block_rows, H), lambda i: (i, 0)),
            pl.BlockSpec((H, H), lambda i: (0, 0)),
            pl.BlockSpec((1, H), lambda i: (0, 0)),
            pl.BlockSpec((H, H), lambda i: (0, 0)),
            pl.BlockSpec((1, H), lambda i: (0, 0)),
        ],
        out_specs=[
            pl.BlockSpec((block_rows, H), lambda i: (i, 0)),
            pl.BlockSpec((2, H), lambda i: (0, 0)),
        ],
        out_shape=[
            jax.ShapeDtypeStruct((N_, H), _F32),
            jax.ShapeDtypeStruct((2, H), _F32),
        ],
    )(xp, aggr, w1, b1.reshape(1, -1), w2, b2.reshape(1, -1))


def _nodeB_body(
    xp_ref, h_ref, stats_ref, gb_ref, w1a_ref, w1b_ref,
    xo_ref, px_ref, qx_ref, *, n_rows
):
    st = stats_ref[...]
    mean = st[0:1] / n_rows
    var = st[1:2] / n_rows - mean * mean
    hn = (h_ref[...] - mean) * lax.rsqrt(var + 1e-5) * gb_ref[0:1] + gb_ref[1:2]
    xn = (xp_ref[...] + jnp.maximum(hn, 0.0)) * 0.5
    xo_ref[...] = xn
    px_ref[...] = jnp.dot(xn, w1a_ref[...], preferred_element_type=_F32)
    qx_ref[...] = jnp.dot(xn, w1b_ref[...], preferred_element_type=_F32)


def _nodeB_call(xp, h, stats, gamma, beta, w1a, w1b, block_rows=1000):
    N_, H = h.shape
    gb = jnp.stack([gamma, beta])
    body = functools.partial(_nodeB_body, n_rows=float(N_))
    return pl.pallas_call(
        body,
        grid=(N_ // block_rows,),
        in_specs=[
            pl.BlockSpec((block_rows, H), lambda i: (i, 0)),
            pl.BlockSpec((block_rows, H), lambda i: (i, 0)),
            pl.BlockSpec((2, H), lambda i: (0, 0)),
            pl.BlockSpec((2, H), lambda i: (0, 0)),
            pl.BlockSpec((H, H), lambda i: (0, 0)),
            pl.BlockSpec((H, H), lambda i: (0, 0)),
        ],
        out_specs=[
            pl.BlockSpec((block_rows, H), lambda i: (i, 0)),
            pl.BlockSpec((block_rows, H), lambda i: (i, 0)),
            pl.BlockSpec((block_rows, H), lambda i: (i, 0)),
        ],
        out_shape=[
            jax.ShapeDtypeStruct((N_, H), _F32),
            jax.ShapeDtypeStruct((N_, H), _F32),
            jax.ShapeDtypeStruct((N_, H), _F32),
        ],
    )(xp, h, stats, gb, w1a, w1b)


def _edge_body(w_ref, ea_ref, w1c_ref, b1_ref, e2w_ref, e2b_ref, eo_ref):
    pre = (
        w_ref[...]
        + jnp.dot(ea_ref[...], w1c_ref[...], preferred_element_type=_F32)
        + b1_ref[0]
    )
    eh = (
        jnp.dot(jnp.maximum(pre, 0.0), e2w_ref[...], preferred_element_type=_F32)
        + e2b_ref[0]
    )
    eo_ref[...] = ea_ref[...] + eh * 0.5


def _edge_call(w, ea, w1c, b1, e2w, e2b, block_rows=4000):
    E_, H = ea.shape
    return pl.pallas_call(
        _edge_body,
        grid=(E_ // block_rows,),
        in_specs=[
            pl.BlockSpec((block_rows, H), lambda i: (i, 0)),
            pl.BlockSpec((block_rows, H), lambda i: (i, 0)),
            pl.BlockSpec((H, H), lambda i: (0, 0)),
            pl.BlockSpec((1, H), lambda i: (0, 0)),
            pl.BlockSpec((H, H), lambda i: (0, 0)),
            pl.BlockSpec((1, H), lambda i: (0, 0)),
        ],
        out_specs=pl.BlockSpec((block_rows, H), lambda i: (i, 0)),
        out_shape=jax.ShapeDtypeStruct((E_, H), _F32),
    )(w, ea, w1c, b1.reshape(1, -1), e2w, e2b.reshape(1, -1))




def _mesh():
    return plsc.VectorSubcoreMesh(core_axis_name="c", subcore_axis_name="s")


_LINEAR = pltpu.CompilerParams(use_tc_tiling_on_sc=False)


def _sc_msg_call(xp, t, src):
    E_ = src.shape[0]
    n_chunks = E_ // _CH

    @functools.partial(
        pl.kernel,
        out_type=jax.ShapeDtypeStruct((E_, 64), _F32),
        mesh=_mesh(),
        compiler_params=_LINEAR,
        scratch_types=[
            pltpu.VMEM((_CH,), jnp.int32),
            pltpu.VMEM((_CH, 64), _F32),
            pltpu.VMEM((_CH, 64), _F32),
            pltpu.VMEM((_CH, 64), _F32),
            pltpu.SemaphoreType.DMA,
        ],
    )
    def k(xp_hbm, t_hbm, s_hbm, o_hbm, idx_v, row_v, t_v, m_v, sem):
        wid = lax.axis_index("s") * 2 + lax.axis_index("c")

        @pl.loop(wid, n_chunks, step=32)
        def _(i):
            e0 = i * _CH
            pltpu.sync_copy(s_hbm.at[pl.ds(e0, _CH)], idx_v)
            pltpu.sync_copy(t_hbm.at[pl.ds(e0, _CH)], t_v)
            pltpu.async_copy(xp_hbm.at[idx_v], row_v, sem).wait()

            @pl.loop(0, _CH)
            def _(r):
                for j in range(4):
                    sl = pl.ds(j * 16, 16)
                    m_v[r, sl] = jnp.maximum(row_v[r, sl] + t_v[r, sl], 0.0)

            pltpu.sync_copy(m_v, o_hbm.at[pl.ds(e0, _CH)])

    return k(xp, t, src)


def _sc_gather_sum_call(px, qx, src, dst):
    E_ = src.shape[0]
    n_chunks = E_ // _CH

    @functools.partial(
        pl.kernel,
        out_type=jax.ShapeDtypeStruct((E_, 64), _F32),
        mesh=_mesh(),
        compiler_params=_LINEAR,
        scratch_types=[
            pltpu.VMEM((_CH,), jnp.int32),
            pltpu.VMEM((_CH,), jnp.int32),
            pltpu.VMEM((_CH, 64), _F32),
            pltpu.VMEM((_CH, 64), _F32),
            pltpu.VMEM((_CH, 64), _F32),
            pltpu.SemaphoreType.DMA,
        ],
    )
    def k(px_hbm, qx_hbm, s_hbm, d_hbm, o_hbm, si_v, di_v, rs_v, rd_v, o_v, sem):
        wid = lax.axis_index("s") * 2 + lax.axis_index("c")

        @pl.loop(wid, n_chunks, step=32)
        def _(i):
            e0 = i * _CH
            pltpu.sync_copy(s_hbm.at[pl.ds(e0, _CH)], si_v)
            pltpu.sync_copy(d_hbm.at[pl.ds(e0, _CH)], di_v)
            pltpu.async_copy(px_hbm.at[si_v], rs_v, sem).wait()
            pltpu.async_copy(qx_hbm.at[di_v], rd_v, sem).wait()

            @pl.loop(0, _CH)
            def _(r):
                for j in range(4):
                    sl = pl.ds(j * 16, 16)
                    o_v[r, sl] = rs_v[r, sl] + rd_v[r, sl]

            pltpu.sync_copy(o_v, o_hbm.at[pl.ds(e0, _CH)])

    return k(px, qx, src, dst)


def _sc_segsum_call(m, dst, n_nodes):
    E_ = dst.shape[0]
    n_chunks = E_ // _CH
    nh = _NSPLIT + _NTRASH
    n_init = nh // _ACC_CH
    n_out = _NSPLIT // _ACC_CH
    zeros = jnp.zeros((_ACC_CH, 64), _F32)

    @functools.partial(
        pl.kernel,
        out_type=jax.ShapeDtypeStruct((n_nodes, 64), _F32),
        mesh=_mesh(),
        compiler_params=_LINEAR,
        scratch_types=[
            pltpu.VMEM((2, _CH), jnp.int32),
            pltpu.VMEM((_CH, 64), _F32),
            pltpu.VMEM((_ACC_CH, 64), _F32),
            pltpu.VMEM_SHARED((nh, 64), _F32),
            pltpu.SemaphoreType.DMA,
        ],
    )
    def k(m_hbm, dst_hbm, z_hbm, o_hbm, idxb, mbuf, stage, acc, sem):
        c = lax.axis_index("c")
        s = lax.axis_index("s")
        base = c * _NSPLIT

        pltpu.sync_copy(z_hbm, stage)

        @pl.loop(s, n_init, step=16)
        def _(i):
            pltpu.sync_copy(stage, acc.at[pl.ds(i * _ACC_CH, _ACC_CH)])

        plsc.subcore_barrier()

        @pl.loop(s, n_chunks, step=16)
        def _(i):
            e0 = i * _CH
            pltpu.sync_copy(dst_hbm.at[pl.ds(e0, _CH)], idxb.at[0])
            for j in range(_CH // 16):
                sl = pl.ds(j * 16, 16)
                v = idxb[0, sl]
                rel = v - base
                ok = (rel >= 0) & (rel < _NSPLIT)
                trash = _NSPLIT + (v & 255)
                idxb[1, sl] = jnp.where(ok, rel, trash)
            pltpu.sync_copy(m_hbm.at[pl.ds(e0, _CH)], mbuf)
            pltpu.sync_copy(mbuf, acc.at[idxb.at[1]], add=True)

        plsc.subcore_barrier()

        @pl.loop(s, n_out, step=16)
        def _(i):
            r0 = i * _ACC_CH
            pltpu.sync_copy(acc.at[pl.ds(r0, _ACC_CH)], stage)
            pltpu.sync_copy(stage, o_hbm.at[pl.ds(base + r0, _ACC_CH)])

    return k(m, dst, zeros)




def kernel(x, edge_index, edge_attr, params):
    N_ = x.shape[0]
    src = edge_index[0]
    dst = edge_index[1]

    w, b = params["node_emb"]
    xh = _tc_matmul_bias(x, w, b, 1000)
    w, b = params["edge_emb"]
    ea = _tc_matmul_bias(edge_attr, w, b, 4000)

    for layer in params["layers"]:
        lw, lb = layer["edge_lin"]
        t = _tc_matmul_bias(ea, lw, lb, 4000)
        m = _sc_msg_call(xh, t, src)
        aggr = _sc_segsum_call(m, dst, N_)
        w1, b1 = layer["nn1"]
        w2, b2 = layer["nn2"]
        h, stats = _nodeA_call(xh, aggr, w1, b1, w2, b2)
        e1w, e1b = layer["emlp1"]
        H = h.shape[1]
        xh, px, qx = _nodeB_call(
            xh, h, stats, layer["bn_gamma"], layer["bn_beta"],
            e1w[:H], e1w[H : 2 * H],
        )
        wsum = _sc_gather_sum_call(px, qx, src, dst)
        e2w, e2b = layer["emlp2"]
        ea = _edge_call(wsum, ea, e1w[2 * H :], e1b, e2w, e2b)

    return (xh, ea)

# --- scband reference (transcript-rebuilt; emitter-appended) ---
"""Pipeline reference for scband-gine-30227979829590 (READ-ONLY COPY).

The authoritative reference and input builder live on the scoring server;
editing this copy changes nothing except your own understanding.
"""

import jax, jax.numpy as jnp
import numpy as np

N = 50000
E = 800000
F_IN = 128
H = 64
ED = 16
L = 2


def _lin(key, fin, fout):
    k1, k2 = jax.random.split(key)
    w = jax.random.normal(k1, (fin, fout), jnp.float32) / np.sqrt(fin)
    b = jax.random.normal(k2, (fout,), jnp.float32) * 0.01
    return (w, b)


def setup_inputs(seed: int = 0) -> dict:
    key = jax.random.key(seed)
    ks = jax.random.split(key, 40)
    x = jax.random.normal(ks[0], (N, F_IN), jnp.float32)
    edge_index = jax.random.randint(ks[1], (2, E), 0, N, dtype=jnp.int32)
    edge_attr = jax.random.normal(ks[2], (E, ED), jnp.float32)
    params = {
        'node_emb': _lin(ks[3], F_IN, H),
        'edge_emb': _lin(ks[4], ED, H),
        'layers': [],
    }
    for i in range(L):
        base = 5 + i * 6
        layer = {
            'edge_lin': _lin(ks[base], H, H),
            'nn1': _lin(ks[base + 1], H, H),
            'nn2': _lin(ks[base + 2], H, H),
            'bn_gamma': jnp.ones((H,), jnp.float32),
            'bn_beta': jnp.zeros((H,), jnp.float32),
            'emlp1': _lin(ks[base + 3], 3 * H, H),
            'emlp2': _lin(ks[base + 4], H, H),
        }
        params['layers'].append(layer)
    return {'x': x, 'edge_index': edge_index, 'edge_attr': edge_attr, 'params': params}


def _forward(x, edge_attr, params, edge_index):
    src = edge_index[0]
    dst = edge_index[1]
    w, b = params['node_emb']
    x = x @ w + b
    w, b = params['edge_emb']
    ea = edge_attr @ w + b
    for layer in params['layers']:
        lw, lb = layer['edge_lin']
        # GINEConv message: relu(x_j + lin(edge_attr)), aggregated by sum at dst
        m = jax.nn.relu(x[src] + ea @ lw + lb)
        aggr = jax.ops.segment_sum(m, dst, num_segments=N)
        h = x + aggr  # (1 + eps) * x_r + aggr, eps = 0 (train_eps=False default)
        w1, b1 = layer['nn1']
        w2, b2 = layer['nn2']
        h = jax.nn.relu(h @ w1 + b1) @ w2 + b2
        # BatchNorm1d over nodes, training-mode batch statistics (biased var)
        mean = jnp.mean(h, axis=0)
        var = jnp.var(h, axis=0)
        h = (h - mean) / jnp.sqrt(var + 1e-5) * layer['bn_gamma'] + layer['bn_beta']
        x = (x + jax.nn.relu(h)) / 2.0
        # edge update (edge_updates=True)
        e1w, e1b = layer['emlp1']
        e2w, e2b = layer['emlp2']
        eh = jnp.concatenate([x[src], x[dst], ea], axis=-1)
        eh = jax.nn.relu(eh @ e1w + e1b) @ e2w + e2b
        ea = ea + eh / 2.0
    return (x, ea)


def reference(x, edge_index, edge_attr, params):
    return _forward(x, edge_attr, params, edge_index)

if __name__ == "__main__":
    import jax
    _d = setup_inputs()
    print(jax.jit(kernel)(*tuple(_d.values())))

</pallas_src>

<mosaic_0001>
#map = affine_map<(d0, d1) -> (0, 0)>
#map1 = affine_map<(d0, d1) -> (0)>
module attributes {stable_mosaic.version = 14 : i64} {
  func.func @k(%arg0: i32, %arg1: i32, %arg2: memref<50000x64xf32, #tpu.memory_space<hbm>>, %arg3: memref<50000x64xf32, #tpu.memory_space<hbm>>, %arg4: memref<800000xi32, #tpu.memory_space<hbm>>, %arg5: memref<800000xi32, #tpu.memory_space<hbm>>, %arg6: memref<800000x64xf32, #tpu.memory_space<hbm>>, %arg7: memref<128xi32, #tpu.memory_space<vmem>>, %arg8: memref<128xi32, #tpu.memory_space<vmem>>, %arg9: memref<128x64xf32, #tpu.memory_space<vmem>>, %arg10: memref<128x64xf32, #tpu.memory_space<vmem>>, %arg11: memref<128x64xf32, #tpu.memory_space<vmem>>, %arg12: memref<!tpu.dma_semaphore, #tpu.memory_space<semaphore_mem>>) attributes {dimension_semantics = [#tpu.dimension_semantics<core_parallel>, #tpu.dimension_semantics<subcore_parallel>], iteration_bounds = array<i64: 2, 16>, scalar_prefetch = 0 : i64, scratch_operands = 6 : i64, tpu.core_type = #tpu.core_type<sc_vector_subcore>, window_params = [{transform_indices = #map}, {transform_indices = #map}, {transform_indices = #map1}, {transform_indices = #map1}, {transform_indices = #map}]} {
    %mul3A = arith.constant 2 : i32
    %mul3A_0 = arith.muli %arg1, %mul3A : i32
    %add3A = arith.addi %mul3A_0, %arg0 : i32
    %sub3A = arith.constant 6250 : i32
    %sub3A_1 = arith.subi %sub3A, %add3A : i32
    %sub3A_2 = arith.constant 32 : i32
    %sub3A_3 = arith.constant 1 : i32
    %sub3A_4 = arith.subi %sub3A_2, %sub3A_3 : i32
    %add3A_5 = arith.addi %sub3A_1, %sub3A_4 : i32
    %div3A = arith.constant 32 : i32
    %div3A_6 = arith.divsi %add3A_5, %div3A : i32
    %while3A = arith.constant 32 : i32
    %while3A_7 = arith.constant 0 : i32
    %while3A_8 = arith.subi %div3A_6, %while3A_7 : i32
    %while3A_9 = arith.addi %while3A_7, %while3A_8 : i32
    %while3A_10 = arith.constant 1 : i32
    %while3A_11 = arith.divsi %while3A_8, %while3A_10 : i32
    %while3A_12 = arith.muli %while3A_11, %while3A_10 : i32
    %while3A_13 = arith.addi %while3A_7, %while3A_12 : i32
    %while3A_14 = arith.constant 1 : i32
    scf.for %while3A_16 = %while3A_7 to %while3A_13 step %while3A_14  : i32 {
      %mul3A_17 = arith.muli %while3A_16, %while3A : i32
      %add3A_18 = arith.addi %add3A, %mul3A_17 : i32
      %mul3A_19 = arith.constant 128 : i32
      %mul3A_20 = arith.muli %add3A_18, %mul3A_19 : i32
      "tpu.region"() ({
        %run_scoped3A = tpu.sem_alloc : memref<!tpu.dma_semaphore, #tpu.memory_space<semaphore_mem>>
        %dma_start3A_35 = tpu.memref_slice %arg4[%mul3A_20] : memref<800000xi32, #tpu.memory_space<hbm>> -> memref<128xi32, #tpu.memory_space<hbm>>
        %dma_start3A_36 = tpu.memref_slice %arg4[%mul3A_20] : memref<800000xi32, #tpu.memory_space<hbm>> -> memref<128xi32, #tpu.memory_space<hbm>>
        tpu.enqueue_dma source(%dma_start3A_36 : memref<128xi32, #tpu.memory_space<hbm>>) target(%arg7 : memref<128xi32, #tpu.memory_space<vmem>>) target_semaphore(%run_scoped3A : memref<!tpu.dma_semaphore, #tpu.memory_space<semaphore_mem>>)
        %dma_wait3A_37 = tpu.memref_slice %arg4[%mul3A_20] : memref<800000xi32, #tpu.memory_space<hbm>> -> memref<128xi32, #tpu.memory_space<hbm>>
        %dma_wait3A_38 = tpu.memref_slice %arg4[%mul3A_20] : memref<800000xi32, #tpu.memory_space<hbm>> -> memref<128xi32, #tpu.memory_space<hbm>>
        tpu.wait_dma2 semaphore(%run_scoped3A : memref<!tpu.dma_semaphore, #tpu.memory_space<semaphore_mem>>) src(%dma_wait3A_38 : memref<128xi32, #tpu.memory_space<hbm>>) dst(%arg7 : memref<128xi32, #tpu.memory_space<vmem>>)
        tpu.yield
      }) : () -> ()
      "tpu.region"() ({
        %run_scoped3A = tpu.sem_alloc : memref<!tpu.dma_semaphore, #tpu.memory_space<semaphore_mem>>
        %dma_start3A_35 = tpu.memref_slice %arg5[%mul3A_20] : memref<800000xi32, #tpu.memory_space<hbm>> -> memref<128xi32, #tpu.memory_space<hbm>>
        %dma_start3A_36 = tpu.memref_slice %arg5[%mul3A_20] : memref<800000xi32, #tpu.memory_space<hbm>> -> memref<128xi32, #tpu.memory_space<hbm>>
        tpu.enqueue_dma source(%dma_start3A_36 : memref<128xi32, #tpu.memory_space<hbm>>) target(%arg8 : memref<128xi32, #tpu.memory_space<vmem>>) target_semaphore(%run_scoped3A : memref<!tpu.dma_semaphore, #tpu.memory_space<semaphore_mem>>)
        %dma_wait3A_37 = tpu.memref_slice %arg5[%mul3A_20] : memref<800000xi32, #tpu.memory_space<hbm>> -> memref<128xi32, #tpu.memory_space<hbm>>
        %dma_wait3A_38 = tpu.memref_slice %arg5[%mul3A_20] : memref<800000xi32, #tpu.memory_space<hbm>> -> memref<128xi32, #tpu.memory_space<hbm>>
        tpu.wait_dma2 semaphore(%run_scoped3A : memref<!tpu.dma_semaphore, #tpu.memory_space<semaphore_mem>>) src(%dma_wait3A_38 : memref<128xi32, #tpu.memory_space<hbm>>) dst(%arg8 : memref<128xi32, #tpu.memory_space<vmem>>)
        tpu.yield
      }) : () -> ()
      %dma_start3A = arith.constant 0 : i32
      %dma_start3A_21 = arith.constant 0 : i32
      %dma_start3A_22 = tpu.memref_slice %arg2[%dma_start3A, %dma_start3A_21] : memref<50000x64xf32, #tpu.memory_space<hbm>> -> memref<50000x64xf32, #tpu.memory_space<hbm>>
      tpu.enqueue_indirect_dma source(%dma_start3A_22 : memref<50000x64xf32, #tpu.memory_space<hbm>>) target(%arg9 : memref<128x64xf32, #tpu.memory_space<vmem>>) offsets(%arg7 : memref<128xi32, #tpu.memory_space<vmem>>) semaphore(%arg12 : memref<!tpu.dma_semaphore, #tpu.memory_space<semaphore_mem>>)
      %dma_wait3A = arith.constant 0 : i32
      %dma_wait3A_23 = arith.constant 0 : i32
      %dma_wait3A_24 = tpu.memref_slice %arg2[%dma_wait3A, %dma_wait3A_23] : memref<50000x64xf32, #tpu.memory_space<hbm>> -> memref<50000x64xf32, #tpu.memory_space<hbm>>
      tpu.wait_indirect_dma semaphore(%arg12 : memref<!tpu.dma_semaphore, #tpu.memory_space<semaphore_mem>>) src(%dma_wait3A_24 : memref<50000x64xf32, #tpu.memory_space<hbm>>) dst(%arg9 : memref<128x64xf32, #tpu.memory_space<vmem>>)
      %dma_start3A_25 = arith.constant 0 : i32
      %dma_start3A_26 = arith.constant 0 : i32
      %dma_start3A_27 = tpu.memref_slice %arg3[%dma_start3A_25, %dma_start3A_26] : memref<50000x64xf32, #tpu.memory_space<hbm>> -> memref<50000x64xf32, #tpu.memory_space<hbm>>
      tpu.enqueue_indirect_dma source(%dma_start3A_27 : memref<50000x64xf32, #tpu.memory_space<hbm>>) target(%arg10 : memref<128x64xf32, #tpu.memory_space<vmem>>) offsets(%arg8 : memref<128xi32, #tpu.memory_space<vmem>>) semaphore(%arg12 : memref<!tpu.dma_semaphore, #tpu.memory_space<semaphore_mem>>)
      %dma_wait3A_28 = arith.constant 0 : i32
      %dma_wait3A_29 = arith.constant 0 : i32
      %dma_wait3A_30 = tpu.memref_slice %arg3[%dma_wait3A_28, %dma_wait3A_29] : memref<50000x64xf32, #tpu.memory_space<hbm>> -> memref<50000x64xf32, #tpu.memory_space<hbm>>
      tpu.wait_indirect_dma semaphore(%arg12 : memref<!tpu.dma_semaphore, #tpu.memory_space<semaphore_mem>>) src(%dma_wait3A_30 : memref<50000x64xf32, #tpu.memory_space<hbm>>) dst(%arg10 : memref<128x64xf32, #tpu.memory_space<vmem>>)
      %scan3A = arith.constant 0 : i32
      %scan3A_31 = arith.constant 128 : i32
      %scan3A_32 = arith.addi %scan3A, %scan3A_31 : i32
      %scan3A_33 = arith.constant 1 : i32
      scf.for %scan3A_35 = %scan3A to %scan3A_32 step %scan3A_33  : i32 {
        %mul3A_36 = arith.constant 1 : i32
        %mul3A_37 = arith.muli %scan3A_35, %mul3A_36 : i32
        %add3A_38 = arith.constant 0 : i32
        %add3A_39 = arith.addi %add3A_38, %mul3A_37 : i32
        %get3A = arith.index_cast %add3A_39 : i32 to index
        %get3A_40 = arith.constant 0 : index
        %get3A_41 = tpu.vector_load %arg9[%get3A, %get3A_40] {strides = array<i32>} : memref<128x64xf32, #tpu.memory_space<vmem>>, vector<1x16xf32>,
        %get3A_42 = vector.shape_cast %get3A_41 : vector<1x16xf32> to vector<16xf32>
        %get3A_43 = arith.index_cast %add3A_39 : i32 to index
        %get3A_44 = arith.constant 0 : index
        %get3A_45 = tpu.vector_load %arg10[%get3A_43, %get3A_44] {strides = array<i32>} : memref<128x64xf32, #tpu.memory_space<vmem>>, vector<1x16xf32>,
        %get3A_46 = vector.shape_cast %get3A_45 : vector<1x16xf32> to vector<16xf32>
        %add3A_47 = arith.addf %get3A_42, %get3A_46 : vector<16xf32>
        %swap3A = arith.index_cast %add3A_39 : i32 to index
        %swap3A_48 = arith.constant 0 : index
        %swap3A_49 = tpu.vector_load %arg11[%swap3A, %swap3A_48] {strides = array<i32>} : memref<128x64xf32, #tpu.memory_space<vmem>>, vector<1x16xf32>,
        %swap3A_50 = vector.shape_cast %swap3A_49 : vector<1x16xf32> to vector<16xf32>
        %swap3A_51 = vector.shape_cast %add3A_47 : vector<16xf32> to vector<1x16xf32>
        tpu.vector_store %arg11[%swap3A, %swap3A_48], %swap3A_51 {strides = array<i32>} : memref<128x64xf32, #tpu.memory_space<vmem>>, vector<1x16xf32>,
        %get3A_52 = arith.index_cast %add3A_39 : i32 to index
        %get3A_53 = arith.constant 16 : index
        %get3A_54 = tpu.vector_load %arg9[%get3A_52, %get3A_53] {strides = array<i32>} : memref<128x64xf32, #tpu.memory_space<vmem>>, vector<1x16xf32>,
        %get3A_55 = vector.shape_cast %get3A_54 : vector<1x16xf32> to vector<16xf32>
        %get3A_56 = arith.index_cast %add3A_39 : i32 to index
        %get3A_57 = arith.constant 16 : index
        %get3A_58 = tpu.vector_load %arg10[%get3A_56, %get3A_57] {strides = array<i32>} : memref<128x64xf32, #tpu.memory_space<vmem>>, vector<1x16xf32>,
        %get3A_59 = vector.shape_cast %get3A_58 : vector<1x16xf32> to vector<16xf32>
        %add3A_60 = arith.addf %get3A_55, %get3A_59 : vector<16xf32>
        %swap3A_61 = arith.index_cast %add3A_39 : i32 to index
        %swap3A_62 = arith.constant 16 : index
        %swap3A_63 = tpu.vector_load %arg11[%swap3A_61, %swap3A_62] {strides = array<i32>} : memref<128x64xf32, #tpu.memory_space<vmem>>, vector<1x16xf32>,
        %swap3A_64 = vector.shape_cast %swap3A_63 : vector<1x16xf32> to vector<16xf32>
        %swap3A_65 = vector.shape_cast %add3A_60 : vector<16xf32> to vector<1x16xf32>
        tpu.vector_store %arg11[%swap3A_61, %swap3A_62], %swap3A_65 {strides = array<i32>} : memref<128x64xf32, #tpu.memory_space<vmem>>, vector<1x16xf32>,
        %get3A_66 = arith.index_cast %add3A_39 : i32 to index
        %get3A_67 = arith.constant 32 : index
        %get3A_68 = tpu.vector_load %arg9[%get3A_66, %get3A_67] {strides = array<i32>} : memref<128x64xf32, #tpu.memory_space<vmem>>, vector<1x16xf32>,
        %get3A_69 = vector.shape_cast %get3A_68 : vector<1x16xf32> to vector<16xf32>
        %get3A_70 = arith.index_cast %add3A_39 : i32 to index
        %get3A_71 = arith.constant 32 : index
        %get3A_72 = tpu.vector_load %arg10[%get3A_70, %get3A_71] {strides = array<i32>} : memref<128x64xf32, #tpu.memory_space<vmem>>, vector<1x16xf32>,
        %get3A_73 = vector.shape_cast %get3A_72 : vector<1x16xf32> to vector<16xf32>
        %add3A_74 = arith.addf %get3A_69, %get3A_73 : vector<16xf32>
        %swap3A_75 = arith.index_cast %add3A_39 : i32 to index
        %swap3A_76 = arith.constant 32 : index
        %swap3A_77 = tpu.vector_load %arg11[%swap3A_75, %swap3A_76] {strides = array<i32>} : memref<128x64xf32, #tpu.memory_space<vmem>>, vector<1x16xf32>,
        %swap3A_78 = vector.shape_cast %swap3A_77 : vector<1x16xf32> to vector<16xf32>
        %swap3A_79 = vector.shape_cast %add3A_74 : vector<16xf32> to vector<1x16xf32>
        tpu.vector_store %arg11[%swap3A_75, %swap3A_76], %swap3A_79 {strides = array<i32>} : memref<128x64xf32, #tpu.memory_space<vmem>>, vector<1x16xf32>,
        %get3A_80 = arith.index_cast %add3A_39 : i32 to index
        %get3A_81 = arith.constant 48 : index
        %get3A_82 = tpu.vector_load %arg9[%get3A_80, %get3A_81] {strides = array<i32>} : memref<128x64xf32, #tpu.memory_space<vmem>>, vector<1x16xf32>,
        %get3A_83 = vector.shape_cast %get3A_82 : vector<1x16xf32> to vector<16xf32>
        %get3A_84 = arith.index_cast %add3A_39 : i32 to index
        %get3A_85 = arith.constant 48 : index
        %get3A_86 = tpu.vector_load %arg10[%get3A_84, %get3A_85] {strides = array<i32>} : memref<128x64xf32, #tpu.memory_space<vmem>>, vector<1x16xf32>,
        %get3A_87 = vector.shape_cast %get3A_86 : vector<1x16xf32> to vector<16xf32>
        %add3A_88 = arith.addf %get3A_83, %get3A_87 : vector<16xf32>
        %swap3A_89 = arith.index_cast %add3A_39 : i32 to index
        %swap3A_90 = arith.constant 48 : index
        %swap3A_91 = tpu.vector_load %arg11[%swap3A_89, %swap3A_90] {strides = array<i32>} : memref<128x64xf32, #tpu.memory_space<vmem>>, vector<1x16xf32>,
        %swap3A_92 = vector.shape_cast %swap3A_91 : vector<1x16xf32> to vector<16xf32>
        %swap3A_93 = vector.shape_cast %add3A_88 : vector<16xf32> to vector<1x16xf32>
        tpu.vector_store %arg11[%swap3A_89, %swap3A_90], %swap3A_93 {strides = array<i32>} : memref<128x64xf32, #tpu.memory_space<vmem>>, vector<1x16xf32>,
      }
      %scan3A_34 = arith.constant 128 : i32
      "tpu.region"() ({
        %run_scoped3A = tpu.sem_alloc : memref<!tpu.dma_semaphore, #tpu.memory_space<semaphore_mem>>
        %dma_start3A_35 = arith.constant 0 : i32
        %dma_start3A_36 = tpu.memref_slice %arg6[%mul3A_20, %dma_start3A_35] : memref<800000x64xf32, #tpu.memory_space<hbm>> -> memref<128x64xf32, #tpu.memory_space<hbm>>
        %dma_start3A_37 = arith.constant 0 : i32
        %dma_start3A_38 = tpu.memref_slice %arg6[%mul3A_20, %dma_start3A_37] : memref<800000x64xf32, #tpu.memory_space<hbm>> -> memref<128x64xf32, #tpu.memory_space<hbm>>
        tpu.enqueue_dma source(%arg11 : memref<128x64xf32, #tpu.memory_space<vmem>>) target(%dma_start3A_38 : memref<128x64xf32, #tpu.memory_space<hbm>>) target_semaphore(%run_scoped3A : memref<!tpu.dma_semaphore, #tpu.memory_space<semaphore_mem>>)
        %dma_wait3A_39 = arith.constant 0 : i32
        %dma_wait3A_40 = tpu.memref_slice %arg6[%mul3A_20, %dma_wait3A_39] : memref<800000x64xf32, #tpu.memory_space<hbm>> -> memref<128x64xf32, #tpu.memory_space<hbm>>
        %dma_wait3A_41 = arith.constant 0 : i32
        %dma_wait3A_42 = tpu.memref_slice %arg6[%mul3A_20, %dma_wait3A_41] : memref<800000x64xf32, #tpu.memory_space<hbm>> -> memref<128x64xf32, #tpu.memory_space<hbm>>
        tpu.wait_dma2 semaphore(%run_scoped3A : memref<!tpu.dma_semaphore, #tpu.memory_space<semaphore_mem>>) src(%arg11 : memref<128x64xf32, #tpu.memory_space<vmem>>) dst(%dma_wait3A_42 : memref<128x64xf32, #tpu.memory_space<hbm>>)
        tpu.yield
      }) : () -> ()
    }
    %while3A_15 = arith.constant 1 : i32
    scf.for %while3A_16 = %while3A_13 to %while3A_9 step %while3A_15  : i32 {
      %mul3A_17 = arith.muli %while3A_16, %while3A : i32
      %add3A_18 = arith.addi %add3A, %mul3A_17 : i32
      %mul3A_19 = arith.constant 128 : i32
      %mul3A_20 = arith.muli %add3A_18, %mul3A_19 : i32
      "tpu.region"() ({
        %run_scoped3A = tpu.sem_alloc : memref<!tpu.dma_semaphore, #tpu.memory_space<semaphore_mem>>
        %dma_start3A_35 = tpu.memref_slice %arg4[%mul3A_20] : memref<800000xi32, #tpu.memory_space<hbm>> -> memref<128xi32, #tpu.memory_space<hbm>>
        %dma_start3A_36 = tpu.memref_slice %arg4[%mul3A_20] : memref<800000xi32, #tpu.memory_space<hbm>> -> memref<128xi32, #tpu.memory_space<hbm>>
        tpu.enqueue_dma source(%dma_start3A_36 : memref<128xi32, #tpu.memory_space<hbm>>) target(%arg7 : memref<128xi32, #tpu.memory_space<vmem>>) target_semaphore(%run_scoped3A : memref<!tpu.dma_semaphore, #tpu.memory_space<semaphore_mem>>)
        %dma_wait3A_37 = tpu.memref_slice %arg4[%mul3A_20] : memref<800000xi32, #tpu.memory_space<hbm>> -> memref<128xi32, #tpu.memory_space<hbm>>
        %dma_wait3A_38 = tpu.memref_slice %arg4[%mul3A_20] : memref<800000xi32, #tpu.memory_space<hbm>> -> memref<128xi32, #tpu.memory_space<hbm>>
        tpu.wait_dma2 semaphore(%run_scoped3A : memref<!tpu.dma_semaphore, #tpu.memory_space<semaphore_mem>>) src(%dma_wait3A_38 : memref<128xi32, #tpu.memory_space<hbm>>) dst(%arg7 : memref<128xi32, #tpu.memory_space<vmem>>)
        tpu.yield
      }) : () -> ()
      "tpu.region"() ({
        %run_scoped3A = tpu.sem_alloc : memref<!tpu.dma_semaphore, #tpu.memory_space<semaphore_mem>>
        %dma_start3A_35 = tpu.memref_slice %arg5[%mul3A_20] : memref<800000xi32, #tpu.memory_space<hbm>> -> memref<128xi32, #tpu.memory_space<hbm>>
        %dma_start3A_36 = tpu.memref_slice %arg5[%mul3A_20] : memref<800000xi32, #tpu.memory_space<hbm>> -> memref<128xi32, #tpu.memory_space<hbm>>
        tpu.enqueue_dma source(%dma_start3A_36 : memref<128xi32, #tpu.memory_space<hbm>>) target(%arg8 : memref<128xi32, #tpu.memory_space<vmem>>) target_semaphore(%run_scoped3A : memref<!tpu.dma_semaphore, #tpu.memory_space<semaphore_mem>>)
        %dma_wait3A_37 = tpu.memref_slice %arg5[%mul3A_20] : memref<800000xi32, #tpu.memory_space<hbm>> -> memref<128xi32, #tpu.memory_space<hbm>>
        %dma_wait3A_38 = tpu.memref_slice %arg5[%mul3A_20] : memref<800000xi32, #tpu.memory_space<hbm>> -> memref<128xi32, #tpu.memory_space<hbm>>
        tpu.wait_dma2 semaphore(%run_scoped3A : memref<!tpu.dma_semaphore, #tpu.memory_space<semaphore_mem>>) src(%dma_wait3A_38 : memref<128xi32, #tpu.memory_space<hbm>>) dst(%arg8 : memref<128xi32, #tpu.memory_space<vmem>>)
        tpu.yield
      }) : () -> ()
      %dma_start3A = arith.constant 0 : i32
      %dma_start3A_21 = arith.constant 0 : i32
      %dma_start3A_22 = tpu.memref_slice %arg2[%dma_start3A, %dma_start3A_21] : memref<50000x64xf32, #tpu.memory_space<hbm>> -> memref<50000x64xf32, #tpu.memory_space<hbm>>
      tpu.enqueue_indirect_dma source(%dma_start3A_22 : memref<50000x64xf32, #tpu.memory_space<hbm>>) target(%arg9 : memref<128x64xf32, #tpu.memory_space<vmem>>) offsets(%arg7 : memref<128xi32, #tpu.memory_space<vmem>>) semaphore(%arg12 : memref<!tpu.dma_semaphore, #tpu.memory_space<semaphore_mem>>)
      %dma_wait3A = arith.constant 0 : i32
      %dma_wait3A_23 = arith.constant 0 : i32
      %dma_wait3A_24 = tpu.memref_slice %arg2[%dma_wait3A, %dma_wait3A_23] : memref<50000x64xf32, #tpu.memory_space<hbm>> -> memref<50000x64xf32, #tpu.memory_space<hbm>>
      tpu.wait_indirect_dma semaphore(%arg12 : memref<!tpu.dma_semaphore, #tpu.memory_space<semaphore_mem>>) src(%dma_wait3A_24 : memref<50000x64xf32, #tpu.memory_space<hbm>>) dst(%arg9 : memref<128x64xf32, #tpu.memory_space<vmem>>)
      %dma_start3A_25 = arith.constant 0 : i32
      %dma_start3A_26 = arith.constant 0 : i32
      %dma_start3A_27 = tpu.memref_slice %arg3[%dma_start3A_25, %dma_start3A_26] : memref<50000x64xf32, #tpu.memory_space<hbm>> -> memref<50000x64xf32, #tpu.memory_space<hbm>>
      tpu.enqueue_indirect_dma source(%dma_start3A_27 : memref<50000x64xf32, #tpu.memory_space<hbm>>) target(%arg10 : memref<128x64xf32, #tpu.memory_space<vmem>>) offsets(%arg8 : memref<128xi32, #tpu.memory_space<vmem>>) semaphore(%arg12 : memref<!tpu.dma_semaphore, #tpu.memory_space<semaphore_mem>>)
      %dma_wait3A_28 = arith.constant 0 : i32
      %dma_wait3A_29 = arith.constant 0 : i32
      %dma_wait3A_30 = tpu.memref_slice %arg3[%dma_wait3A_28, %dma_wait3A_29] : memref<50000x64xf32, #tpu.memory_space<hbm>> -> memref<50000x64xf32, #tpu.memory_space<hbm>>
      tpu.wait_indirect_dma semaphore(%arg12 : memref<!tpu.dma_semaphore, #tpu.memory_space<semaphore_mem>>) src(%dma_wait3A_30 : memref<50000x64xf32, #tpu.memory_space<hbm>>) dst(%arg10 : memref<128x64xf32, #tpu.memory_space<vmem>>)
      %scan3A = arith.constant 0 : i32
      %scan3A_31 = arith.constant 128 : i32
      %scan3A_32 = arith.addi %scan3A, %scan3A_31 : i32
      %scan3A_33 = arith.constant 1 : i32
      scf.for %scan3A_35 = %scan3A to %scan3A_32 step %scan3A_33  : i32 {
        %mul3A_36 = arith.constant 1 : i32
        %mul3A_37 = arith.muli %scan3A_35, %mul3A_36 : i32
        %add3A_38 = arith.constant 0 : i32
        %add3A_39 = arith.addi %add3A_38, %mul3A_37 : i32
        %get3A = arith.index_cast %add3A_39 : i32 to index
        %get3A_40 = arith.constant 0 : index
        %get3A_41 = tpu.vector_load %arg9[%get3A, %get3A_40] {strides = array<i32>} : memref<128x64xf32, #tpu.memory_space<vmem>>, vector<1x16xf32>,
        %get3A_42 = vector.shape_cast %get3A_41 : vector<1x16xf32> to vector<16xf32>
        %get3A_43 = arith.index_cast %add3A_39 : i32 to index
        %get3A_44 = arith.constant 0 : index
        %get3A_45 = tpu.vector_load %arg10[%get3A_43, %get3A_44] {strides = array<i32>} : memref<128x64xf32, #tpu.memory_space<vmem>>, vector<1x16xf32>,
        %get3A_46 = vector.shape_cast %get3A_45 : vector<1x16xf32> to vector<16xf32>
        %add3A_47 = arith.addf %get3A_42, %get3A_46 : vector<16xf32>
        %swap3A = arith.index_cast %add3A_39 : i32 to index
        %swap3A_48 = arith.constant 0 : index
        %swap3A_49 = tpu.vector_load %arg11[%swap3A, %swap3A_48] {strides = array<i32>} : memref<128x64xf32, #tpu.memory_space<vmem>>, vector<1x16xf32>,
        %swap3A_50 = vector.shape_cast %swap3A_49 : vector<1x16xf32> to vector<16xf32>
        %swap3A_51 = vector.shape_cast %add3A_47 : vector<16xf32> to vector<1x16xf32>
        tpu.vector_store %arg11[%swap3A, %swap3A_48], %swap3A_51 {strides = array<i32>} : memref<128x64xf32, #tpu.memory_space<vmem>>, vector<1x16xf32>,
        %get3A_52 = arith.index_cast %add3A_39 : i32 to index
        %get3A_53 = arith.constant 16 : index
        %get3A_54 = tpu.vector_load %arg9[%get3A_52, %get3A_53] {strides = array<i32>} : memref<128x64xf32, #tpu.memory_space<vmem>>, vector<1x16xf32>,
        %get3A_55 = vector.shape_cast %get3A_54 : vector<1x16xf32> to vector<16xf32>
        %get3A_56 = arith.index_cast %add3A_39 : i32 to index
        %get3A_57 = arith.constant 16 : index
        %get3A_58 = tpu.vector_load %arg10[%get3A_56, %get3A_57] {strides = array<i32>} : memref<128x64xf32, #tpu.memory_space<vmem>>, vector<1x16xf32>,
        %get3A_59 = vector.shape_cast %get3A_58 : vector<1x16xf32> to vector<16xf32>
        %add3A_60 = arith.addf %get3A_55, %get3A_59 : vector<16xf32>
        %swap3A_61 = arith.index_cast %add3A_39 : i32 to index
        %swap3A_62 = arith.constant 16 : index
        %swap3A_63 = tpu.vector_load %arg11[%swap3A_61, %swap3A_62] {strides = array<i32>} : memref<128x64xf32, #tpu.memory_space<vmem>>, vector<1x16xf32>,
        %swap3A_64 = vector.shape_cast %swap3A_63 : vector<1x16xf32> to vector<16xf32>
        %swap3A_65 = vector.shape_cast %add3A_60 : vector<16xf32> to vector<1x16xf32>
        tpu.vector_store %arg11[%swap3A_61, %swap3A_62], %swap3A_65 {strides = array<i32>} : memref<128x64xf32, #tpu.memory_space<vmem>>, vector<1x16xf32>,
        %get3A_66 = arith.index_cast %add3A_39 : i32 to index
        %get3A_67 = arith.constant 32 : index
        %get3A_68 = tpu.vector_load %arg9[%get3A_66, %get3A_67] {strides = array<i32>} : memref<128x64xf32, #tpu.memory_space<vmem>>, vector<1x16xf32>,
        %get3A_69 = vector.shape_cast %get3A_68 : vector<1x16xf32> to vector<16xf32>
        %get3A_70 = arith.index_cast %add3A_39 : i32 to index
        %get3A_71 = arith.constant 32 : index
        %get3A_72 = tpu.vector_load %arg10[%get3A_70, %get3A_71] {strides = array<i32>} : memref<128x64xf32, #tpu.memory_space<vmem>>, vector<1x16xf32>,
        %get3A_73 = vector.shape_cast %get3A_72 : vector<1x16xf32> to vector<16xf32>
        %add3A_74 = arith.addf %get3A_69, %get3A_73 : vector<16xf32>
        %swap3A_75 = arith.index_cast %add3A_39 : i32 to index
        %swap3A_76 = arith.constant 32 : index
        %swap3A_77 = tpu.vector_load %arg11[%swap3A_75, %swap3A_76] {strides = array<i32>} : memref<128x64xf32, #tpu.memory_space<vmem>>, vector<1x16xf32>,
        %swap3A_78 = vector.shape_cast %swap3A_77 : vector<1x16xf32> to vector<16xf32>
        %swap3A_79 = vector.shape_cast %add3A_74 : vector<16xf32> to vector<1x16xf32>
        tpu.vector_store %arg11[%swap3A_75, %swap3A_76], %swap3A_79 {strides = array<i32>} : memref<128x64xf32, #tpu.memory_space<vmem>>, vector<1x16xf32>,
        %get3A_80 = arith.index_cast %add3A_39 : i32 to index
        %get3A_81 = arith.constant 48 : index
        %get3A_82 = tpu.vector_load %arg9[%get3A_80, %get3A_81] {strides = array<i32>} : memref<128x64xf32, #tpu.memory_space<vmem>>, vector<1x16xf32>,
        %get3A_83 = vector.shape_cast %get3A_82 : vector<1x16xf32> to vector<16xf32>
        %get3A_84 = arith.index_cast %add3A_39 : i32 to index
        %get3A_85 = arith.constant 48 : index
        %get3A_86 = tpu.vector_load %arg10[%get3A_84, %get3A_85] {strides = array<i32>} : memref<128x64xf32, #tpu.memory_space<vmem>>, vector<1x16xf32>,
        %get3A_87 = vector.shape_cast %get3A_86 : vector<1x16xf32> to vector<16xf32>
        %add3A_88 = arith.addf %get3A_83, %get3A_87 : vector<16xf32>
        %swap3A_89 = arith.index_cast %add3A_39 : i32 to index
        %swap3A_90 = arith.constant 48 : index
        %swap3A_91 = tpu.vector_load %arg11[%swap3A_89, %swap3A_90] {strides = array<i32>} : memref<128x64xf32, #tpu.memory_space<vmem>>, vector<1x16xf32>,
        %swap3A_92 = vector.shape_cast %swap3A_91 : vector<1x16xf32> to vector<16xf32>
        %swap3A_93 = vector.shape_cast %add3A_88 : vector<16xf32> to vector<1x16xf32>
        tpu.vector_store %arg11[%swap3A_89, %swap3A_90], %swap3A_93 {strides = array<i32>} : memref<128x64xf32, #tpu.memory_space<vmem>>, vector<1x16xf32>,
      }
      %scan3A_34 = arith.constant 128 : i32
      "tpu.region"() ({
        %run_scoped3A = tpu.sem_alloc : memref<!tpu.dma_semaphore, #tpu.memory_space<semaphore_mem>>
        %dma_start3A_35 = arith.constant 0 : i32
        %dma_start3A_36 = tpu.memref_slice %arg6[%mul3A_20, %dma_start3A_35] : memref<800000x64xf32, #tpu.memory_space<hbm>> -> memref<128x64xf32, #tpu.memory_space<hbm>>
        %dma_start3A_37 = arith.constant 0 : i32
        %dma_start3A_38 = tpu.memref_slice %arg6[%mul3A_20, %dma_start3A_37] : memref<800000x64xf32, #tpu.memory_space<hbm>> -> memref<128x64xf32, #tpu.memory_space<hbm>>
        tpu.enqueue_dma source(%arg11 : memref<128x64xf32, #tpu.memory_space<vmem>>) target(%dma_start3A_38 : memref<128x64xf32, #tpu.memory_space<hbm>>) target_semaphore(%run_scoped3A : memref<!tpu.dma_semaphore, #tpu.memory_space<semaphore_mem>>)
        %dma_wait3A_39 = arith.constant 0 : i32
        %dma_wait3A_40 = tpu.memref_slice %arg6[%mul3A_20, %dma_wait3A_39] : memref<800000x64xf32, #tpu.memory_space<hbm>> -> memref<128x64xf32, #tpu.memory_space<hbm>>
        %dma_wait3A_41 = arith.constant 0 : i32
        %dma_wait3A_42 = tpu.memref_slice %arg6[%mul3A_20, %dma_wait3A_41] : memref<800000x64xf32, #tpu.memory_space<hbm>> -> memref<128x64xf32, #tpu.memory_space<hbm>>
        tpu.wait_dma2 semaphore(%run_scoped3A : memref<!tpu.dma_semaphore, #tpu.memory_space<semaphore_mem>>) src(%arg11 : memref<128x64xf32, #tpu.memory_space<vmem>>) dst(%dma_wait3A_42 : memref<128x64xf32, #tpu.memory_space<hbm>>)
        tpu.yield
      }) : () -> ()
    }
    return
  }
}

#map = affine_map<(d0, d1) -> (0, 0)>
#map1 = affine_map<(d0, d1) -> (0)>
module attributes {stable_mosaic.version = 14 : i64} {
  func.func @k(%arg0: i32, %arg1: i32, %arg2: memref<50000x64xf32, #tpu.memory_space<hbm>>, %arg3: memref<800000x64xf32, #tpu.memory_space<hbm>>, %arg4: memref<800000xi32, #tpu.memory_space<hbm>>, %arg5: memref<800000x64xf32, #tpu.memory_space<hbm>>, %arg6: memref<128xi32, #tpu.memory_space<vmem>>, %arg7: memref<128x64xf32, #tpu.memory_space<vmem>>, %arg8: memref<128x64xf32, #tpu.memory_space<vmem>>, %arg9: memref<128x64xf32, #tpu.memory_space<vmem>>, %arg10: memref<!tpu.dma_semaphore, #tpu.memory_space<semaphore_mem>>) attributes {dimension_semantics = [#tpu.dimension_semantics<core_parallel>, #tpu.dimension_semantics<subcore_parallel>], iteration_bounds = array<i64: 2, 16>, scalar_prefetch = 0 : i64, scratch_operands = 5 : i64, tpu.core_type = #tpu.core_type<sc_vector_subcore>, window_params = [{transform_indices = #map}, {transform_indices = #map}, {transform_indices = #map1}, {transform_indices = #map}]} {
    %mul3A = arith.constant 2 : i32
    %mul3A_0 = arith.muli %arg1, %mul3A : i32
    %add3A = arith.addi %mul3A_0, %arg0 : i32
    %sub3A = arith.constant 6250 : i32
    %sub3A_1 = arith.subi %sub3A, %add3A : i32
    %sub3A_2 = arith.constant 32 : i32
    %sub3A_3 = arith.constant 1 : i32
    %sub3A_4 = arith.subi %sub3A_2, %sub3A_3 : i32
    %add3A_5 = arith.addi %sub3A_1, %sub3A_4 : i32
    %div3A = arith.constant 32 : i32
    %div3A_6 = arith.divsi %add3A_5, %div3A : i32
    %while3A = arith.constant 32 : i32
    %while3A_7 = arith.constant 0 : i32
    %while3A_8 = arith.subi %div3A_6, %while3A_7 : i32
    %while3A_9 = arith.addi %while3A_7, %while3A_8 : i32
    %while3A_10 = arith.constant 1 : i32
    %while3A_11 = arith.divsi %while3A_8, %while3A_10 : i32
    %while3A_12 = arith.muli %while3A_11, %while3A_10 : i32
    %while3A_13 = arith.addi %while3A_7, %while3A_12 : i32
    %while3A_14 = arith.constant 1 : i32
    scf.for %while3A_16 = %while3A_7 to %while3A_13 step %while3A_14  : i32 {
      %mul3A_17 = arith.muli %while3A_16, %while3A : i32
      %add3A_18 = arith.addi %add3A, %mul3A_17 : i32
      %mul3A_19 = arith.constant 128 : i32
      %mul3A_20 = arith.muli %add3A_18, %mul3A_19 : i32
      "tpu.region"() ({
        %run_scoped3A = tpu.sem_alloc : memref<!tpu.dma_semaphore, #tpu.memory_space<semaphore_mem>>
        %dma_start3A_29 = tpu.memref_slice %arg4[%mul3A_20] : memref<800000xi32, #tpu.memory_space<hbm>> -> memref<128xi32, #tpu.memory_space<hbm>>
        %dma_start3A_30 = tpu.memref_slice %arg4[%mul3A_20] : memref<800000xi32, #tpu.memory_space<hbm>> -> memref<128xi32, #tpu.memory_space<hbm>>
        tpu.enqueue_dma source(%dma_start3A_30 : memref<128xi32, #tpu.memory_space<hbm>>) target(%arg6 : memref<128xi32, #tpu.memory_space<vmem>>) target_semaphore(%run_scoped3A : memref<!tpu.dma_semaphore, #tpu.memory_space<semaphore_mem>>)
        %dma_wait3A_31 = tpu.memref_slice %arg4[%mul3A_20] : memref<800000xi32, #tpu.memory_space<hbm>> -> memref<128xi32, #tpu.memory_space<hbm>>
        %dma_wait3A_32 = tpu.memref_slice %arg4[%mul3A_20] : memref<800000xi32, #tpu.memory_space<hbm>> -> memref<128xi32, #tpu.memory_space<hbm>>
        tpu.wait_dma2 semaphore(%run_scoped3A : memref<!tpu.dma_semaphore, #tpu.memory_space<semaphore_mem>>) src(%dma_wait3A_32 : memref<128xi32, #tpu.memory_space<hbm>>) dst(%arg6 : memref<128xi32, #tpu.memory_space<vmem>>)
        tpu.yield
      }) : () -> ()
      "tpu.region"() ({
        %run_scoped3A = tpu.sem_alloc : memref<!tpu.dma_semaphore, #tpu.memory_space<semaphore_mem>>
        %dma_start3A_29 = arith.constant 0 : i32
        %dma_start3A_30 = tpu.memref_slice %arg3[%mul3A_20, %dma_start3A_29] : memref<800000x64xf32, #tpu.memory_space<hbm>> -> memref<128x64xf32, #tpu.memory_space<hbm>>
        %dma_start3A_31 = arith.constant 0 : i32
        %dma_start3A_32 = tpu.memref_slice %arg3[%mul3A_20, %dma_start3A_31] : memref<800000x64xf32, #tpu.memory_space<hbm>> -> memref<128x64xf32, #tpu.memory_space<hbm>>
        tpu.enqueue_dma source(%dma_start3A_32 : memref<128x64xf32, #tpu.memory_space<hbm>>) target(%arg8 : memref<128x64xf32, #tpu.memory_space<vmem>>) target_semaphore(%run_scoped3A : memref<!tpu.dma_semaphore, #tpu.memory_space<semaphore_mem>>)
        %dma_wait3A_33 = arith.constant 0 : i32
        %dma_wait3A_34 = tpu.memref_slice %arg3[%mul3A_20, %dma_wait3A_33] : memref<800000x64xf32, #tpu.memory_space<hbm>> -> memref<128x64xf32, #tpu.memory_space<hbm>>
        %dma_wait3A_35 = arith.constant 0 : i32
        %dma_wait3A_36 = tpu.memref_slice %arg3[%mul3A_20, %dma_wait3A_35] : memref<800000x64xf32, #tpu.memory_space<hbm>> -> memref<128x64xf32, #tpu.memory_space<hbm>>
        tpu.wait_dma2 semaphore(%run_scoped3A : memref<!tpu.dma_semaphore, #tpu.memory_space<semaphore_mem>>) src(%dma_wait3A_36 : memref<128x64xf32, #tpu.memory_space<hbm>>) dst(%arg8 : memref<128x64xf32, #tpu.memory_space<vmem>>)
        tpu.yield
      }) : () -> ()
      %dma_start3A = arith.constant 0 : i32
      %dma_start3A_21 = arith.constant 0 : i32
      %dma_start3A_22 = tpu.memref_slice %arg2[%dma_start3A, %dma_start3A_21] : memref<50000x64xf32, #tpu.memory_space<hbm>> -> memref<50000x64xf32, #tpu.memory_space<hbm>>
      tpu.enqueue_indirect_dma source(%dma_start3A_22 : memref<50000x64xf32, #tpu.memory_space<hbm>>) target(%arg7 : memref<128x64xf32, #tpu.memory_space<vmem>>) offsets(%arg6 : memref<128xi32, #tpu.memory_space<vmem>>) semaphore(%arg10 : memref<!tpu.dma_semaphore, #tpu.memory_space<semaphore_mem>>)
      %dma_wait3A = arith.constant 0 : i32
      %dma_wait3A_23 = arith.constant 0 : i32
      %dma_wait3A_24 = tpu.memref_slice %arg2[%dma_wait3A, %dma_wait3A_23] : memref<50000x64xf32, #tpu.memory_space<hbm>> -> memref<50000x64xf32, #tpu.memory_space<hbm>>
      tpu.wait_indirect_dma semaphore(%arg10 : memref<!tpu.dma_semaphore, #tpu.memory_space<semaphore_mem>>) src(%dma_wait3A_24 : memref<50000x64xf32, #tpu.memory_space<hbm>>) dst(%arg7 : memref<128x64xf32, #tpu.memory_space<vmem>>)
      %scan3A = arith.constant 0 : i32
      %scan3A_25 = arith.constant 128 : i32
      %scan3A_26 = arith.addi %scan3A, %scan3A_25 : i32
      %scan3A_27 = arith.constant 1 : i32
      scf.for %scan3A_29 = %scan3A to %scan3A_26 step %scan3A_27  : i32 {
        %mul3A_30 = arith.constant 1 : i32
        %mul3A_31 = arith.muli %scan3A_29, %mul3A_30 : i32
        %add3A_32 = arith.constant 0 : i32
        %add3A_33 = arith.addi %add3A_32, %mul3A_31 : i32
        %get3A = arith.index_cast %add3A_33 : i32 to index
        %get3A_34 = arith.constant 0 : index
        %get3A_35 = tpu.vector_load %arg7[%get3A, %get3A_34] {strides = array<i32>} : memref<128x64xf32, #tpu.memory_space<vmem>>, vector<1x16xf32>,
        %get3A_36 = vector.shape_cast %get3A_35 : vector<1x16xf32> to vector<16xf32>
        %get3A_37 = arith.index_cast %add3A_33 : i32 to index
        %get3A_38 = arith.constant 0 : index
        %get3A_39 = tpu.vector_load %arg8[%get3A_37, %get3A_38] {strides = array<i32>} : memref<128x64xf32, #tpu.memory_space<vmem>>, vector<1x16xf32>,
        %get3A_40 = vector.shape_cast %get3A_39 : vector<1x16xf32> to vector<16xf32>
        %add3A_41 = arith.addf %get3A_36, %get3A_40 : vector<16xf32>
        %max3A = arith.constant 0.000000e+00 : f32
        %max3A_42 = vector.broadcast %max3A : f32 to vector<16xf32>
        %max3A_43 = arith.maximumf %add3A_41, %max3A_42 : vector<16xf32>
        %swap3A = arith.index_cast %add3A_33 : i32 to index
        %swap3A_44 = arith.constant 0 : index
        %swap3A_45 = tpu.vector_load %arg9[%swap3A, %swap3A_44] {strides = array<i32>} : memref<128x64xf32, #tpu.memory_space<vmem>>, vector<1x16xf32>,
        %swap3A_46 = vector.shape_cast %swap3A_45 : vector<1x16xf32> to vector<16xf32>
        %swap3A_47 = vector.shape_cast %max3A_43 : vector<16xf32> to vector<1x16xf32>
        tpu.vector_store %arg9[%swap3A, %swap3A_44], %swap3A_47 {strides = array<i32>} : memref<128x64xf32, #tpu.memory_space<vmem>>, vector<1x16xf32>,
        %get3A_48 = arith.index_cast %add3A_33 : i32 to index
        %get3A_49 = arith.constant 16 : index
        %get3A_50 = tpu.vector_load %arg7[%get3A_48, %get3A_49] {strides = array<i32>} : memref<128x64xf32, #tpu.memory_space<vmem>>, vector<1x16xf32>,
        %get3A_51 = vector.shape_cast %get3A_50 : vector<1x16xf32> to vector<16xf32>
        %get3A_52 = arith.index_cast %add3A_33 : i32 to index
        %get3A_53 = arith.constant 16 : index
        %get3A_54 = tpu.vector_load %arg8[%get3A_52, %get3A_53] {strides = array<i32>} : memref<128x64xf32, #tpu.memory_space<vmem>>, vector<1x16xf32>,
        %get3A_55 = vector.shape_cast %get3A_54 : vector<1x16xf32> to vector<16xf32>
        %add3A_56 = arith.addf %get3A_51, %get3A_55 : vector<16xf32>
        %max3A_57 = arith.constant 0.000000e+00 : f32
        %max3A_58 = vector.broadcast %max3A_57 : f32 to vector<16xf32>
        %max3A_59 = arith.maximumf %add3A_56, %max3A_58 : vector<16xf32>
        %swap3A_60 = arith.index_cast %add3A_33 : i32 to index
        %swap3A_61 = arith.constant 16 : index
        %swap3A_62 = tpu.vector_load %arg9[%swap3A_60, %swap3A_61] {strides = array<i32>} : memref<128x64xf32, #tpu.memory_space<vmem>>, vector<1x16xf32>,
        %swap3A_63 = vector.shape_cast %swap3A_62 : vector<1x16xf32> to vector<16xf32>
        %swap3A_64 = vector.shape_cast %max3A_59 : vector<16xf32> to vector<1x16xf32>
        tpu.vector_store %arg9[%swap3A_60, %swap3A_61], %swap3A_64 {strides = array<i32>} : memref<128x64xf32, #tpu.memory_space<vmem>>, vector<1x16xf32>,
        %get3A_65 = arith.index_cast %add3A_33 : i32 to index
        %get3A_66 = arith.constant 32 : index
        %get3A_67 = tpu.vector_load %arg7[%get3A_65, %get3A_66] {strides = array<i32>} : memref<128x64xf32, #tpu.memory_space<vmem>>, vector<1x16xf32>,
        %get3A_68 = vector.shape_cast %get3A_67 : vector<1x16xf32> to vector<16xf32>
        %get3A_69 = arith.index_cast %add3A_33 : i32 to index
        %get3A_70 = arith.constant 32 : index
        %get3A_71 = tpu.vector_load %arg8[%get3A_69, %get3A_70] {strides = array<i32>} : memref<128x64xf32, #tpu.memory_space<vmem>>, vector<1x16xf32>,
        %get3A_72 = vector.shape_cast %get3A_71 : vector<1x16xf32> to vector<16xf32>
        %add3A_73 = arith.addf %get3A_68, %get3A_72 : vector<16xf32>
        %max3A_74 = arith.constant 0.000000e+00 : f32
        %max3A_75 = vector.broadcast %max3A_74 : f32 to vector<16xf32>
        %max3A_76 = arith.maximumf %add3A_73, %max3A_75 : vector<16xf32>
        %swap3A_77 = arith.index_cast %add3A_33 : i32 to index
        %swap3A_78 = arith.constant 32 : index
        %swap3A_79 = tpu.vector_load %arg9[%swap3A_77, %swap3A_78] {strides = array<i32>} : memref<128x64xf32, #tpu.memory_space<vmem>>, vector<1x16xf32>,
        %swap3A_80 = vector.shape_cast %swap3A_79 : vector<1x16xf32> to vector<16xf32>
        %swap3A_81 = vector.shape_cast %max3A_76 : vector<16xf32> to vector<1x16xf32>
        tpu.vector_store %arg9[%swap3A_77, %swap3A_78], %swap3A_81 {strides = array<i32>} : memref<128x64xf32, #tpu.memory_space<vmem>>, vector<1x16xf32>,
        %get3A_82 = arith.index_cast %add3A_33 : i32 to index
        %get3A_83 = arith.constant 48 : index
        %get3A_84 = tpu.vector_load %arg7[%get3A_82, %get3A_83] {strides = array<i32>} : memref<128x64xf32, #tpu.memory_space<vmem>>, vector<1x16xf32>,
        %get3A_85 = vector.shape_cast %get3A_84 : vector<1x16xf32> to vector<16xf32>
        %get3A_86 = arith.index_cast %add3A_33 : i32 to index
        %get3A_87 = arith.constant 48 : index
        %get3A_88 = tpu.vector_load %arg8[%get3A_86, %get3A_87] {strides = array<i32>} : memref<128x64xf32, #tpu.memory_space<vmem>>, vector<1x16xf32>,
        %get3A_89 = vector.shape_cast %get3A_88 : vector<1x16xf32> to vector<16xf32>
        %add3A_90 = arith.addf %get3A_85, %get3A_89 : vector<16xf32>
        %max3A_91 = arith.constant 0.000000e+00 : f32
        %max3A_92 = vector.broadcast %max3A_91 : f32 to vector<16xf32>
        %max3A_93 = arith.maximumf %add3A_90, %max3A_92 : vector<16xf32>
        %swap3A_94 = arith.index_cast %add3A_33 : i32 to index
        %swap3A_95 = arith.constant 48 : index
        %swap3A_96 = tpu.vector_load %arg9[%swap3A_94, %swap3A_95] {strides = array<i32>} : memref<128x64xf32, #tpu.memory_space<vmem>>, vector<1x16xf32>,
        %swap3A_97 = vector.shape_cast %swap3A_96 : vector<1x16xf32> to vector<16xf32>
        %swap3A_98 = vector.shape_cast %max3A_93 : vector<16xf32> to vector<1x16xf32>
        tpu.vector_store %arg9[%swap3A_94, %swap3A_95], %swap3A_98 {strides = array<i32>} : memref<128x64xf32, #tpu.memory_space<vmem>>, vector<1x16xf32>,
      }
      %scan3A_28 = arith.constant 128 : i32
      "tpu.region"() ({
        %run_scoped3A = tpu.sem_alloc : memref<!tpu.dma_semaphore, #tpu.memory_space<semaphore_mem>>
        %dma_start3A_29 = arith.constant 0 : i32
        %dma_start3A_30 = tpu.memref_slice %arg5[%mul3A_20, %dma_start3A_29] : memref<800000x64xf32, #tpu.memory_space<hbm>> -> memref<128x64xf32, #tpu.memory_space<hbm>>
        %dma_start3A_31 = arith.constant 0 : i32
        %dma_start3A_32 = tpu.memref_slice %arg5[%mul3A_20, %dma_start3A_31] : memref<800000x64xf32, #tpu.memory_space<hbm>> -> memref<128x64xf32, #tpu.memory_space<hbm>>
        tpu.enqueue_dma source(%arg9 : memref<128x64xf32, #tpu.memory_space<vmem>>) target(%dma_start3A_32 : memref<128x64xf32, #tpu.memory_space<hbm>>) target_semaphore(%run_scoped3A : memref<!tpu.dma_semaphore, #tpu.memory_space<semaphore_mem>>)
        %dma_wait3A_33 = arith.constant 0 : i32
        %dma_wait3A_34 = tpu.memref_slice %arg5[%mul3A_20, %dma_wait3A_33] : memref<800000x64xf32, #tpu.memory_space<hbm>> -> memref<128x64xf32, #tpu.memory_space<hbm>>
        %dma_wait3A_35 = arith.constant 0 : i32
        %dma_wait3A_36 = tpu.memref_slice %arg5[%mul3A_20, %dma_wait3A_35] : memref<800000x64xf32, #tpu.memory_space<hbm>> -> memref<128x64xf32, #tpu.memory_space<hbm>>
        tpu.wait_dma2 semaphore(%run_scoped3A : memref<!tpu.dma_semaphore, #tpu.memory_space<semaphore_mem>>) src(%arg9 : memref<128x64xf32, #tpu.memory_space<vmem>>) dst(%dma_wait3A_36 : memref<128x64xf32, #tpu.memory_space<hbm>>)
        tpu.yield
      }) : () -> ()
    }
    %while3A_15 = arith.constant 1 : i32
    scf.for %while3A_16 = %while3A_13 to %while3A_9 step %while3A_15  : i32 {
      %mul3A_17 = arith.muli %while3A_16, %while3A : i32
      %add3A_18 = arith.addi %add3A, %mul3A_17 : i32
      %mul3A_19 = arith.constant 128 : i32
      %mul3A_20 = arith.muli %add3A_18, %mul3A_19 : i32
      "tpu.region"() ({
        %run_scoped3A = tpu.sem_alloc : memref<!tpu.dma_semaphore, #tpu.memory_space<semaphore_mem>>
        %dma_start3A_29 = tpu.memref_slice %arg4[%mul3A_20] : memref<800000xi32, #tpu.memory_space<hbm>> -> memref<128xi32, #tpu.memory_space<hbm>>
        %dma_start3A_30 = tpu.memref_slice %arg4[%mul3A_20] : memref<800000xi32, #tpu.memory_space<hbm>> -> memref<128xi32, #tpu.memory_space<hbm>>
        tpu.enqueue_dma source(%dma_start3A_30 : memref<128xi32, #tpu.memory_space<hbm>>) target(%arg6 : memref<128xi32, #tpu.memory_space<vmem>>) target_semaphore(%run_scoped3A : memref<!tpu.dma_semaphore, #tpu.memory_space<semaphore_mem>>)
        %dma_wait3A_31 = tpu.memref_slice %arg4[%mul3A_20] : memref<800000xi32, #tpu.memory_space<hbm>> -> memref<128xi32, #tpu.memory_space<hbm>>
        %dma_wait3A_32 = tpu.memref_slice %arg4[%mul3A_20] : memref<800000xi32, #tpu.memory_space<hbm>> -> memref<128xi32, #tpu.memory_space<hbm>>
        tpu.wait_dma2 semaphore(%run_scoped3A : memref<!tpu.dma_semaphore, #tpu.memory_space<semaphore_mem>>) src(%dma_wait3A_32 : memref<128xi32, #tpu.memory_space<hbm>>) dst(%arg6 : memref<128xi32, #tpu.memory_space<vmem>>)
        tpu.yield
      }) : () -> ()
      "tpu.region"() ({
        %run_scoped3A = tpu.sem_alloc : memref<!tpu.dma_semaphore, #tpu.memory_space<semaphore_mem>>
        %dma_start3A_29 = arith.constant 0 : i32
        %dma_start3A_30 = tpu.memref_slice %arg3[%mul3A_20, %dma_start3A_29] : memref<800000x64xf32, #tpu.memory_space<hbm>> -> memref<128x64xf32, #tpu.memory_space<hbm>>
        %dma_start3A_31 = arith.constant 0 : i32
        %dma_start3A_32 = tpu.memref_slice %arg3[%mul3A_20, %dma_start3A_31] : memref<800000x64xf32, #tpu.memory_space<hbm>> -> memref<128x64xf32, #tpu.memory_space<hbm>>
        tpu.enqueue_dma source(%dma_start3A_32 : memref<128x64xf32, #tpu.memory_space<hbm>>) target(%arg8 : memref<128x64xf32, #tpu.memory_space<vmem>>) target_semaphore(%run_scoped3A : memref<!tpu.dma_semaphore, #tpu.memory_space<semaphore_mem>>)
        %dma_wait3A_33 = arith.constant 0 : i32
        %dma_wait3A_34 = tpu.memref_slice %arg3[%mul3A_20, %dma_wait3A_33] : memref<800000x64xf32, #tpu.memory_space<hbm>> -> memref<128x64xf32, #tpu.memory_space<hbm>>
        %dma_wait3A_35 = arith.constant 0 : i32
        %dma_wait3A_36 = tpu.memref_slice %arg3[%mul3A_20, %dma_wait3A_35] : memref<800000x64xf32, #tpu.memory_space<hbm>> -> memref<128x64xf32, #tpu.memory_space<hbm>>
        tpu.wait_dma2 semaphore(%run_scoped3A : memref<!tpu.dma_semaphore, #tpu.memory_space<semaphore_mem>>) src(%dma_wait3A_36 : memref<128x64xf32, #tpu.memory_space<hbm>>) dst(%arg8 : memref<128x64xf32, #tpu.memory_space<vmem>>)
        tpu.yield
      }) : () -> ()
      %dma_start3A = arith.constant 0 : i32
      %dma_start3A_21 = arith.constant 0 : i32
      %dma_start3A_22 = tpu.memref_slice %arg2[%dma_start3A, %dma_start3A_21] : memref<50000x64xf32, #tpu.memory_space<hbm>> -> memref<50000x64xf32, #tpu.memory_space<hbm>>
      tpu.enqueue_indirect_dma source(%dma_start3A_22 : memref<50000x64xf32, #tpu.memory_space<hbm>>) target(%arg7 : memref<128x64xf32, #tpu.memory_space<vmem>>) offsets(%arg6 : memref<128xi32, #tpu.memory_space<vmem>>) semaphore(%arg10 : memref<!tpu.dma_semaphore, #tpu.memory_space<semaphore_mem>>)
      %dma_wait3A = arith.constant 0 : i32
      %dma_wait3A_23 = arith.constant 0 : i32
      %dma_wait3A_24 = tpu.memref_slice %arg2[%dma_wait3A, %dma_wait3A_23] : memref<50000x64xf32, #tpu.memory_space<hbm>> -> memref<50000x64xf32, #tpu.memory_space<hbm>>
      tpu.wait_indirect_dma semaphore(%arg10 : memref<!tpu.dma_semaphore, #tpu.memory_space<semaphore_mem>>) src(%dma_wait3A_24 : memref<50000x64xf32, #tpu.memory_space<hbm>>) dst(%arg7 : memref<128x64xf32, #tpu.memory_space<vmem>>)
      %scan3A = arith.constant 0 : i32
      %scan3A_25 = arith.constant 128 : i32
      %scan3A_26 = arith.addi %scan3A, %scan3A_25 : i32
      %scan3A_27 = arith.constant 1 : i32
      scf.for %scan3A_29 = %scan3A to %scan3A_26 step %scan3A_27  : i32 {
        %mul3A_30 = arith.constant 1 : i32
        %mul3A_31 = arith.muli %scan3A_29, %mul3A_30 : i32
        %add3A_32 = arith.constant 0 : i32
        %add3A_33 = arith.addi %add3A_32, %mul3A_31 : i32
        %get3A = arith.index_cast %add3A_33 : i32 to index
        %get3A_34 = arith.constant 0 : index
        %get3A_35 = tpu.vector_load %arg7[%get3A, %get3A_34] {strides = array<i32>} : memref<128x64xf32, #tpu.memory_space<vmem>>, vector<1x16xf32>,
        %get3A_36 = vector.shape_cast %get3A_35 : vector<1x16xf32> to vector<16xf32>
        %get3A_37 = arith.index_cast %add3A_33 : i32 to index
        %get3A_38 = arith.constant 0 : index
        %get3A_39 = tpu.vector_load %arg8[%get3A_37, %get3A_38] {strides = array<i32>} : memref<128x64xf32, #tpu.memory_space<vmem>>, vector<1x16xf32>,
        %get3A_40 = vector.shape_cast %get3A_39 : vector<1x16xf32> to vector<16xf32>
        %add3A_41 = arith.addf %get3A_36, %get3A_40 : vector<16xf32>
        %max3A = arith.constant 0.000000e+00 : f32
        %max3A_42 = vector.broadcast %max3A : f32 to vector<16xf32>
        %max3A_43 = arith.maximumf %add3A_41, %max3A_42 : vector<16xf32>
        %swap3A = arith.index_cast %add3A_33 : i32 to index
        %swap3A_44 = arith.constant 0 : index
        %swap3A_45 = tpu.vector_load %arg9[%swap3A, %swap3A_44] {strides = array<i32>} : memref<128x64xf32, #tpu.memory_space<vmem>>, vector<1x16xf32>,
        %swap3A_46 = vector.shape_cast %swap3A_45 : vector<1x16xf32> to vector<16xf32>
        %swap3A_47 = vector.shape_cast %max3A_43 : vector<16xf32> to vector<1x16xf32>
        tpu.vector_store %arg9[%swap3A, %swap3A_44], %swap3A_47 {strides = array<i32>} : memref<128x64xf32, #tpu.memory_space<vmem>>, vector<1x16xf32>,
        %get3A_48 = arith.index_cast %add3A_33 : i32 to index
        %get3A_49 = arith.constant 16 : index
        %get3A_50 = tpu.vector_load %arg7[%get3A_48, %get3A_49] {strides = array<i32>} : memref<128x64xf32, #tpu.memory_space<vmem>>, vector<1x16xf32>,
        %get3A_51 = vector.shape_cast %get3A_50 : vector<1x16xf32> to vector<16xf32>
        %get3A_52 = arith.index_cast %add3A_33 : i32 to index
        %get3A_53 = arith.constant 16 : index
        %get3A_54 = tpu.vector_load %arg8[%get3A_52, %get3A_53] {strides = array<i32>} : memref<128x64xf32, #tpu.memory_space<vmem>>, vector<1x16xf32>,
        %get3A_55 = vector.shape_cast %get3A_54 : vector<1x16xf32> to vector<16xf32>
        %add3A_56 = arith.addf %get3A_51, %get3A_55 : vector<16xf32>
        %max3A_57 = arith.constant 0.000000e+00 : f32
        %max3A_58 = vector.broadcast %max3A_57 : f32 to vector<16xf32>
        %max3A_59 = arith.maximumf %add3A_56, %max3A_58 : vector<16xf32>
        %swap3A_60 = arith.index_cast %add3A_33 : i32 to index
        %swap3A_61 = arith.constant 16 : index
        %swap3A_62 = tpu.vector_load %arg9[%swap3A_60, %swap3A_61] {strides = array<i32>} : memref<128x64xf32, #tpu.memory_space<vmem>>, vector<1x16xf32>,
        %swap3A_63 = vector.shape_cast %swap3A_62 : vector<1x16xf32> to vector<16xf32>
        %swap3A_64 = vector.shape_cast %max3A_59 : vector<16xf32> to vector<1x16xf32>
        tpu.vector_store %arg9[%swap3A_60, %swap3A_61], %swap3A_64 {strides = array<i32>} : memref<128x64xf32, #tpu.memory_space<vmem>>, vector<1x16xf32>,
        %get3A_65 = arith.index_cast %add3A_33 : i32 to index
        %get3A_66 = arith.constant 32 : index
        %get3A_67 = tpu.vector_load %arg7[%get3A_65, %get3A_66] {strides = array<i32>} : memref<128x64xf32, #tpu.memory_space<vmem>>, vector<1x16xf32>,
        %get3A_68 = vector.shape_cast %get3A_67 : vector<1x16xf32> to vector<16xf32>
        %get3A_69 = arith.index_cast %add3A_33 : i32 to index
        %get3A_70 = arith.constant 32 : index
        %get3A_71 = tpu.vector_load %arg8[%get3A_69, %get3A_70] {strides = array<i32>} : memref<128x64xf32, #tpu.memory_space<vmem>>, vector<1x16xf32>,
        %get3A_72 = vector.shape_cast %get3A_71 : vector<1x16xf32> to vector<16xf32>
        %add3A_73 = arith.addf %get3A_68, %get3A_72 : vector<16xf32>
        %max3A_74 = arith.constant 0.000000e+00 : f32
        %max3A_75 = vector.broadcast %max3A_74 : f32 to vector<16xf32>
        %max3A_76 = arith.maximumf %add3A_73, %max3A_75 : vector<16xf32>
        %swap3A_77 = arith.index_cast %add3A_33 : i32 to index
        %swap3A_78 = arith.constant 32 : index
        %swap3A_79 = tpu.vector_load %arg9[%swap3A_77, %swap3A_78] {strides = array<i32>} : memref<128x64xf32, #tpu.memory_space<vmem>>, vector<1x16xf32>,
        %swap3A_80 = vector.shape_cast %swap3A_79 : vector<1x16xf32> to vector<16xf32>
        %swap3A_81 = vector.shape_cast %max3A_76 : vector<16xf32> to vector<1x16xf32>
        tpu.vector_store %arg9[%swap3A_77, %swap3A_78], %swap3A_81 {strides = array<i32>} : memref<128x64xf32, #tpu.memory_space<vmem>>, vector<1x16xf32>,
        %get3A_82 = arith.index_cast %add3A_33 : i32 to index
        %get3A_83 = arith.constant 48 : index
        %get3A_84 = tpu.vector_load %arg7[%get3A_82, %get3A_83] {strides = array<i32>} : memref<128x64xf32, #tpu.memory_space<vmem>>, vector<1x16xf32>,
        %get3A_85 = vector.shape_cast %get3A_84 : vector<1x16xf32> to vector<16xf32>
        %get3A_86 = arith.index_cast %add3A_33 : i32 to index
        %get3A_87 = arith.constant 48 : index
        %get3A_88 = tpu.vector_load %arg8[%get3A_86, %get3A_87] {strides = array<i32>} : memref<128x64xf32, #tpu.memory_space<vmem>>, vector<1x16xf32>,
        %get3A_89 = vector.shape_cast %get3A_88 : vector<1x16xf32> to vector<16xf32>
        %add3A_90 = arith.addf %get3A_85, %get3A_89 : vector<16xf32>
        %max3A_91 = arith.constant 0.000000e+00 : f32
        %max3A_92 = vector.broadcast %max3A_91 : f32 to vector<16xf32>
        %max3A_93 = arith.maximumf %add3A_90, %max3A_92 : vector<16xf32>
        %swap3A_94 = arith.index_cast %add3A_33 : i32 to index
        %swap3A_95 = arith.constant 48 : index
        %swap3A_96 = tpu.vector_load %arg9[%swap3A_94, %swap3A_95] {strides = array<i32>} : memref<128x64xf32, #tpu.memory_space<vmem>>, vector<1x16xf32>,
        %swap3A_97 = vector.shape_cast %swap3A_96 : vector<1x16xf32> to vector<16xf32>
        %swap3A_98 = vector.shape_cast %max3A_93 : vector<16xf32> to vector<1x16xf32>
        tpu.vector_store %arg9[%swap3A_94, %swap3A_95], %swap3A_98 {strides = array<i32>} : memref<128x64xf32, #tpu.memory_space<vmem>>, vector<1x16xf32>,
      }
      %scan3A_28 = arith.constant 128 : i32
      "tpu.region"() ({
        %run_scoped3A = tpu.sem_alloc : memref<!tpu.dma_semaphore, #tpu.memory_space<semaphore_mem>>
        %dma_start3A_29 = arith.constant 0 : i32
        %dma_start3A_30 = tpu.memref_slice %arg5[%mul3A_20, %dma_start3A_29] : memref<800000x64xf32, #tpu.memory_space<hbm>> -> memref<128x64xf32, #tpu.memory_space<hbm>>
        %dma_start3A_31 = arith.constant 0 : i32
        %dma_start3A_32 = tpu.memref_slice %arg5[%mul3A_20, %dma_start3A_31] : memref<800000x64xf32, #tpu.memory_space<hbm>> -> memref<128x64xf32, #tpu.memory_space<hbm>>
        tpu.enqueue_dma source(%arg9 : memref<128x64xf32, #tpu.memory_space<vmem>>) target(%dma_start3A_32 : memref<128x64xf32, #tpu.memory_space<hbm>>) target_semaphore(%run_scoped3A : memref<!tpu.dma_semaphore, #tpu.memory_space<semaphore_mem>>)
        %dma_wait3A_33 = arith.constant 0 : i32
        %dma_wait3A_34 = tpu.memref_slice %arg5[%mul3A_20, %dma_wait3A_33] : memref<800000x64xf32, #tpu.memory_space<hbm>> -> memref<128x64xf32, #tpu.memory_space<hbm>>
        %dma_wait3A_35 = arith.constant 0 : i32
        %dma_wait3A_36 = tpu.memref_slice %arg5[%mul3A_20, %dma_wait3A_35] : memref<800000x64xf32, #tpu.memory_space<hbm>> -> memref<128x64xf32, #tpu.memory_space<hbm>>
        tpu.wait_dma2 semaphore(%run_scoped3A : memref<!tpu.dma_semaphore, #tpu.memory_space<semaphore_mem>>) src(%arg9 : memref<128x64xf32, #tpu.memory_space<vmem>>) dst(%dma_wait3A_36 : memref<128x64xf32, #tpu.memory_space<hbm>>)
        tpu.yield
      }) : () -> ()
    }
    return
  }
}

#map = affine_map<(d0, d1) -> (0, 0)>
#map1 = affine_map<(d0, d1) -> (0)>
module attributes {stable_mosaic.version = 14 : i64} {
  func.func @k(%arg0: i32, %arg1: i32, %arg2: memref<800000x64xf32, #tpu.memory_space<hbm>>, %arg3: memref<800000xi32, #tpu.memory_space<hbm>>, %arg4: memref<40x64xf32, #tpu.memory_space<hbm>>, %arg5: memref<50000x64xf32, #tpu.memory_space<hbm>>, %arg6: memref<2x128xi32, #tpu.memory_space<vmem>>, %arg7: memref<128x64xf32, #tpu.memory_space<vmem>>, %arg8: memref<40x64xf32, #tpu.memory_space<vmem>>, %arg9: memref<25400x64xf32, #tpu.memory_space<vmem_shared>>, %arg10: memref<!tpu.dma_semaphore, #tpu.memory_space<semaphore_mem>>) attributes {dimension_semantics = [#tpu.dimension_semantics<core_parallel>, #tpu.dimension_semantics<subcore_parallel>], iteration_bounds = array<i64: 2, 16>, scalar_prefetch = 0 : i64, scratch_operands = 5 : i64, tpu.core_type = #tpu.core_type<sc_vector_subcore>, window_params = [{transform_indices = #map}, {transform_indices = #map1}, {transform_indices = #map}, {transform_indices = #map}]} {
    %mul3A = arith.constant 25000 : i32
    %mul3A_0 = arith.muli %arg0, %mul3A : i32
    "tpu.region"() ({
      %run_scoped3A = tpu.sem_alloc : memref<!tpu.dma_semaphore, #tpu.memory_space<semaphore_mem>>
      tpu.enqueue_dma source(%arg4 : memref<40x64xf32, #tpu.memory_space<hbm>>) target(%arg8 : memref<40x64xf32, #tpu.memory_space<vmem>>) target_semaphore(%run_scoped3A : memref<!tpu.dma_semaphore, #tpu.memory_space<semaphore_mem>>)
      tpu.wait_dma2 semaphore(%run_scoped3A : memref<!tpu.dma_semaphore, #tpu.memory_space<semaphore_mem>>) src(%arg4 : memref<40x64xf32, #tpu.memory_space<hbm>>) dst(%arg8 : memref<40x64xf32, #tpu.memory_space<vmem>>)
      tpu.yield
    }) : () -> ()
    %sub3A = arith.constant 635 : i32
    %sub3A_1 = arith.subi %sub3A, %arg1 : i32
    %sub3A_2 = arith.constant 16 : i32
    %sub3A_3 = arith.constant 1 : i32
    %sub3A_4 = arith.subi %sub3A_2, %sub3A_3 : i32
    %add3A = arith.addi %sub3A_1, %sub3A_4 : i32
    %div3A = arith.constant 16 : i32
    %div3A_5 = arith.divsi %add3A, %div3A : i32
    %while3A = arith.constant 16 : i32
    %while3A_6 = arith.constant 0 : i32
    %while3A_7 = arith.subi %div3A_5, %while3A_6 : i32
    %while3A_8 = arith.addi %while3A_6, %while3A_7 : i32
    %while3A_9 = arith.constant 1 : i32
    %while3A_10 = arith.divsi %while3A_7, %while3A_9 : i32
    %while3A_11 = arith.muli %while3A_10, %while3A_9 : i32
    %while3A_12 = arith.addi %while3A_6, %while3A_11 : i32
    %while3A_13 = arith.constant 1 : i32
    scf.for %while3A_52 = %while3A_6 to %while3A_12 step %while3A_13  : i32 {
      %mul3A_53 = arith.muli %while3A_52, %while3A : i32
      %add3A_54 = arith.addi %arg1, %mul3A_53 : i32
      %mul3A_55 = arith.constant 40 : i32
      %mul3A_56 = arith.muli %add3A_54, %mul3A_55 : i32
      "tpu.region"() ({
        %run_scoped3A = tpu.sem_alloc : memref<!tpu.dma_semaphore, #tpu.memory_space<semaphore_mem>>
        %dma_start3A = arith.constant 0 : i32
        %dma_start3A_57 = tpu.memref_slice %arg9[%mul3A_56, %dma_start3A] : memref<25400x64xf32, #tpu.memory_space<vmem_shared>> -> memref<40x64xf32, #tpu.memory_space<vmem_shared>>
        %dma_start3A_58 = arith.constant 0 : i32
        %dma_start3A_59 = tpu.memref_slice %arg9[%mul3A_56, %dma_start3A_58] : memref<25400x64xf32, #tpu.memory_space<vmem_shared>> -> memref<40x64xf32, #tpu.memory_space<vmem_shared>>
        tpu.enqueue_dma source(%arg8 : memref<40x64xf32, #tpu.memory_space<vmem>>) target(%dma_start3A_59 : memref<40x64xf32, #tpu.memory_space<vmem_shared>>) target_semaphore(%run_scoped3A : memref<!tpu.dma_semaphore, #tpu.memory_space<semaphore_mem>>)
        %dma_wait3A = arith.constant 0 : i32
        %dma_wait3A_60 = tpu.memref_slice %arg9[%mul3A_56, %dma_wait3A] : memref<25400x64xf32, #tpu.memory_space<vmem_shared>> -> memref<40x64xf32, #tpu.memory_space<vmem_shared>>
        %dma_wait3A_61 = arith.constant 0 : i32
        %dma_wait3A_62 = tpu.memref_slice %arg9[%mul3A_56, %dma_wait3A_61] : memref<25400x64xf32, #tpu.memory_space<vmem_shared>> -> memref<40x64xf32, #tpu.memory_space<vmem_shared>>
        tpu.wait_dma2 semaphore(%run_scoped3A : memref<!tpu.dma_semaphore, #tpu.memory_space<semaphore_mem>>) src(%arg8 : memref<40x64xf32, #tpu.memory_space<vmem>>) dst(%dma_wait3A_62 : memref<40x64xf32, #tpu.memory_space<vmem_shared>>)
        tpu.yield
      }) : () -> ()
    }
    %while3A_14 = arith.constant 1 : i32
    scf.for %while3A_52 = %while3A_12 to %while3A_8 step %while3A_14  : i32 {
      %mul3A_53 = arith.muli %while3A_52, %while3A : i32
      %add3A_54 = arith.addi %arg1, %mul3A_53 : i32
      %mul3A_55 = arith.constant 40 : i32
      %mul3A_56 = arith.muli %add3A_54, %mul3A_55 : i32
      "tpu.region"() ({
        %run_scoped3A = tpu.sem_alloc : memref<!tpu.dma_semaphore, #tpu.memory_space<semaphore_mem>>
        %dma_start3A = arith.constant 0 : i32
        %dma_start3A_57 = tpu.memref_slice %arg9[%mul3A_56, %dma_start3A] : memref<25400x64xf32, #tpu.memory_space<vmem_shared>> -> memref<40x64xf32, #tpu.memory_space<vmem_shared>>
        %dma_start3A_58 = arith.constant 0 : i32
        %dma_start3A_59 = tpu.memref_slice %arg9[%mul3A_56, %dma_start3A_58] : memref<25400x64xf32, #tpu.memory_space<vmem_shared>> -> memref<40x64xf32, #tpu.memory_space<vmem_shared>>
        tpu.enqueue_dma source(%arg8 : memref<40x64xf32, #tpu.memory_space<vmem>>) target(%dma_start3A_59 : memref<40x64xf32, #tpu.memory_space<vmem_shared>>) target_semaphore(%run_scoped3A : memref<!tpu.dma_semaphore, #tpu.memory_space<semaphore_mem>>)
        %dma_wait3A = arith.constant 0 : i32
        %dma_wait3A_60 = tpu.memref_slice %arg9[%mul3A_56, %dma_wait3A] : memref<25400x64xf32, #tpu.memory_space<vmem_shared>> -> memref<40x64xf32, #tpu.memory_space<vmem_shared>>
        %dma_wait3A_61 = arith.constant 0 : i32
        %dma_wait3A_62 = tpu.memref_slice %arg9[%mul3A_56, %dma_wait3A_61] : memref<25400x64xf32, #tpu.memory_space<vmem_shared>> -> memref<40x64xf32, #tpu.memory_space<vmem_shared>>
        tpu.wait_dma2 semaphore(%run_scoped3A : memref<!tpu.dma_semaphore, #tpu.memory_space<semaphore_mem>>) src(%arg8 : memref<40x64xf32, #tpu.memory_space<vmem>>) dst(%dma_wait3A_62 : memref<40x64xf32, #tpu.memory_space<vmem_shared>>)
        tpu.yield
      }) : () -> ()
    }
    %barrier3A = arith.constant 0 : index
    tpu.barrier barrier_id(%barrier3A)
    %sub3A_15 = arith.constant 6250 : i32
    %sub3A_16 = arith.subi %sub3A_15, %arg1 : i32
    %sub3A_17 = arith.constant 16 : i32
    %sub3A_18 = arith.constant 1 : i32
    %sub3A_19 = arith.subi %sub3A_17, %sub3A_18 : i32
    %add3A_20 = arith.addi %sub3A_16, %sub3A_19 : i32
    %div3A_21 = arith.constant 16 : i32
    %div3A_22 = arith.divsi %add3A_20, %div3A_21 : i32
    %while3A_23 = arith.constant 16 : i32
    %while3A_24 = arith.constant 0 : i32
    %while3A_25 = arith.subi %div3A_22, %while3A_24 : i32
    %while3A_26 = arith.addi %while3A_24, %while3A_25 : i32
    %while3A_27 = arith.constant 1 : i32
    %while3A_28 = arith.divsi %while3A_25, %while3A_27 : i32
    %while3A_29 = arith.muli %while3A_28, %while3A_27 : i32
    %while3A_30 = arith.addi %while3A_24, %while3A_29 : i32
    %while3A_31 = arith.constant 1 : i32
    scf.for %while3A_52 = %while3A_24 to %while3A_30 step %while3A_31  : i32 {
      %mul3A_53 = arith.muli %while3A_52, %while3A_23 : i32
      %add3A_54 = arith.addi %arg1, %mul3A_53 : i32
      %mul3A_55 = arith.constant 128 : i32
      %mul3A_56 = arith.muli %add3A_54, %mul3A_55 : i32
      %run_scoped3A = arith.constant 0 : i32
      "tpu.region"() ({
        %run_scoped3A_268 = tpu.sem_alloc : memref<!tpu.dma_semaphore, #tpu.memory_space<semaphore_mem>>
        %dma_start3A = arith.constant 0 : i32
        %dma_start3A_269 = tpu.memref_slice %arg6[%run_scoped3A, %dma_start3A] : memref<2x128xi32, #tpu.memory_space<vmem>> -> memref<1x128xi32, #tpu.memory_space<vmem>>
        %dma_start3A_270 = tpu.memref_squeeze %dma_start3A_269 : memref<1x128xi32, #tpu.memory_space<vmem>> -> memref<128xi32, #tpu.memory_space<vmem>>
        %dma_start3A_271 = tpu.memref_slice %arg3[%mul3A_56] : memref<800000xi32, #tpu.memory_space<hbm>> -> memref<128xi32, #tpu.memory_space<hbm>>
        %dma_start3A_272 = arith.constant 0 : i32
        %dma_start3A_273 = tpu.memref_slice %arg6[%run_scoped3A, %dma_start3A_272] : memref<2x128xi32, #tpu.memory_space<vmem>> -> memref<1x128xi32, #tpu.memory_space<vmem>>
        %dma_start3A_274 = tpu.memref_squeeze %dma_start3A_273 : memref<1x128xi32, #tpu.memory_space<vmem>> -> memref<128xi32, #tpu.memory_space<vmem>>
        %dma_start3A_275 = tpu.memref_slice %arg3[%mul3A_56] : memref<800000xi32, #tpu.memory_space<hbm>> -> memref<128xi32, #tpu.memory_space<hbm>>
        tpu.enqueue_dma source(%dma_start3A_275 : memref<128xi32, #tpu.memory_space<hbm>>) target(%dma_start3A_274 : memref<128xi32, #tpu.memory_space<vmem>>) target_semaphore(%run_scoped3A_268 : memref<!tpu.dma_semaphore, #tpu.memory_space<semaphore_mem>>)
        %dma_wait3A = arith.constant 0 : i32
        %dma_wait3A_276 = tpu.memref_slice %arg6[%run_scoped3A, %dma_wait3A] : memref<2x128xi32, #tpu.memory_space<vmem>> -> memref<1x128xi32, #tpu.memory_space<vmem>>
        %dma_wait3A_277 = tpu.memref_squeeze %dma_wait3A_276 : memref<1x128xi32, #tpu.memory_space<vmem>> -> memref<128xi32, #tpu.memory_space<vmem>>
        %dma_wait3A_278 = tpu.memref_slice %arg3[%mul3A_56] : memref<800000xi32, #tpu.memory_space<hbm>> -> memref<128xi32, #tpu.memory_space<hbm>>
        %dma_wait3A_279 = arith.constant 0 : i32
        %dma_wait3A_280 = tpu.memref_slice %arg6[%run_scoped3A, %dma_wait3A_279] : memref<2x128xi32, #tpu.memory_space<vmem>> -> memref<1x128xi32, #tpu.memory_space<vmem>>
        %dma_wait3A_281 = tpu.memref_squeeze %dma_wait3A_280 : memref<1x128xi32, #tpu.memory_space<vmem>> -> memref<128xi32, #tpu.memory_space<vmem>>
        %dma_wait3A_282 = tpu.memref_slice %arg3[%mul3A_56] : memref<800000xi32, #tpu.memory_space<hbm>> -> memref<128xi32, #tpu.memory_space<hbm>>
        tpu.wait_dma2 semaphore(%run_scoped3A_268 : memref<!tpu.dma_semaphore, #tpu.memory_space<semaphore_mem>>) src(%dma_wait3A_282 : memref<128xi32, #tpu.memory_space<hbm>>) dst(%dma_wait3A_281 : memref<128xi32, #tpu.memory_space<vmem>>)
        tpu.yield
      }) : () -> ()
      %get3A = arith.constant 0 : i32
      %get3A_57 = arith.index_cast %get3A : i32 to index
      %get3A_58 = arith.constant 0 : index
      %get3A_59 = tpu.vector_load %arg6[%get3A_57, %get3A_58] {strides = array<i32>} : memref<2x128xi32, #tpu.memory_space<vmem>>, vector<1x16xi32>,
      %get3A_60 = vector.shape_cast %get3A_59 : vector<1x16xi32> to vector<16xi32>
      %sub3A_61 = vector.broadcast %mul3A_0 : i32 to vector<16xi32>
      %sub3A_62 = arith.subi %get3A_60, %sub3A_61 : vector<16xi32>
      %ge3A = arith.constant 0 : i32
      %ge3A_63 = vector.broadcast %ge3A : i32 to vector<16xi32>
      %ge3A_64 = arith.cmpi sge, %sub3A_62, %ge3A_63 : vector<16xi32>
      %lt3A = arith.constant 25000 : i32
      %lt3A_65 = vector.broadcast %lt3A : i32 to vector<16xi32>
      %lt3A_66 = arith.cmpi slt, %sub3A_62, %lt3A_65 : vector<16xi32>
      %and3A = arith.andi %ge3A_64, %lt3A_66 : vector<16xi1>
      %and3A_67 = arith.constant 255 : i32
      %and3A_68 = vector.broadcast %and3A_67 : i32 to vector<16xi32>
      %and3A_69 = arith.andi %get3A_60, %and3A_68 : vector<16xi32>
      %add3A_70 = arith.constant 25000 : i32
      %add3A_71 = vector.broadcast %add3A_70 : i32 to vector<16xi32>
      %add3A_72 = arith.addi %add3A_71, %and3A_69 : vector<16xi32>
      %select_n3A = arith.select %and3A, %sub3A_62, %add3A_72 : vector<16xi1>, vector<16xi32>
      %swap3A = arith.constant 1 : i32
      %swap3A_73 = arith.index_cast %swap3A : i32 to index
      %swap3A_74 = arith.constant 0 : index
      %swap3A_75 = tpu.vector_load %arg6[%swap3A_73, %swap3A_74] {strides = array<i32>} : memref<2x128xi32, #tpu.memory_space<vmem>>, vector<1x16xi32>,
      %swap3A_76 = vector.shape_cast %swap3A_75 : vector<1x16xi32> to vector<16xi32>
      %swap3A_77 = vector.shape_cast %select_n3A : vector<16xi32> to vector<1x16xi32>
      tpu.vector_store %arg6[%swap3A_73, %swap3A_74], %swap3A_77 {strides = array<i32>} : memref<2x128xi32, #tpu.memory_space<vmem>>, vector<1x16xi32>,
      %get3A_78 = arith.constant 0 : i32
      %get3A_79 = arith.index_cast %get3A_78 : i32 to index
      %get3A_80 = arith.constant 16 : index
      %get3A_81 = tpu.vector_load %arg6[%get3A_79, %get3A_80] {strides = array<i32>} : memref<2x128xi32, #tpu.memory_space<vmem>>, vector<1x16xi32>,
      %get3A_82 = vector.shape_cast %get3A_81 : vector<1x16xi32> to vector<16xi32>
      %sub3A_83 = vector.broadcast %mul3A_0 : i32 to vector<16xi32>
      %sub3A_84 = arith.subi %get3A_82, %sub3A_83 : vector<16xi32>
      %ge3A_85 = arith.constant 0 : i32
      %ge3A_86 = vector.broadcast %ge3A_85 : i32 to vector<16xi32>
      %ge3A_87 = arith.cmpi sge, %sub3A_84, %ge3A_86 : vector<16xi32>
      %lt3A_88 = arith.constant 25000 : i32
      %lt3A_89 = vector.broadcast %lt3A_88 : i32 to vector<16xi32>
      %lt3A_90 = arith.cmpi slt, %sub3A_84, %lt3A_89 : vector<16xi32>
      %and3A_91 = arith.andi %ge3A_87, %lt3A_90 : vector<16xi1>
      %and3A_92 = arith.constant 255 : i32
      %and3A_93 = vector.broadcast %and3A_92 : i32 to vector<16xi32>
      %and3A_94 = arith.andi %get3A_82, %and3A_93 : vector<16xi32>
      %add3A_95 = arith.constant 25000 : i32
      %add3A_96 = vector.broadcast %add3A_95 : i32 to vector<16xi32>
      %add3A_97 = arith.addi %add3A_96, %and3A_94 : vector<16xi32>
      %select_n3A_98 = arith.select %and3A_91, %sub3A_84, %add3A_97 : vector<16xi1>, vector<16xi32>
      %swap3A_99 = arith.constant 1 : i32
      %swap3A_100 = arith.index_cast %swap3A_99 : i32 to index
      %swap3A_101 = arith.constant 16 : index
      %swap3A_102 = tpu.vector_load %arg6[%swap3A_100, %swap3A_101] {strides = array<i32>} : memref<2x128xi32, #tpu.memory_space<vmem>>, vector<1x16xi32>,
      %swap3A_103 = vector.shape_cast %swap3A_102 : vector<1x16xi32> to vector<16xi32>
      %swap3A_104 = vector.shape_cast %select_n3A_98 : vector<16xi32> to vector<1x16xi32>
      tpu.vector_store %arg6[%swap3A_100, %swap3A_101], %swap3A_104 {strides = array<i32>} : memref<2x128xi32, #tpu.memory_space<vmem>>, vector<1x16xi32>,
      %get3A_105 = arith.constant 0 : i32
      %get3A_106 = arith.index_cast %get3A_105 : i32 to index
      %get3A_107 = arith.constant 32 : index
      %get3A_108 = tpu.vector_load %arg6[%get3A_106, %get3A_107] {strides = array<i32>} : memref<2x128xi32, #tpu.memory_space<vmem>>, vector<1x16xi32>,
      %get3A_109 = vector.shape_cast %get3A_108 : vector<1x16xi32> to vector<16xi32>
      %sub3A_110 = vector.broadcast %mul3A_0 : i32 to vector<16xi32>
      %sub3A_111 = arith.subi %get3A_109, %sub3A_110 : vector<16xi32>
      %ge3A_112 = arith.constant 0 : i32
      %ge3A_113 = vector.broadcast %ge3A_112 : i32 to vector<16xi32>
      %ge3A_114 = arith.cmpi sge, %sub3A_111, %ge3A_113 : vector<16xi32>
      %lt3A_115 = arith.constant 25000 : i32
      %lt3A_116 = vector.broadcast %lt3A_115 : i32 to vector<16xi32>
      %lt3A_117 = arith.cmpi slt, %sub3A_111, %lt3A_116 : vector<16xi32>
      %and3A_118 = arith.andi %ge3A_114, %lt3A_117 : vector<16xi1>
      %and3A_119 = arith.constant 255 : i32
      %and3A_120 = vector.broadcast %and3A_119 : i32 to vector<16xi32>
      %and3A_121 = arith.andi %get3A_109, %and3A_120 : vector<16xi32>
      %add3A_122 = arith.constant 25000 : i32
      %add3A_123 = vector.broadcast %add3A_122 : i32 to vector<16xi32>
      %add3A_124 = arith.addi %add3A_123, %and3A_121 : vector<16xi32>
      %select_n3A_125 = arith.select %and3A_118, %sub3A_111, %add3A_124 : vector<16xi1>, vector<16xi32>
      %swap3A_126 = arith.constant 1 : i32
      %swap3A_127 = arith.index_cast %swap3A_126 : i32 to index
      %swap3A_128 = arith.constant 32 : index
      %swap3A_129 = tpu.vector_load %arg6[%swap3A_127, %swap3A_128] {strides = array<i32>} : memref<2x128xi32, #tpu.memory_space<vmem>>, vector<1x16xi32>,
      %swap3A_130 = vector.shape_cast %swap3A_129 : vector<1x16xi32> to vector<16xi32>
      %swap3A_131 = vector.shape_cast %select_n3A_125 : vector<16xi32> to vector<1x16xi32>
      tpu.vector_store %arg6[%swap3A_127, %swap3A_128], %swap3A_131 {strides = array<i32>} : memref<2x128xi32, #tpu.memory_space<vmem>>, vector<1x16xi32>,
      %get3A_132 = arith.constant 0 : i32
      %get3A_133 = arith.index_cast %get3A_132 : i32 to index
      %get3A_134 = arith.constant 48 : index
      %get3A_135 = tpu.vector_load %arg6[%get3A_133, %get3A_134] {strides = array<i32>} : memref<2x128xi32, #tpu.memory_space<vmem>>, vector<1x16xi32>,
      %get3A_136 = vector.shape_cast %get3A_135 : vector<1x16xi32> to vector<16xi32>
      %sub3A_137 = vector.broadcast %mul3A_0 : i32 to vector<16xi32>
      %sub3A_138 = arith.subi %get3A_136, %sub3A_137 : vector<16xi32>
      %ge3A_139 = arith.constant 0 : i32
      %ge3A_140 = vector.broadcast %ge3A_139 : i32 to vector<16xi32>
      %ge3A_141 = arith.cmpi sge, %sub3A_138, %ge3A_140 : vector<16xi32>
      %lt3A_142 = arith.constant 25000 : i32
      %lt3A_143 = vector.broadcast %lt3A_142 : i32 to vector<16xi32>
      %lt3A_144 = arith.cmpi slt, %sub3A_138, %lt3A_143 : vector<16xi32>
      %and3A_145 = arith.andi %ge3A_141, %lt3A_144 : vector<16xi1>
      %and3A_146 = arith.constant 255 : i32
      %and3A_147 = vector.broadcast %and3A_146 : i32 to vector<16xi32>
      %and3A_148 = arith.andi %get3A_136, %and3A_147 : vector<16xi32>
      %add3A_149 = arith.constant 25000 : i32
      %add3A_150 = vector.broadcast %add3A_149 : i32 to vector<16xi32>
      %add3A_151 = arith.addi %add3A_150, %and3A_148 : vector<16xi32>
      %select_n3A_152 = arith.select %and3A_145, %sub3A_138, %add3A_151 : vector<16xi1>, vector<16xi32>
      %swap3A_153 = arith.constant 1 : i32
      %swap3A_154 = arith.index_cast %swap3A_153 : i32 to index
      %swap3A_155 = arith.constant 48 : index
      %swap3A_156 = tpu.vector_load %arg6[%swap3A_154, %swap3A_155] {strides = array<i32>} : memref<2x128xi32, #tpu.memory_space<vmem>>, vector<1x16xi32>,
      %swap3A_157 = vector.shape_cast %swap3A_156 : vector<1x16xi32> to vector<16xi32>
      %swap3A_158 = vector.shape_cast %select_n3A_152 : vector<16xi32> to vector<1x16xi32>
      tpu.vector_store %arg6[%swap3A_154, %swap3A_155], %swap3A_158 {strides = array<i32>} : memref<2x128xi32, #tpu.memory_space<vmem>>, vector<1x16xi32>,
      %get3A_159 = arith.constant 0 : i32
      %get3A_160 = arith.index_cast %get3A_159 : i32 to index
      %get3A_161 = arith.constant 64 : index
      %get3A_162 = tpu.vector_load %arg6[%get3A_160, %get3A_161] {strides = array<i32>} : memref<2x128xi32, #tpu.memory_space<vmem>>, vector<1x16xi32>,
      %get3A_163 = vector.shape_cast %get3A_162 : vector<1x16xi32> to vector<16xi32>
      %sub3A_164 = vector.broadcast %mul3A_0 : i32 to vector<16xi32>
      %sub3A_165 = arith.subi %get3A_163, %sub3A_164 : vector<16xi32>
      %ge3A_166 = arith.constant 0 : i32
      %ge3A_167 = vector.broadcast %ge3A_166 : i32 to vector<16xi32>
      %ge3A_168 = arith.cmpi sge, %sub3A_165, %ge3A_167 : vector<16xi32>
      %lt3A_169 = arith.constant 25000 : i32
      %lt3A_170 = vector.broadcast %lt3A_169 : i32 to vector<16xi32>
      %lt3A_171 = arith.cmpi slt, %sub3A_165, %lt3A_170 : vector<16xi32>
      %and3A_172 = arith.andi %ge3A_168, %lt3A_171 : vector<16xi1>
      %and3A_173 = arith.constant 255 : i32
      %and3A_174 = vector.broadcast %and3A_173 : i32 to vector<16xi32>
      %and3A_175 = arith.andi %get3A_163, %and3A_174 : vector<16xi32>
      %add3A_176 = arith.constant 25000 : i32
      %add3A_177 = vector.broadcast %add3A_176 : i32 to vector<16xi32>
      %add3A_178 = arith.addi %add3A_177, %and3A_175 : vector<16xi32>
      %select_n3A_179 = arith.select %and3A_172, %sub3A_165, %add3A_178 : vector<16xi1>, vector<16xi32>
      %swap3A_180 = arith.constant 1 : i32
      %swap3A_181 = arith.index_cast %swap3A_180 : i32 to index
      %swap3A_182 = arith.constant 64 : index
      %swap3A_183 = tpu.vector_load %arg6[%swap3A_181, %swap3A_182] {strides = array<i32>} : memref<2x128xi32, #tpu.memory_space<vmem>>, vector<1x16xi32>,
      %swap3A_184 = vector.shape_cast %swap3A_183 : vector<1x16xi32> to vector<16xi32>
      %swap3A_185 = vector.shape_cast %select_n3A_179 : vector<16xi32> to vector<1x16xi32>
      tpu.vector_store %arg6[%swap3A_181, %swap3A_182], %swap3A_185 {strides = array<i32>} : memref<2x128xi32, #tpu.memory_space<vmem>>, vector<1x16xi32>,
      %get3A_186 = arith.constant 0 : i32
      %get3A_187 = arith.index_cast %get3A_186 : i32 to index
      %get3A_188 = arith.constant 80 : index
      %get3A_189 = tpu.vector_load %arg6[%get3A_187, %get3A_188] {strides = array<i32>} : memref<2x128xi32, #tpu.memory_space<vmem>>, vector<1x16xi32>,
      %get3A_190 = vector.shape_cast %get3A_189 : vector<1x16xi32> to vector<16xi32>
      %sub3A_191 = vector.broadcast %mul3A_0 : i32 to vector<16xi32>
      %sub3A_192 = arith.subi %get3A_190, %sub3A_191 : vector<16xi32>
      %ge3A_193 = arith.constant 0 : i32
      %ge3A_194 = vector.broadcast %ge3A_193 : i32 to vector<16xi32>
      %ge3A_195 = arith.cmpi sge, %sub3A_192, %ge3A_194 : vector<16xi32>
      %lt3A_196 = arith.constant 25000 : i32
      %lt3A_197 = vector.broadcast %lt3A_196 : i32 to vector<16xi32>
      %lt3A_198 = arith.cmpi slt, %sub3A_192, %lt3A_197 : vector<16xi32>
      %and3A_199 = arith.andi %ge3A_195, %lt3A_198 : vector<16xi1>
      %and3A_200 = arith.constant 255 : i32
      %and3A_201 = vector.broadcast %and3A_200 : i32 to vector<16xi32>
      %and3A_202 = arith.andi %get3A_190, %and3A_201 : vector<16xi32>
      %add3A_203 = arith.constant 25000 : i32
      %add3A_204 = vector.broadcast %add3A_203 : i32 to vector<16xi32>
      %add3A_205 = arith.addi %add3A_204, %and3A_202 : vector<16xi32>
      %select_n3A_206 = arith.select %and3A_199, %sub3A_192, %add3A_205 : vector<16xi1>, vector<16xi32>
      %swap3A_207 = arith.constant 1 : i32
      %swap3A_208 = arith.index_cast %swap3A_207 : i32 to index
      %swap3A_209 = arith.constant 80 : index
      %swap3A_210 = tpu.vector_load %arg6[%swap3A_208, %swap3A_209] {strides = array<i32>} : memref<2x128xi32, #tpu.memory_space<vmem>>, vector<1x16xi32>,
      %swap3A_211 = vector.shape_cast %swap3A_210 : vector<1x16xi32> to vector<16xi32>
      %swap3A_212 = vector.shape_cast %select_n3A_206 : vector<16xi32> to vector<1x16xi32>
      tpu.vector_store %arg6[%swap3A_208, %swap3A_209], %swap3A_212 {strides = array<i32>} : memref<2x128xi32, #tpu.memory_space<vmem>>, vector<1x16xi32>,
      %get3A_213 = arith.constant 0 : i32
      %get3A_214 = arith.index_cast %get3A_213 : i32 to index
      %get3A_215 = arith.constant 96 : index
      %get3A_216 = tpu.vector_load %arg6[%get3A_214, %get3A_215] {strides = array<i32>} : memref<2x128xi32, #tpu.memory_space<vmem>>, vector<1x16xi32>,
      %get3A_217 = vector.shape_cast %get3A_216 : vector<1x16xi32> to vector<16xi32>
      %sub3A_218 = vector.broadcast %mul3A_0 : i32 to vector<16xi32>
      %sub3A_219 = arith.subi %get3A_217, %sub3A_218 : vector<16xi32>
      %ge3A_220 = arith.constant 0 : i32
      %ge3A_221 = vector.broadcast %ge3A_220 : i32 to vector<16xi32>
      %ge3A_222 = arith.cmpi sge, %sub3A_219, %ge3A_221 : vector<16xi32>
      %lt3A_223 = arith.constant 25000 : i32
      %lt3A_224 = vector.broadcast %lt3A_223 : i32 to vector<16xi32>
      %lt3A_225 = arith.cmpi slt, %sub3A_219, %lt3A_224 : vector<16xi32>
      %and3A_226 = arith.andi %ge3A_222, %lt3A_225 : vector<16xi1>
      %and3A_227 = arith.constant 255 : i32
      %and3A_228 = vector.broadcast %and3A_227 : i32 to vector<16xi32>
      %and3A_229 = arith.andi %get3A_217, %and3A_228 : vector<16xi32>
      %add3A_230 = arith.constant 25000 : i32
      %add3A_231 = vector.broadcast %add3A_230 : i32 to vector<16xi32>
      %add3A_232 = arith.addi %add3A_231, %and3A_229 : vector<16xi32>
      %select_n3A_233 = arith.select %and3A_226, %sub3A_219, %add3A_232 : vector<16xi1>, vector<16xi32>
      %swap3A_234 = arith.constant 1 : i32
      %swap3A_235 = arith.index_cast %swap3A_234 : i32 to index
      %swap3A_236 = arith.constant 96 : index
      %swap3A_237 = tpu.vector_load %arg6[%swap3A_235, %swap3A_236] {strides = array<i32>} : memref<2x128xi32, #tpu.memory_space<vmem>>, vector<1x16xi32>,
      %swap3A_238 = vector.shape_cast %swap3A_237 : vector<1x16xi32> to vector<16xi32>
      %swap3A_239 = vector.shape_cast %select_n3A_233 : vector<16xi32> to vector<1x16xi32>
      tpu.vector_store %arg6[%swap3A_235, %swap3A_236], %swap3A_239 {strides = array<i32>} : memref<2x128xi32, #tpu.memory_space<vmem>>, vector<1x16xi32>,
      %get3A_240 = arith.constant 0 : i32
      %get3A_241 = arith.index_cast %get3A_240 : i32 to index
      %get3A_242 = arith.constant 112 : index
      %get3A_243 = tpu.vector_load %arg6[%get3A_241, %get3A_242] {strides = array<i32>} : memref<2x128xi32, #tpu.memory_space<vmem>>, vector<1x16xi32>,
      %get3A_244 = vector.shape_cast %get3A_243 : vector<1x16xi32> to vector<16xi32>
      %sub3A_245 = vector.broadcast %mul3A_0 : i32 to vector<16xi32>
      %sub3A_246 = arith.subi %get3A_244, %sub3A_245 : vector<16xi32>
      %ge3A_247 = arith.constant 0 : i32
      %ge3A_248 = vector.broadcast %ge3A_247 : i32 to vector<16xi32>
      %ge3A_249 = arith.cmpi sge, %sub3A_246, %ge3A_248 : vector<16xi32>
      %lt3A_250 = arith.constant 25000 : i32
      %lt3A_251 = vector.broadcast %lt3A_250 : i32 to vector<16xi32>
      %lt3A_252 = arith.cmpi slt, %sub3A_246, %lt3A_251 : vector<16xi32>
      %and3A_253 = arith.andi %ge3A_249, %lt3A_252 : vector<16xi1>
      %and3A_254 = arith.constant 255 : i32
      %and3A_255 = vector.broadcast %and3A_254 : i32 to vector<16xi32>
      %and3A_256 = arith.andi %get3A_244, %and3A_255 : vector<16xi32>
      %add3A_257 = arith.constant 25000 : i32
      %add3A_258 = vector.broadcast %add3A_257 : i32 to vector<16xi32>
      %add3A_259 = arith.addi %add3A_258, %and3A_256 : vector<16xi32>
      %select_n3A_260 = arith.select %and3A_253, %sub3A_246, %add3A_259 : vector<16xi1>, vector<16xi32>
      %swap3A_261 = arith.constant 1 : i32
      %swap3A_262 = arith.index_cast %swap3A_261 : i32 to index
      %swap3A_263 = arith.constant 112 : index
      %swap3A_264 = tpu.vector_load %arg6[%swap3A_262, %swap3A_263] {strides = array<i32>} : memref<2x128xi32, #tpu.memory_space<vmem>>, vector<1x16xi32>,
      %swap3A_265 = vector.shape_cast %swap3A_264 : vector<1x16xi32> to vector<16xi32>
      %swap3A_266 = vector.shape_cast %select_n3A_260 : vector<16xi32> to vector<1x16xi32>
      tpu.vector_store %arg6[%swap3A_262, %swap3A_263], %swap3A_266 {strides = array<i32>} : memref<2x128xi32, #tpu.memory_space<vmem>>, vector<1x16xi32>,
      "tpu.region"() ({
        %run_scoped3A_268 = tpu.sem_alloc : memref<!tpu.dma_semaphore, #tpu.memory_space<semaphore_mem>>
        %dma_start3A = arith.constant 0 : i32
        %dma_start3A_269 = tpu.memref_slice %arg2[%mul3A_56, %dma_start3A] : memref<800000x64xf32, #tpu.memory_space<hbm>> -> memref<128x64xf32, #tpu.memory_space<hbm>>
        %dma_start3A_270 = arith.constant 0 : i32
        %dma_start3A_271 = tpu.memref_slice %arg2[%mul3A_56, %dma_start3A_270] : memref<800000x64xf32, #tpu.memory_space<hbm>> -> memref<128x64xf32, #tpu.memory_space<hbm>>
        tpu.enqueue_dma source(%dma_start3A_271 : memref<128x64xf32, #tpu.memory_space<hbm>>) target(%arg7 : memref<128x64xf32, #tpu.memory_space<vmem>>) target_semaphore(%run_scoped3A_268 : memref<!tpu.dma_semaphore, #tpu.memory_space<semaphore_mem>>)
        %dma_wait3A = arith.constant 0 : i32
        %dma_wait3A_272 = tpu.memref_slice %arg2[%mul3A_56, %dma_wait3A] : memref<800000x64xf32, #tpu.memory_space<hbm>> -> memref<128x64xf32, #tpu.memory_space<hbm>>
        %dma_wait3A_273 = arith.constant 0 : i32
        %dma_wait3A_274 = tpu.memref_slice %arg2[%mul3A_56, %dma_wait3A_273] : memref<800000x64xf32, #tpu.memory_space<hbm>> -> memref<128x64xf32, #tpu.memory_space<hbm>>
        tpu.wait_dma2 semaphore(%run_scoped3A_268 : memref<!tpu.dma_semaphore, #tpu.memory_space<semaphore_mem>>) src(%dma_wait3A_274 : memref<128x64xf32, #tpu.memory_space<hbm>>) dst(%arg7 : memref<128x64xf32, #tpu.memory_space<vmem>>)
        tpu.yield
      }) : () -> ()
      %run_scoped3A_267 = arith.constant 1 : i32
      "tpu.region"() ({
        %run_scoped3A_268 = tpu.sem_alloc : memref<!tpu.dma_semaphore, #tpu.memory_space<semaphore_mem>>
        %dma_start3A = arith.constant 0 : i32
        %dma_start3A_269 = tpu.memref_slice %arg6[%run_scoped3A_267, %dma_start3A] : memref<2x128xi32, #tpu.memory_space<vmem>> -> memref<1x128xi32, #tpu.memory_space<vmem>>
        %dma_start3A_270 = tpu.memref_squeeze %dma_start3A_269 : memref<1x128xi32, #tpu.memory_space<vmem>> -> memref<128xi32, #tpu.memory_space<vmem>>
        %dma_start3A_271 = arith.constant 0 : i32
        %dma_start3A_272 = arith.constant 0 : i32
        %dma_start3A_273 = tpu.memref_slice %arg9[%dma_start3A_271, %dma_start3A_272] : memref<25400x64xf32, #tpu.memory_space<vmem_shared>> -> memref<25400x64xf32, #tpu.memory_space<vmem_shared>>
        tpu.enqueue_indirect_dma source(%arg7 : memref<128x64xf32, #tpu.memory_space<vmem>>) target(%dma_start3A_273 : memref<25400x64xf32, #tpu.memory_space<vmem_shared>>) offsets(%dma_start3A_270 : memref<128xi32, #tpu.memory_space<vmem>>) semaphore(%run_scoped3A_268 : memref<!tpu.dma_semaphore, #tpu.memory_space<semaphore_mem>>) {add = true}
        %dma_wait3A = arith.constant 0 : i32
        %dma_wait3A_274 = tpu.memref_slice %arg6[%run_scoped3A_267, %dma_wait3A] : memref<2x128xi32, #tpu.memory_space<vmem>> -> memref<1x128xi32, #tpu.memory_space<vmem>>
        %dma_wait3A_275 = tpu.memref_squeeze %dma_wait3A_274 : memref<1x128xi32, #tpu.memory_space<vmem>> -> memref<128xi32, #tpu.memory_space<vmem>>
        %dma_wait3A_276 = arith.constant 0 : i32
        %dma_wait3A_277 = arith.constant 0 : i32
        %dma_wait3A_278 = tpu.memref_slice %arg9[%dma_wait3A_276, %dma_wait3A_277] : memref<25400x64xf32, #tpu.memory_space<vmem_shared>> -> memref<25400x64xf32, #tpu.memory_space<vmem_shared>>
        tpu.wait_indirect_dma semaphore(%run_scoped3A_268 : memref<!tpu.dma_semaphore, #tpu.memory_space<semaphore_mem>>) src(%arg7 : memref<128x64xf32, #tpu.memory_space<vmem>>) dst(%dma_wait3A_278 : memref<25400x64xf32, #tpu.memory_space<vmem_shared>>)
        tpu.yield
      }) : () -> ()
    }
    %while3A_32 = arith.constant 1 : i32
    scf.for %while3A_52 = %while3A_30 to %while3A_26 step %while3A_32  : i32 {
      %mul3A_53 = arith.muli %while3A_52, %while3A_23 : i32
      %add3A_54 = arith.addi %arg1, %mul3A_53 : i32
      %mul3A_55 = arith.constant 128 : i32
      %mul3A_56 = arith.muli %add3A_54, %mul3A_55 : i32
      %run_scoped3A = arith.constant 0 : i32
      "tpu.region"() ({
        %run_scoped3A_268 = tpu.sem_alloc : memref<!tpu.dma_semaphore, #tpu.memory_space<semaphore_mem>>
        %dma_start3A = arith.constant 0 : i32
        %dma_start3A_269 = tpu.memref_slice %arg6[%run_scoped3A, %dma_start3A] : memref<2x128xi32, #tpu.memory_space<vmem>> -> memref<1x128xi32, #tpu.memory_space<vmem>>
        %dma_start3A_270 = tpu.memref_squeeze %dma_start3A_269 : memref<1x128xi32, #tpu.memory_space<vmem>> -> memref<128xi32, #tpu.memory_space<vmem>>
        %dma_start3A_271 = tpu.memref_slice %arg3[%mul3A_56] : memref<800000xi32, #tpu.memory_space<hbm>> -> memref<128xi32, #tpu.memory_space<hbm>>
        %dma_start3A_272 = arith.constant 0 : i32
        %dma_start3A_273 = tpu.memref_slice %arg6[%run_scoped3A, %dma_start3A_272] : memref<2x128xi32, #tpu.memory_space<vmem>> -> memref<1x128xi32, #tpu.memory_space<vmem>>
        %dma_start3A_274 = tpu.memref_squeeze %dma_start3A_273 : memref<1x128xi32, #tpu.memory_space<vmem>> -> memref<128xi32, #tpu.memory_space<vmem>>
        %dma_start3A_275 = tpu.memref_slice %arg3[%mul3A_56] : memref<800000xi32, #tpu.memory_space<hbm>> -> memref<128xi32, #tpu.memory_space<hbm>>
        tpu.enqueue_dma source(%dma_start3A_275 : memref<128xi32, #tpu.memory_space<hbm>>) target(%dma_start3A_274 : memref<128xi32, #tpu.memory_space<vmem>>) target_semaphore(%run_scoped3A_268 : memref<!tpu.dma_semaphore, #tpu.memory_space<semaphore_mem>>)
        %dma_wait3A = arith.constant 0 : i32
        %dma_wait3A_276 = tpu.memref_slice %arg6[%run_scoped3A, %dma_wait3A] : memref<2x128xi32, #tpu.memory_space<vmem>> -> memref<1x128xi32, #tpu.memory_space<vmem>>
        %dma_wait3A_277 = tpu.memref_squeeze %dma_wait3A_276 : memref<1x128xi32, #tpu.memory_space<vmem>> -> memref<128xi32, #tpu.memory_space<vmem>>
        %dma_wait3A_278 = tpu.memref_slice %arg3[%mul3A_56] : memref<800000xi32, #tpu.memory_space<hbm>> -> memref<128xi32, #tpu.memory_space<hbm>>
        %dma_wait3A_279 = arith.constant 0 : i32
        %dma_wait3A_280 = tpu.memref_slice %arg6[%run_scoped3A, %dma_wait3A_279] : memref<2x128xi32, #tpu.memory_space<vmem>> -> memref<1x128xi32, #tpu.memory_space<vmem>>
        %dma_wait3A_281 = tpu.memref_squeeze %dma_wait3A_280 : memref<1x128xi32, #tpu.memory_space<vmem>> -> memref<128xi32, #tpu.memory_space<vmem>>
        %dma_wait3A_282 = tpu.memref_slice %arg3[%mul3A_56] : memref<800000xi32, #tpu.memory_space<hbm>> -> memref<128xi32, #tpu.memory_space<hbm>>
        tpu.wait_dma2 semaphore(%run_scoped3A_268 : memref<!tpu.dma_semaphore, #tpu.memory_space<semaphore_mem>>) src(%dma_wait3A_282 : memref<128xi32, #tpu.memory_space<hbm>>) dst(%dma_wait3A_281 : memref<128xi32, #tpu.memory_space<vmem>>)
        tpu.yield
      }) : () -> ()
      %get3A = arith.constant 0 : i32
      %get3A_57 = arith.index_cast %get3A : i32 to index
      %get3A_58 = arith.constant 0 : index
      %get3A_59 = tpu.vector_load %arg6[%get3A_57, %get3A_58] {strides = array<i32>} : memref<2x128xi32, #tpu.memory_space<vmem>>, vector<1x16xi32>,
      %get3A_60 = vector.shape_cast %get3A_59 : vector<1x16xi32> to vector<16xi32>
      %sub3A_61 = vector.broadcast %mul3A_0 : i32 to vector<16xi32>
      %sub3A_62 = arith.subi %get3A_60, %sub3A_61 : vector<16xi32>
      %ge3A = arith.constant 0 : i32
      %ge3A_63 = vector.broadcast %ge3A : i32 to vector<16xi32>
      %ge3A_64 = arith.cmpi sge, %sub3A_62, %ge3A_63 : vector<16xi32>
      %lt3A = arith.constant 25000 : i32
      %lt3A_65 = vector.broadcast %lt3A : i32 to vector<16xi32>
      %lt3A_66 = arith.cmpi slt, %sub3A_62, %lt3A_65 : vector<16xi32>
      %and3A = arith.andi %ge3A_64, %lt3A_66 : vector<16xi1>
      %and3A_67 = arith.constant 255 : i32
      %and3A_68 = vector.broadcast %and3A_67 : i32 to vector<16xi32>
      %and3A_69 = arith.andi %get3A_60, %and3A_68 : vector<16xi32>
      %add3A_70 = arith.constant 25000 : i32
      %add3A_71 = vector.broadcast %add3A_70 : i32 to vector<16xi32>
      %add3A_72 = arith.addi %add3A_71, %and3A_69 : vector<16xi32>
      %select_n3A = arith.select %and3A, %sub3A_62, %add3A_72 : vector<16xi1>, vector<16xi32>
      %swap3A = arith.constant 1 : i32
      %swap3A_73 = arith.index_cast %swap3A : i32 to index
      %swap3A_74 = arith.constant 0 : index
      %swap3A_75 = tpu.vector_load %arg6[%swap3A_73, %swap3A_74] {strides = array<i32>} : memref<2x128xi32, #tpu.memory_space<vmem>>, vector<1x16xi32>,
      %swap3A_76 = vector.shape_cast %swap3A_75 : vector<1x16xi32> to vector<16xi32>
      %swap3A_77 = vector.shape_cast %select_n3A : vector<16xi32> to vector<1x16xi32>
      tpu.vector_store %arg6[%swap3A_73, %swap3A_74], %swap3A_77 {strides = array<i32>} : memref<2x128xi32, #tpu.memory_space<vmem>>, vector<1x16xi32>,
      %get3A_78 = arith.constant 0 : i32
      %get3A_79 = arith.index_cast %get3A_78 : i32 to index
      %get3A_80 = arith.constant 16 : index
      %get3A_81 = tpu.vector_load %arg6[%get3A_79, %get3A_80] {strides = array<i32>} : memref<2x128xi32, #tpu.memory_space<vmem>>, vector<1x16xi32>,
      %get3A_82 = vector.shape_cast %get3A_81 : vector<1x16xi32> to vector<16xi32>
      %sub3A_83 = vector.broadcast %mul3A_0 : i32 to vector<16xi32>
      %sub3A_84 = arith.subi %get3A_82, %sub3A_83 : vector<16xi32>
      %ge3A_85 = arith.constant 0 : i32
      %ge3A_86 = vector.broadcast %ge3A_85 : i32 to vector<16xi32>
      %ge3A_87 = arith.cmpi sge, %sub3A_84, %ge3A_86 : vector<16xi32>
      %lt3A_88 = arith.constant 25000 : i32
      %lt3A_89 = vector.broadcast %lt3A_88 : i32 to vector<16xi32>
      %lt3A_90 = arith.cmpi slt, %sub3A_84, %lt3A_89 : vector<16xi32>
      %and3A_91 = arith.andi %ge3A_87, %lt3A_90 : vector<16xi1>
      %and3A_92 = arith.constant 255 : i32
      %and3A_93 = vector.broadcast %and3A_92 : i32 to vector<16xi32>
      %and3A_94 = arith.andi %get3A_82, %and3A_93 : vector<16xi32>
      %add3A_95 = arith.constant 25000 : i32
      %add3A_96 = vector.broadcast %add3A_95 : i32 to vector<16xi32>
      %add3A_97 = arith.addi %add3A_96, %and3A_94 : vector<16xi32>
      %select_n3A_98 = arith.select %and3A_91, %sub3A_84, %add3A_97 : vector<16xi1>, vector<16xi32>
      %swap3A_99 = arith.constant 1 : i32
      %swap3A_100 = arith.index_cast %swap3A_99 : i32 to index
      %swap3A_101 = arith.constant 16 : index
      %swap3A_102 = tpu.vector_load %arg6[%swap3A_100, %swap3A_101] {strides = array<i32>} : memref<2x128xi32, #tpu.memory_space<vmem>>, vector<1x16xi32>,
      %swap3A_103 = vector.shape_cast %swap3A_102 : vector<1x16xi32> to vector<16xi32>
      %swap3A_104 = vector.shape_cast %select_n3A_98 : vector<16xi32> to vector<1x16xi32>
      tpu.vector_store %arg6[%swap3A_100, %swap3A_101], %swap3A_104 {strides = array<i32>} : memref<2x128xi32, #tpu.memory_space<vmem>>, vector<1x16xi32>,
      %get3A_105 = arith.constant 0 : i32
      %get3A_106 = arith.index_cast %get3A_105 : i32 to index
      %get3A_107 = arith.constant 32 : index
      %get3A_108 = tpu.vector_load %arg6[%get3A_106, %get3A_107] {strides = array<i32>} : memref<2x128xi32, #tpu.memory_space<vmem>>, vector<1x16xi32>,
      %get3A_109 = vector.shape_cast %get3A_108 : vector<1x16xi32> to vector<16xi32>
      %sub3A_110 = vector.broadcast %mul3A_0 : i32 to vector<16xi32>
      %sub3A_111 = arith.subi %get3A_109, %sub3A_110 : vector<16xi32>
      %ge3A_112 = arith.constant 0 : i32
      %ge3A_113 = vector.broadcast %ge3A_112 : i32 to vector<16xi32>
      %ge3A_114 = arith.cmpi sge, %sub3A_111, %ge3A_113 : vector<16xi32>
      %lt3A_115 = arith.constant 25000 : i32
      %lt3A_116 = vector.broadcast %lt3A_115 : i32 to vector<16xi32>
      %lt3A_117 = arith.cmpi slt, %sub3A_111, %lt3A_116 : vector<16xi32>
      %and3A_118 = arith.andi %ge3A_114, %lt3A_117 : vector<16xi1>
      %and3A_119 = arith.constant 255 : i32
      %and3A_120 = vector.broadcast %and3A_119 : i32 to vector<16xi32>
      %and3A_121 = arith.andi %get3A_109, %and3A_120 : vector<16xi32>
      %add3A_122 = arith.constant 25000 : i32
      %add3A_123 = vector.broadcast %add3A_122 : i32 to vector<16xi32>
      %add3A_124 = arith.addi %add3A_123, %and3A_121 : vector<16xi32>
      %select_n3A_125 = arith.select %and3A_118, %sub3A_111, %add3A_124 : vector<16xi1>, vector<16xi32>
      %swap3A_126 = arith.constant 1 : i32
      %swap3A_127 = arith.index_cast %swap3A_126 : i32 to index
      %swap3A_128 = arith.constant 32 : index
      %swap3A_129 = tpu.vector_load %arg6[%swap3A_127, %swap3A_128] {strides = array<i32>} : memref<2x128xi32, #tpu.memory_space<vmem>>, vector<1x16xi32>,
      %swap3A_130 = vector.shape_cast %swap3A_129 : vector<1x16xi32> to vector<16xi32>
      %swap3A_131 = vector.shape_cast %select_n3A_125 : vector<16xi32> to vector<1x16xi32>
      tpu.vector_store %arg6[%swap3A_127, %swap3A_128], %swap3A_131 {strides = array<i32>} : memref<2x128xi32, #tpu.memory_space<vmem>>, vector<1x16xi32>,
      %get3A_132 = arith.constant 0 : i32
      %get3A_133 = arith.index_cast %get3A_132 : i32 to index
      %get3A_134 = arith.constant 48 : index
      %get3A_135 = tpu.vector_load %arg6[%get3A_133, %get3A_134] {strides = array<i32>} : memref<2x128xi32, #tpu.memory_space<vmem>>, vector<1x16xi32>,
      %get3A_136 = vector.shape_cast %get3A_135 : vector<1x16xi32> to vector<16xi32>
      %sub3A_137 = vector.broadcast %mul3A_0 : i32 to vector<16xi32>
      %sub3A_138 = arith.subi %get3A_136, %sub3A_137 : vector<16xi32>
      %ge3A_139 = arith.constant 0 : i32
      %ge3A_140 = vector.broadcast %ge3A_139 : i32 to vector<16xi32>
      %ge3A_141 = arith.cmpi sge, %sub3A_138, %ge3A_140 : vector<16xi32>
      %lt3A_142 = arith.constant 25000 : i32
      %lt3A_143 = vector.broadcast %lt3A_142 : i32 to vector<16xi32>
      %lt3A_144 = arith.cmpi slt, %sub3A_138, %lt3A_143 : vector<16xi32>
      %and3A_145 = arith.andi %ge3A_141, %lt3A_144 : vector<16xi1>
      %and3A_146 = arith.constant 255 : i32
      %and3A_147 = vector.broadcast %and3A_146 : i32 to vector<16xi32>
      %and3A_148 = arith.andi %get3A_136, %and3A_147 : vector<16xi32>
      %add3A_149 = arith.constant 25000 : i32
      %add3A_150 = vector.broadcast %add3A_149 : i32 to vector<16xi32>
      %add3A_151 = arith.addi %add3A_150, %and3A_148 : vector<16xi32>
      %select_n3A_152 = arith.select %and3A_145, %sub3A_138, %add3A_151 : vector<16xi1>, vector<16xi32>
      %swap3A_153 = arith.constant 1 : i32
      %swap3A_154 = arith.index_cast %swap3A_153 : i32 to index
      %swap3A_155 = arith.constant 48 : index
      %swap3A_156 = tpu.vector_load %arg6[%swap3A_154, %swap3A_155] {strides = array<i32>} : memref<2x128xi32, #tpu.memory_space<vmem>>, vector<1x16xi32>,
      %swap3A_157 = vector.shape_cast %swap3A_156 : vector<1x16xi32> to vector<16xi32>
      %swap3A_158 = vector.shape_cast %select_n3A_152 : vector<16xi32> to vector<1x16xi32>
      tpu.vector_store %arg6[%swap3A_154, %swap3A_155], %swap3A_158 {strides = array<i32>} : memref<2x128xi32, #tpu.memory_space<vmem>>, vector<1x16xi32>,
      %get3A_159 = arith.constant 0 : i32
      %get3A_160 = arith.index_cast %get3A_159 : i32 to index
      %get3A_161 = arith.constant 64 : index
      %get3A_162 = tpu.vector_load %arg6[%get3A_160, %get3A_161] {strides = array<i32>} : memref<2x128xi32, #tpu.memory_space<vmem>>, vector<1x16xi32>,
      %get3A_163 = vector.shape_cast %get3A_162 : vector<1x16xi32> to vector<16xi32>
      %sub3A_164 = vector.broadcast %mul3A_0 : i32 to vector<16xi32>
      %sub3A_165 = arith.subi %get3A_163, %sub3A_164 : vector<16xi32>
      %ge3A_166 = arith.constant 0 : i32
      %ge3A_167 = vector.broadcast %ge3A_166 : i32 to vector<16xi32>
      %ge3A_168 = arith.cmpi sge, %sub3A_165, %ge3A_167 : vector<16xi32>
      %lt3A_169 = arith.constant 25000 : i32
      %lt3A_170 = vector.broadcast %lt3A_169 : i32 to vector<16xi32>
      %lt3A_171 = arith.cmpi slt, %sub3A_165, %lt3A_170 : vector<16xi32>
      %and3A_172 = arith.andi %ge3A_168, %lt3A_171 : vector<16xi1>
      %and3A_173 = arith.constant 255 : i32
      %and3A_174 = vector.broadcast %and3A_173 : i32 to vector<16xi32>
      %and3A_175 = arith.andi %get3A_163, %and3A_174 : vector<16xi32>
      %add3A_176 = arith.constant 25000 : i32
      %add3A_177 = vector.broadcast %add3A_176 : i32 to vector<16xi32>
      %add3A_178 = arith.addi %add3A_177, %and3A_175 : vector<16xi32>
      %select_n3A_179 = arith.select %and3A_172, %sub3A_165, %add3A_178 : vector<16xi1>, vector<16xi32>
      %swap3A_180 = arith.constant 1 : i32
      %swap3A_181 = arith.index_cast %swap3A_180 : i32 to index
      %swap3A_182 = arith.constant 64 : index
      %swap3A_183 = tpu.vector_load %arg6[%swap3A_181, %swap3A_182] {strides = array<i32>} : memref<2x128xi32, #tpu.memory_space<vmem>>, vector<1x16xi32>,
      %swap3A_184 = vector.shape_cast %swap3A_183 : vector<1x16xi32> to vector<16xi32>
      %swap3A_185 = vector.shape_cast %select_n3A_179 : vector<16xi32> to vector<1x16xi32>
      tpu.vector_store %arg6[%swap3A_181, %swap3A_182], %swap3A_185 {strides = array<i32>} : memref<2x128xi32, #tpu.memory_space<vmem>>, vector<1x16xi32>,
      %get3A_186 = arith.constant 0 : i32
      %get3A_187 = arith.index_cast %get3A_186 : i32 to index
      %get3A_188 = arith.constant 80 : index
      %get3A_189 = tpu.vector_load %arg6[%get3A_187, %get3A_188] {strides = array<i32>} : memref<2x128xi32, #tpu.memory_space<vmem>>, vector<1x16xi32>,
      %get3A_190 = vector.shape_cast %get3A_189 : vector<1x16xi32> to vector<16xi32>
      %sub3A_191 = vector.broadcast %mul3A_0 : i32 to vector<16xi32>
      %sub3A_192 = arith.subi %get3A_190, %sub3A_191 : vector<16xi32>
      %ge3A_193 = arith.constant 0 : i32
      %ge3A_194 = vector.broadcast %ge3A_193 : i32 to vector<16xi32>
      %ge3A_195 = arith.cmpi sge, %sub3A_192, %ge3A_194 : vector<16xi32>
      %lt3A_196 = arith.constant 25000 : i32
      %lt3A_197 = vector.broadcast %lt3A_196 : i32 to vector<16xi32>
      %lt3A_198 = arith.cmpi slt, %sub3A_192, %lt3A_197 : vector<16xi32>
      %and3A_199 = arith.andi %ge3A_195, %lt3A_198 : vector<16xi1>
      %and3A_200 = arith.constant 255 : i32
      %and3A_201 = vector.broadcast %and3A_200 : i32 to vector<16xi32>
      %and3A_202 = arith.andi %get3A_190, %and3A_201 : vector<16xi32>
      %add3A_203 = arith.constant 25000 : i32
      %add3A_204 = vector.broadcast %add3A_203 : i32 to vector<16xi32>
      %add3A_205 = arith.addi %add3A_204, %and3A_202 : vector<16xi32>
      %select_n3A_206 = arith.select %and3A_199, %sub3A_192, %add3A_205 : vector<16xi1>, vector<16xi32>
      %swap3A_207 = arith.constant 1 : i32
      %swap3A_208 = arith.index_cast %swap3A_207 : i32 to index
      %swap3A_209 = arith.constant 80 : index
      %swap3A_210 = tpu.vector_load %arg6[%swap3A_208, %swap3A_209] {strides = array<i32>} : memref<2x128xi32, #tpu.memory_space<vmem>>, vector<1x16xi32>,
      %swap3A_211 = vector.shape_cast %swap3A_210 : vector<1x16xi32> to vector<16xi32>
      %swap3A_212 = vector.shape_cast %select_n3A_206 : vector<16xi32> to vector<1x16xi32>
      tpu.vector_store %arg6[%swap3A_208, %swap3A_209], %swap3A_212 {strides = array<i32>} : memref<2x128xi32, #tpu.memory_space<vmem>>, vector<1x16xi32>,
      %get3A_213 = arith.constant 0 : i32
      %get3A_214 = arith.index_cast %get3A_213 : i32 to index
      %get3A_215 = arith.constant 96 : index
      %get3A_216 = tpu.vector_load %arg6[%get3A_214, %get3A_215] {strides = array<i32>} : memref<2x128xi32, #tpu.memory_space<vmem>>, vector<1x16xi32>,
      %get3A_217 = vector.shape_cast %get3A_216 : vector<1x16xi32> to vector<16xi32>
      %sub3A_218 = vector.broadcast %mul3A_0 : i32 to vector<16xi32>
      %sub3A_219 = arith.subi %get3A_217, %sub3A_218 : vector<16xi32>
      %ge3A_220 = arith.constant 0 : i32
      %ge3A_221 = vector.broadcast %ge3A_220 : i32 to vector<16xi32>
      %ge3A_222 = arith.cmpi sge, %sub3A_219, %ge3A_221 : vector<16xi32>
      %lt3A_223 = arith.constant 25000 : i32
      %lt3A_224 = vector.broadcast %lt3A_223 : i32 to vector<16xi32>
      %lt3A_225 = arith.cmpi slt, %sub3A_219, %lt3A_224 : vector<16xi32>
      %and3A_226 = arith.andi %ge3A_222, %lt3A_225 : vector<16xi1>
      %and3A_227 = arith.constant 255 : i32
      %and3A_228 = vector.broadcast %and3A_227 : i32 to vector<16xi32>
      %and3A_229 = arith.andi %get3A_217, %and3A_228 : vector<16xi32>
      %add3A_230 = arith.constant 25000 : i32
      %add3A_231 = vector.broadcast %add3A_230 : i32 to vector<16xi32>
      %add3A_232 = arith.addi %add3A_231, %and3A_229 : vector<16xi32>
      %select_n3A_233 = arith.select %and3A_226, %sub3A_219, %add3A_232 : vector<16xi1>, vector<16xi32>
      %swap3A_234 = arith.constant 1 : i32
      %swap3A_235 = arith.index_cast %swap3A_234 : i32 to index
      %swap3A_236 = arith.constant 96 : index
      %swap3A_237 = tpu.vector_load %arg6[%swap3A_235, %swap3A_236] {strides = array<i32>} : memref<2x128xi32, #tpu.memory_space<vmem>>, vector<1x16xi32>,
      %swap3A_238 = vector.shape_cast %swap3A_237 : vector<1x16xi32> to vector<16xi32>
      %swap3A_239 = vector.shape_cast %select_n3A_233 : vector<16xi32> to vector<1x16xi32>
      tpu.vector_store %arg6[%swap3A_235, %swap3A_236], %swap3A_239 {strides = array<i32>} : memref<2x128xi32, #tpu.memory_space<vmem>>, vector<1x16xi32>,
      %get3A_240 = arith.constant 0 : i32
      %get3A_241 = arith.index_cast %get3A_240 : i32 to index
      %get3A_242 = arith.constant 112 : index
      %get3A_243 = tpu.vector_load %arg6[%get3A_241, %get3A_242] {strides = array<i32>} : memref<2x128xi32, #tpu.memory_space<vmem>>, vector<1x16xi32>,
      %get3A_244 = vector.shape_cast %get3A_243 : vector<1x16xi32> to vector<16xi32>
      %sub3A_245 = vector.broadcast %mul3A_0 : i32 to vector<16xi32>
      %sub3A_246 = arith.subi %get3A_244, %sub3A_245 : vector<16xi32>
      %ge3A_247 = arith.constant 0 : i32
      %ge3A_248 = vector.broadcast %ge3A_247 : i32 to vector<16xi32>
      %ge3A_249 = arith.cmpi sge, %sub3A_246, %ge3A_248 : vector<16xi32>
      %lt3A_250 = arith.constant 25000 : i32
      %lt3A_251 = vector.broadcast %lt3A_250 : i32 to vector<16xi32>
      %lt3A_252 = arith.cmpi slt, %sub3A_246, %lt3A_251 : vector<16xi32>
      %and3A_253 = arith.andi %ge3A_249, %lt3A_252 : vector<16xi1>
      %and3A_254 = arith.constant 255 : i32
      %and3A_255 = vector.broadcast %and3A_254 : i32 to vector<16xi32>
      %and3A_256 = arith.andi %get3A_244, %and3A_255 : vector<16xi32>
      %add3A_257 = arith.constant 25000 : i32
      %add3A_258 = vector.broadcast %add3A_257 : i32 to vector<16xi32>
      %add3A_259 = arith.addi %add3A_258, %and3A_256 : vector<16xi32>
      %select_n3A_260 = arith.select %and3A_253, %sub3A_246, %add3A_259 : vector<16xi1>, vector<16xi32>
      %swap3A_261 = arith.constant 1 : i32
      %swap3A_262 = arith.index_cast %swap3A_261 : i32 to index
      %swap3A_263 = arith.constant 112 : index
      %swap3A_264 = tpu.vector_load %arg6[%swap3A_262, %swap3A_263] {strides = array<i32>} : memref<2x128xi32, #tpu.memory_space<vmem>>, vector<1x16xi32>,
      %swap3A_265 = vector.shape_cast %swap3A_264 : vector<1x16xi32> to vector<16xi32>
      %swap3A_266 = vector.shape_cast %select_n3A_260 : vector<16xi32> to vector<1x16xi32>
      tpu.vector_store %arg6[%swap3A_262, %swap3A_263], %swap3A_266 {strides = array<i32>} : memref<2x128xi32, #tpu.memory_space<vmem>>, vector<1x16xi32>,
      "tpu.region"() ({
        %run_scoped3A_268 = tpu.sem_alloc : memref<!tpu.dma_semaphore, #tpu.memory_space<semaphore_mem>>
        %dma_start3A = arith.constant 0 : i32
        %dma_start3A_269 = tpu.memref_slice %arg2[%mul3A_56, %dma_start3A] : memref<800000x64xf32, #tpu.memory_space<hbm>> -> memref<128x64xf32, #tpu.memory_space<hbm>>
        %dma_start3A_270 = arith.constant 0 : i32
        %dma_start3A_271 = tpu.memref_slice %arg2[%mul3A_56, %dma_start3A_270] : memref<800000x64xf32, #tpu.memory_space<hbm>> -> memref<128x64xf32, #tpu.memory_space<hbm>>
        tpu.enqueue_dma source(%dma_start3A_271 : memref<128x64xf32, #tpu.memory_space<hbm>>) target(%arg7 : memref<128x64xf32, #tpu.memory_space<vmem>>) target_semaphore(%run_scoped3A_268 : memref<!tpu.dma_semaphore, #tpu.memory_space<semaphore_mem>>)
        %dma_wait3A = arith.constant 0 : i32
        %dma_wait3A_272 = tpu.memref_slice %arg2[%mul3A_56, %dma_wait3A] : memref<800000x64xf32, #tpu.memory_space<hbm>> -> memref<128x64xf32, #tpu.memory_space<hbm>>
        %dma_wait3A_273 = arith.constant 0 : i32
        %dma_wait3A_274 = tpu.memref_slice %arg2[%mul3A_56, %dma_wait3A_273] : memref<800000x64xf32, #tpu.memory_space<hbm>> -> memref<128x64xf32, #tpu.memory_space<hbm>>
        tpu.wait_dma2 semaphore(%run_scoped3A_268 : memref<!tpu.dma_semaphore, #tpu.memory_space<semaphore_mem>>) src(%dma_wait3A_274 : memref<128x64xf32, #tpu.memory_space<hbm>>) dst(%arg7 : memref<128x64xf32, #tpu.memory_space<vmem>>)
        tpu.yield
      }) : () -> ()
      %run_scoped3A_267 = arith.constant 1 : i32
      "tpu.region"() ({
        %run_scoped3A_268 = tpu.sem_alloc : memref<!tpu.dma_semaphore, #tpu.memory_space<semaphore_mem>>
        %dma_start3A = arith.constant 0 : i32
        %dma_start3A_269 = tpu.memref_slice %arg6[%run_scoped3A_267, %dma_start3A] : memref<2x128xi32, #tpu.memory_space<vmem>> -> memref<1x128xi32, #tpu.memory_space<vmem>>
        %dma_start3A_270 = tpu.memref_squeeze %dma_start3A_269 : memref<1x128xi32, #tpu.memory_space<vmem>> -> memref<128xi32, #tpu.memory_space<vmem>>
        %dma_start3A_271 = arith.constant 0 : i32
        %dma_start3A_272 = arith.constant 0 : i32
        %dma_start3A_273 = tpu.memref_slice %arg9[%dma_start3A_271, %dma_start3A_272] : memref<25400x64xf32, #tpu.memory_space<vmem_shared>> -> memref<25400x64xf32, #tpu.memory_space<vmem_shared>>
        tpu.enqueue_indirect_dma source(%arg7 : memref<128x64xf32, #tpu.memory_space<vmem>>) target(%dma_start3A_273 : memref<25400x64xf32, #tpu.memory_space<vmem_shared>>) offsets(%dma_start3A_270 : memref<128xi32, #tpu.memory_space<vmem>>) semaphore(%run_scoped3A_268 : memref<!tpu.dma_semaphore, #tpu.memory_space<semaphore_mem>>) {add = true}
        %dma_wait3A = arith.constant 0 : i32
        %dma_wait3A_274 = tpu.memref_slice %arg6[%run_scoped3A_267, %dma_wait3A] : memref<2x128xi32, #tpu.memory_space<vmem>> -> memref<1x128xi32, #tpu.memory_space<vmem>>
        %dma_wait3A_275 = tpu.memref_squeeze %dma_wait3A_274 : memref<1x128xi32, #tpu.memory_space<vmem>> -> memref<128xi32, #tpu.memory_space<vmem>>
        %dma_wait3A_276 = arith.constant 0 : i32
        %dma_wait3A_277 = arith.constant 0 : i32
        %dma_wait3A_278 = tpu.memref_slice %arg9[%dma_wait3A_276, %dma_wait3A_277] : memref<25400x64xf32, #tpu.memory_space<vmem_shared>> -> memref<25400x64xf32, #tpu.memory_space<vmem_shared>>
        tpu.wait_indirect_dma semaphore(%run_scoped3A_268 : memref<!tpu.dma_semaphore, #tpu.memory_space<semaphore_mem>>) src(%arg7 : memref<128x64xf32, #tpu.memory_space<vmem>>) dst(%dma_wait3A_278 : memref<25400x64xf32, #tpu.memory_space<vmem_shared>>)
        tpu.yield
      }) : () -> ()
    }
    %barrier3A_33 = arith.constant 0 : index
    tpu.barrier barrier_id(%barrier3A_33)
    %sub3A_34 = arith.constant 625 : i32
    %sub3A_35 = arith.subi %sub3A_34, %arg1 : i32
    %sub3A_36 = arith.constant 16 : i32
    %sub3A_37 = arith.constant 1 : i32
    %sub3A_38 = arith.subi %sub3A_36, %sub3A_37 : i32
    %add3A_39 = arith.addi %sub3A_35, %sub3A_38 : i32
    %div3A_40 = arith.constant 16 : i32
    %div3A_41 = arith.divsi %add3A_39, %div3A_40 : i32
    %while3A_42 = arith.constant 16 : i32
    %while3A_43 = arith.constant 0 : i32
    %while3A_44 = arith.subi %div3A_41, %while3A_43 : i32
    %while3A_45 = arith.addi %while3A_43, %while3A_44 : i32
    %while3A_46 = arith.constant 1 : i32
    %while3A_47 = arith.divsi %while3A_44, %while3A_46 : i32
    %while3A_48 = arith.muli %while3A_47, %while3A_46 : i32
    %while3A_49 = arith.addi %while3A_43, %while3A_48 : i32
    %while3A_50 = arith.constant 1 : i32
    scf.for %while3A_52 = %while3A_43 to %while3A_49 step %while3A_50  : i32 {
      %mul3A_53 = arith.muli %while3A_52, %while3A_42 : i32
      %add3A_54 = arith.addi %arg1, %mul3A_53 : i32
      %mul3A_55 = arith.constant 40 : i32
      %mul3A_56 = arith.muli %add3A_54, %mul3A_55 : i32
      "tpu.region"() ({
        %run_scoped3A = tpu.sem_alloc : memref<!tpu.dma_semaphore, #tpu.memory_space<semaphore_mem>>
        %dma_start3A = arith.constant 0 : i32
        %dma_start3A_58 = tpu.memref_slice %arg9[%mul3A_56, %dma_start3A] : memref<25400x64xf32, #tpu.memory_space<vmem_shared>> -> memref<40x64xf32, #tpu.memory_space<vmem_shared>>
        %dma_start3A_59 = arith.constant 0 : i32
        %dma_start3A_60 = tpu.memref_slice %arg9[%mul3A_56, %dma_start3A_59] : memref<25400x64xf32, #tpu.memory_space<vmem_shared>> -> memref<40x64xf32, #tpu.memory_space<vmem_shared>>
        tpu.enqueue_dma source(%dma_start3A_60 : memref<40x64xf32, #tpu.memory_space<vmem_shared>>) target(%arg8 : memref<40x64xf32, #tpu.memory_space<vmem>>) target_semaphore(%run_scoped3A : memref<!tpu.dma_semaphore, #tpu.memory_space<semaphore_mem>>)
        %dma_wait3A = arith.constant 0 : i32
        %dma_wait3A_61 = tpu.memref_slice %arg9[%mul3A_56, %dma_wait3A] : memref<25400x64xf32, #tpu.memory_space<vmem_shared>> -> memref<40x64xf32, #tpu.memory_space<vmem_shared>>
        %dma_wait3A_62 = arith.constant 0 : i32
        %dma_wait3A_63 = tpu.memref_slice %arg9[%mul3A_56, %dma_wait3A_62] : memref<25400x64xf32, #tpu.memory_space<vmem_shared>> -> memref<40x64xf32, #tpu.memory_space<vmem_shared>>
        tpu.wait_dma2 semaphore(%run_scoped3A : memref<!tpu.dma_semaphore, #tpu.memory_space<semaphore_mem>>) src(%dma_wait3A_63 : memref<40x64xf32, #tpu.memory_space<vmem_shared>>) dst(%arg8 : memref<40x64xf32, #tpu.memory_space<vmem>>)
        tpu.yield
      }) : () -> ()
      %add3A_57 = arith.addi %mul3A_0, %mul3A_56 : i32
      "tpu.region"() ({
        %run_scoped3A = tpu.sem_alloc : memref<!tpu.dma_semaphore, #tpu.memory_space<semaphore_mem>>
        %dma_start3A = arith.constant 0 : i32
        %dma_start3A_58 = tpu.memref_slice %arg5[%add3A_57, %dma_start3A] : memref<50000x64xf32, #tpu.memory_space<hbm>> -> memref<40x64xf32, #tpu.memory_space<hbm>>
        %dma_start3A_59 = arith.constant 0 : i32
        %dma_start3A_60 = tpu.memref_slice %arg5[%add3A_57, %dma_start3A_59] : memref<50000x64xf32, #tpu.memory_space<hbm>> -> memref<40x64xf32, #tpu.memory_space<hbm>>
        tpu.enqueue_dma source(%arg8 : memref<40x64xf32, #tpu.memory_space<vmem>>) target(%dma_start3A_60 : memref<40x64xf32, #tpu.memory_space<hbm>>) target_semaphore(%run_scoped3A : memref<!tpu.dma_semaphore, #tpu.memory_space<semaphore_mem>>)
        %dma_wait3A = arith.constant 0 : i32
        %dma_wait3A_61 = tpu.memref_slice %arg5[%add3A_57, %dma_wait3A] : memref<50000x64xf32, #tpu.memory_space<hbm>> -> memref<40x64xf32, #tpu.memory_space<hbm>>
        %dma_wait3A_62 = arith.constant 0 : i32
        %dma_wait3A_63 = tpu.memref_slice %arg5[%add3A_57, %dma_wait3A_62] : memref<50000x64xf32, #tpu.memory_space<hbm>> -> memref<40x64xf32, #tpu.memory_space<hbm>>
        tpu.wait_dma2 semaphore(%run_scoped3A : memref<!tpu.dma_semaphore, #tpu.memory_space<semaphore_mem>>) src(%arg8 : memref<40x64xf32, #tpu.memory_space<vmem>>) dst(%dma_wait3A_63 : memref<40x64xf32, #tpu.memory_space<hbm>>)
        tpu.yield
      }) : () -> ()
    }
    %while3A_51 = arith.constant 1 : i32
    scf.for %while3A_52 = %while3A_49 to %while3A_45 step %while3A_51  : i32 {
      %mul3A_53 = arith.muli %while3A_52, %while3A_42 : i32
      %add3A_54 = arith.addi %arg1, %mul3A_53 : i32
      %mul3A_55 = arith.constant 40 : i32
      %mul3A_56 = arith.muli %add3A_54, %mul3A_55 : i32
      "tpu.region"() ({
        %run_scoped3A = tpu.sem_alloc : memref<!tpu.dma_semaphore, #tpu.memory_space<semaphore_mem>>
        %dma_start3A = arith.constant 0 : i32
        %dma_start3A_58 = tpu.memref_slice %arg9[%mul3A_56, %dma_start3A] : memref<25400x64xf32, #tpu.memory_space<vmem_shared>> -> memref<40x64xf32, #tpu.memory_space<vmem_shared>>
        %dma_start3A_59 = arith.constant 0 : i32
        %dma_start3A_60 = tpu.memref_slice %arg9[%mul3A_56, %dma_start3A_59] : memref<25400x64xf32, #tpu.memory_space<vmem_shared>> -> memref<40x64xf32, #tpu.memory_space<vmem_shared>>
        tpu.enqueue_dma source(%dma_start3A_60 : memref<40x64xf32, #tpu.memory_space<vmem_shared>>) target(%arg8 : memref<40x64xf32, #tpu.memory_space<vmem>>) target_semaphore(%run_scoped3A : memref<!tpu.dma_semaphore, #tpu.memory_space<semaphore_mem>>)
        %dma_wait3A = arith.constant 0 : i32
        %dma_wait3A_61 = tpu.memref_slice %arg9[%mul3A_56, %dma_wait3A] : memref<25400x64xf32, #tpu.memory_space<vmem_shared>> -> memref<40x64xf32, #tpu.memory_space<vmem_shared>>
        %dma_wait3A_62 = arith.constant 0 : i32
        %dma_wait3A_63 = tpu.memref_slice %arg9[%mul3A_56, %dma_wait3A_62] : memref<25400x64xf32, #tpu.memory_space<vmem_shared>> -> memref<40x64xf32, #tpu.memory_space<vmem_shared>>
        tpu.wait_dma2 semaphore(%run_scoped3A : memref<!tpu.dma_semaphore, #tpu.memory_space<semaphore_mem>>) src(%dma_wait3A_63 : memref<40x64xf32, #tpu.memory_space<vmem_shared>>) dst(%arg8 : memref<40x64xf32, #tpu.memory_space<vmem>>)
        tpu.yield
      }) : () -> ()
      %add3A_57 = arith.addi %mul3A_0, %mul3A_56 : i32
      "tpu.region"() ({
        %run_scoped3A = tpu.sem_alloc : memref<!tpu.dma_semaphore, #tpu.memory_space<semaphore_mem>>
        %dma_start3A = arith.constant 0 : i32
        %dma_start3A_58 = tpu.memref_slice %arg5[%add3A_57, %dma_start3A] : memref<50000x64xf32, #tpu.memory_space<hbm>> -> memref<40x64xf32, #tpu.memory_space<hbm>>
        %dma_start3A_59 = arith.constant 0 : i32
        %dma_start3A_60 = tpu.memref_slice %arg5[%add3A_57, %dma_start3A_59] : memref<50000x64xf32, #tpu.memory_space<hbm>> -> memref<40x64xf32, #tpu.memory_space<hbm>>
        tpu.enqueue_dma source(%arg8 : memref<40x64xf32, #tpu.memory_space<vmem>>) target(%dma_start3A_60 : memref<40x64xf32, #tpu.memory_space<hbm>>) target_semaphore(%run_scoped3A : memref<!tpu.dma_semaphore, #tpu.memory_space<semaphore_mem>>)
        %dma_wait3A = arith.constant 0 : i32
        %dma_wait3A_61 = tpu.memref_slice %arg5[%add3A_57, %dma_wait3A] : memref<50000x64xf32, #tpu.memory_space<hbm>> -> memref<40x64xf32, #tpu.memory_space<hbm>>
        %dma_wait3A_62 = arith.constant 0 : i32
        %dma_wait3A_63 = tpu.memref_slice %arg5[%add3A_57, %dma_wait3A_62] : memref<50000x64xf32, #tpu.memory_space<hbm>> -> memref<40x64xf32, #tpu.memory_space<hbm>>
        tpu.wait_dma2 semaphore(%run_scoped3A : memref<!tpu.dma_semaphore, #tpu.memory_space<semaphore_mem>>) src(%arg8 : memref<40x64xf32, #tpu.memory_space<vmem>>) dst(%dma_wait3A_63 : memref<40x64xf32, #tpu.memory_space<hbm>>)
        tpu.yield
      }) : () -> ()
    }
    return
  }
}

#map = affine_map<(d0, d1) -> (0, 0)>
#map1 = affine_map<(d0, d1) -> (0)>
module attributes {stable_mosaic.version = 14 : i64} {
  func.func @k(%arg0: i32, %arg1: i32, %arg2: memref<50000x64xf32, #tpu.memory_space<hbm>>, %arg3: memref<800000x64xf32, #tpu.memory_space<hbm>>, %arg4: memref<800000xi32, #tpu.memory_space<hbm>>, %arg5: memref<800000x64xf32, #tpu.memory_space<hbm>>, %arg6: memref<128xi32, #tpu.memory_space<vmem>>, %arg7: memref<128x64xf32, #tpu.memory_space<vmem>>, %arg8: memref<128x64xf32, #tpu.memory_space<vmem>>, %arg9: memref<128x64xf32, #tpu.memory_space<vmem>>, %arg10: memref<!tpu.dma_semaphore, #tpu.memory_space<semaphore_mem>>) attributes {dimension_semantics = [#tpu.dimension_semantics<core_parallel>, #tpu.dimension_semantics<subcore_parallel>], iteration_bounds = array<i64: 2, 16>, scalar_prefetch = 0 : i64, scratch_operands = 5 : i64, tpu.core_type = #tpu.core_type<sc_vector_subcore>, window_params = [{transform_indices = #map}, {transform_indices = #map}, {transform_indices = #map1}, {transform_indices = #map}]} {
    %mul3A = arith.constant 2 : i32
    %mul3A_0 = arith.muli %arg1, %mul3A : i32
    %add3A = arith.addi %mul3A_0, %arg0 : i32
    %sub3A = arith.constant 6250 : i32
    %sub3A_1 = arith.subi %sub3A, %add3A : i32
    %sub3A_2 = arith.constant 32 : i32
    %sub3A_3 = arith.constant 1 : i32
    %sub3A_4 = arith.subi %sub3A_2, %sub3A_3 : i32
    %add3A_5 = arith.addi %sub3A_1, %sub3A_4 : i32
    %div3A = arith.constant 32 : i32
    %div3A_6 = arith.divsi %add3A_5, %div3A : i32
    %while3A = arith.constant 32 : i32
    %while3A_7 = arith.constant 0 : i32
    %while3A_8 = arith.subi %div3A_6, %while3A_7 : i32
    %while3A_9 = arith.addi %while3A_7, %while3A_8 : i32
    %while3A_10 = arith.constant 1 : i32
    %while3A_11 = arith.divsi %while3A_8, %while3A_10 : i32
    %while3A_12 = arith.muli %while3A_11, %while3A_10 : i32
    %while3A_13 = arith.addi %while3A_7, %while3A_12 : i32
    %while3A_14 = arith.constant 1 : i32
    scf.for %while3A_16 = %while3A_7 to %while3A_13 step %while3A_14  : i32 {
      %mul3A_17 = arith.muli %while3A_16, %while3A : i32
      %add3A_18 = arith.addi %add3A, %mul3A_17 : i32
      %mul3A_19 = arith.constant 128 : i32
      %mul3A_20 = arith.muli %add3A_18, %mul3A_19 : i32
      "tpu.region"() ({
        %run_scoped3A = tpu.sem_alloc : memref<!tpu.dma_semaphore, #tpu.memory_space<semaphore_mem>>
        %dma_start3A_29 = tpu.memref_slice %arg4[%mul3A_20] : memref<800000xi32, #tpu.memory_space<hbm>> -> memref<128xi32, #tpu.memory_space<hbm>>
        %dma_start3A_30 = tpu.memref_slice %arg4[%mul3A_20] : memref<800000xi32, #tpu.memory_space<hbm>> -> memref<128xi32, #tpu.memory_space<hbm>>
        tpu.enqueue_dma source(%dma_start3A_30 : memref<128xi32, #tpu.memory_space<hbm>>) target(%arg6 : memref<128xi32, #tpu.memory_space<vmem>>) target_semaphore(%run_scoped3A : memref<!tpu.dma_semaphore, #tpu.memory_space<semaphore_mem>>)
        %dma_wait3A_31 = tpu.memref_slice %arg4[%mul3A_20] : memref<800000xi32, #tpu.memory_space<hbm>> -> memref<128xi32, #tpu.memory_space<hbm>>
        %dma_wait3A_32 = tpu.memref_slice %arg4[%mul3A_20] : memref<800000xi32, #tpu.memory_space<hbm>> -> memref<128xi32, #tpu.memory_space<hbm>>
        tpu.wait_dma2 semaphore(%run_scoped3A : memref<!tpu.dma_semaphore, #tpu.memory_space<semaphore_mem>>) src(%dma_wait3A_32 : memref<128xi32, #tpu.memory_space<hbm>>) dst(%arg6 : memref<128xi32, #tpu.memory_space<vmem>>)
        tpu.yield
      }) : () -> ()
      "tpu.region"() ({
        %run_scoped3A = tpu.sem_alloc : memref<!tpu.dma_semaphore, #tpu.memory_space<semaphore_mem>>
        %dma_start3A_29 = arith.constant 0 : i32
        %dma_start3A_30 = tpu.memref_slice %arg3[%mul3A_20, %dma_start3A_29] : memref<800000x64xf32, #tpu.memory_space<hbm>> -> memref<128x64xf32, #tpu.memory_space<hbm>>
        %dma_start3A_31 = arith.constant 0 : i32
        %dma_start3A_32 = tpu.memref_slice %arg3[%mul3A_20, %dma_start3A_31] : memref<800000x64xf32, #tpu.memory_space<hbm>> -> memref<128x64xf32, #tpu.memory_space<hbm>>
        tpu.enqueue_dma source(%dma_start3A_32 : memref<128x64xf32, #tpu.memory_space<hbm>>) target(%arg8 : memref<128x64xf32, #tpu.memory_space<vmem>>) target_semaphore(%run_scoped3A : memref<!tpu.dma_semaphore, #tpu.memory_space<semaphore_mem>>)
        %dma_wait3A_33 = arith.constant 0 : i32
        %dma_wait3A_34 = tpu.memref_slice %arg3[%mul3A_20, %dma_wait3A_33] : memref<800000x64xf32, #tpu.memory_space<hbm>> -> memref<128x64xf32, #tpu.memory_space<hbm>>
        %dma_wait3A_35 = arith.constant 0 : i32
        %dma_wait3A_36 = tpu.memref_slice %arg3[%mul3A_20, %dma_wait3A_35] : memref<800000x64xf32, #tpu.memory_space<hbm>> -> memref<128x64xf32, #tpu.memory_space<hbm>>
        tpu.wait_dma2 semaphore(%run_scoped3A : memref<!tpu.dma_semaphore, #tpu.memory_space<semaphore_mem>>) src(%dma_wait3A_36 : memref<128x64xf32, #tpu.memory_space<hbm>>) dst(%arg8 : memref<128x64xf32, #tpu.memory_space<vmem>>)
        tpu.yield
      }) : () -> ()
      %dma_start3A = arith.constant 0 : i32
      %dma_start3A_21 = arith.constant 0 : i32
      %dma_start3A_22 = tpu.memref_slice %arg2[%dma_start3A, %dma_start3A_21] : memref<50000x64xf32, #tpu.memory_space<hbm>> -> memref<50000x64xf32, #tpu.memory_space<hbm>>
      tpu.enqueue_indirect_dma source(%dma_start3A_22 : memref<50000x64xf32, #tpu.memory_space<hbm>>) target(%arg7 : memref<128x64xf32, #tpu.memory_space<vmem>>) offsets(%arg6 : memref<128xi32, #tpu.memory_space<vmem>>) semaphore(%arg10 : memref<!tpu.dma_semaphore, #tpu.memory_space<semaphore_mem>>)
      %dma_wait3A = arith.constant 0 : i32
      %dma_wait3A_23 = arith.constant 0 : i32
      %dma_wait3A_24 = tpu.memref_slice %arg2[%dma_wait3A, %dma_wait3A_23] : memref<50000x64xf32, #tpu.memory_space<hbm>> -> memref<50000x64xf32, #tpu.memory_space<hbm>>
      tpu.wait_indirect_dma semaphore(%arg10 : memref<!tpu.dma_semaphore, #tpu.memory_space<semaphore_mem>>) src(%dma_wait3A_24 : memref<50000x64xf32, #tpu.memory_space<hbm>>) dst(%arg7 : memref<128x64xf32, #tpu.memory_space<vmem>>)
      %scan3A = arith.constant 0 : i32
      %scan3A_25 = arith.constant 128 : i32
      %scan3A_26 = arith.addi %scan3A, %scan3A_25 : i32
      %scan3A_27 = arith.constant 1 : i32
      scf.for %scan3A_29 = %scan3A to %scan3A_26 step %scan3A_27  : i32 {
        %mul3A_30 = arith.constant 1 : i32
        %mul3A_31 = arith.muli %scan3A_29, %mul3A_30 : i32
        %add3A_32 = arith.constant 0 : i32
        %add3A_33 = arith.addi %add3A_32, %mul3A_31 : i32
        %get3A = arith.index_cast %add3A_33 : i32 to index
        %get3A_34 = arith.constant 0 : index
        %get3A_35 = tpu.vector_load %arg7[%get3A, %get3A_34] {strides = array<i32>} : memref<128x64xf32, #tpu.memory_space<vmem>>, vector<1x16xf32>,
        %get3A_36 = vector.shape_cast %get3A_35 : vector<1x16xf32> to vector<16xf32>
        %get3A_37 = arith.index_cast %add3A_33 : i32 to index
        %get3A_38 = arith.constant 0 : index
        %get3A_39 = tpu.vector_load %arg8[%get3A_37, %get3A_38] {strides = array<i32>} : memref<128x64xf32, #tpu.memory_space<vmem>>, vector<1x16xf32>,
        %get3A_40 = vector.shape_cast %get3A_39 : vector<1x16xf32> to vector<16xf32>
        %add3A_41 = arith.addf %get3A_36, %get3A_40 : vector<16xf32>
        %max3A = arith.constant 0.000000e+00 : f32
        %max3A_42 = vector.broadcast %max3A : f32 to vector<16xf32>
        %max3A_43 = arith.maximumf %add3A_41, %max3A_42 : vector<16xf32>
        %swap3A = arith.index_cast %add3A_33 : i32 to index
        %swap3A_44 = arith.constant 0 : index
        %swap3A_45 = tpu.vector_load %arg9[%swap3A, %swap3A_44] {strides = array<i32>} : memref<128x64xf32, #tpu.memory_space<vmem>>, vector<1x16xf32>,
        %swap3A_46 = vector.shape_cast %swap3A_45 : vector<1x16xf32> to vector<16xf32>
        %swap3A_47 = vector.shape_cast %max3A_43 : vector<16xf32> to vector<1x16xf32>
        tpu.vector_store %arg9[%swap3A, %swap3A_44], %swap3A_47 {strides = array<i32>} : memref<128x64xf32, #tpu.memory_space<vmem>>, vector<1x16xf32>,
        %get3A_48 = arith.index_cast %add3A_33 : i32 to index
        %get3A_49 = arith.constant 16 : index
        %get3A_50 = tpu.vector_load %arg7[%get3A_48, %get3A_49] {strides = array<i32>} : memref<128x64xf32, #tpu.memory_space<vmem>>, vector<1x16xf32>,
        %get3A_51 = vector.shape_cast %get3A_50 : vector<1x16xf32> to vector<16xf32>
        %get3A_52 = arith.index_cast %add3A_33 : i32 to index
        %get3A_53 = arith.constant 16 : index
        %get3A_54 = tpu.vector_load %arg8[%get3A_52, %get3A_53] {strides = array<i32>} : memref<128x64xf32, #tpu.memory_space<vmem>>, vector<1x16xf32>,
        %get3A_55 = vector.shape_cast %get3A_54 : vector<1x16xf32> to vector<16xf32>
        %add3A_56 = arith.addf %get3A_51, %get3A_55 : vector<16xf32>
        %max3A_57 = arith.constant 0.000000e+00 : f32
        %max3A_58 = vector.broadcast %max3A_57 : f32 to vector<16xf32>
        %max3A_59 = arith.maximumf %add3A_56, %max3A_58 : vector<16xf32>
        %swap3A_60 = arith.index_cast %add3A_33 : i32 to index
        %swap3A_61 = arith.constant 16 : index
        %swap3A_62 = tpu.vector_load %arg9[%swap3A_60, %swap3A_61] {strides = array<i32>} : memref<128x64xf32, #tpu.memory_space<vmem>>, vector<1x16xf32>,
        %swap3A_63 = vector.shape_cast %swap3A_62 : vector<1x16xf32> to vector<16xf32>
        %swap3A_64 = vector.shape_cast %max3A_59 : vector<16xf32> to vector<1x16xf32>
        tpu.vector_store %arg9[%swap3A_60, %swap3A_61], %swap3A_64 {strides = array<i32>} : memref<128x64xf32, #tpu.memory_space<vmem>>, vector<1x16xf32>,
        %get3A_65 = arith.index_cast %add3A_33 : i32 to index
        %get3A_66 = arith.constant 32 : index
        %get3A_67 = tpu.vector_load %arg7[%get3A_65, %get3A_66] {strides = array<i32>} : memref<128x64xf32, #tpu.memory_space<vmem>>, vector<1x16xf32>,
        %get3A_68 = vector.shape_cast %get3A_67 : vector<1x16xf32> to vector<16xf32>
        %get3A_69 = arith.index_cast %add3A_33 : i32 to index
        %get3A_70 = arith.constant 32 : index
        %get3A_71 = tpu.vector_load %arg8[%get3A_69, %get3A_70] {strides = array<i32>} : memref<128x64xf32, #tpu.memory_space<vmem>>, vector<1x16xf32>,
        %get3A_72 = vector.shape_cast %get3A_71 : vector<1x16xf32> to vector<16xf32>
        %add3A_73 = arith.addf %get3A_68, %get3A_72 : vector<16xf32>
        %max3A_74 = arith.constant 0.000000e+00 : f32
        %max3A_75 = vector.broadcast %max3A_74 : f32 to vector<16xf32>
        %max3A_76 = arith.maximumf %add3A_73, %max3A_75 : vector<16xf32>
        %swap3A_77 = arith.index_cast %add3A_33 : i32 to index
        %swap3A_78 = arith.constant 32 : index
        %swap3A_79 = tpu.vector_load %arg9[%swap3A_77, %swap3A_78] {strides = array<i32>} : memref<128x64xf32, #tpu.memory_space<vmem>>, vector<1x16xf32>,
        %swap3A_80 = vector.shape_cast %swap3A_79 : vector<1x16xf32> to vector<16xf32>
        %swap3A_81 = vector.shape_cast %max3A_76 : vector<16xf32> to vector<1x16xf32>
        tpu.vector_store %arg9[%swap3A_77, %swap3A_78], %swap3A_81 {strides = array<i32>} : memref<128x64xf32, #tpu.memory_space<vmem>>, vector<1x16xf32>,
        %get3A_82 = arith.index_cast %add3A_33 : i32 to index
        %get3A_83 = arith.constant 48 : index
        %get3A_84 = tpu.vector_load %arg7[%get3A_82, %get3A_83] {strides = array<i32>} : memref<128x64xf32, #tpu.memory_space<vmem>>, vector<1x16xf32>,
        %get3A_85 = vector.shape_cast %get3A_84 : vector<1x16xf32> to vector<16xf32>
        %get3A_86 = arith.index_cast %add3A_33 : i32 to index
        %get3A_87 = arith.constant 48 : index
        %get3A_88 = tpu.vector_load %arg8[%get3A_86, %get3A_87] {strides = array<i32>} : memref<128x64xf32, #tpu.memory_space<vmem>>, vector<1x16xf32>,
        %get3A_89 = vector.shape_cast %get3A_88 : vector<1x16xf32> to vector<16xf32>
        %add3A_90 = arith.addf %get3A_85, %get3A_89 : vector<16xf32>
        %max3A_91 = arith.constant 0.000000e+00 : f32
        %max3A_92 = vector.broadcast %max3A_91 : f32 to vector<16xf32>
        %max3A_93 = arith.maximumf %add3A_90, %max3A_92 : vector<16xf32>
        %swap3A_94 = arith.index_cast %add3A_33 : i32 to index
        %swap3A_95 = arith.constant 48 : index
        %swap3A_96 = tpu.vector_load %arg9[%swap3A_94, %swap3A_95] {strides = array<i32>} : memref<128x64xf32, #tpu.memory_space<vmem>>, vector<1x16xf32>,
        %swap3A_97 = vector.shape_cast %swap3A_96 : vector<1x16xf32> to vector<16xf32>
        %swap3A_98 = vector.shape_cast %max3A_93 : vector<16xf32> to vector<1x16xf32>
        tpu.vector_store %arg9[%swap3A_94, %swap3A_95], %swap3A_98 {strides = array<i32>} : memref<128x64xf32, #tpu.memory_space<vmem>>, vector<1x16xf32>,
      }
      %scan3A_28 = arith.constant 128 : i32
      "tpu.region"() ({
        %run_scoped3A = tpu.sem_alloc : memref<!tpu.dma_semaphore, #tpu.memory_space<semaphore_mem>>
        %dma_start3A_29 = arith.constant 0 : i32
        %dma_start3A_30 = tpu.memref_slice %arg5[%mul3A_20, %dma_start3A_29] : memref<800000x64xf32, #tpu.memory_space<hbm>> -> memref<128x64xf32, #tpu.memory_space<hbm>>
        %dma_start3A_31 = arith.constant 0 : i32
        %dma_start3A_32 = tpu.memref_slice %arg5[%mul3A_20, %dma_start3A_31] : memref<800000x64xf32, #tpu.memory_space<hbm>> -> memref<128x64xf32, #tpu.memory_space<hbm>>
        tpu.enqueue_dma source(%arg9 : memref<128x64xf32, #tpu.memory_space<vmem>>) target(%dma_start3A_32 : memref<128x64xf32, #tpu.memory_space<hbm>>) target_semaphore(%run_scoped3A : memref<!tpu.dma_semaphore, #tpu.memory_space<semaphore_mem>>)
        %dma_wait3A_33 = arith.constant 0 : i32
        %dma_wait3A_34 = tpu.memref_slice %arg5[%mul3A_20, %dma_wait3A_33] : memref<800000x64xf32, #tpu.memory_space<hbm>> -> memref<128x64xf32, #tpu.memory_space<hbm>>
        %dma_wait3A_35 = arith.constant 0 : i32
        %dma_wait3A_36 = tpu.memref_slice %arg5[%mul3A_20, %dma_wait3A_35] : memref<800000x64xf32, #tpu.memory_space<hbm>> -> memref<128x64xf32, #tpu.memory_space<hbm>>
        tpu.wait_dma2 semaphore(%run_scoped3A : memref<!tpu.dma_semaphore, #tpu.memory_space<semaphore_mem>>) src(%arg9 : memref<128x64xf32, #tpu.memory_space<vmem>>) dst(%dma_wait3A_36 : memref<128x64xf32, #tpu.memory_space<hbm>>)
        tpu.yield
      }) : () -> ()
    }
    %while3A_15 = arith.constant 1 : i32
    scf.for %while3A_16 = %while3A_13 to %while3A_9 step %while3A_15  : i32 {
      %mul3A_17 = arith.muli %while3A_16, %while3A : i32
      %add3A_18 = arith.addi %add3A, %mul3A_17 : i32
      %mul3A_19 = arith.constant 128 : i32
      %mul3A_20 = arith.muli %add3A_18, %mul3A_19 : i32
      "tpu.region"() ({
        %run_scoped3A = tpu.sem_alloc : memref<!tpu.dma_semaphore, #tpu.memory_space<semaphore_mem>>
        %dma_start3A_29 = tpu.memref_slice %arg4[%mul3A_20] : memref<800000xi32, #tpu.memory_space<hbm>> -> memref<128xi32, #tpu.memory_space<hbm>>
        %dma_start3A_30 = tpu.memref_slice %arg4[%mul3A_20] : memref<800000xi32, #tpu.memory_space<hbm>> -> memref<128xi32, #tpu.memory_space<hbm>>
        tpu.enqueue_dma source(%dma_start3A_30 : memref<128xi32, #tpu.memory_space<hbm>>) target(%arg6 : memref<128xi32, #tpu.memory_space<vmem>>) target_semaphore(%run_scoped3A : memref<!tpu.dma_semaphore, #tpu.memory_space<semaphore_mem>>)
        %dma_wait3A_31 = tpu.memref_slice %arg4[%mul3A_20] : memref<800000xi32, #tpu.memory_space<hbm>> -> memref<128xi32, #tpu.memory_space<hbm>>
        %dma_wait3A_32 = tpu.memref_slice %arg4[%mul3A_20] : memref<800000xi32, #tpu.memory_space<hbm>> -> memref<128xi32, #tpu.memory_space<hbm>>
        tpu.wait_dma2 semaphore(%run_scoped3A : memref<!tpu.dma_semaphore, #tpu.memory_space<semaphore_mem>>) src(%dma_wait3A_32 : memref<128xi32, #tpu.memory_space<hbm>>) dst(%arg6 : memref<128xi32, #tpu.memory_space<vmem>>)
        tpu.yield
      }) : () -> ()
      "tpu.region"() ({
        %run_scoped3A = tpu.sem_alloc : memref<!tpu.dma_semaphore, #tpu.memory_space<semaphore_mem>>
        %dma_start3A_29 = arith.constant 0 : i32
        %dma_start3A_30 = tpu.memref_slice %arg3[%mul3A_20, %dma_start3A_29] : memref<800000x64xf32, #tpu.memory_space<hbm>> -> memref<128x64xf32, #tpu.memory_space<hbm>>
        %dma_start3A_31 = arith.constant 0 : i32
        %dma_start3A_32 = tpu.memref_slice %arg3[%mul3A_20, %dma_start3A_31] : memref<800000x64xf32, #tpu.memory_space<hbm>> -> memref<128x64xf32, #tpu.memory_space<hbm>>
        tpu.enqueue_dma source(%dma_start3A_32 : memref<128x64xf32, #tpu.memory_space<hbm>>) target(%arg8 : memref<128x64xf32, #tpu.memory_space<vmem>>) target_semaphore(%run_scoped3A : memref<!tpu.dma_semaphore, #tpu.memory_space<semaphore_mem>>)
        %dma_wait3A_33 = arith.constant 0 : i32
        %dma_wait3A_34 = tpu.memref_slice %arg3[%mul3A_20, %dma_wait3A_33] : memref<800000x64xf32, #tpu.memory_space<hbm>> -> memref<128x64xf32, #tpu.memory_space<hbm>>
        %dma_wait3A_35 = arith.constant 0 : i32
        %dma_wait3A_36 = tpu.memref_slice %arg3[%mul3A_20, %dma_wait3A_35] : memref<800000x64xf32, #tpu.memory_space<hbm>> -> memref<128x64xf32, #tpu.memory_space<hbm>>
        tpu.wait_dma2 semaphore(%run_scoped3A : memref<!tpu.dma_semaphore, #tpu.memory_space<semaphore_mem>>) src(%dma_wait3A_36 : memref<128x64xf32, #tpu.memory_space<hbm>>) dst(%arg8 : memref<128x64xf32, #tpu.memory_space<vmem>>)
        tpu.yield
      }) : () -> ()
      %dma_start3A = arith.constant 0 : i32
      %dma_start3A_21 = arith.constant 0 : i32
      %dma_start3A_22 = tpu.memref_slice %arg2[%dma_start3A, %dma_start3A_21] : memref<50000x64xf32, #tpu.memory_space<hbm>> -> memref<50000x64xf32, #tpu.memory_space<hbm>>
      tpu.enqueue_indirect_dma source(%dma_start3A_22 : memref<50000x64xf32, #tpu.memory_space<hbm>>) target(%arg7 : memref<128x64xf32, #tpu.memory_space<vmem>>) offsets(%arg6 : memref<128xi32, #tpu.memory_space<vmem>>) semaphore(%arg10 : memref<!tpu.dma_semaphore, #tpu.memory_space<semaphore_mem>>)
      %dma_wait3A = arith.constant 0 : i32
      %dma_wait3A_23 = arith.constant 0 : i32
      %dma_wait3A_24 = tpu.memref_slice %arg2[%dma_wait3A, %dma_wait3A_23] : memref<50000x64xf32, #tpu.memory_space<hbm>> -> memref<50000x64xf32, #tpu.memory_space<hbm>>
      tpu.wait_indirect_dma semaphore(%arg10 : memref<!tpu.dma_semaphore, #tpu.memory_space<semaphore_mem>>) src(%dma_wait3A_24 : memref<50000x64xf32, #tpu.memory_space<hbm>>) dst(%arg7 : memref<128x64xf32, #tpu.memory_space<vmem>>)
      %scan3A = arith.constant 0 : i32
      %scan3A_25 = arith.constant 128 : i32
      %scan3A_26 = arith.addi %scan3A, %scan3A_25 : i32
      %scan3A_27 = arith.constant 1 : i32
      scf.for %scan3A_29 = %scan3A to %scan3A_26 step %scan3A_27  : i32 {
        %mul3A_30 = arith.constant 1 : i32
        %mul3A_31 = arith.muli %scan3A_29, %mul3A_30 : i32
        %add3A_32 = arith.constant 0 : i32
        %add3A_33 = arith.addi %add3A_32, %mul3A_31 : i32
        %get3A = arith.index_cast %add3A_33 : i32 to index
        %get3A_34 = arith.constant 0 : index
        %get3A_35 = tpu.vector_load %arg7[%get3A, %get3A_34] {strides = array<i32>} : memref<128x64xf32, #tpu.memory_space<vmem>>, vector<1x16xf32>,
        %get3A_36 = vector.shape_cast %get3A_35 : vector<1x16xf32> to vector<16xf32>
        %get3A_37 = arith.index_cast %add3A_33 : i32 to index
        %get3A_38 = arith.constant 0 : index
        %get3A_39 = tpu.vector_load %arg8[%get3A_37, %get3A_38] {strides = array<i32>} : memref<128x64xf32, #tpu.memory_space<vmem>>, vector<1x16xf32>,
        %get3A_40 = vector.shape_cast %get3A_39 : vector<1x16xf32> to vector<16xf32>
        %add3A_41 = arith.addf %get3A_36, %get3A_40 : vector<16xf32>
        %max3A = arith.constant 0.000000e+00 : f32
        %max3A_42 = vector.broadcast %max3A : f32 to vector<16xf32>
        %max3A_43 = arith.maximumf %add3A_41, %max3A_42 : vector<16xf32>
        %swap3A = arith.index_cast %add3A_33 : i32 to index
        %swap3A_44 = arith.constant 0 : index
        %swap3A_45 = tpu.vector_load %arg9[%swap3A, %swap3A_44] {strides = array<i32>} : memref<128x64xf32, #tpu.memory_space<vmem>>, vector<1x16xf32>,
        %swap3A_46 = vector.shape_cast %swap3A_45 : vector<1x16xf32> to vector<16xf32>
        %swap3A_47 = vector.shape_cast %max3A_43 : vector<16xf32> to vector<1x16xf32>
        tpu.vector_store %arg9[%swap3A, %swap3A_44], %swap3A_47 {strides = array<i32>} : memref<128x64xf32, #tpu.memory_space<vmem>>, vector<1x16xf32>,
        %get3A_48 = arith.index_cast %add3A_33 : i32 to index
        %get3A_49 = arith.constant 16 : index
        %get3A_50 = tpu.vector_load %arg7[%get3A_48, %get3A_49] {strides = array<i32>} : memref<128x64xf32, #tpu.memory_space<vmem>>, vector<1x16xf32>,
        %get3A_51 = vector.shape_cast %get3A_50 : vector<1x16xf32> to vector<16xf32>
        %get3A_52 = arith.index_cast %add3A_33 : i32 to index
        %get3A_53 = arith.constant 16 : index
        %get3A_54 = tpu.vector_load %arg8[%get3A_52, %get3A_53] {strides = array<i32>} : memref<128x64xf32, #tpu.memory_space<vmem>>, vector<1x16xf32>,
        %get3A_55 = vector.shape_cast %get3A_54 : vector<1x16xf32> to vector<16xf32>
        %add3A_56 = arith.addf %get3A_51, %get3A_55 : vector<16xf32>
        %max3A_57 = arith.constant 0.000000e+00 : f32
        %max3A_58 = vector.broadcast %max3A_57 : f32 to vector<16xf32>
        %max3A_59 = arith.maximumf %add3A_56, %max3A_58 : vector<16xf32>
        %swap3A_60 = arith.index_cast %add3A_33 : i32 to index
        %swap3A_61 = arith.constant 16 : index
        %swap3A_62 = tpu.vector_load %arg9[%swap3A_60, %swap3A_61] {strides = array<i32>} : memref<128x64xf32, #tpu.memory_space<vmem>>, vector<1x16xf32>,
        %swap3A_63 = vector.shape_cast %swap3A_62 : vector<1x16xf32> to vector<16xf32>
        %swap3A_64 = vector.shape_cast %max3A_59 : vector<16xf32> to vector<1x16xf32>
        tpu.vector_store %arg9[%swap3A_60, %swap3A_61], %swap3A_64 {strides = array<i32>} : memref<128x64xf32, #tpu.memory_space<vmem>>, vector<1x16xf32>,
        %get3A_65 = arith.index_cast %add3A_33 : i32 to index
        %get3A_66 = arith.constant 32 : index
        %get3A_67 = tpu.vector_load %arg7[%get3A_65, %get3A_66] {strides = array<i32>} : memref<128x64xf32, #tpu.memory_space<vmem>>, vector<1x16xf32>,
        %get3A_68 = vector.shape_cast %get3A_67 : vector<1x16xf32> to vector<16xf32>
        %get3A_69 = arith.index_cast %add3A_33 : i32 to index
        %get3A_70 = arith.constant 32 : index
        %get3A_71 = tpu.vector_load %arg8[%get3A_69, %get3A_70] {strides = array<i32>} : memref<128x64xf32, #tpu.memory_space<vmem>>, vector<1x16xf32>,
        %get3A_72 = vector.shape_cast %get3A_71 : vector<1x16xf32> to vector<16xf32>
        %add3A_73 = arith.addf %get3A_68, %get3A_72 : vector<16xf32>
        %max3A_74 = arith.constant 0.000000e+00 : f32
        %max3A_75 = vector.broadcast %max3A_74 : f32 to vector<16xf32>
        %max3A_76 = arith.maximumf %add3A_73, %max3A_75 : vector<16xf32>
        %swap3A_77 = arith.index_cast %add3A_33 : i32 to index
        %swap3A_78 = arith.constant 32 : index
        %swap3A_79 = tpu.vector_load %arg9[%swap3A_77, %swap3A_78] {strides = array<i32>} : memref<128x64xf32, #tpu.memory_space<vmem>>, vector<1x16xf32>,
        %swap3A_80 = vector.shape_cast %swap3A_79 : vector<1x16xf32> to vector<16xf32>
        %swap3A_81 = vector.shape_cast %max3A_76 : vector<16xf32> to vector<1x16xf32>
        tpu.vector_store %arg9[%swap3A_77, %swap3A_78], %swap3A_81 {strides = array<i32>} : memref<128x64xf32, #tpu.memory_space<vmem>>, vector<1x16xf32>,
        %get3A_82 = arith.index_cast %add3A_33 : i32 to index
        %get3A_83 = arith.constant 48 : index
        %get3A_84 = tpu.vector_load %arg7[%get3A_82, %get3A_83] {strides = array<i32>} : memref<128x64xf32, #tpu.memory_space<vmem>>, vector<1x16xf32>,
        %get3A_85 = vector.shape_cast %get3A_84 : vector<1x16xf32> to vector<16xf32>
        %get3A_86 = arith.index_cast %add3A_33 : i32 to index
        %get3A_87 = arith.constant 48 : index
        %get3A_88 = tpu.vector_load %arg8[%get3A_86, %get3A_87] {strides = array<i32>} : memref<128x64xf32, #tpu.memory_space<vmem>>, vector<1x16xf32>,
        %get3A_89 = vector.shape_cast %get3A_88 : vector<1x16xf32> to vector<16xf32>
        %add3A_90 = arith.addf %get3A_85, %get3A_89 : vector<16xf32>
        %max3A_91 = arith.constant 0.000000e+00 : f32
        %max3A_92 = vector.broadcast %max3A_91 : f32 to vector<16xf32>
        %max3A_93 = arith.maximumf %add3A_90, %max3A_92 : vector<16xf32>
        %swap3A_94 = arith.index_cast %add3A_33 : i32 to index
        %swap3A_95 = arith.constant 48 : index
        %swap3A_96 = tpu.vector_load %arg9[%swap3A_94, %swap3A_95] {strides = array<i32>} : memref<128x64xf32, #tpu.memory_space<vmem>>, vector<1x16xf32>,
        %swap3A_97 = vector.shape_cast %swap3A_96 : vector<1x16xf32> to vector<16xf32>
        %swap3A_98 = vector.shape_cast %max3A_93 : vector<16xf32> to vector<1x16xf32>
        tpu.vector_store %arg9[%swap3A_94, %swap3A_95], %swap3A_98 {strides = array<i32>} : memref<128x64xf32, #tpu.memory_space<vmem>>, vector<1x16xf32>,
      }
      %scan3A_28 = arith.constant 128 : i32
      "tpu.region"() ({
        %run_scoped3A = tpu.sem_alloc : memref<!tpu.dma_semaphore, #tpu.memory_space<semaphore_mem>>
        %dma_start3A_29 = arith.constant 0 : i32
        %dma_start3A_30 = tpu.memref_slice %arg5[%mul3A_20, %dma_start3A_29] : memref<800000x64xf32, #tpu.memory_space<hbm>> -> memref<128x64xf32, #tpu.memory_space<hbm>>
        %dma_start3A_31 = arith.constant 0 : i32
        %dma_start3A_32 = tpu.memref_slice %arg5[%mul3A_20, %dma_start3A_31] : memref<800000x64xf32, #tpu.memory_space<hbm>> -> memref<128x64xf32, #tpu.memory_space<hbm>>
        tpu.enqueue_dma source(%arg9 : memref<128x64xf32, #tpu.memory_space<vmem>>) target(%dma_start3A_32 : memref<128x64xf32, #tpu.memory_space<hbm>>) target_semaphore(%run_scoped3A : memref<!tpu.dma_semaphore, #tpu.memory_space<semaphore_mem>>)
        %dma_wait3A_33 = arith.constant 0 : i32
        %dma_wait3A_34 = tpu.memref_slice %arg5[%mul3A_20, %dma_wait3A_33] : memref<800000x64xf32, #tpu.memory_space<hbm>> -> memref<128x64xf32, #tpu.memory_space<hbm>>
        %dma_wait3A_35 = arith.constant 0 : i32
        %dma_wait3A_36 = tpu.memref_slice %arg5[%mul3A_20, %dma_wait3A_35] : memref<800000x64xf32, #tpu.memory_space<hbm>> -> memref<128x64xf32, #tpu.memory_space<hbm>>
        tpu.wait_dma2 semaphore(%run_scoped3A : memref<!tpu.dma_semaphore, #tpu.memory_space<semaphore_mem>>) src(%arg9 : memref<128x64xf32, #tpu.memory_space<vmem>>) dst(%dma_wait3A_36 : memref<128x64xf32, #tpu.memory_space<hbm>>)
        tpu.yield
      }) : () -> ()
    }
    return
  }
}

#map = affine_map<(d0, d1) -> (0, 0)>
#map1 = affine_map<(d0, d1) -> (0)>
module attributes {stable_mosaic.version = 14 : i64} {
  func.func @k(%arg0: i32, %arg1: i32, %arg2: memref<800000x64xf32, #tpu.memory_space<hbm>>, %arg3: memref<800000xi32, #tpu.memory_space<hbm>>, %arg4: memref<40x64xf32, #tpu.memory_space<hbm>>, %arg5: memref<50000x64xf32, #tpu.memory_space<hbm>>, %arg6: memref<2x128xi32, #tpu.memory_space<vmem>>, %arg7: memref<128x64xf32, #tpu.memory_space<vmem>>, %arg8: memref<40x64xf32, #tpu.memory_space<vmem>>, %arg9: memref<25400x64xf32, #tpu.memory_space<vmem_shared>>, %arg10: memref<!tpu.dma_semaphore, #tpu.memory_space<semaphore_mem>>) attributes {dimension_semantics = [#tpu.dimension_semantics<core_parallel>, #tpu.dimension_semantics<subcore_parallel>], iteration_bounds = array<i64: 2, 16>, scalar_prefetch = 0 : i64, scratch_operands = 5 : i64, tpu.core_type = #tpu.core_type<sc_vector_subcore>, window_params = [{transform_indices = #map}, {transform_indices = #map1}, {transform_indices = #map}, {transform_indices = #map}]} {
    %mul3A = arith.constant 25000 : i32
    %mul3A_0 = arith.muli %arg0, %mul3A : i32
    "tpu.region"() ({
      %run_scoped3A = tpu.sem_alloc : memref<!tpu.dma_semaphore, #tpu.memory_space<semaphore_mem>>
      tpu.enqueue_dma source(%arg4 : memref<40x64xf32, #tpu.memory_space<hbm>>) target(%arg8 : memref<40x64xf32, #tpu.memory_space<vmem>>) target_semaphore(%run_scoped3A : memref<!tpu.dma_semaphore, #tpu.memory_space<semaphore_mem>>)
      tpu.wait_dma2 semaphore(%run_scoped3A : memref<!tpu.dma_semaphore, #tpu.memory_space<semaphore_mem>>) src(%arg4 : memref<40x64xf32, #tpu.memory_space<hbm>>) dst(%arg8 : memref<40x64xf32, #tpu.memory_space<vmem>>)
      tpu.yield
    }) : () -> ()
    %sub3A = arith.constant 635 : i32
    %sub3A_1 = arith.subi %sub3A, %arg1 : i32
    %sub3A_2 = arith.constant 16 : i32
    %sub3A_3 = arith.constant 1 : i32
    %sub3A_4 = arith.subi %sub3A_2, %sub3A_3 : i32
    %add3A = arith.addi %sub3A_1, %sub3A_4 : i32
    %div3A = arith.constant 16 : i32
    %div3A_5 = arith.divsi %add3A, %div3A : i32
    %while3A = arith.constant 16 : i32
    %while3A_6 = arith.constant 0 : i32
    %while3A_7 = arith.subi %div3A_5, %while3A_6 : i32
    %while3A_8 = arith.addi %while3A_6, %while3A_7 : i32
    %while3A_9 = arith.constant 1 : i32
    %while3A_10 = arith.divsi %while3A_7, %while3A_9 : i32
    %while3A_11 = arith.muli %while3A_10, %while3A_9 : i32
    %while3A_12 = arith.addi %while3A_6, %while3A_11 : i32
    %while3A_13 = arith.constant 1 : i32
    scf.for %while3A_52 = %while3A_6 to %while3A_12 step %while3A_13  : i32 {
      %mul3A_53 = arith.muli %while3A_52, %while3A : i32
      %add3A_54 = arith.addi %arg1, %mul3A_53 : i32
      %mul3A_55 = arith.constant 40 : i32
      %mul3A_56 = arith.muli %add3A_54, %mul3A_55 : i32
      "tpu.region"() ({
        %run_scoped3A = tpu.sem_alloc : memref<!tpu.dma_semaphore, #tpu.memory_space<semaphore_mem>>
        %dma_start3A = arith.constant 0 : i32
        %dma_start3A_57 = tpu.memref_slice %arg9[%mul3A_56, %dma_start3A] : memref<25400x64xf32, #tpu.memory_space<vmem_shared>> -> memref<40x64xf32, #tpu.memory_space<vmem_shared>>
        %dma_start3A_58 = arith.constant 0 : i32
        %dma_start3A_59 = tpu.memref_slice %arg9[%mul3A_56, %dma_start3A_58] : memref<25400x64xf32, #tpu.memory_space<vmem_shared>> -> memref<40x64xf32, #tpu.memory_space<vmem_shared>>
        tpu.enqueue_dma source(%arg8 : memref<40x64xf32, #tpu.memory_space<vmem>>) target(%dma_start3A_59 : memref<40x64xf32, #tpu.memory_space<vmem_shared>>) target_semaphore(%run_scoped3A : memref<!tpu.dma_semaphore, #tpu.memory_space<semaphore_mem>>)
        %dma_wait3A = arith.constant 0 : i32
        %dma_wait3A_60 = tpu.memref_slice %arg9[%mul3A_56, %dma_wait3A] : memref<25400x64xf32, #tpu.memory_space<vmem_shared>> -> memref<40x64xf32, #tpu.memory_space<vmem_shared>>
        %dma_wait3A_61 = arith.constant 0 : i32
        %dma_wait3A_62 = tpu.memref_slice %arg9[%mul3A_56, %dma_wait3A_61] : memref<25400x64xf32, #tpu.memory_space<vmem_shared>> -> memref<40x64xf32, #tpu.memory_space<vmem_shared>>
        tpu.wait_dma2 semaphore(%run_scoped3A : memref<!tpu.dma_semaphore, #tpu.memory_space<semaphore_mem>>) src(%arg8 : memref<40x64xf32, #tpu.memory_space<vmem>>) dst(%dma_wait3A_62 : memref<40x64xf32, #tpu.memory_space<vmem_shared>>)
        tpu.yield
      }) : () -> ()
    }
    %while3A_14 = arith.constant 1 : i32
    scf.for %while3A_52 = %while3A_12 to %while3A_8 step %while3A_14  : i32 {
      %mul3A_53 = arith.muli %while3A_52, %while3A : i32
      %add3A_54 = arith.addi %arg1, %mul3A_53 : i32
      %mul3A_55 = arith.constant 40 : i32
      %mul3A_56 = arith.muli %add3A_54, %mul3A_55 : i32
      "tpu.region"() ({
        %run_scoped3A = tpu.sem_alloc : memref<!tpu.dma_semaphore, #tpu.memory_space<semaphore_mem>>
        %dma_start3A = arith.constant 0 : i32
        %dma_start3A_57 = tpu.memref_slice %arg9[%mul3A_56, %dma_start3A] : memref<25400x64xf32, #tpu.memory_space<vmem_shared>> -> memref<40x64xf32, #tpu.memory_space<vmem_shared>>
        %dma_start3A_58 = arith.constant 0 : i32
        %dma_start3A_59 = tpu.memref_slice %arg9[%mul3A_56, %dma_start3A_58] : memref<25400x64xf32, #tpu.memory_space<vmem_shared>> -> memref<40x64xf32, #tpu.memory_space<vmem_shared>>
        tpu.enqueue_dma source(%arg8 : memref<40x64xf32, #tpu.memory_space<vmem>>) target(%dma_start3A_59 : memref<40x64xf32, #tpu.memory_space<vmem_shared>>) target_semaphore(%run_scoped3A : memref<!tpu.dma_semaphore, #tpu.memory_space<semaphore_mem>>)
        %dma_wait3A = arith.constant 0 : i32
        %dma_wait3A_60 = tpu.memref_slice %arg9[%mul3A_56, %dma_wait3A] : memref<25400x64xf32, #tpu.memory_space<vmem_shared>> -> memref<40x64xf32, #tpu.memory_space<vmem_shared>>
        %dma_wait3A_61 = arith.constant 0 : i32
        %dma_wait3A_62 = tpu.memref_slice %arg9[%mul3A_56, %dma_wait3A_61] : memref<25400x64xf32, #tpu.memory_space<vmem_shared>> -> memref<40x64xf32, #tpu.memory_space<vmem_shared>>
        tpu.wait_dma2 semaphore(%run_scoped3A : memref<!tpu.dma_semaphore, #tpu.memory_space<semaphore_mem>>) src(%arg8 : memref<40x64xf32, #tpu.memory_space<vmem>>) dst(%dma_wait3A_62 : memref<40x64xf32, #tpu.memory_space<vmem_shared>>)
        tpu.yield
      }) : () -> ()
    }
    %barrier3A = arith.constant 0 : index
    tpu.barrier barrier_id(%barrier3A)
    %sub3A_15 = arith.constant 6250 : i32
    %sub3A_16 = arith.subi %sub3A_15, %arg1 : i32
    %sub3A_17 = arith.constant 16 : i32
    %sub3A_18 = arith.constant 1 : i32
    %sub3A_19 = arith.subi %sub3A_17, %sub3A_18 : i32
    %add3A_20 = arith.addi %sub3A_16, %sub3A_19 : i32
    %div3A_21 = arith.constant 16 : i32
    %div3A_22 = arith.divsi %add3A_20, %div3A_21 : i32
    %while3A_23 = arith.constant 16 : i32
    %while3A_24 = arith.constant 0 : i32
    %while3A_25 = arith.subi %div3A_22, %while3A_24 : i32
    %while3A_26 = arith.addi %while3A_24, %while3A_25 : i32
    %while3A_27 = arith.constant 1 : i32
    %while3A_28 = arith.divsi %while3A_25, %while3A_27 : i32
    %while3A_29 = arith.muli %while3A_28, %while3A_27 : i32
    %while3A_30 = arith.addi %while3A_24, %while3A_29 : i32
    %while3A_31 = arith.constant 1 : i32
    scf.for %while3A_52 = %while3A_24 to %while3A_30 step %while3A_31  : i32 {
      %mul3A_53 = arith.muli %while3A_52, %while3A_23 : i32
      %add3A_54 = arith.addi %arg1, %mul3A_53 : i32
      %mul3A_55 = arith.constant 128 : i32
      %mul3A_56 = arith.muli %add3A_54, %mul3A_55 : i32
      %run_scoped3A = arith.constant 0 : i32
      "tpu.region"() ({
        %run_scoped3A_268 = tpu.sem_alloc : memref<!tpu.dma_semaphore, #tpu.memory_space<semaphore_mem>>
        %dma_start3A = arith.constant 0 : i32
        %dma_start3A_269 = tpu.memref_slice %arg6[%run_scoped3A, %dma_start3A] : memref<2x128xi32, #tpu.memory_space<vmem>> -> memref<1x128xi32, #tpu.memory_space<vmem>>
        %dma_start3A_270 = tpu.memref_squeeze %dma_start3A_269 : memref<1x128xi32, #tpu.memory_space<vmem>> -> memref<128xi32, #tpu.memory_space<vmem>>
        %dma_start3A_271 = tpu.memref_slice %arg3[%mul3A_56] : memref<800000xi32, #tpu.memory_space<hbm>> -> memref<128xi32, #tpu.memory_space<hbm>>
        %dma_start3A_272 = arith.constant 0 : i32
        %dma_start3A_273 = tpu.memref_slice %arg6[%run_scoped3A, %dma_start3A_272] : memref<2x128xi32, #tpu.memory_space<vmem>> -> memref<1x128xi32, #tpu.memory_space<vmem>>
        %dma_start3A_274 = tpu.memref_squeeze %dma_start3A_273 : memref<1x128xi32, #tpu.memory_space<vmem>> -> memref<128xi32, #tpu.memory_space<vmem>>
        %dma_start3A_275 = tpu.memref_slice %arg3[%mul3A_56] : memref<800000xi32, #tpu.memory_space<hbm>> -> memref<128xi32, #tpu.memory_space<hbm>>
        tpu.enqueue_dma source(%dma_start3A_275 : memref<128xi32, #tpu.memory_space<hbm>>) target(%dma_start3A_274 : memref<128xi32, #tpu.memory_space<vmem>>) target_semaphore(%run_scoped3A_268 : memref<!tpu.dma_semaphore, #tpu.memory_space<semaphore_mem>>)
        %dma_wait3A = arith.constant 0 : i32
        %dma_wait3A_276 = tpu.memref_slice %arg6[%run_scoped3A, %dma_wait3A] : memref<2x128xi32, #tpu.memory_space<vmem>> -> memref<1x128xi32, #tpu.memory_space<vmem>>
        %dma_wait3A_277 = tpu.memref_squeeze %dma_wait3A_276 : memref<1x128xi32, #tpu.memory_space<vmem>> -> memref<128xi32, #tpu.memory_space<vmem>>
        %dma_wait3A_278 = tpu.memref_slice %arg3[%mul3A_56] : memref<800000xi32, #tpu.memory_space<hbm>> -> memref<128xi32, #tpu.memory_space<hbm>>
        %dma_wait3A_279 = arith.constant 0 : i32
        %dma_wait3A_280 = tpu.memref_slice %arg6[%run_scoped3A, %dma_wait3A_279] : memref<2x128xi32, #tpu.memory_space<vmem>> -> memref<1x128xi32, #tpu.memory_space<vmem>>
        %dma_wait3A_281 = tpu.memref_squeeze %dma_wait3A_280 : memref<1x128xi32, #tpu.memory_space<vmem>> -> memref<128xi32, #tpu.memory_space<vmem>>
        %dma_wait3A_282 = tpu.memref_slice %arg3[%mul3A_56] : memref<800000xi32, #tpu.memory_space<hbm>> -> memref<128xi32, #tpu.memory_space<hbm>>
        tpu.wait_dma2 semaphore(%run_scoped3A_268 : memref<!tpu.dma_semaphore, #tpu.memory_space<semaphore_mem>>) src(%dma_wait3A_282 : memref<128xi32, #tpu.memory_space<hbm>>) dst(%dma_wait3A_281 : memref<128xi32, #tpu.memory_space<vmem>>)
        tpu.yield
      }) : () -> ()
      %get3A = arith.constant 0 : i32
      %get3A_57 = arith.index_cast %get3A : i32 to index
      %get3A_58 = arith.constant 0 : index
      %get3A_59 = tpu.vector_load %arg6[%get3A_57, %get3A_58] {strides = array<i32>} : memref<2x128xi32, #tpu.memory_space<vmem>>, vector<1x16xi32>,
      %get3A_60 = vector.shape_cast %get3A_59 : vector<1x16xi32> to vector<16xi32>
      %sub3A_61 = vector.broadcast %mul3A_0 : i32 to vector<16xi32>
      %sub3A_62 = arith.subi %get3A_60, %sub3A_61 : vector<16xi32>
      %ge3A = arith.constant 0 : i32
      %ge3A_63 = vector.broadcast %ge3A : i32 to vector<16xi32>
      %ge3A_64 = arith.cmpi sge, %sub3A_62, %ge3A_63 : vector<16xi32>
      %lt3A = arith.constant 25000 : i32
      %lt3A_65 = vector.broadcast %lt3A : i32 to vector<16xi32>
      %lt3A_66 = arith.cmpi slt, %sub3A_62, %lt3A_65 : vector<16xi32>
      %and3A = arith.andi %ge3A_64, %lt3A_66 : vector<16xi1>
      %and3A_67 = arith.constant 255 : i32
      %and3A_68 = vector.broadcast %and3A_67 : i32 to vector<16xi32>
      %and3A_69 = arith.andi %get3A_60, %and3A_68 : vector<16xi32>
      %add3A_70 = arith.constant 25000 : i32
      %add3A_71 = vector.broadcast %add3A_70 : i32 to vector<16xi32>
      %add3A_72 = arith.addi %add3A_71, %and3A_69 : vector<16xi32>
      %select_n3A = arith.select %and3A, %sub3A_62, %add3A_72 : vector<16xi1>, vector<16xi32>
      %swap3A = arith.constant 1 : i32
      %swap3A_73 = arith.index_cast %swap3A : i32 to index
      %swap3A_74 = arith.constant 0 : index
      %swap3A_75 = tpu.vector_load %arg6[%swap3A_73, %swap3A_74] {strides = array<i32>} : memref<2x128xi32, #tpu.memory_space<vmem>>, vector<1x16xi32>,
      %swap3A_76 = vector.shape_cast %swap3A_75 : vector<1x16xi32> to vector<16xi32>
      %swap3A_77 = vector.shape_cast %select_n3A : vector<16xi32> to vector<1x16xi32>
      tpu.vector_store %arg6[%swap3A_73, %swap3A_74], %swap3A_77 {strides = array<i32>} : memref<2x128xi32, #tpu.memory_space<vmem>>, vector<1x16xi32>,
      %get3A_78 = arith.constant 0 : i32
      %get3A_79 = arith.index_cast %get3A_78 : i32 to index
      %get3A_80 = arith.constant 16 : index
      %get3A_81 = tpu.vector_load %arg6[%get3A_79, %get3A_80] {strides = array<i32>} : memref<2x128xi32, #tpu.memory_space<vmem>>, vector<1x16xi32>,
      %get3A_82 = vector.shape_cast %get3A_81 : vector<1x16xi32> to vector<16xi32>
      %sub3A_83 = vector.broadcast %mul3A_0 : i32 to vector<16xi32>
      %sub3A_84 = arith.subi %get3A_82, %sub3A_83 : vector<16xi32>
      %ge3A_85 = arith.constant 0 : i32
      %ge3A_86 = vector.broadcast %ge3A_85 : i32 to vector<16xi32>
      %ge3A_87 = arith.cmpi sge, %sub3A_84, %ge3A_86 : vector<16xi32>
      %lt3A_88 = arith.constant 25000 : i32
      %lt3A_89 = vector.broadcast %lt3A_88 : i32 to vector<16xi32>
      %lt3A_90 = arith.cmpi slt, %sub3A_84, %lt3A_89 : vector<16xi32>
      %and3A_91 = arith.andi %ge3A_87, %lt3A_90 : vector<16xi1>
      %and3A_92 = arith.constant 255 : i32
      %and3A_93 = vector.broadcast %and3A_92 : i32 to vector<16xi32>
      %and3A_94 = arith.andi %get3A_82, %and3A_93 : vector<16xi32>
      %add3A_95 = arith.constant 25000 : i32
      %add3A_96 = vector.broadcast %add3A_95 : i32 to vector<16xi32>
      %add3A_97 = arith.addi %add3A_96, %and3A_94 : vector<16xi32>
      %select_n3A_98 = arith.select %and3A_91, %sub3A_84, %add3A_97 : vector<16xi1>, vector<16xi32>
      %swap3A_99 = arith.constant 1 : i32
      %swap3A_100 = arith.index_cast %swap3A_99 : i32 to index
      %swap3A_101 = arith.constant 16 : index
      %swap3A_102 = tpu.vector_load %arg6[%swap3A_100, %swap3A_101] {strides = array<i32>} : memref<2x128xi32, #tpu.memory_space<vmem>>, vector<1x16xi32>,
      %swap3A_103 = vector.shape_cast %swap3A_102 : vector<1x16xi32> to vector<16xi32>
      %swap3A_104 = vector.shape_cast %select_n3A_98 : vector<16xi32> to vector<1x16xi32>
      tpu.vector_store %arg6[%swap3A_100, %swap3A_101], %swap3A_104 {strides = array<i32>} : memref<2x128xi32, #tpu.memory_space<vmem>>, vector<1x16xi32>,
      %get3A_105 = arith.constant 0 : i32
      %get3A_106 = arith.index_cast %get3A_105 : i32 to index
      %get3A_107 = arith.constant 32 : index
      %get3A_108 = tpu.vector_load %arg6[%get3A_106, %get3A_107] {strides = array<i32>} : memref<2x128xi32, #tpu.memory_space<vmem>>, vector<1x16xi32>,
      %get3A_109 = vector.shape_cast %get3A_108 : vector<1x16xi32> to vector<16xi32>
      %sub3A_110 = vector.broadcast %mul3A_0 : i32 to vector<16xi32>
      %sub3A_111 = arith.subi %get3A_109, %sub3A_110 : vector<16xi32>
      %ge3A_112 = arith.constant 0 : i32
      %ge3A_113 = vector.broadcast %ge3A_112 : i32 to vector<16xi32>
      %ge3A_114 = arith.cmpi sge, %sub3A_111, %ge3A_113 : vector<16xi32>
      %lt3A_115 = arith.constant 25000 : i32
      %lt3A_116 = vector.broadcast %lt3A_115 : i32 to vector<16xi32>
      %lt3A_117 = arith.cmpi slt, %sub3A_111, %lt3A_116 : vector<16xi32>
      %and3A_118 = arith.andi %ge3A_114, %lt3A_117 : vector<16xi1>
      %and3A_119 = arith.constant 255 : i32
      %and3A_120 = vector.broadcast %and3A_119 : i32 to vector<16xi32>
      %and3A_121 = arith.andi %get3A_109, %and3A_120 : vector<16xi32>
      %add3A_122 = arith.constant 25000 : i32
      %add3A_123 = vector.broadcast %add3A_122 : i32 to vector<16xi32>
      %add3A_124 = arith.addi %add3A_123, %and3A_121 : vector<16xi32>
      %select_n3A_125 = arith.select %and3A_118, %sub3A_111, %add3A_124 : vector<16xi1>, vector<16xi32>
      %swap3A_126 = arith.constant 1 : i32
      %swap3A_127 = arith.index_cast %swap3A_126 : i32 to index
      %swap3A_128 = arith.constant 32 : index
      %swap3A_129 = tpu.vector_load %arg6[%swap3A_127, %swap3A_128] {strides = array<i32>} : memref<2x128xi32, #tpu.memory_space<vmem>>, vector<1x16xi32>,
      %swap3A_130 = vector.shape_cast %swap3A_129 : vector<1x16xi32> to vector<16xi32>
      %swap3A_131 = vector.shape_cast %select_n3A_125 : vector<16xi32> to vector<1x16xi32>
      tpu.vector_store %arg6[%swap3A_127, %swap3A_128], %swap3A_131 {strides = array<i32>} : memref<2x128xi32, #tpu.memory_space<vmem>>, vector<1x16xi32>,
      %get3A_132 = arith.constant 0 : i32
      %get3A_133 = arith.index_cast %get3A_132 : i32 to index
      %get3A_134 = arith.constant 48 : index
      %get3A_135 = tpu.vector_load %arg6[%get3A_133, %get3A_134] {strides = array<i32>} : memref<2x128xi32, #tpu.memory_space<vmem>>, vector<1x16xi32>,
      %get3A_136 = vector.shape_cast %get3A_135 : vector<1x16xi32> to vector<16xi32>
      %sub3A_137 = vector.broadcast %mul3A_0 : i32 to vector<16xi32>
      %sub3A_138 = arith.subi %get3A_136, %sub3A_137 : vector<16xi32>
      %ge3A_139 = arith.constant 0 : i32
      %ge3A_140 = vector.broadcast %ge3A_139 : i32 to vector<16xi32>
      %ge3A_141 = arith.cmpi sge, %sub3A_138, %ge3A_140 : vector<16xi32>
      %lt3A_142 = arith.constant 25000 : i32
      %lt3A_143 = vector.broadcast %lt3A_142 : i32 to vector<16xi32>
      %lt3A_144 = arith.cmpi slt, %sub3A_138, %lt3A_143 : vector<16xi32>
      %and3A_145 = arith.andi %ge3A_141, %lt3A_144 : vector<16xi1>
      %and3A_146 = arith.constant 255 : i32
      %and3A_147 = vector.broadcast %and3A_146 : i32 to vector<16xi32>
      %and3A_148 = arith.andi %get3A_136, %and3A_147 : vector<16xi32>
      %add3A_149 = arith.constant 25000 : i32
      %add3A_150 = vector.broadcast %add3A_149 : i32 to vector<16xi32>
      %add3A_151 = arith.addi %add3A_150, %and3A_148 : vector<16xi32>
      %select_n3A_152 = arith.select %and3A_145, %sub3A_138, %add3A_151 : vector<16xi1>, vector<16xi32>
      %swap3A_153 = arith.constant 1 : i32
      %swap3A_154 = arith.index_cast %swap3A_153 : i32 to index
      %swap3A_155 = arith.constant 48 : index
      %swap3A_156 = tpu.vector_load %arg6[%swap3A_154, %swap3A_155] {strides = array<i32>} : memref<2x128xi32, #tpu.memory_space<vmem>>, vector<1x16xi32>,
      %swap3A_157 = vector.shape_cast %swap3A_156 : vector<1x16xi32> to vector<16xi32>
      %swap3A_158 = vector.shape_cast %select_n3A_152 : vector<16xi32> to vector<1x16xi32>
      tpu.vector_store %arg6[%swap3A_154, %swap3A_155], %swap3A_158 {strides = array<i32>} : memref<2x128xi32, #tpu.memory_space<vmem>>, vector<1x16xi32>,
      %get3A_159 = arith.constant 0 : i32
      %get3A_160 = arith.index_cast %get3A_159 : i32 to index
      %get3A_161 = arith.constant 64 : index
      %get3A_162 = tpu.vector_load %arg6[%get3A_160, %get3A_161] {strides = array<i32>} : memref<2x128xi32, #tpu.memory_space<vmem>>, vector<1x16xi32>,
      %get3A_163 = vector.shape_cast %get3A_162 : vector<1x16xi32> to vector<16xi32>
      %sub3A_164 = vector.broadcast %mul3A_0 : i32 to vector<16xi32>
      %sub3A_165 = arith.subi %get3A_163, %sub3A_164 : vector<16xi32>
      %ge3A_166 = arith.constant 0 : i32
      %ge3A_167 = vector.broadcast %ge3A_166 : i32 to vector<16xi32>
      %ge3A_168 = arith.cmpi sge, %sub3A_165, %ge3A_167 : vector<16xi32>
      %lt3A_169 = arith.constant 25000 : i32
      %lt3A_170 = vector.broadcast %lt3A_169 : i32 to vector<16xi32>
      %lt3A_171 = arith.cmpi slt, %sub3A_165, %lt3A_170 : vector<16xi32>
      %and3A_172 = arith.andi %ge3A_168, %lt3A_171 : vector<16xi1>
      %and3A_173 = arith.constant 255 : i32
      %and3A_174 = vector.broadcast %and3A_173 : i32 to vector<16xi32>
      %and3A_175 = arith.andi %get3A_163, %and3A_174 : vector<16xi32>
      %add3A_176 = arith.constant 25000 : i32
      %add3A_177 = vector.broadcast %add3A_176 : i32 to vector<16xi32>
      %add3A_178 = arith.addi %add3A_177, %and3A_175 : vector<16xi32>
      %select_n3A_179 = arith.select %and3A_172, %sub3A_165, %add3A_178 : vector<16xi1>, vector<16xi32>
      %swap3A_180 = arith.constant 1 : i32
      %swap3A_181 = arith.index_cast %swap3A_180 : i32 to index
      %swap3A_182 = arith.constant 64 : index
      %swap3A_183 = tpu.vector_load %arg6[%swap3A_181, %swap3A_182] {strides = array<i32>} : memref<2x128xi32, #tpu.memory_space<vmem>>, vector<1x16xi32>,
      %swap3A_184 = vector.shape_cast %swap3A_183 : vector<1x16xi32> to vector<16xi32>
      %swap3A_185 = vector.shape_cast %select_n3A_179 : vector<16xi32> to vector<1x16xi32>
      tpu.vector_store %arg6[%swap3A_181, %swap3A_182], %swap3A_185 {strides = array<i32>} : memref<2x128xi32, #tpu.memory_space<vmem>>, vector<1x16xi32>,
      %get3A_186 = arith.constant 0 : i32
      %get3A_187 = arith.index_cast %get3A_186 : i32 to index
      %get3A_188 = arith.constant 80 : index
      %get3A_189 = tpu.vector_load %arg6[%get3A_187, %get3A_188] {strides = array<i32>} : memref<2x128xi32, #tpu.memory_space<vmem>>, vector<1x16xi32>,
      %get3A_190 = vector.shape_cast %get3A_189 : vector<1x16xi32> to vector<16xi32>
      %sub3A_191 = vector.broadcast %mul3A_0 : i32 to vector<16xi32>
      %sub3A_192 = arith.subi %get3A_190, %sub3A_191 : vector<16xi32>
      %ge3A_193 = arith.constant 0 : i32
      %ge3A_194 = vector.broadcast %ge3A_193 : i32 to vector<16xi32>
      %ge3A_195 = arith.cmpi sge, %sub3A_192, %ge3A_194 : vector<16xi32>
      %lt3A_196 = arith.constant 25000 : i32
      %lt3A_197 = vector.broadcast %lt3A_196 : i32 to vector<16xi32>
      %lt3A_198 = arith.cmpi slt, %sub3A_192, %lt3A_197 : vector<16xi32>
      %and3A_199 = arith.andi %ge3A_195, %lt3A_198 : vector<16xi1>
      %and3A_200 = arith.constant 255 : i32
      %and3A_201 = vector.broadcast %and3A_200 : i32 to vector<16xi32>
      %and3A_202 = arith.andi %get3A_190, %and3A_201 : vector<16xi32>
      %add3A_203 = arith.constant 25000 : i32
      %add3A_204 = vector.broadcast %add3A_203 : i32 to vector<16xi32>
      %add3A_205 = arith.addi %add3A_204, %and3A_202 : vector<16xi32>
      %select_n3A_206 = arith.select %and3A_199, %sub3A_192, %add3A_205 : vector<16xi1>, vector<16xi32>
      %swap3A_207 = arith.constant 1 : i32
      %swap3A_208 = arith.index_cast %swap3A_207 : i32 to index
      %swap3A_209 = arith.constant 80 : index
      %swap3A_210 = tpu.vector_load %arg6[%swap3A_208, %swap3A_209] {strides = array<i32>} : memref<2x128xi32, #tpu.memory_space<vmem>>, vector<1x16xi32>,
      %swap3A_211 = vector.shape_cast %swap3A_210 : vector<1x16xi32> to vector<16xi32>
      %swap3A_212 = vector.shape_cast %select_n3A_206 : vector<16xi32> to vector<1x16xi32>
      tpu.vector_store %arg6[%swap3A_208, %swap3A_209], %swap3A_212 {strides = array<i32>} : memref<2x128xi32, #tpu.memory_space<vmem>>, vector<1x16xi32>,
      %get3A_213 = arith.constant 0 : i32
      %get3A_214 = arith.index_cast %get3A_213 : i32 to index
      %get3A_215 = arith.constant 96 : index
      %get3A_216 = tpu.vector_load %arg6[%get3A_214, %get3A_215] {strides = array<i32>} : memref<2x128xi32, #tpu.memory_space<vmem>>, vector<1x16xi32>,
      %get3A_217 = vector.shape_cast %get3A_216 : vector<1x16xi32> to vector<16xi32>
      %sub3A_218 = vector.broadcast %mul3A_0 : i32 to vector<16xi32>
      %sub3A_219 = arith.subi %get3A_217, %sub3A_218 : vector<16xi32>
      %ge3A_220 = arith.constant 0 : i32
      %ge3A_221 = vector.broadcast %ge3A_220 : i32 to vector<16xi32>
      %ge3A_222 = arith.cmpi sge, %sub3A_219, %ge3A_221 : vector<16xi32>
      %lt3A_223 = arith.constant 25000 : i32
      %lt3A_224 = vector.broadcast %lt3A_223 : i32 to vector<16xi32>
      %lt3A_225 = arith.cmpi slt, %sub3A_219, %lt3A_224 : vector<16xi32>
      %and3A_226 = arith.andi %ge3A_222, %lt3A_225 : vector<16xi1>
      %and3A_227 = arith.constant 255 : i32
      %and3A_228 = vector.broadcast %and3A_227 : i32 to vector<16xi32>
      %and3A_229 = arith.andi %get3A_217, %and3A_228 : vector<16xi32>
      %add3A_230 = arith.constant 25000 : i32
      %add3A_231 = vector.broadcast %add3A_230 : i32 to vector<16xi32>
      %add3A_232 = arith.addi %add3A_231, %and3A_229 : vector<16xi32>
      %select_n3A_233 = arith.select %and3A_226, %sub3A_219, %add3A_232 : vector<16xi1>, vector<16xi32>
      %swap3A_234 = arith.constant 1 : i32
      %swap3A_235 = arith.index_cast %swap3A_234 : i32 to index
      %swap3A_236 = arith.constant 96 : index
      %swap3A_237 = tpu.vector_load %arg6[%swap3A_235, %swap3A_236] {strides = array<i32>} : memref<2x128xi32, #tpu.memory_space<vmem>>, vector<1x16xi32>,
      %swap3A_238 = vector.shape_cast %swap3A_237 : vector<1x16xi32> to vector<16xi32>
      %swap3A_239 = vector.shape_cast %select_n3A_233 : vector<16xi32> to vector<1x16xi32>
      tpu.vector_store %arg6[%swap3A_235, %swap3A_236], %swap3A_239 {strides = array<i32>} : memref<2x128xi32, #tpu.memory_space<vmem>>, vector<1x16xi32>,
      %get3A_240 = arith.constant 0 : i32
      %get3A_241 = arith.index_cast %get3A_240 : i32 to index
      %get3A_242 = arith.constant 112 : index
      %get3A_243 = tpu.vector_load %arg6[%get3A_241, %get3A_242] {strides = array<i32>} : memref<2x128xi32, #tpu.memory_space<vmem>>, vector<1x16xi32>,
      %get3A_244 = vector.shape_cast %get3A_243 : vector<1x16xi32> to vector<16xi32>
      %sub3A_245 = vector.broadcast %mul3A_0 : i32 to vector<16xi32>
      %sub3A_246 = arith.subi %get3A_244, %sub3A_245 : vector<16xi32>
      %ge3A_247 = arith.constant 0 : i32
      %ge3A_248 = vector.broadcast %ge3A_247 : i32 to vector<16xi32>
      %ge3A_249 = arith.cmpi sge, %sub3A_246, %ge3A_248 : vector<16xi32>
      %lt3A_250 = arith.constant 25000 : i32
      %lt3A_251 = vector.broadcast %lt3A_250 : i32 to vector<16xi32>
      %lt3A_252 = arith.cmpi slt, %sub3A_246, %lt3A_251 : vector<16xi32>
      %and3A_253 = arith.andi %ge3A_249, %lt3A_252 : vector<16xi1>
      %and3A_254 = arith.constant 255 : i32
      %and3A_255 = vector.broadcast %and3A_254 : i32 to vector<16xi32>
      %and3A_256 = arith.andi %get3A_244, %and3A_255 : vector<16xi32>
      %add3A_257 = arith.constant 25000 : i32
      %add3A_258 = vector.broadcast %add3A_257 : i32 to vector<16xi32>
      %add3A_259 = arith.addi %add3A_258, %and3A_256 : vector<16xi32>
      %select_n3A_260 = arith.select %and3A_253, %sub3A_246, %add3A_259 : vector<16xi1>, vector<16xi32>
      %swap3A_261 = arith.constant 1 : i32
      %swap3A_262 = arith.index_cast %swap3A_261 : i32 to index
      %swap3A_263 = arith.constant 112 : index
      %swap3A_264 = tpu.vector_load %arg6[%swap3A_262, %swap3A_263] {strides = array<i32>} : memref<2x128xi32, #tpu.memory_space<vmem>>, vector<1x16xi32>,
      %swap3A_265 = vector.shape_cast %swap3A_264 : vector<1x16xi32> to vector<16xi32>
      %swap3A_266 = vector.shape_cast %select_n3A_260 : vector<16xi32> to vector<1x16xi32>
      tpu.vector_store %arg6[%swap3A_262, %swap3A_263], %swap3A_266 {strides = array<i32>} : memref<2x128xi32, #tpu.memory_space<vmem>>, vector<1x16xi32>,
      "tpu.region"() ({
        %run_scoped3A_268 = tpu.sem_alloc : memref<!tpu.dma_semaphore, #tpu.memory_space<semaphore_mem>>
        %dma_start3A = arith.constant 0 : i32
        %dma_start3A_269 = tpu.memref_slice %arg2[%mul3A_56, %dma_start3A] : memref<800000x64xf32, #tpu.memory_space<hbm>> -> memref<128x64xf32, #tpu.memory_space<hbm>>
        %dma_start3A_270 = arith.constant 0 : i32
        %dma_start3A_271 = tpu.memref_slice %arg2[%mul3A_56, %dma_start3A_270] : memref<800000x64xf32, #tpu.memory_space<hbm>> -> memref<128x64xf32, #tpu.memory_space<hbm>>
        tpu.enqueue_dma source(%dma_start3A_271 : memref<128x64xf32, #tpu.memory_space<hbm>>) target(%arg7 : memref<128x64xf32, #tpu.memory_space<vmem>>) target_semaphore(%run_scoped3A_268 : memref<!tpu.dma_semaphore, #tpu.memory_space<semaphore_mem>>)
        %dma_wait3A = arith.constant 0 : i32
        %dma_wait3A_272 = tpu.memref_slice %arg2[%mul3A_56, %dma_wait3A] : memref<800000x64xf32, #tpu.memory_space<hbm>> -> memref<128x64xf32, #tpu.memory_space<hbm>>
        %dma_wait3A_273 = arith.constant 0 : i32
        %dma_wait3A_274 = tpu.memref_slice %arg2[%mul3A_56, %dma_wait3A_273] : memref<800000x64xf32, #tpu.memory_space<hbm>> -> memref<128x64xf32, #tpu.memory_space<hbm>>
        tpu.wait_dma2 semaphore(%run_scoped3A_268 : memref<!tpu.dma_semaphore, #tpu.memory_space<semaphore_mem>>) src(%dma_wait3A_274 : memref<128x64xf32, #tpu.memory_space<hbm>>) dst(%arg7 : memref<128x64xf32, #tpu.memory_space<vmem>>)
        tpu.yield
      }) : () -> ()
      %run_scoped3A_267 = arith.constant 1 : i32
      "tpu.region"() ({
        %run_scoped3A_268 = tpu.sem_alloc : memref<!tpu.dma_semaphore, #tpu.memory_space<semaphore_mem>>
        %dma_start3A = arith.constant 0 : i32
        %dma_start3A_269 = tpu.memref_slice %arg6[%run_scoped3A_267, %dma_start3A] : memref<2x128xi32, #tpu.memory_space<vmem>> -> memref<1x128xi32, #tpu.memory_space<vmem>>
        %dma_start3A_270 = tpu.memref_squeeze %dma_start3A_269 : memref<1x128xi32, #tpu.memory_space<vmem>> -> memref<128xi32, #tpu.memory_space<vmem>>
        %dma_start3A_271 = arith.constant 0 : i32
        %dma_start3A_272 = arith.constant 0 : i32
        %dma_start3A_273 = tpu.memref_slice %arg9[%dma_start3A_271, %dma_start3A_272] : memref<25400x64xf32, #tpu.memory_space<vmem_shared>> -> memref<25400x64xf32, #tpu.memory_space<vmem_shared>>
        tpu.enqueue_indirect_dma source(%arg7 : memref<128x64xf32, #tpu.memory_space<vmem>>) target(%dma_start3A_273 : memref<25400x64xf32, #tpu.memory_space<vmem_shared>>) offsets(%dma_start3A_270 : memref<128xi32, #tpu.memory_space<vmem>>) semaphore(%run_scoped3A_268 : memref<!tpu.dma_semaphore, #tpu.memory_space<semaphore_mem>>) {add = true}
        %dma_wait3A = arith.constant 0 : i32
        %dma_wait3A_274 = tpu.memref_slice %arg6[%run_scoped3A_267, %dma_wait3A] : memref<2x128xi32, #tpu.memory_space<vmem>> -> memref<1x128xi32, #tpu.memory_space<vmem>>
        %dma_wait3A_275 = tpu.memref_squeeze %dma_wait3A_274 : memref<1x128xi32, #tpu.memory_space<vmem>> -> memref<128xi32, #tpu.memory_space<vmem>>
        %dma_wait3A_276 = arith.constant 0 : i32
        %dma_wait3A_277 = arith.constant 0 : i32
        %dma_wait3A_278 = tpu.memref_slice %arg9[%dma_wait3A_276, %dma_wait3A_277] : memref<25400x64xf32, #tpu.memory_space<vmem_shared>> -> memref<25400x64xf32, #tpu.memory_space<vmem_shared>>
        tpu.wait_indirect_dma semaphore(%run_scoped3A_268 : memref<!tpu.dma_semaphore, #tpu.memory_space<semaphore_mem>>) src(%arg7 : memref<128x64xf32, #tpu.memory_space<vmem>>) dst(%dma_wait3A_278 : memref<25400x64xf32, #tpu.memory_space<vmem_shared>>)
        tpu.yield
      }) : () -> ()
    }
    %while3A_32 = arith.constant 1 : i32
    scf.for %while3A_52 = %while3A_30 to %while3A_26 step %while3A_32  : i32 {
      %mul3A_53 = arith.muli %while3A_52, %while3A_23 : i32
      %add3A_54 = arith.addi %arg1, %mul3A_53 : i32
      %mul3A_55 = arith.constant 128 : i32
      %mul3A_56 = arith.muli %add3A_54, %mul3A_55 : i32
      %run_scoped3A = arith.constant 0 : i32
      "tpu.region"() ({
        %run_scoped3A_268 = tpu.sem_alloc : memref<!tpu.dma_semaphore, #tpu.memory_space<semaphore_mem>>
        %dma_start3A = arith.constant 0 : i32
        %dma_start3A_269 = tpu.memref_slice %arg6[%run_scoped3A, %dma_start3A] : memref<2x128xi32, #tpu.memory_space<vmem>> -> memref<1x128xi32, #tpu.memory_space<vmem>>
        %dma_start3A_270 = tpu.memref_squeeze %dma_start3A_269 : memref<1x128xi32, #tpu.memory_space<vmem>> -> memref<128xi32, #tpu.memory_space<vmem>>
        %dma_start3A_271 = tpu.memref_slice %arg3[%mul3A_56] : memref<800000xi32, #tpu.memory_space<hbm>> -> memref<128xi32, #tpu.memory_space<hbm>>
        %dma_start3A_272 = arith.constant 0 : i32
        %dma_start3A_273 = tpu.memref_slice %arg6[%run_scoped3A, %dma_start3A_272] : memref<2x128xi32, #tpu.memory_space<vmem>> -> memref<1x128xi32, #tpu.memory_space<vmem>>
        %dma_start3A_274 = tpu.memref_squeeze %dma_start3A_273 : memref<1x128xi32, #tpu.memory_space<vmem>> -> memref<128xi32, #tpu.memory_space<vmem>>
        %dma_start3A_275 = tpu.memref_slice %arg3[%mul3A_56] : memref<800000xi32, #tpu.memory_space<hbm>> -> memref<128xi32, #tpu.memory_space<hbm>>
        tpu.enqueue_dma source(%dma_start3A_275 : memref<128xi32, #tpu.memory_space<hbm>>) target(%dma_start3A_274 : memref<128xi32, #tpu.memory_space<vmem>>) target_semaphore(%run_scoped3A_268 : memref<!tpu.dma_semaphore, #tpu.memory_space<semaphore_mem>>)
        %dma_wait3A = arith.constant 0 : i32
        %dma_wait3A_276 = tpu.memref_slice %arg6[%run_scoped3A, %dma_wait3A] : memref<2x128xi32, #tpu.memory_space<vmem>> -> memref<1x128xi32, #tpu.memory_space<vmem>>
        %dma_wait3A_277 = tpu.memref_squeeze %dma_wait3A_276 : memref<1x128xi32, #tpu.memory_space<vmem>> -> memref<128xi32, #tpu.memory_space<vmem>>
        %dma_wait3A_278 = tpu.memref_slice %arg3[%mul3A_56] : memref<800000xi32, #tpu.memory_space<hbm>> -> memref<128xi32, #tpu.memory_space<hbm>>
        %dma_wait3A_279 = arith.constant 0 : i32
        %dma_wait3A_280 = tpu.memref_slice %arg6[%run_scoped3A, %dma_wait3A_279] : memref<2x128xi32, #tpu.memory_space<vmem>> -> memref<1x128xi32, #tpu.memory_space<vmem>>
        %dma_wait3A_281 = tpu.memref_squeeze %dma_wait3A_280 : memref<1x128xi32, #tpu.memory_space<vmem>> -> memref<128xi32, #tpu.memory_space<vmem>>
        %dma_wait3A_282 = tpu.memref_slice %arg3[%mul3A_56] : memref<800000xi32, #tpu.memory_space<hbm>> -> memref<128xi32, #tpu.memory_space<hbm>>
        tpu.wait_dma2 semaphore(%run_scoped3A_268 : memref<!tpu.dma_semaphore, #tpu.memory_space<semaphore_mem>>) src(%dma_wait3A_282 : memref<128xi32, #tpu.memory_space<hbm>>) dst(%dma_wait3A_281 : memref<128xi32, #tpu.memory_space<vmem>>)
        tpu.yield
      }) : () -> ()
      %get3A = arith.constant 0 : i32
      %get3A_57 = arith.index_cast %get3A : i32 to index
      %get3A_58 = arith.constant 0 : index
      %get3A_59 = tpu.vector_load %arg6[%get3A_57, %get3A_58] {strides = array<i32>} : memref<2x128xi32, #tpu.memory_space<vmem>>, vector<1x16xi32>,
      %get3A_60 = vector.shape_cast %get3A_59 : vector<1x16xi32> to vector<16xi32>
      %sub3A_61 = vector.broadcast %mul3A_0 : i32 to vector<16xi32>
      %sub3A_62 = arith.subi %get3A_60, %sub3A_61 : vector<16xi32>
      %ge3A = arith.constant 0 : i32
      %ge3A_63 = vector.broadcast %ge3A : i32 to vector<16xi32>
      %ge3A_64 = arith.cmpi sge, %sub3A_62, %ge3A_63 : vector<16xi32>
      %lt3A = arith.constant 25000 : i32
      %lt3A_65 = vector.broadcast %lt3A : i32 to vector<16xi32>
      %lt3A_66 = arith.cmpi slt, %sub3A_62, %lt3A_65 : vector<16xi32>
      %and3A = arith.andi %ge3A_64, %lt3A_66 : vector<16xi1>
      %and3A_67 = arith.constant 255 : i32
      %and3A_68 = vector.broadcast %and3A_67 : i32 to vector<16xi32>
      %and3A_69 = arith.andi %get3A_60, %and3A_68 : vector<16xi32>
      %add3A_70 = arith.constant 25000 : i32
      %add3A_71 = vector.broadcast %add3A_70 : i32 to vector<16xi32>
      %add3A_72 = arith.addi %add3A_71, %and3A_69 : vector<16xi32>
      %select_n3A = arith.select %and3A, %sub3A_62, %add3A_72 : vector<16xi1>, vector<16xi32>
      %swap3A = arith.constant 1 : i32
      %swap3A_73 = arith.index_cast %swap3A : i32 to index
      %swap3A_74 = arith.constant 0 : index
      %swap3A_75 = tpu.vector_load %arg6[%swap3A_73, %swap3A_74] {strides = array<i32>} : memref<2x128xi32, #tpu.memory_space<vmem>>, vector<1x16xi32>,
      %swap3A_76 = vector.shape_cast %swap3A_75 : vector<1x16xi32> to vector<16xi32>
      %swap3A_77 = vector.shape_cast %select_n3A : vector<16xi32> to vector<1x16xi32>
      tpu.vector_store %arg6[%swap3A_73, %swap3A_74], %swap3A_77 {strides = array<i32>} : memref<2x128xi32, #tpu.memory_space<vmem>>, vector<1x16xi32>,
      %get3A_78 = arith.constant 0 : i32
      %get3A_79 = arith.index_cast %get3A_78 : i32 to index
      %get3A_80 = arith.constant 16 : index
      %get3A_81 = tpu.vector_load %arg6[%get3A_79, %get3A_80] {strides = array<i32>} : memref<2x128xi32, #tpu.memory_space<vmem>>, vector<1x16xi32>,
      %get3A_82 = vector.shape_cast %get3A_81 : vector<1x16xi32> to vector<16xi32>
      %sub3A_83 = vector.broadcast %mul3A_0 : i32 to vector<16xi32>
      %sub3A_84 = arith.subi %get3A_82, %sub3A_83 : vector<16xi32>
      %ge3A_85 = arith.constant 0 : i32
      %ge3A_86 = vector.broadcast %ge3A_85 : i32 to vector<16xi32>
      %ge3A_87 = arith.cmpi sge, %sub3A_84, %ge3A_86 : vector<16xi32>
      %lt3A_88 = arith.constant 25000 : i32
      %lt3A_89 = vector.broadcast %lt3A_88 : i32 to vector<16xi32>
      %lt3A_90 = arith.cmpi slt, %sub3A_84, %lt3A_89 : vector<16xi32>
      %and3A_91 = arith.andi %ge3A_87, %lt3A_90 : vector<16xi1>
      %and3A_92 = arith.constant 255 : i32
      %and3A_93 = vector.broadcast %and3A_92 : i32 to vector<16xi32>
      %and3A_94 = arith.andi %get3A_82, %and3A_93 : vector<16xi32>
      %add3A_95 = arith.constant 25000 : i32
      %add3A_96 = vector.broadcast %add3A_95 : i32 to vector<16xi32>
      %add3A_97 = arith.addi %add3A_96, %and3A_94 : vector<16xi32>
      %select_n3A_98 = arith.select %and3A_91, %sub3A_84, %add3A_97 : vector<16xi1>, vector<16xi32>
      %swap3A_99 = arith.constant 1 : i32
      %swap3A_100 = arith.index_cast %swap3A_99 : i32 to index
      %swap3A_101 = arith.constant 16 : index
      %swap3A_102 = tpu.vector_load %arg6[%swap3A_100, %swap3A_101] {strides = array<i32>} : memref<2x128xi32, #tpu.memory_space<vmem>>, vector<1x16xi32>,
      %swap3A_103 = vector.shape_cast %swap3A_102 : vector<1x16xi32> to vector<16xi32>
      %swap3A_104 = vector.shape_cast %select_n3A_98 : vector<16xi32> to vector<1x16xi32>
      tpu.vector_store %arg6[%swap3A_100, %swap3A_101], %swap3A_104 {strides = array<i32>} : memref<2x128xi32, #tpu.memory_space<vmem>>, vector<1x16xi32>,
      %get3A_105 = arith.constant 0 : i32
      %get3A_106 = arith.index_cast %get3A_105 : i32 to index
      %get3A_107 = arith.constant 32 : index
      %get3A_108 = tpu.vector_load %arg6[%get3A_106, %get3A_107] {strides = array<i32>} : memref<2x128xi32, #tpu.memory_space<vmem>>, vector<1x16xi32>,
      %get3A_109 = vector.shape_cast %get3A_108 : vector<1x16xi32> to vector<16xi32>
      %sub3A_110 = vector.broadcast %mul3A_0 : i32 to vector<16xi32>
      %sub3A_111 = arith.subi %get3A_109, %sub3A_110 : vector<16xi32>
      %ge3A_112 = arith.constant 0 : i32
      %ge3A_113 = vector.broadcast %ge3A_112 : i32 to vector<16xi32>
      %ge3A_114 = arith.cmpi sge, %sub3A_111, %ge3A_113 : vector<16xi32>
      %lt3A_115 = arith.constant 25000 : i32
      %lt3A_116 = vector.broadcast %lt3A_115 : i32 to vector<16xi32>
      %lt3A_117 = arith.cmpi slt, %sub3A_111, %lt3A_116 : vector<16xi32>
      %and3A_118 = arith.andi %ge3A_114, %lt3A_117 : vector<16xi1>
      %and3A_119 = arith.constant 255 : i32
      %and3A_120 = vector.broadcast %and3A_119 : i32 to vector<16xi32>
      %and3A_121 = arith.andi %get3A_109, %and3A_120 : vector<16xi32>
      %add3A_122 = arith.constant 25000 : i32
      %add3A_123 = vector.broadcast %add3A_122 : i32 to vector<16xi32>
      %add3A_124 = arith.addi %add3A_123, %and3A_121 : vector<16xi32>
      %select_n3A_125 = arith.select %and3A_118, %sub3A_111, %add3A_124 : vector<16xi1>, vector<16xi32>
      %swap3A_126 = arith.constant 1 : i32
      %swap3A_127 = arith.index_cast %swap3A_126 : i32 to index
      %swap3A_128 = arith.constant 32 : index
      %swap3A_129 = tpu.vector_load %arg6[%swap3A_127, %swap3A_128] {strides = array<i32>} : memref<2x128xi32, #tpu.memory_space<vmem>>, vector<1x16xi32>,
      %swap3A_130 = vector.shape_cast %swap3A_129 : vector<1x16xi32> to vector<16xi32>
      %swap3A_131 = vector.shape_cast %select_n3A_125 : vector<16xi32> to vector<1x16xi32>
      tpu.vector_store %arg6[%swap3A_127, %swap3A_128], %swap3A_131 {strides = array<i32>} : memref<2x128xi32, #tpu.memory_space<vmem>>, vector<1x16xi32>,
      %get3A_132 = arith.constant 0 : i32
      %get3A_133 = arith.index_cast %get3A_132 : i32 to index
      %get3A_134 = arith.constant 48 : index
      %get3A_135 = tpu.vector_load %arg6[%get3A_133, %get3A_134] {strides = array<i32>} : memref<2x128xi32, #tpu.memory_space<vmem>>, vector<1x16xi32>,
      %get3A_136 = vector.shape_cast %get3A_135 : vector<1x16xi32> to vector<16xi32>
      %sub3A_137 = vector.broadcast %mul3A_0 : i32 to vector<16xi32>
      %sub3A_138 = arith.subi %get3A_136, %sub3A_137 : vector<16xi32>
      %ge3A_139 = arith.constant 0 : i32
      %ge3A_140 = vector.broadcast %ge3A_139 : i32 to vector<16xi32>
      %ge3A_141 = arith.cmpi sge, %sub3A_138, %ge3A_140 : vector<16xi32>
      %lt3A_142 = arith.constant 25000 : i32
      %lt3A_143 = vector.broadcast %lt3A_142 : i32 to vector<16xi32>
      %lt3A_144 = arith.cmpi slt, %sub3A_138, %lt3A_143 : vector<16xi32>
      %and3A_145 = arith.andi %ge3A_141, %lt3A_144 : vector<16xi1>
      %and3A_146 = arith.constant 255 : i32
      %and3A_147 = vector.broadcast %and3A_146 : i32 to vector<16xi32>
      %and3A_148 = arith.andi %get3A_136, %and3A_147 : vector<16xi32>
      %add3A_149 = arith.constant 25000 : i32
      %add3A_150 = vector.broadcast %add3A_149 : i32 to vector<16xi32>
      %add3A_151 = arith.addi %add3A_150, %and3A_148 : vector<16xi32>
      %select_n3A_152 = arith.select %and3A_145, %sub3A_138, %add3A_151 : vector<16xi1>, vector<16xi32>
      %swap3A_153 = arith.constant 1 : i32
      %swap3A_154 = arith.index_cast %swap3A_153 : i32 to index
      %swap3A_155 = arith.constant 48 : index
      %swap3A_156 = tpu.vector_load %arg6[%swap3A_154, %swap3A_155] {strides = array<i32>} : memref<2x128xi32, #tpu.memory_space<vmem>>, vector<1x16xi32>,
      %swap3A_157 = vector.shape_cast %swap3A_156 : vector<1x16xi32> to vector<16xi32>
      %swap3A_158 = vector.shape_cast %select_n3A_152 : vector<16xi32> to vector<1x16xi32>
      tpu.vector_store %arg6[%swap3A_154, %swap3A_155], %swap3A_158 {strides = array<i32>} : memref<2x128xi32, #tpu.memory_space<vmem>>, vector<1x16xi32>,
      %get3A_159 = arith.constant 0 : i32
      %get3A_160 = arith.index_cast %get3A_159 : i32 to index
      %get3A_161 = arith.constant 64 : index
      %get3A_162 = tpu.vector_load %arg6[%get3A_160, %get3A_161] {strides = array<i32>} : memref<2x128xi32, #tpu.memory_space<vmem>>, vector<1x16xi32>,
      %get3A_163 = vector.shape_cast %get3A_162 : vector<1x16xi32> to vector<16xi32>
      %sub3A_164 = vector.broadcast %mul3A_0 : i32 to vector<16xi32>
      %sub3A_165 = arith.subi %get3A_163, %sub3A_164 : vector<16xi32>
      %ge3A_166 = arith.constant 0 : i32
      %ge3A_167 = vector.broadcast %ge3A_166 : i32 to vector<16xi32>
      %ge3A_168 = arith.cmpi sge, %sub3A_165, %ge3A_167 : vector<16xi32>
      %lt3A_169 = arith.constant 25000 : i32
      %lt3A_170 = vector.broadcast %lt3A_169 : i32 to vector<16xi32>
      %lt3A_171 = arith.cmpi slt, %sub3A_165, %lt3A_170 : vector<16xi32>
      %and3A_172 = arith.andi %ge3A_168, %lt3A_171 : vector<16xi1>
      %and3A_173 = arith.constant 255 : i32
      %and3A_174 = vector.broadcast %and3A_173 : i32 to vector<16xi32>
      %and3A_175 = arith.andi %get3A_163, %and3A_174 : vector<16xi32>
      %add3A_176 = arith.constant 25000 : i32
      %add3A_177 = vector.broadcast %add3A_176 : i32 to vector<16xi32>
      %add3A_178 = arith.addi %add3A_177, %and3A_175 : vector<16xi32>
      %select_n3A_179 = arith.select %and3A_172, %sub3A_165, %add3A_178 : vector<16xi1>, vector<16xi32>
      %swap3A_180 = arith.constant 1 : i32
      %swap3A_181 = arith.index_cast %swap3A_180 : i32 to index
      %swap3A_182 = arith.constant 64 : index
      %swap3A_183 = tpu.vector_load %arg6[%swap3A_181, %swap3A_182] {strides = array<i32>} : memref<2x128xi32, #tpu.memory_space<vmem>>, vector<1x16xi32>,
      %swap3A_184 = vector.shape_cast %swap3A_183 : vector<1x16xi32> to vector<16xi32>
      %swap3A_185 = vector.shape_cast %select_n3A_179 : vector<16xi32> to vector<1x16xi32>
      tpu.vector_store %arg6[%swap3A_181, %swap3A_182], %swap3A_185 {strides = array<i32>} : memref<2x128xi32, #tpu.memory_space<vmem>>, vector<1x16xi32>,
      %get3A_186 = arith.constant 0 : i32
      %get3A_187 = arith.index_cast %get3A_186 : i32 to index
      %get3A_188 = arith.constant 80 : index
      %get3A_189 = tpu.vector_load %arg6[%get3A_187, %get3A_188] {strides = array<i32>} : memref<2x128xi32, #tpu.memory_space<vmem>>, vector<1x16xi32>,
      %get3A_190 = vector.shape_cast %get3A_189 : vector<1x16xi32> to vector<16xi32>
      %sub3A_191 = vector.broadcast %mul3A_0 : i32 to vector<16xi32>
      %sub3A_192 = arith.subi %get3A_190, %sub3A_191 : vector<16xi32>
      %ge3A_193 = arith.constant 0 : i32
      %ge3A_194 = vector.broadcast %ge3A_193 : i32 to vector<16xi32>
      %ge3A_195 = arith.cmpi sge, %sub3A_192, %ge3A_194 : vector<16xi32>
      %lt3A_196 = arith.constant 25000 : i32
      %lt3A_197 = vector.broadcast %lt3A_196 : i32 to vector<16xi32>
      %lt3A_198 = arith.cmpi slt, %sub3A_192, %lt3A_197 : vector<16xi32>
      %and3A_199 = arith.andi %ge3A_195, %lt3A_198 : vector<16xi1>
      %and3A_200 = arith.constant 255 : i32
      %and3A_201 = vector.broadcast %and3A_200 : i32 to vector<16xi32>
      %and3A_202 = arith.andi %get3A_190, %and3A_201 : vector<16xi32>
      %add3A_203 = arith.constant 25000 : i32
      %add3A_204 = vector.broadcast %add3A_203 : i32 to vector<16xi32>
      %add3A_205 = arith.addi %add3A_204, %and3A_202 : vector<16xi32>
      %select_n3A_206 = arith.select %and3A_199, %sub3A_192, %add3A_205 : vector<16xi1>, vector<16xi32>
      %swap3A_207 = arith.constant 1 : i32
      %swap3A_208 = arith.index_cast %swap3A_207 : i32 to index
      %swap3A_209 = arith.constant 80 : index
      %swap3A_210 = tpu.vector_load %arg6[%swap3A_208, %swap3A_209] {strides = array<i32>} : memref<2x128xi32, #tpu.memory_space<vmem>>, vector<1x16xi32>,
      %swap3A_211 = vector.shape_cast %swap3A_210 : vector<1x16xi32> to vector<16xi32>
      %swap3A_212 = vector.shape_cast %select_n3A_206 : vector<16xi32> to vector<1x16xi32>
      tpu.vector_store %arg6[%swap3A_208, %swap3A_209], %swap3A_212 {strides = array<i32>} : memref<2x128xi32, #tpu.memory_space<vmem>>, vector<1x16xi32>,
      %get3A_213 = arith.constant 0 : i32
      %get3A_214 = arith.index_cast %get3A_213 : i32 to index
      %get3A_215 = arith.constant 96 : index
      %get3A_216 = tpu.vector_load %arg6[%get3A_214, %get3A_215] {strides = array<i32>} : memref<2x128xi32, #tpu.memory_space<vmem>>, vector<1x16xi32>,
      %get3A_217 = vector.shape_cast %get3A_216 : vector<1x16xi32> to vector<16xi32>
      %sub3A_218 = vector.broadcast %mul3A_0 : i32 to vector<16xi32>
      %sub3A_219 = arith.subi %get3A_217, %sub3A_218 : vector<16xi32>
      %ge3A_220 = arith.constant 0 : i32
      %ge3A_221 = vector.broadcast %ge3A_220 : i32 to vector<16xi32>
      %ge3A_222 = arith.cmpi sge, %sub3A_219, %ge3A_221 : vector<16xi32>
      %lt3A_223 = arith.constant 25000 : i32
      %lt3A_224 = vector.broadcast %lt3A_223 : i32 to vector<16xi32>
      %lt3A_225 = arith.cmpi slt, %sub3A_219, %lt3A_224 : vector<16xi32>
      %and3A_226 = arith.andi %ge3A_222, %lt3A_225 : vector<16xi1>
      %and3A_227 = arith.constant 255 : i32
      %and3A_228 = vector.broadcast %and3A_227 : i32 to vector<16xi32>
      %and3A_229 = arith.andi %get3A_217, %and3A_228 : vector<16xi32>
      %add3A_230 = arith.constant 25000 : i32
      %add3A_231 = vector.broadcast %add3A_230 : i32 to vector<16xi32>
      %add3A_232 = arith.addi %add3A_231, %and3A_229 : vector<16xi32>
      %select_n3A_233 = arith.select %and3A_226, %sub3A_219, %add3A_232 : vector<16xi1>, vector<16xi32>
      %swap3A_234 = arith.constant 1 : i32
      %swap3A_235 = arith.index_cast %swap3A_234 : i32 to index
      %swap3A_236 = arith.constant 96 : index
      %swap3A_237 = tpu.vector_load %arg6[%swap3A_235, %swap3A_236] {strides = array<i32>} : memref<2x128xi32, #tpu.memory_space<vmem>>, vector<1x16xi32>,
      %swap3A_238 = vector.shape_cast %swap3A_237 : vector<1x16xi32> to vector<16xi32>
      %swap3A_239 = vector.shape_cast %select_n3A_233 : vector<16xi32> to vector<1x16xi32>
      tpu.vector_store %arg6[%swap3A_235, %swap3A_236], %swap3A_239 {strides = array<i32>} : memref<2x128xi32, #tpu.memory_space<vmem>>, vector<1x16xi32>,
      %get3A_240 = arith.constant 0 : i32
      %get3A_241 = arith.index_cast %get3A_240 : i32 to index
      %get3A_242 = arith.constant 112 : index
      %get3A_243 = tpu.vector_load %arg6[%get3A_241, %get3A_242] {strides = array<i32>} : memref<2x128xi32, #tpu.memory_space<vmem>>, vector<1x16xi32>,
      %get3A_244 = vector.shape_cast %get3A_243 : vector<1x16xi32> to vector<16xi32>
      %sub3A_245 = vector.broadcast %mul3A_0 : i32 to vector<16xi32>
      %sub3A_246 = arith.subi %get3A_244, %sub3A_245 : vector<16xi32>
      %ge3A_247 = arith.constant 0 : i32
      %ge3A_248 = vector.broadcast %ge3A_247 : i32 to vector<16xi32>
      %ge3A_249 = arith.cmpi sge, %sub3A_246, %ge3A_248 : vector<16xi32>
      %lt3A_250 = arith.constant 25000 : i32
      %lt3A_251 = vector.broadcast %lt3A_250 : i32 to vector<16xi32>
      %lt3A_252 = arith.cmpi slt, %sub3A_246, %lt3A_251 : vector<16xi32>
      %and3A_253 = arith.andi %ge3A_249, %lt3A_252 : vector<16xi1>
      %and3A_254 = arith.constant 255 : i32
      %and3A_255 = vector.broadcast %and3A_254 : i32 to vector<16xi32>
      %and3A_256 = arith.andi %get3A_244, %and3A_255 : vector<16xi32>
      %add3A_257 = arith.constant 25000 : i32
      %add3A_258 = vector.broadcast %add3A_257 : i32 to vector<16xi32>
      %add3A_259 = arith.addi %add3A_258, %and3A_256 : vector<16xi32>
      %select_n3A_260 = arith.select %and3A_253, %sub3A_246, %add3A_259 : vector<16xi1>, vector<16xi32>
      %swap3A_261 = arith.constant 1 : i32
      %swap3A_262 = arith.index_cast %swap3A_261 : i32 to index
      %swap3A_263 = arith.constant 112 : index
      %swap3A_264 = tpu.vector_load %arg6[%swap3A_262, %swap3A_263] {strides = array<i32>} : memref<2x128xi32, #tpu.memory_space<vmem>>, vector<1x16xi32>,
      %swap3A_265 = vector.shape_cast %swap3A_264 : vector<1x16xi32> to vector<16xi32>
      %swap3A_266 = vector.shape_cast %select_n3A_260 : vector<16xi32> to vector<1x16xi32>
      tpu.vector_store %arg6[%swap3A_262, %swap3A_263], %swap3A_266 {strides = array<i32>} : memref<2x128xi32, #tpu.memory_space<vmem>>, vector<1x16xi32>,
      "tpu.region"() ({
        %run_scoped3A_268 = tpu.sem_alloc : memref<!tpu.dma_semaphore, #tpu.memory_space<semaphore_mem>>
        %dma_start3A = arith.constant 0 : i32
        %dma_start3A_269 = tpu.memref_slice %arg2[%mul3A_56, %dma_start3A] : memref<800000x64xf32, #tpu.memory_space<hbm>> -> memref<128x64xf32, #tpu.memory_space<hbm>>
        %dma_start3A_270 = arith.constant 0 : i32
        %dma_start3A_271 = tpu.memref_slice %arg2[%mul3A_56, %dma_start3A_270] : memref<800000x64xf32, #tpu.memory_space<hbm>> -> memref<128x64xf32, #tpu.memory_space<hbm>>
        tpu.enqueue_dma source(%dma_start3A_271 : memref<128x64xf32, #tpu.memory_space<hbm>>) target(%arg7 : memref<128x64xf32, #tpu.memory_space<vmem>>) target_semaphore(%run_scoped3A_268 : memref<!tpu.dma_semaphore, #tpu.memory_space<semaphore_mem>>)
        %dma_wait3A = arith.constant 0 : i32
        %dma_wait3A_272 = tpu.memref_slice %arg2[%mul3A_56, %dma_wait3A] : memref<800000x64xf32, #tpu.memory_space<hbm>> -> memref<128x64xf32, #tpu.memory_space<hbm>>
        %dma_wait3A_273 = arith.constant 0 : i32
        %dma_wait3A_274 = tpu.memref_slice %arg2[%mul3A_56, %dma_wait3A_273] : memref<800000x64xf32, #tpu.memory_space<hbm>> -> memref<128x64xf32, #tpu.memory_space<hbm>>
        tpu.wait_dma2 semaphore(%run_scoped3A_268 : memref<!tpu.dma_semaphore, #tpu.memory_space<semaphore_mem>>) src(%dma_wait3A_274 : memref<128x64xf32, #tpu.memory_space<hbm>>) dst(%arg7 : memref<128x64xf32, #tpu.memory_space<vmem>>)
        tpu.yield
      }) : () -> ()
      %run_scoped3A_267 = arith.constant 1 : i32
      "tpu.region"() ({
        %run_scoped3A_268 = tpu.sem_alloc : memref<!tpu.dma_semaphore, #tpu.memory_space<semaphore_mem>>
        %dma_start3A = arith.constant 0 : i32
        %dma_start3A_269 = tpu.memref_slice %arg6[%run_scoped3A_267, %dma_start3A] : memref<2x128xi32, #tpu.memory_space<vmem>> -> memref<1x128xi32, #tpu.memory_space<vmem>>
        %dma_start3A_270 = tpu.memref_squeeze %dma_start3A_269 : memref<1x128xi32, #tpu.memory_space<vmem>> -> memref<128xi32, #tpu.memory_space<vmem>>
        %dma_start3A_271 = arith.constant 0 : i32
        %dma_start3A_272 = arith.constant 0 : i32
        %dma_start3A_273 = tpu.memref_slice %arg9[%dma_start3A_271, %dma_start3A_272] : memref<25400x64xf32, #tpu.memory_space<vmem_shared>> -> memref<25400x64xf32, #tpu.memory_space<vmem_shared>>
        tpu.enqueue_indirect_dma source(%arg7 : memref<128x64xf32, #tpu.memory_space<vmem>>) target(%dma_start3A_273 : memref<25400x64xf32, #tpu.memory_space<vmem_shared>>) offsets(%dma_start3A_270 : memref<128xi32, #tpu.memory_space<vmem>>) semaphore(%run_scoped3A_268 : memref<!tpu.dma_semaphore, #tpu.memory_space<semaphore_mem>>) {add = true}
        %dma_wait3A = arith.constant 0 : i32
        %dma_wait3A_274 = tpu.memref_slice %arg6[%run_scoped3A_267, %dma_wait3A] : memref<2x128xi32, #tpu.memory_space<vmem>> -> memref<1x128xi32, #tpu.memory_space<vmem>>
        %dma_wait3A_275 = tpu.memref_squeeze %dma_wait3A_274 : memref<1x128xi32, #tpu.memory_space<vmem>> -> memref<128xi32, #tpu.memory_space<vmem>>
        %dma_wait3A_276 = arith.constant 0 : i32
        %dma_wait3A_277 = arith.constant 0 : i32
        %dma_wait3A_278 = tpu.memref_slice %arg9[%dma_wait3A_276, %dma_wait3A_277] : memref<25400x64xf32, #tpu.memory_space<vmem_shared>> -> memref<25400x64xf32, #tpu.memory_space<vmem_shared>>
        tpu.wait_indirect_dma semaphore(%run_scoped3A_268 : memref<!tpu.dma_semaphore, #tpu.memory_space<semaphore_mem>>) src(%arg7 : memref<128x64xf32, #tpu.memory_space<vmem>>) dst(%dma_wait3A_278 : memref<25400x64xf32, #tpu.memory_space<vmem_shared>>)
        tpu.yield
      }) : () -> ()
    }
    %barrier3A_33 = arith.constant 0 : index
    tpu.barrier barrier_id(%barrier3A_33)
    %sub3A_34 = arith.constant 625 : i32
    %sub3A_35 = arith.subi %sub3A_34, %arg1 : i32
    %sub3A_36 = arith.constant 16 : i32
    %sub3A_37 = arith.constant 1 : i32
    %sub3A_38 = arith.subi %sub3A_36, %sub3A_37 : i32
    %add3A_39 = arith.addi %sub3A_35, %sub3A_38 : i32
    %div3A_40 = arith.constant 16 : i32
    %div3A_41 = arith.divsi %add3A_39, %div3A_40 : i32
    %while3A_42 = arith.constant 16 : i32
    %while3A_43 = arith.constant 0 : i32
    %while3A_44 = arith.subi %div3A_41, %while3A_43 : i32
    %while3A_45 = arith.addi %while3A_43, %while3A_44 : i32
    %while3A_46 = arith.constant 1 : i32
    %while3A_47 = arith.divsi %while3A_44, %while3A_46 : i32
    %while3A_48 = arith.muli %while3A_47, %while3A_46 : i32
    %while3A_49 = arith.addi %while3A_43, %while3A_48 : i32
    %while3A_50 = arith.constant 1 : i32
    scf.for %while3A_52 = %while3A_43 to %while3A_49 step %while3A_50  : i32 {
      %mul3A_53 = arith.muli %while3A_52, %while3A_42 : i32
      %add3A_54 = arith.addi %arg1, %mul3A_53 : i32
      %mul3A_55 = arith.constant 40 : i32
      %mul3A_56 = arith.muli %add3A_54, %mul3A_55 : i32
      "tpu.region"() ({
        %run_scoped3A = tpu.sem_alloc : memref<!tpu.dma_semaphore, #tpu.memory_space<semaphore_mem>>
        %dma_start3A = arith.constant 0 : i32
        %dma_start3A_58 = tpu.memref_slice %arg9[%mul3A_56, %dma_start3A] : memref<25400x64xf32, #tpu.memory_space<vmem_shared>> -> memref<40x64xf32, #tpu.memory_space<vmem_shared>>
        %dma_start3A_59 = arith.constant 0 : i32
        %dma_start3A_60 = tpu.memref_slice %arg9[%mul3A_56, %dma_start3A_59] : memref<25400x64xf32, #tpu.memory_space<vmem_shared>> -> memref<40x64xf32, #tpu.memory_space<vmem_shared>>
        tpu.enqueue_dma source(%dma_start3A_60 : memref<40x64xf32, #tpu.memory_space<vmem_shared>>) target(%arg8 : memref<40x64xf32, #tpu.memory_space<vmem>>) target_semaphore(%run_scoped3A : memref<!tpu.dma_semaphore, #tpu.memory_space<semaphore_mem>>)
        %dma_wait3A = arith.constant 0 : i32
        %dma_wait3A_61 = tpu.memref_slice %arg9[%mul3A_56, %dma_wait3A] : memref<25400x64xf32, #tpu.memory_space<vmem_shared>> -> memref<40x64xf32, #tpu.memory_space<vmem_shared>>
        %dma_wait3A_62 = arith.constant 0 : i32
        %dma_wait3A_63 = tpu.memref_slice %arg9[%mul3A_56, %dma_wait3A_62] : memref<25400x64xf32, #tpu.memory_space<vmem_shared>> -> memref<40x64xf32, #tpu.memory_space<vmem_shared>>
        tpu.wait_dma2 semaphore(%run_scoped3A : memref<!tpu.dma_semaphore, #tpu.memory_space<semaphore_mem>>) src(%dma_wait3A_63 : memref<40x64xf32, #tpu.memory_space<vmem_shared>>) dst(%arg8 : memref<40x64xf32, #tpu.memory_space<vmem>>)
        tpu.yield
      }) : () -> ()
      %add3A_57 = arith.addi %mul3A_0, %mul3A_56 : i32
      "tpu.region"() ({
        %run_scoped3A = tpu.sem_alloc : memref<!tpu.dma_semaphore, #tpu.memory_space<semaphore_mem>>
        %dma_start3A = arith.constant 0 : i32
        %dma_start3A_58 = tpu.memref_slice %arg5[%add3A_57, %dma_start3A] : memref<50000x64xf32, #tpu.memory_space<hbm>> -> memref<40x64xf32, #tpu.memory_space<hbm>>
        %dma_start3A_59 = arith.constant 0 : i32
        %dma_start3A_60 = tpu.memref_slice %arg5[%add3A_57, %dma_start3A_59] : memref<50000x64xf32, #tpu.memory_space<hbm>> -> memref<40x64xf32, #tpu.memory_space<hbm>>
        tpu.enqueue_dma source(%arg8 : memref<40x64xf32, #tpu.memory_space<vmem>>) target(%dma_start3A_60 : memref<40x64xf32, #tpu.memory_space<hbm>>) target_semaphore(%run_scoped3A : memref<!tpu.dma_semaphore, #tpu.memory_space<semaphore_mem>>)
        %dma_wait3A = arith.constant 0 : i32
        %dma_wait3A_61 = tpu.memref_slice %arg5[%add3A_57, %dma_wait3A] : memref<50000x64xf32, #tpu.memory_space<hbm>> -> memref<40x64xf32, #tpu.memory_space<hbm>>
        %dma_wait3A_62 = arith.constant 0 : i32
        %dma_wait3A_63 = tpu.memref_slice %arg5[%add3A_57, %dma_wait3A_62] : memref<50000x64xf32, #tpu.memory_space<hbm>> -> memref<40x64xf32, #tpu.memory_space<hbm>>
        tpu.wait_dma2 semaphore(%run_scoped3A : memref<!tpu.dma_semaphore, #tpu.memory_space<semaphore_mem>>) src(%arg8 : memref<40x64xf32, #tpu.memory_space<vmem>>) dst(%dma_wait3A_63 : memref<40x64xf32, #tpu.memory_space<hbm>>)
        tpu.yield
      }) : () -> ()
    }
    %while3A_51 = arith.constant 1 : i32
    scf.for %while3A_52 = %while3A_49 to %while3A_45 step %while3A_51  : i32 {
      %mul3A_53 = arith.muli %while3A_52, %while3A_42 : i32
      %add3A_54 = arith.addi %arg1, %mul3A_53 : i32
      %mul3A_55 = arith.constant 40 : i32
      %mul3A_56 = arith.muli %add3A_54, %mul3A_55 : i32
      "tpu.region"() ({
        %run_scoped3A = tpu.sem_alloc : memref<!tpu.dma_semaphore, #tpu.memory_space<semaphore_mem>>
        %dma_start3A = arith.constant 0 : i32
        %dma_start3A_58 = tpu.memref_slice %arg9[%mul3A_56, %dma_start3A] : memref<25400x64xf32, #tpu.memory_space<vmem_shared>> -> memref<40x64xf32, #tpu.memory_space<vmem_shared>>
        %dma_start3A_59 = arith.constant 0 : i32
        %dma_start3A_60 = tpu.memref_slice %arg9[%mul3A_56, %dma_start3A_59] : memref<25400x64xf32, #tpu.memory_space<vmem_shared>> -> memref<40x64xf32, #tpu.memory_space<vmem_shared>>
        tpu.enqueue_dma source(%dma_start3A_60 : memref<40x64xf32, #tpu.memory_space<vmem_shared>>) target(%arg8 : memref<40x64xf32, #tpu.memory_space<vmem>>) target_semaphore(%run_scoped3A : memref<!tpu.dma_semaphore, #tpu.memory_space<semaphore_mem>>)
        %dma_wait3A = arith.constant 0 : i32
        %dma_wait3A_61 = tpu.memref_slice %arg9[%mul3A_56, %dma_wait3A] : memref<25400x64xf32, #tpu.memory_space<vmem_shared>> -> memref<40x64xf32, #tpu.memory_space<vmem_shared>>
        %dma_wait3A_62 = arith.constant 0 : i32
        %dma_wait3A_63 = tpu.memref_slice %arg9[%mul3A_56, %dma_wait3A_62] : memref<25400x64xf32, #tpu.memory_space<vmem_shared>> -> memref<40x64xf32, #tpu.memory_space<vmem_shared>>
        tpu.wait_dma2 semaphore(%run_scoped3A : memref<!tpu.dma_semaphore, #tpu.memory_space<semaphore_mem>>) src(%dma_wait3A_63 : memref<40x64xf32, #tpu.memory_space<vmem_shared>>) dst(%arg8 : memref<40x64xf32, #tpu.memory_space<vmem>>)
        tpu.yield
      }) : () -> ()
      %add3A_57 = arith.addi %mul3A_0, %mul3A_56 : i32
      "tpu.region"() ({
        %run_scoped3A = tpu.sem_alloc : memref<!tpu.dma_semaphore, #tpu.memory_space<semaphore_mem>>
        %dma_start3A = arith.constant 0 : i32
        %dma_start3A_58 = tpu.memref_slice %arg5[%add3A_57, %dma_start3A] : memref<50000x64xf32, #tpu.memory_space<hbm>> -> memref<40x64xf32, #tpu.memory_space<hbm>>
        %dma_start3A_59 = arith.constant 0 : i32
        %dma_start3A_60 = tpu.memref_slice %arg5[%add3A_57, %dma_start3A_59] : memref<50000x64xf32, #tpu.memory_space<hbm>> -> memref<40x64xf32, #tpu.memory_space<hbm>>
        tpu.enqueue_dma source(%arg8 : memref<40x64xf32, #tpu.memory_space<vmem>>) target(%dma_start3A_60 : memref<40x64xf32, #tpu.memory_space<hbm>>) target_semaphore(%run_scoped3A : memref<!tpu.dma_semaphore, #tpu.memory_space<semaphore_mem>>)
        %dma_wait3A = arith.constant 0 : i32
        %dma_wait3A_61 = tpu.memref_slice %arg5[%add3A_57, %dma_wait3A] : memref<50000x64xf32, #tpu.memory_space<hbm>> -> memref<40x64xf32, #tpu.memory_space<hbm>>
        %dma_wait3A_62 = arith.constant 0 : i32
        %dma_wait3A_63 = tpu.memref_slice %arg5[%add3A_57, %dma_wait3A_62] : memref<50000x64xf32, #tpu.memory_space<hbm>> -> memref<40x64xf32, #tpu.memory_space<hbm>>
        tpu.wait_dma2 semaphore(%run_scoped3A : memref<!tpu.dma_semaphore, #tpu.memory_space<semaphore_mem>>) src(%arg8 : memref<40x64xf32, #tpu.memory_space<vmem>>) dst(%dma_wait3A_63 : memref<40x64xf32, #tpu.memory_space<hbm>>)
        tpu.yield
      }) : () -> ()
    }
    return
  }
}

#map = affine_map<(d0, d1) -> (0, 0)>
#map1 = affine_map<(d0, d1) -> (0)>
module attributes {stable_mosaic.version = 14 : i64} {
  func.func @k(%arg0: i32, %arg1: i32, %arg2: memref<50000x64xf32, #tpu.memory_space<hbm>>, %arg3: memref<50000x64xf32, #tpu.memory_space<hbm>>, %arg4: memref<800000xi32, #tpu.memory_space<hbm>>, %arg5: memref<800000xi32, #tpu.memory_space<hbm>>, %arg6: memref<800000x64xf32, #tpu.memory_space<hbm>>, %arg7: memref<128xi32, #tpu.memory_space<vmem>>, %arg8: memref<128xi32, #tpu.memory_space<vmem>>, %arg9: memref<128x64xf32, #tpu.memory_space<vmem>>, %arg10: memref<128x64xf32, #tpu.memory_space<vmem>>, %arg11: memref<128x64xf32, #tpu.memory_space<vmem>>, %arg12: memref<!tpu.dma_semaphore, #tpu.memory_space<semaphore_mem>>) attributes {dimension_semantics = [#tpu.dimension_semantics<core_parallel>, #tpu.dimension_semantics<subcore_parallel>], iteration_bounds = array<i64: 2, 16>, scalar_prefetch = 0 : i64, scratch_operands = 6 : i64, tpu.core_type = #tpu.core_type<sc_vector_subcore>, window_params = [{transform_indices = #map}, {transform_indices = #map}, {transform_indices = #map1}, {transform_indices = #map1}, {transform_indices = #map}]} {
    %mul3A = arith.constant 2 : i32
    %mul3A_0 = arith.muli %arg1, %mul3A : i32
    %add3A = arith.addi %mul3A_0, %arg0 : i32
    %sub3A = arith.constant 6250 : i32
    %sub3A_1 = arith.subi %sub3A, %add3A : i32
    %sub3A_2 = arith.constant 32 : i32
    %sub3A_3 = arith.constant 1 : i32
    %sub3A_4 = arith.subi %sub3A_2, %sub3A_3 : i32
    %add3A_5 = arith.addi %sub3A_1, %sub3A_4 : i32
    %div3A = arith.constant 32 : i32
    %div3A_6 = arith.divsi %add3A_5, %div3A : i32
    %while3A = arith.constant 32 : i32
    %while3A_7 = arith.constant 0 : i32
    %while3A_8 = arith.subi %div3A_6, %while3A_7 : i32
    %while3A_9 = arith.addi %while3A_7, %while3A_8 : i32
    %while3A_10 = arith.constant 1 : i32
    %while3A_11 = arith.divsi %while3A_8, %while3A_10 : i32
    %while3A_12 = arith.muli %while3A_11, %while3A_10 : i32
    %while3A_13 = arith.addi %while3A_7, %while3A_12 : i32
    %while3A_14 = arith.constant 1 : i32
    scf.for %while3A_16 = %while3A_7 to %while3A_13 step %while3A_14  : i32 {
      %mul3A_17 = arith.muli %while3A_16, %while3A : i32
      %add3A_18 = arith.addi %add3A, %mul3A_17 : i32
      %mul3A_19 = arith.constant 128 : i32
      %mul3A_20 = arith.muli %add3A_18, %mul3A_19 : i32
      "tpu.region"() ({
        %run_scoped3A = tpu.sem_alloc : memref<!tpu.dma_semaphore, #tpu.memory_space<semaphore_mem>>
        %dma_start3A_35 = tpu.memref_slice %arg4[%mul3A_20] : memref<800000xi32, #tpu.memory_space<hbm>> -> memref<128xi32, #tpu.memory_space<hbm>>
        %dma_start3A_36 = tpu.memref_slice %arg4[%mul3A_20] : memref<800000xi32, #tpu.memory_space<hbm>> -> memref<128xi32, #tpu.memory_space<hbm>>
        tpu.enqueue_dma source(%dma_start3A_36 : memref<128xi32, #tpu.memory_space<hbm>>) target(%arg7 : memref<128xi32, #tpu.memory_space<vmem>>) target_semaphore(%run_scoped3A : memref<!tpu.dma_semaphore, #tpu.memory_space<semaphore_mem>>)
        %dma_wait3A_37 = tpu.memref_slice %arg4[%mul3A_20] : memref<800000xi32, #tpu.memory_space<hbm>> -> memref<128xi32, #tpu.memory_space<hbm>>
        %dma_wait3A_38 = tpu.memref_slice %arg4[%mul3A_20] : memref<800000xi32, #tpu.memory_space<hbm>> -> memref<128xi32, #tpu.memory_space<hbm>>
        tpu.wait_dma2 semaphore(%run_scoped3A : memref<!tpu.dma_semaphore, #tpu.memory_space<semaphore_mem>>) src(%dma_wait3A_38 : memref<128xi32, #tpu.memory_space<hbm>>) dst(%arg7 : memref<128xi32, #tpu.memory_space<vmem>>)
        tpu.yield
      }) : () -> ()
      "tpu.region"() ({
        %run_scoped3A = tpu.sem_alloc : memref<!tpu.dma_semaphore, #tpu.memory_space<semaphore_mem>>
        %dma_start3A_35 = tpu.memref_slice %arg5[%mul3A_20] : memref<800000xi32, #tpu.memory_space<hbm>> -> memref<128xi32, #tpu.memory_space<hbm>>
        %dma_start3A_36 = tpu.memref_slice %arg5[%mul3A_20] : memref<800000xi32, #tpu.memory_space<hbm>> -> memref<128xi32, #tpu.memory_space<hbm>>
        tpu.enqueue_dma source(%dma_start3A_36 : memref<128xi32, #tpu.memory_space<hbm>>) target(%arg8 : memref<128xi32, #tpu.memory_space<vmem>>) target_semaphore(%run_scoped3A : memref<!tpu.dma_semaphore, #tpu.memory_space<semaphore_mem>>)
        %dma_wait3A_37 = tpu.memref_slice %arg5[%mul3A_20] : memref<800000xi32, #tpu.memory_space<hbm>> -> memref<128xi32, #tpu.memory_space<hbm>>
        %dma_wait3A_38 = tpu.memref_slice %arg5[%mul3A_20] : memref<800000xi32, #tpu.memory_space<hbm>> -> memref<128xi32, #tpu.memory_space<hbm>>
        tpu.wait_dma2 semaphore(%run_scoped3A : memref<!tpu.dma_semaphore, #tpu.memory_space<semaphore_mem>>) src(%dma_wait3A_38 : memref<128xi32, #tpu.memory_space<hbm>>) dst(%arg8 : memref<128xi32, #tpu.memory_space<vmem>>)
        tpu.yield
      }) : () -> ()
      %dma_start3A = arith.constant 0 : i32
      %dma_start3A_21 = arith.constant 0 : i32
      %dma_start3A_22 = tpu.memref_slice %arg2[%dma_start3A, %dma_start3A_21] : memref<50000x64xf32, #tpu.memory_space<hbm>> -> memref<50000x64xf32, #tpu.memory_space<hbm>>
      tpu.enqueue_indirect_dma source(%dma_start3A_22 : memref<50000x64xf32, #tpu.memory_space<hbm>>) target(%arg9 : memref<128x64xf32, #tpu.memory_space<vmem>>) offsets(%arg7 : memref<128xi32, #tpu.memory_space<vmem>>) semaphore(%arg12 : memref<!tpu.dma_semaphore, #tpu.memory_space<semaphore_mem>>)
      %dma_wait3A = arith.constant 0 : i32
      %dma_wait3A_23 = arith.constant 0 : i32
      %dma_wait3A_24 = tpu.memref_slice %arg2[%dma_wait3A, %dma_wait3A_23] : memref<50000x64xf32, #tpu.memory_space<hbm>> -> memref<50000x64xf32, #tpu.memory_space<hbm>>
      tpu.wait_indirect_dma semaphore(%arg12 : memref<!tpu.dma_semaphore, #tpu.memory_space<semaphore_mem>>) src(%dma_wait3A_24 : memref<50000x64xf32, #tpu.memory_space<hbm>>) dst(%arg9 : memref<128x64xf32, #tpu.memory_space<vmem>>)
      %dma_start3A_25 = arith.constant 0 : i32
      %dma_start3A_26 = arith.constant 0 : i32
      %dma_start3A_27 = tpu.memref_slice %arg3[%dma_start3A_25, %dma_start3A_26] : memref<50000x64xf32, #tpu.memory_space<hbm>> -> memref<50000x64xf32, #tpu.memory_space<hbm>>
      tpu.enqueue_indirect_dma source(%dma_start3A_27 : memref<50000x64xf32, #tpu.memory_space<hbm>>) target(%arg10 : memref<128x64xf32, #tpu.memory_space<vmem>>) offsets(%arg8 : memref<128xi32, #tpu.memory_space<vmem>>) semaphore(%arg12 : memref<!tpu.dma_semaphore, #tpu.memory_space<semaphore_mem>>)
      %dma_wait3A_28 = arith.constant 0 : i32
      %dma_wait3A_29 = arith.constant 0 : i32
      %dma_wait3A_30 = tpu.memref_slice %arg3[%dma_wait3A_28, %dma_wait3A_29] : memref<50000x64xf32, #tpu.memory_space<hbm>> -> memref<50000x64xf32, #tpu.memory_space<hbm>>
      tpu.wait_indirect_dma semaphore(%arg12 : memref<!tpu.dma_semaphore, #tpu.memory_space<semaphore_mem>>) src(%dma_wait3A_30 : memref<50000x64xf32, #tpu.memory_space<hbm>>) dst(%arg10 : memref<128x64xf32, #tpu.memory_space<vmem>>)
      %scan3A = arith.constant 0 : i32
      %scan3A_31 = arith.constant 128 : i32
      %scan3A_32 = arith.addi %scan3A, %scan3A_31 : i32
      %scan3A_33 = arith.constant 1 : i32
      scf.for %scan3A_35 = %scan3A to %scan3A_32 step %scan3A_33  : i32 {
        %mul3A_36 = arith.constant 1 : i32
        %mul3A_37 = arith.muli %scan3A_35, %mul3A_36 : i32
        %add3A_38 = arith.constant 0 : i32
        %add3A_39 = arith.addi %add3A_38, %mul3A_37 : i32
        %get3A = arith.index_cast %add3A_39 : i32 to index
        %get3A_40 = arith.constant 0 : index
        %get3A_41 = tpu.vector_load %arg9[%get3A, %get3A_40] {strides = array<i32>} : memref<128x64xf32, #tpu.memory_space<vmem>>, vector<1x16xf32>,
        %get3A_42 = vector.shape_cast %get3A_41 : vector<1x16xf32> to vector<16xf32>
        %get3A_43 = arith.index_cast %add3A_39 : i32 to index
        %get3A_44 = arith.constant 0 : index
        %get3A_45 = tpu.vector_load %arg10[%get3A_43, %get3A_44] {strides = array<i32>} : memref<128x64xf32, #tpu.memory_space<vmem>>, vector<1x16xf32>,
        %get3A_46 = vector.shape_cast %get3A_45 : vector<1x16xf32> to vector<16xf32>
        %add3A_47 = arith.addf %get3A_42, %get3A_46 : vector<16xf32>
        %swap3A = arith.index_cast %add3A_39 : i32 to index
        %swap3A_48 = arith.constant 0 : index
        %swap3A_49 = tpu.vector_load %arg11[%swap3A, %swap3A_48] {strides = array<i32>} : memref<128x64xf32, #tpu.memory_space<vmem>>, vector<1x16xf32>,
        %swap3A_50 = vector.shape_cast %swap3A_49 : vector<1x16xf32> to vector<16xf32>
        %swap3A_51 = vector.shape_cast %add3A_47 : vector<16xf32> to vector<1x16xf32>
        tpu.vector_store %arg11[%swap3A, %swap3A_48], %swap3A_51 {strides = array<i32>} : memref<128x64xf32, #tpu.memory_space<vmem>>, vector<1x16xf32>,
        %get3A_52 = arith.index_cast %add3A_39 : i32 to index
        %get3A_53 = arith.constant 16 : index
        %get3A_54 = tpu.vector_load %arg9[%get3A_52, %get3A_53] {strides = array<i32>} : memref<128x64xf32, #tpu.memory_space<vmem>>, vector<1x16xf32>,
        %get3A_55 = vector.shape_cast %get3A_54 : vector<1x16xf32> to vector<16xf32>
        %get3A_56 = arith.index_cast %add3A_39 : i32 to index
        %get3A_57 = arith.constant 16 : index
        %get3A_58 = tpu.vector_load %arg10[%get3A_56, %get3A_57] {strides = array<i32>} : memref<128x64xf32, #tpu.memory_space<vmem>>, vector<1x16xf32>,
        %get3A_59 = vector.shape_cast %get3A_58 : vector<1x16xf32> to vector<16xf32>
        %add3A_60 = arith.addf %get3A_55, %get3A_59 : vector<16xf32>
        %swap3A_61 = arith.index_cast %add3A_39 : i32 to index
        %swap3A_62 = arith.constant 16 : index
        %swap3A_63 = tpu.vector_load %arg11[%swap3A_61, %swap3A_62] {strides = array<i32>} : memref<128x64xf32, #tpu.memory_space<vmem>>, vector<1x16xf32>,
        %swap3A_64 = vector.shape_cast %swap3A_63 : vector<1x16xf32> to vector<16xf32>
        %swap3A_65 = vector.shape_cast %add3A_60 : vector<16xf32> to vector<1x16xf32>
        tpu.vector_store %arg11[%swap3A_61, %swap3A_62], %swap3A_65 {strides = array<i32>} : memref<128x64xf32, #tpu.memory_space<vmem>>, vector<1x16xf32>,
        %get3A_66 = arith.index_cast %add3A_39 : i32 to index
        %get3A_67 = arith.constant 32 : index
        %get3A_68 = tpu.vector_load %arg9[%get3A_66, %get3A_67] {strides = array<i32>} : memref<128x64xf32, #tpu.memory_space<vmem>>, vector<1x16xf32>,
        %get3A_69 = vector.shape_cast %get3A_68 : vector<1x16xf32> to vector<16xf32>
        %get3A_70 = arith.index_cast %add3A_39 : i32 to index
        %get3A_71 = arith.constant 32 : index
        %get3A_72 = tpu.vector_load %arg10[%get3A_70, %get3A_71] {strides = array<i32>} : memref<128x64xf32, #tpu.memory_space<vmem>>, vector<1x16xf32>,
        %get3A_73 = vector.shape_cast %get3A_72 : vector<1x16xf32> to vector<16xf32>
        %add3A_74 = arith.addf %get3A_69, %get3A_73 : vector<16xf32>
        %swap3A_75 = arith.index_cast %add3A_39 : i32 to index
        %swap3A_76 = arith.constant 32 : index
        %swap3A_77 = tpu.vector_load %arg11[%swap3A_75, %swap3A_76] {strides = array<i32>} : memref<128x64xf32, #tpu.memory_space<vmem>>, vector<1x16xf32>,
        %swap3A_78 = vector.shape_cast %swap3A_77 : vector<1x16xf32> to vector<16xf32>
        %swap3A_79 = vector.shape_cast %add3A_74 : vector<16xf32> to vector<1x16xf32>
        tpu.vector_store %arg11[%swap3A_75, %swap3A_76], %swap3A_79 {strides = array<i32>} : memref<128x64xf32, #tpu.memory_space<vmem>>, vector<1x16xf32>,
        %get3A_80 = arith.index_cast %add3A_39 : i32 to index
        %get3A_81 = arith.constant 48 : index
        %get3A_82 = tpu.vector_load %arg9[%get3A_80, %get3A_81] {strides = array<i32>} : memref<128x64xf32, #tpu.memory_space<vmem>>, vector<1x16xf32>,
        %get3A_83 = vector.shape_cast %get3A_82 : vector<1x16xf32> to vector<16xf32>
        %get3A_84 = arith.index_cast %add3A_39 : i32 to index
        %get3A_85 = arith.constant 48 : index
        %get3A_86 = tpu.vector_load %arg10[%get3A_84, %get3A_85] {strides = array<i32>} : memref<128x64xf32, #tpu.memory_space<vmem>>, vector<1x16xf32>,
        %get3A_87 = vector.shape_cast %get3A_86 : vector<1x16xf32> to vector<16xf32>
        %add3A_88 = arith.addf %get3A_83, %get3A_87 : vector<16xf32>
        %swap3A_89 = arith.index_cast %add3A_39 : i32 to index
        %swap3A_90 = arith.constant 48 : index
        %swap3A_91 = tpu.vector_load %arg11[%swap3A_89, %swap3A_90] {strides = array<i32>} : memref<128x64xf32, #tpu.memory_space<vmem>>, vector<1x16xf32>,
        %swap3A_92 = vector.shape_cast %swap3A_91 : vector<1x16xf32> to vector<16xf32>
        %swap3A_93 = vector.shape_cast %add3A_88 : vector<16xf32> to vector<1x16xf32>
        tpu.vector_store %arg11[%swap3A_89, %swap3A_90], %swap3A_93 {strides = array<i32>} : memref<128x64xf32, #tpu.memory_space<vmem>>, vector<1x16xf32>,
      }
      %scan3A_34 = arith.constant 128 : i32
      "tpu.region"() ({
        %run_scoped3A = tpu.sem_alloc : memref<!tpu.dma_semaphore, #tpu.memory_space<semaphore_mem>>
        %dma_start3A_35 = arith.constant 0 : i32
        %dma_start3A_36 = tpu.memref_slice %arg6[%mul3A_20, %dma_start3A_35] : memref<800000x64xf32, #tpu.memory_space<hbm>> -> memref<128x64xf32, #tpu.memory_space<hbm>>
        %dma_start3A_37 = arith.constant 0 : i32
        %dma_start3A_38 = tpu.memref_slice %arg6[%mul3A_20, %dma_start3A_37] : memref<800000x64xf32, #tpu.memory_space<hbm>> -> memref<128x64xf32, #tpu.memory_space<hbm>>
        tpu.enqueue_dma source(%arg11 : memref<128x64xf32, #tpu.memory_space<vmem>>) target(%dma_start3A_38 : memref<128x64xf32, #tpu.memory_space<hbm>>) target_semaphore(%run_scoped3A : memref<!tpu.dma_semaphore, #tpu.memory_space<semaphore_mem>>)
        %dma_wait3A_39 = arith.constant 0 : i32
        %dma_wait3A_40 = tpu.memref_slice %arg6[%mul3A_20, %dma_wait3A_39] : memref<800000x64xf32, #tpu.memory_space<hbm>> -> memref<128x64xf32, #tpu.memory_space<hbm>>
        %dma_wait3A_41 = arith.constant 0 : i32
        %dma_wait3A_42 = tpu.memref_slice %arg6[%mul3A_20, %dma_wait3A_41] : memref<800000x64xf32, #tpu.memory_space<hbm>> -> memref<128x64xf32, #tpu.memory_space<hbm>>
        tpu.wait_dma2 semaphore(%run_scoped3A : memref<!tpu.dma_semaphore, #tpu.memory_space<semaphore_mem>>) src(%arg11 : memref<128x64xf32, #tpu.memory_space<vmem>>) dst(%dma_wait3A_42 : memref<128x64xf32, #tpu.memory_space<hbm>>)
        tpu.yield
      }) : () -> ()
    }
    %while3A_15 = arith.constant 1 : i32
    scf.for %while3A_16 = %while3A_13 to %while3A_9 step %while3A_15  : i32 {
      %mul3A_17 = arith.muli %while3A_16, %while3A : i32
      %add3A_18 = arith.addi %add3A, %mul3A_17 : i32
      %mul3A_19 = arith.constant 128 : i32
      %mul3A_20 = arith.muli %add3A_18, %mul3A_19 : i32
      "tpu.region"() ({
        %run_scoped3A = tpu.sem_alloc : memref<!tpu.dma_semaphore, #tpu.memory_space<semaphore_mem>>
        %dma_start3A_35 = tpu.memref_slice %arg4[%mul3A_20] : memref<800000xi32, #tpu.memory_space<hbm>> -> memref<128xi32, #tpu.memory_space<hbm>>
        %dma_start3A_36 = tpu.memref_slice %arg4[%mul3A_20] : memref<800000xi32, #tpu.memory_space<hbm>> -> memref<128xi32, #tpu.memory_space<hbm>>
        tpu.enqueue_dma source(%dma_start3A_36 : memref<128xi32, #tpu.memory_space<hbm>>) target(%arg7 : memref<128xi32, #tpu.memory_space<vmem>>) target_semaphore(%run_scoped3A : memref<!tpu.dma_semaphore, #tpu.memory_space<semaphore_mem>>)
        %dma_wait3A_37 = tpu.memref_slice %arg4[%mul3A_20] : memref<800000xi32, #tpu.memory_space<hbm>> -> memref<128xi32, #tpu.memory_space<hbm>>
        %dma_wait3A_38 = tpu.memref_slice %arg4[%mul3A_20] : memref<800000xi32, #tpu.memory_space<hbm>> -> memref<128xi32, #tpu.memory_space<hbm>>
        tpu.wait_dma2 semaphore(%run_scoped3A : memref<!tpu.dma_semaphore, #tpu.memory_space<semaphore_mem>>) src(%dma_wait3A_38 : memref<128xi32, #tpu.memory_space<hbm>>) dst(%arg7 : memref<128xi32, #tpu.memory_space<vmem>>)
        tpu.yield
      }) : () -> ()
      "tpu.region"() ({
        %run_scoped3A = tpu.sem_alloc : memref<!tpu.dma_semaphore, #tpu.memory_space<semaphore_mem>>
        %dma_start3A_35 = tpu.memref_slice %arg5[%mul3A_20] : memref<800000xi32, #tpu.memory_space<hbm>> -> memref<128xi32, #tpu.memory_space<hbm>>
        %dma_start3A_36 = tpu.memref_slice %arg5[%mul3A_20] : memref<800000xi32, #tpu.memory_space<hbm>> -> memref<128xi32, #tpu.memory_space<hbm>>
        tpu.enqueue_dma source(%dma_start3A_36 : memref<128xi32, #tpu.memory_space<hbm>>) target(%arg8 : memref<128xi32, #tpu.memory_space<vmem>>) target_semaphore(%run_scoped3A : memref<!tpu.dma_semaphore, #tpu.memory_space<semaphore_mem>>)
        %dma_wait3A_37 = tpu.memref_slice %arg5[%mul3A_20] : memref<800000xi32, #tpu.memory_space<hbm>> -> memref<128xi32, #tpu.memory_space<hbm>>
        %dma_wait3A_38 = tpu.memref_slice %arg5[%mul3A_20] : memref<800000xi32, #tpu.memory_space<hbm>> -> memref<128xi32, #tpu.memory_space<hbm>>
        tpu.wait_dma2 semaphore(%run_scoped3A : memref<!tpu.dma_semaphore, #tpu.memory_space<semaphore_mem>>) src(%dma_wait3A_38 : memref<128xi32, #tpu.memory_space<hbm>>) dst(%arg8 : memref<128xi32, #tpu.memory_space<vmem>>)
        tpu.yield
      }) : () -> ()
      %dma_start3A = arith.constant 0 : i32
      %dma_start3A_21 = arith.constant 0 : i32
      %dma_start3A_22 = tpu.memref_slice %arg2[%dma_start3A, %dma_start3A_21] : memref<50000x64xf32, #tpu.memory_space<hbm>> -> memref<50000x64xf32, #tpu.memory_space<hbm>>
      tpu.enqueue_indirect_dma source(%dma_start3A_22 : memref<50000x64xf32, #tpu.memory_space<hbm>>) target(%arg9 : memref<128x64xf32, #tpu.memory_space<vmem>>) offsets(%arg7 : memref<128xi32, #tpu.memory_space<vmem>>) semaphore(%arg12 : memref<!tpu.dma_semaphore, #tpu.memory_space<semaphore_mem>>)
      %dma_wait3A = arith.constant 0 : i32
      %dma_wait3A_23 = arith.constant 0 : i32
      %dma_wait3A_24 = tpu.memref_slice %arg2[%dma_wait3A, %dma_wait3A_23] : memref<50000x64xf32, #tpu.memory_space<hbm>> -> memref<50000x64xf32, #tpu.memory_space<hbm>>
      tpu.wait_indirect_dma semaphore(%arg12 : memref<!tpu.dma_semaphore, #tpu.memory_space<semaphore_mem>>) src(%dma_wait3A_24 : memref<50000x64xf32, #tpu.memory_space<hbm>>) dst(%arg9 : memref<128x64xf32, #tpu.memory_space<vmem>>)
      %dma_start3A_25 = arith.constant 0 : i32
      %dma_start3A_26 = arith.constant 0 : i32
      %dma_start3A_27 = tpu.memref_slice %arg3[%dma_start3A_25, %dma_start3A_26] : memref<50000x64xf32, #tpu.memory_space<hbm>> -> memref<50000x64xf32, #tpu.memory_space<hbm>>
      tpu.enqueue_indirect_dma source(%dma_start3A_27 : memref<50000x64xf32, #tpu.memory_space<hbm>>) target(%arg10 : memref<128x64xf32, #tpu.memory_space<vmem>>) offsets(%arg8 : memref<128xi32, #tpu.memory_space<vmem>>) semaphore(%arg12 : memref<!tpu.dma_semaphore, #tpu.memory_space<semaphore_mem>>)
      %dma_wait3A_28 = arith.constant 0 : i32
      %dma_wait3A_29 = arith.constant 0 : i32
      %dma_wait3A_30 = tpu.memref_slice %arg3[%dma_wait3A_28, %dma_wait3A_29] : memref<50000x64xf32, #tpu.memory_space<hbm>> -> memref<50000x64xf32, #tpu.memory_space<hbm>>
      tpu.wait_indirect_dma semaphore(%arg12 : memref<!tpu.dma_semaphore, #tpu.memory_space<semaphore_mem>>) src(%dma_wait3A_30 : memref<50000x64xf32, #tpu.memory_space<hbm>>) dst(%arg10 : memref<128x64xf32, #tpu.memory_space<vmem>>)
      %scan3A = arith.constant 0 : i32
      %scan3A_31 = arith.constant 128 : i32
      %scan3A_32 = arith.addi %scan3A, %scan3A_31 : i32
      %scan3A_33 = arith.constant 1 : i32
      scf.for %scan3A_35 = %scan3A to %scan3A_32 step %scan3A_33  : i32 {
        %mul3A_36 = arith.constant 1 : i32
        %mul3A_37 = arith.muli %scan3A_35, %mul3A_36 : i32
        %add3A_38 = arith.constant 0 : i32
        %add3A_39 = arith.addi %add3A_38, %mul3A_37 : i32
        %get3A = arith.index_cast %add3A_39 : i32 to index
        %get3A_40 = arith.constant 0 : index
        %get3A_41 = tpu.vector_load %arg9[%get3A, %get3A_40] {strides = array<i32>} : memref<128x64xf32, #tpu.memory_space<vmem>>, vector<1x16xf32>,
        %get3A_42 = vector.shape_cast %get3A_41 : vector<1x16xf32> to vector<16xf32>
        %get3A_43 = arith.index_cast %add3A_39 : i32 to index
        %get3A_44 = arith.constant 0 : index
        %get3A_45 = tpu.vector_load %arg10[%get3A_43, %get3A_44] {strides = array<i32>} : memref<128x64xf32, #tpu.memory_space<vmem>>, vector<1x16xf32>,
        %get3A_46 = vector.shape_cast %get3A_45 : vector<1x16xf32> to vector<16xf32>
        %add3A_47 = arith.addf %get3A_42, %get3A_46 : vector<16xf32>
        %swap3A = arith.index_cast %add3A_39 : i32 to index
        %swap3A_48 = arith.constant 0 : index
        %swap3A_49 = tpu.vector_load %arg11[%swap3A, %swap3A_48] {strides = array<i32>} : memref<128x64xf32, #tpu.memory_space<vmem>>, vector<1x16xf32>,
        %swap3A_50 = vector.shape_cast %swap3A_49 : vector<1x16xf32> to vector<16xf32>
        %swap3A_51 = vector.shape_cast %add3A_47 : vector<16xf32> to vector<1x16xf32>
        tpu.vector_store %arg11[%swap3A, %swap3A_48], %swap3A_51 {strides = array<i32>} : memref<128x64xf32, #tpu.memory_space<vmem>>, vector<1x16xf32>,
        %get3A_52 = arith.index_cast %add3A_39 : i32 to index
        %get3A_53 = arith.constant 16 : index
        %get3A_54 = tpu.vector_load %arg9[%get3A_52, %get3A_53] {strides = array<i32>} : memref<128x64xf32, #tpu.memory_space<vmem>>, vector<1x16xf32>,
        %get3A_55 = vector.shape_cast %get3A_54 : vector<1x16xf32> to vector<16xf32>
        %get3A_56 = arith.index_cast %add3A_39 : i32 to index
        %get3A_57 = arith.constant 16 : index
        %get3A_58 = tpu.vector_load %arg10[%get3A_56, %get3A_57] {strides = array<i32>} : memref<128x64xf32, #tpu.memory_space<vmem>>, vector<1x16xf32>,
        %get3A_59 = vector.shape_cast %get3A_58 : vector<1x16xf32> to vector<16xf32>
        %add3A_60 = arith.addf %get3A_55, %get3A_59 : vector<16xf32>
        %swap3A_61 = arith.index_cast %add3A_39 : i32 to index
        %swap3A_62 = arith.constant 16 : index
        %swap3A_63 = tpu.vector_load %arg11[%swap3A_61, %swap3A_62] {strides = array<i32>} : memref<128x64xf32, #tpu.memory_space<vmem>>, vector<1x16xf32>,
        %swap3A_64 = vector.shape_cast %swap3A_63 : vector<1x16xf32> to vector<16xf32>
        %swap3A_65 = vector.shape_cast %add3A_60 : vector<16xf32> to vector<1x16xf32>
        tpu.vector_store %arg11[%swap3A_61, %swap3A_62], %swap3A_65 {strides = array<i32>} : memref<128x64xf32, #tpu.memory_space<vmem>>, vector<1x16xf32>,
        %get3A_66 = arith.index_cast %add3A_39 : i32 to index
        %get3A_67 = arith.constant 32 : index
        %get3A_68 = tpu.vector_load %arg9[%get3A_66, %get3A_67] {strides = array<i32>} : memref<128x64xf32, #tpu.memory_space<vmem>>, vector<1x16xf32>,
        %get3A_69 = vector.shape_cast %get3A_68 : vector<1x16xf32> to vector<16xf32>
        %get3A_70 = arith.index_cast %add3A_39 : i32 to index
        %get3A_71 = arith.constant 32 : index
        %get3A_72 = tpu.vector_load %arg10[%get3A_70, %get3A_71] {strides = array<i32>} : memref<128x64xf32, #tpu.memory_space<vmem>>, vector<1x16xf32>,
        %get3A_73 = vector.shape_cast %get3A_72 : vector<1x16xf32> to vector<16xf32>
        %add3A_74 = arith.addf %get3A_69, %get3A_73 : vector<16xf32>
        %swap3A_75 = arith.index_cast %add3A_39 : i32 to index
        %swap3A_76 = arith.constant 32 : index
        %swap3A_77 = tpu.vector_load %arg11[%swap3A_75, %swap3A_76] {strides = array<i32>} : memref<128x64xf32, #tpu.memory_space<vmem>>, vector<1x16xf32>,
        %swap3A_78 = vector.shape_cast %swap3A_77 : vector<1x16xf32> to vector<16xf32>
        %swap3A_79 = vector.shape_cast %add3A_74 : vector<16xf32> to vector<1x16xf32>
        tpu.vector_store %arg11[%swap3A_75, %swap3A_76], %swap3A_79 {strides = array<i32>} : memref<128x64xf32, #tpu.memory_space<vmem>>, vector<1x16xf32>,
        %get3A_80 = arith.index_cast %add3A_39 : i32 to index
        %get3A_81 = arith.constant 48 : index
        %get3A_82 = tpu.vector_load %arg9[%get3A_80, %get3A_81] {strides = array<i32>} : memref<128x64xf32, #tpu.memory_space<vmem>>, vector<1x16xf32>,
        %get3A_83 = vector.shape_cast %get3A_82 : vector<1x16xf32> to vector<16xf32>
        %get3A_84 = arith.index_cast %add3A_39 : i32 to index
        %get3A_85 = arith.constant 48 : index
        %get3A_86 = tpu.vector_load %arg10[%get3A_84, %get3A_85] {strides = array<i32>} : memref<128x64xf32, #tpu.memory_space<vmem>>, vector<1x16xf32>,
        %get3A_87 = vector.shape_cast %get3A_86 : vector<1x16xf32> to vector<16xf32>
        %add3A_88 = arith.addf %get3A_83, %get3A_87 : vector<16xf32>
        %swap3A_89 = arith.index_cast %add3A_39 : i32 to index
        %swap3A_90 = arith.constant 48 : index
        %swap3A_91 = tpu.vector_load %arg11[%swap3A_89, %swap3A_90] {strides = array<i32>} : memref<128x64xf32, #tpu.memory_space<vmem>>, vector<1x16xf32>,
        %swap3A_92 = vector.shape_cast %swap3A_91 : vector<1x16xf32> to vector<16xf32>
        %swap3A_93 = vector.shape_cast %add3A_88 : vector<16xf32> to vector<1x16xf32>
        tpu.vector_store %arg11[%swap3A_89, %swap3A_90], %swap3A_93 {strides = array<i32>} : memref<128x64xf32, #tpu.memory_space<vmem>>, vector<1x16xf32>,
      }
      %scan3A_34 = arith.constant 128 : i32
      "tpu.region"() ({
        %run_scoped3A = tpu.sem_alloc : memref<!tpu.dma_semaphore, #tpu.memory_space<semaphore_mem>>
        %dma_start3A_35 = arith.constant 0 : i32
        %dma_start3A_36 = tpu.memref_slice %arg6[%mul3A_20, %dma_start3A_35] : memref<800000x64xf32, #tpu.memory_space<hbm>> -> memref<128x64xf32, #tpu.memory_space<hbm>>
        %dma_start3A_37 = arith.constant 0 : i32
        %dma_start3A_38 = tpu.memref_slice %arg6[%mul3A_20, %dma_start3A_37] : memref<800000x64xf32, #tpu.memory_space<hbm>> -> memref<128x64xf32, #tpu.memory_space<hbm>>
        tpu.enqueue_dma source(%arg11 : memref<128x64xf32, #tpu.memory_space<vmem>>) target(%dma_start3A_38 : memref<128x64xf32, #tpu.memory_space<hbm>>) target_semaphore(%run_scoped3A : memref<!tpu.dma_semaphore, #tpu.memory_space<semaphore_mem>>)
        %dma_wait3A_39 = arith.constant 0 : i32
        %dma_wait3A_40 = tpu.memref_slice %arg6[%mul3A_20, %dma_wait3A_39] : memref<800000x64xf32, #tpu.memory_space<hbm>> -> memref<128x64xf32, #tpu.memory_space<hbm>>
        %dma_wait3A_41 = arith.constant 0 : i32
        %dma_wait3A_42 = tpu.memref_slice %arg6[%mul3A_20, %dma_wait3A_41] : memref<800000x64xf32, #tpu.memory_space<hbm>> -> memref<128x64xf32, #tpu.memory_space<hbm>>
        tpu.wait_dma2 semaphore(%run_scoped3A : memref<!tpu.dma_semaphore, #tpu.memory_space<semaphore_mem>>) src(%arg11 : memref<128x64xf32, #tpu.memory_space<vmem>>) dst(%dma_wait3A_42 : memref<128x64xf32, #tpu.memory_space<hbm>>)
        tpu.yield
      }) : () -> ()
    }
    return
  }
}

module attributes {stable_mosaic.version = 14 : i64} {
  func.func @_mm_bias_body(%arg0: i32, %arg1: memref<1000x128xf32, #tpu.memory_space<vmem>>, %arg2: memref<128x64xf32, #tpu.memory_space<vmem>>, %arg3: memref<1x64xf32, #tpu.memory_space<vmem>>, %arg4: memref<1000x64xf32, #tpu.memory_space<vmem>>) attributes {dimension_semantics = [#tpu.dimension_semantics<arbitrary>], iteration_bounds = array<i64: 50>, scalar_prefetch = 0 : i64, scratch_operands = 0 : i64, tpu.core_type = #tpu.core_type<tc>, window_params = [{transform_indices = @transform_0, window_bounds = array<i64: 1000, 128>}, {pipeline_mode = #tpu.pipeline_mode<synchronous>, transform_indices = @transform_1, window_bounds = array<i64: 128, 64>}, {pipeline_mode = #tpu.pipeline_mode<synchronous>, transform_indices = @transform_2, window_bounds = array<i64: 1, 64>}, {transform_indices = @transform_3, window_bounds = array<i64: 1000, 64>}]} {
    %get3A = arith.constant 0 : index
    %get3A_0 = arith.constant 0 : index
    %get3A_1 = vector.load %arg1[%get3A, %get3A_0] : memref<1000x128xf32, #tpu.memory_space<vmem>>, vector<1000x128xf32>
    %get3A_2 = arith.constant 0 : index
    %get3A_3 = arith.constant 0 : index
    %get3A_4 = vector.load %arg2[%get3A_2, %get3A_3] : memref<128x64xf32, #tpu.memory_space<vmem>>, vector<128x64xf32>
    %dot_general3A = arith.constant dense<0.000000e+00> : vector<1000x64xf32>
    %dot_general3A_5 = tpu.matmul %get3A_1, %get3A_4, %dot_general3A {dimension_numbers = #tpu.dot_dimension_numbers<[1], [0], [0], [1], [0, 0, 1, 1], [], []>, transpose_lhs_hint = false} : vector<1000x128xf32>, vector<128x64xf32>, vector<1000x64xf32> -> vector<1000x64xf32>
    %get3A_6 = arith.constant 0 : index
    %get3A_7 = arith.constant 0 : index
    %get3A_8 = vector.load %arg3[%get3A_6, %get3A_7] : memref<1x64xf32, #tpu.memory_space<vmem>>, vector<1x64xf32>
    %get3A_9 = vector.shape_cast %get3A_8 : vector<1x64xf32> to vector<64xf32>
    %broadcast_in_dim3A = vector.shape_cast %get3A_9 : vector<64xf32> to vector<1x64xf32>
    %add3A = vector.broadcast %broadcast_in_dim3A : vector<1x64xf32> to vector<1000x64xf32>
    %add3A_10 = arith.addf %dot_general3A_5, %add3A : vector<1000x64xf32>
    %swap3A = arith.constant 0 : index
    %swap3A_11 = arith.constant 0 : index
    %swap3A_12 = vector.load %arg4[%swap3A, %swap3A_11] : memref<1000x64xf32, #tpu.memory_space<vmem>>, vector<1000x64xf32>
    tpu.vector_store %arg4[%swap3A, %swap3A_11], %add3A_10 {strides = array<i32>} : memref<1000x64xf32, #tpu.memory_space<vmem>>, vector<1000x64xf32>,
    return
  }
  func.func @transform_0(%arg0: i32) -> (i32, i32) {
    %c0_i32 = arith.constant 0 : i32
    %c0_i32_0 = arith.constant 0 : i32
    return %arg0, %c0_i32 : i32, i32
  }
  func.func @transform_1(%arg0: i32) -> (i32, i32) {
    %c0_i32 = arith.constant 0 : i32
    %c0_i32_0 = arith.constant 0 : i32
    %c0_i32_1 = arith.constant 0 : i32
    return %c0_i32, %c0_i32_0 : i32, i32
  }
  func.func @transform_2(%arg0: i32) -> (i32, i32) {
    %c0_i32 = arith.constant 0 : i32
    %c0_i32_0 = arith.constant 0 : i32
    %c0_i32_1 = arith.constant 0 : i32
    return %c0_i32, %c0_i32_0 : i32, i32
  }
  func.func @transform_3(%arg0: i32) -> (i32, i32) {
    %c0_i32 = arith.constant 0 : i32
    %c0_i32_0 = arith.constant 0 : i32
    return %arg0, %c0_i32 : i32, i32
  }
}

module attributes {stable_mosaic.version = 14 : i64} {
  func.func @_mm_bias_body(%arg0: i32, %arg1: memref<4000x16xf32, #tpu.memory_space<vmem>>, %arg2: memref<16x64xf32, #tpu.memory_space<vmem>>, %arg3: memref<1x64xf32, #tpu.memory_space<vmem>>, %arg4: memref<4000x64xf32, #tpu.memory_space<vmem>>) attributes {dimension_semantics = [#tpu.dimension_semantics<arbitrary>], iteration_bounds = array<i64: 200>, scalar_prefetch = 0 : i64, scratch_operands = 0 : i64, tpu.core_type = #tpu.core_type<tc>, window_params = [{transform_indices = @transform_0, window_bounds = array<i64: 4000, 16>}, {pipeline_mode = #tpu.pipeline_mode<synchronous>, transform_indices = @transform_1, window_bounds = array<i64: 16, 64>}, {pipeline_mode = #tpu.pipeline_mode<synchronous>, transform_indices = @transform_2, window_bounds = array<i64: 1, 64>}, {transform_indices = @transform_3, window_bounds = array<i64: 4000, 64>}]} {
    %get3A = arith.constant 0 : index
    %get3A_0 = arith.constant 0 : index
    %get3A_1 = vector.load %arg1[%get3A, %get3A_0] : memref<4000x16xf32, #tpu.memory_space<vmem>>, vector<4000x16xf32>
    %get3A_2 = arith.constant 0 : index
    %get3A_3 = arith.constant 0 : index
    %get3A_4 = vector.load %arg2[%get3A_2, %get3A_3] : memref<16x64xf32, #tpu.memory_space<vmem>>, vector<16x64xf32>
    %dot_general3A = arith.constant dense<0.000000e+00> : vector<4000x64xf32>
    %dot_general3A_5 = tpu.matmul %get3A_1, %get3A_4, %dot_general3A {dimension_numbers = #tpu.dot_dimension_numbers<[1], [0], [0], [1], [0, 0, 1, 1], [], []>, transpose_lhs_hint = false} : vector<4000x16xf32>, vector<16x64xf32>, vector<4000x64xf32> -> vector<4000x64xf32>
    %get3A_6 = arith.constant 0 : index
    %get3A_7 = arith.constant 0 : index
    %get3A_8 = vector.load %arg3[%get3A_6, %get3A_7] : memref<1x64xf32, #tpu.memory_space<vmem>>, vector<1x64xf32>
    %get3A_9 = vector.shape_cast %get3A_8 : vector<1x64xf32> to vector<64xf32>
    %broadcast_in_dim3A = vector.shape_cast %get3A_9 : vector<64xf32> to vector<1x64xf32>
    %add3A = vector.broadcast %broadcast_in_dim3A : vector<1x64xf32> to vector<4000x64xf32>
    %add3A_10 = arith.addf %dot_general3A_5, %add3A : vector<4000x64xf32>
    %swap3A = arith.constant 0 : index
    %swap3A_11 = arith.constant 0 : index
    %swap3A_12 = vector.load %arg4[%swap3A, %swap3A_11] : memref<4000x64xf32, #tpu.memory_space<vmem>>, vector<4000x64xf32>
    tpu.vector_store %arg4[%swap3A, %swap3A_11], %add3A_10 {strides = array<i32>} : memref<4000x64xf32, #tpu.memory_space<vmem>>, vector<4000x64xf32>,
    return
  }
  func.func @transform_0(%arg0: i32) -> (i32, i32) {
    %c0_i32 = arith.constant 0 : i32
    %c0_i32_0 = arith.constant 0 : i32
    return %arg0, %c0_i32 : i32, i32
  }
  func.func @transform_1(%arg0: i32) -> (i32, i32) {
    %c0_i32 = arith.constant 0 : i32
    %c0_i32_0 = arith.constant 0 : i32
    %c0_i32_1 = arith.constant 0 : i32
    return %c0_i32, %c0_i32_0 : i32, i32
  }
  func.func @transform_2(%arg0: i32) -> (i32, i32) {
    %c0_i32 = arith.constant 0 : i32
    %c0_i32_0 = arith.constant 0 : i32
    %c0_i32_1 = arith.constant 0 : i32
    return %c0_i32, %c0_i32_0 : i32, i32
  }
  func.func @transform_3(%arg0: i32) -> (i32, i32) {
    %c0_i32 = arith.constant 0 : i32
    %c0_i32_0 = arith.constant 0 : i32
    return %arg0, %c0_i32 : i32, i32
  }
}

module attributes {stable_mosaic.version = 14 : i64} {
  func.func @_mm_bias_body(%arg0: i32, %arg1: memref<4000x64xf32, #tpu.memory_space<vmem>>, %arg2: memref<64x64xf32, #tpu.memory_space<vmem>>, %arg3: memref<1x64xf32, #tpu.memory_space<vmem>>, %arg4: memref<4000x64xf32, #tpu.memory_space<vmem>>) attributes {dimension_semantics = [#tpu.dimension_semantics<arbitrary>], iteration_bounds = array<i64: 200>, scalar_prefetch = 0 : i64, scratch_operands = 0 : i64, tpu.core_type = #tpu.core_type<tc>, window_params = [{transform_indices = @transform_0, window_bounds = array<i64: 4000, 64>}, {pipeline_mode = #tpu.pipeline_mode<synchronous>, transform_indices = @transform_1, window_bounds = array<i64: 64, 64>}, {pipeline_mode = #tpu.pipeline_mode<synchronous>, transform_indices = @transform_2, window_bounds = array<i64: 1, 64>}, {transform_indices = @transform_3, window_bounds = array<i64: 4000, 64>}]} {
    %get3A = arith.constant 0 : index
    %get3A_0 = arith.constant 0 : index
    %get3A_1 = vector.load %arg1[%get3A, %get3A_0] : memref<4000x64xf32, #tpu.memory_space<vmem>>, vector<4000x64xf32>
    %get3A_2 = arith.constant 0 : index
    %get3A_3 = arith.constant 0 : index
    %get3A_4 = vector.load %arg2[%get3A_2, %get3A_3] : memref<64x64xf32, #tpu.memory_space<vmem>>, vector<64x64xf32>
    %dot_general3A = arith.constant dense<0.000000e+00> : vector<4000x64xf32>
    %dot_general3A_5 = tpu.matmul %get3A_1, %get3A_4, %dot_general3A {dimension_numbers = #tpu.dot_dimension_numbers<[1], [0], [0], [1], [0, 0, 1, 1], [], []>, transpose_lhs_hint = false} : vector<4000x64xf32>, vector<64x64xf32>, vector<4000x64xf32> -> vector<4000x64xf32>
    %get3A_6 = arith.constant 0 : index
    %get3A_7 = arith.constant 0 : index
    %get3A_8 = vector.load %arg3[%get3A_6, %get3A_7] : memref<1x64xf32, #tpu.memory_space<vmem>>, vector<1x64xf32>
    %get3A_9 = vector.shape_cast %get3A_8 : vector<1x64xf32> to vector<64xf32>
    %broadcast_in_dim3A = vector.shape_cast %get3A_9 : vector<64xf32> to vector<1x64xf32>
    %add3A = vector.broadcast %broadcast_in_dim3A : vector<1x64xf32> to vector<4000x64xf32>
    %add3A_10 = arith.addf %dot_general3A_5, %add3A : vector<4000x64xf32>
    %swap3A = arith.constant 0 : index
    %swap3A_11 = arith.constant 0 : index
    %swap3A_12 = vector.load %arg4[%swap3A, %swap3A_11] : memref<4000x64xf32, #tpu.memory_space<vmem>>, vector<4000x64xf32>
    tpu.vector_store %arg4[%swap3A, %swap3A_11], %add3A_10 {strides = array<i32>} : memref<4000x64xf32, #tpu.memory_space<vmem>>, vector<4000x64xf32>,
    return
  }
  func.func @transform_0(%arg0: i32) -> (i32, i32) {
    %c0_i32 = arith.constant 0 : i32
    %c0_i32_0 = arith.constant 0 : i32
    return %arg0, %c0_i32 : i32, i32
  }
  func.func @transform_1(%arg0: i32) -> (i32, i32) {
    %c0_i32 = arith.constant 0 : i32
    %c0_i32_0 = arith.constant 0 : i32
    %c0_i32_1 = arith.constant 0 : i32
    return %c0_i32, %c0_i32_0 : i32, i32
  }
  func.func @transform_2(%arg0: i32) -> (i32, i32) {
    %c0_i32 = arith.constant 0 : i32
    %c0_i32_0 = arith.constant 0 : i32
    %c0_i32_1 = arith.constant 0 : i32
    return %c0_i32, %c0_i32_0 : i32, i32
  }
  func.func @transform_3(%arg0: i32) -> (i32, i32) {
    %c0_i32 = arith.constant 0 : i32
    %c0_i32_0 = arith.constant 0 : i32
    return %arg0, %c0_i32 : i32, i32
  }
}

module attributes {stable_mosaic.version = 14 : i64} {
  func.func @_nodeA_body(%arg0: i32, %arg1: memref<1000x64xf32, #tpu.memory_space<vmem>>, %arg2: memref<1000x64xf32, #tpu.memory_space<vmem>>, %arg3: memref<64x64xf32, #tpu.memory_space<vmem>>, %arg4: memref<1x64xf32, #tpu.memory_space<vmem>>, %arg5: memref<64x64xf32, #tpu.memory_space<vmem>>, %arg6: memref<1x64xf32, #tpu.memory_space<vmem>>, %arg7: memref<1000x64xf32, #tpu.memory_space<vmem>>, %arg8: memref<2x64xf32, #tpu.memory_space<vmem>>) attributes {dimension_semantics = [#tpu.dimension_semantics<arbitrary>], iteration_bounds = array<i64: 50>, scalar_prefetch = 0 : i64, scratch_operands = 0 : i64, tpu.core_type = #tpu.core_type<tc>, window_params = [{transform_indices = @transform_0, window_bounds = array<i64: 1000, 64>}, {transform_indices = @transform_1, window_bounds = array<i64: 1000, 64>}, {pipeline_mode = #tpu.pipeline_mode<synchronous>, transform_indices = @transform_2, window_bounds = array<i64: 64, 64>}, {pipeline_mode = #tpu.pipeline_mode<synchronous>, transform_indices = @transform_3, window_bounds = array<i64: 1, 64>}, {pipeline_mode = #tpu.pipeline_mode<synchronous>, transform_indices = @transform_4, window_bounds = array<i64: 64, 64>}, {pipeline_mode = #tpu.pipeline_mode<synchronous>, transform_indices = @transform_5, window_bounds = array<i64: 1, 64>}, {transform_indices = @transform_6, window_bounds = array<i64: 1000, 64>}, {pipeline_mode = #tpu.pipeline_mode<synchronous>, transform_indices = @transform_7, window_bounds = array<i64: 2, 64>}]} {
    %get3A = arith.constant 0 : index
    %get3A_0 = arith.constant 0 : index
    %get3A_1 = vector.load %arg1[%get3A, %get3A_0] : memref<1000x64xf32, #tpu.memory_space<vmem>>, vector<1000x64xf32>
    %get3A_2 = arith.constant 0 : index
    %get3A_3 = arith.constant 0 : index
    %get3A_4 = vector.load %arg2[%get3A_2, %get3A_3] : memref<1000x64xf32, #tpu.memory_space<vmem>>, vector<1000x64xf32>
    %add3A = arith.addf %get3A_1, %get3A_4 : vector<1000x64xf32>
    %get3A_5 = arith.constant 0 : index
    %get3A_6 = arith.constant 0 : index
    %get3A_7 = vector.load %arg3[%get3A_5, %get3A_6] : memref<64x64xf32, #tpu.memory_space<vmem>>, vector<64x64xf32>
    %dot_general3A = arith.constant dense<0.000000e+00> : vector<1000x64xf32>
    %dot_general3A_8 = tpu.matmul %add3A, %get3A_7, %dot_general3A {dimension_numbers = #tpu.dot_dimension_numbers<[1], [0], [0], [1], [0, 0, 1, 1], [], []>, transpose_lhs_hint = false} : vector<1000x64xf32>, vector<64x64xf32>, vector<1000x64xf32> -> vector<1000x64xf32>
    %get3A_9 = arith.constant 0 : index
    %get3A_10 = arith.constant 0 : index
    %get3A_11 = vector.load %arg4[%get3A_9, %get3A_10] : memref<1x64xf32, #tpu.memory_space<vmem>>, vector<1x64xf32>
    %get3A_12 = vector.shape_cast %get3A_11 : vector<1x64xf32> to vector<64xf32>
    %broadcast_in_dim3A = vector.shape_cast %get3A_12 : vector<64xf32> to vector<1x64xf32>
    %add3A_13 = vector.broadcast %broadcast_in_dim3A : vector<1x64xf32> to vector<1000x64xf32>
    %add3A_14 = arith.addf %dot_general3A_8, %add3A_13 : vector<1000x64xf32>
    %max3A = arith.constant 0.000000e+00 : f32
    %max3A_15 = vector.broadcast %max3A : f32 to vector<1000x64xf32>
    %max3A_16 = arith.maximumf %add3A_14, %max3A_15 : vector<1000x64xf32>
    %get3A_17 = arith.constant 0 : index
    %get3A_18 = arith.constant 0 : index
    %get3A_19 = vector.load %arg5[%get3A_17, %get3A_18] : memref<64x64xf32, #tpu.memory_space<vmem>>, vector<64x64xf32>
    %dot_general3A_20 = arith.constant dense<0.000000e+00> : vector<1000x64xf32>
    %dot_general3A_21 = tpu.matmul %max3A_16, %get3A_19, %dot_general3A_20 {dimension_numbers = #tpu.dot_dimension_numbers<[1], [0], [0], [1], [0, 0, 1, 1], [], []>, transpose_lhs_hint = false} : vector<1000x64xf32>, vector<64x64xf32>, vector<1000x64xf32> -> vector<1000x64xf32>
    %get3A_22 = arith.constant 0 : index
    %get3A_23 = arith.constant 0 : index
    %get3A_24 = vector.load %arg6[%get3A_22, %get3A_23] : memref<1x64xf32, #tpu.memory_space<vmem>>, vector<1x64xf32>
    %get3A_25 = vector.shape_cast %get3A_24 : vector<1x64xf32> to vector<64xf32>
    %broadcast_in_dim3A_26 = vector.shape_cast %get3A_25 : vector<64xf32> to vector<1x64xf32>
    %add3A_27 = vector.broadcast %broadcast_in_dim3A_26 : vector<1x64xf32> to vector<1000x64xf32>
    %add3A_28 = arith.addf %dot_general3A_21, %add3A_27 : vector<1000x64xf32>
    %swap3A = arith.constant 0 : index
    %swap3A_29 = arith.constant 0 : index
    %swap3A_30 = vector.load %arg7[%swap3A, %swap3A_29] : memref<1000x64xf32, #tpu.memory_space<vmem>>, vector<1000x64xf32>
    tpu.vector_store %arg7[%swap3A, %swap3A_29], %add3A_28 {strides = array<i32>} : memref<1000x64xf32, #tpu.memory_space<vmem>>, vector<1000x64xf32>,
    %eq3A = arith.constant 0 : i32
    %eq3A_31 = arith.cmpi eq, %arg0, %eq3A : i32
    %convert_element_type3A = arith.extui %eq3A_31 : i1 to i32
    %cond3A = arith.constant 0 : i32
    %cond3A_32 = arith.cmpi ne, %convert_element_type3A, %cond3A : i32
    scf.if %cond3A_32 {
      %broadcast_in_dim3A_45 = arith.constant 0.000000e+00 : f32
      %broadcast_in_dim3A_46 = vector.broadcast %broadcast_in_dim3A_45 : f32 to vector<2x64xf32>
      %swap3A_47 = arith.constant 0 : index
      %swap3A_48 = arith.constant 0 : index
      %swap3A_49 = vector.load %arg8[%swap3A_47, %swap3A_48] : memref<2x64xf32, #tpu.memory_space<vmem>>, vector<2x64xf32>
      tpu.vector_store %arg8[%swap3A_47, %swap3A_48], %broadcast_in_dim3A_46 {strides = array<i32>} : memref<2x64xf32, #tpu.memory_space<vmem>>, vector<2x64xf32>,
    } else {
    }
    %reduce_sum3A = arith.constant dense<0.000000e+00> : vector<64xf32>
    %reduce_sum3A_33 = vector.multi_reduction <add>, %add3A_28, %reduce_sum3A [0] : vector<1000x64xf32> to vector<64xf32>
    %broadcast_in_dim3A_34 = vector.shape_cast %reduce_sum3A_33 : vector<64xf32> to vector<1x64xf32>
    %mul3A = arith.mulf %add3A_28, %add3A_28 : vector<1000x64xf32>
    %reduce_sum3A_35 = arith.constant dense<0.000000e+00> : vector<64xf32>
    %reduce_sum3A_36 = vector.multi_reduction <add>, %mul3A, %reduce_sum3A_35 [0] : vector<1000x64xf32> to vector<64xf32>
    %broadcast_in_dim3A_37 = vector.shape_cast %reduce_sum3A_36 : vector<64xf32> to vector<1x64xf32>
    %concatenate3A = tpu.concatenate %broadcast_in_dim3A_34, %broadcast_in_dim3A_37 in 0 : vector<1x64xf32>, vector<1x64xf32> -> vector<2x64xf32>
    %get3A_38 = arith.constant 0 : index
    %get3A_39 = arith.constant 0 : index
    %get3A_40 = vector.load %arg8[%get3A_38, %get3A_39] : memref<2x64xf32, #tpu.memory_space<vmem>>, vector<2x64xf32>
    %add3A_41 = arith.addf %get3A_40, %concatenate3A : vector<2x64xf32>
    %swap3A_42 = arith.constant 0 : index
    %swap3A_43 = arith.constant 0 : index
    %swap3A_44 = vector.load %arg8[%swap3A_42, %swap3A_43] : memref<2x64xf32, #tpu.memory_space<vmem>>, vector<2x64xf32>
    tpu.vector_store %arg8[%swap3A_42, %swap3A_43], %add3A_41 {strides = array<i32>} : memref<2x64xf32, #tpu.memory_space<vmem>>, vector<2x64xf32>,
    return
  }
  func.func @transform_0(%arg0: i32) -> (i32, i32) {
    %c0_i32 = arith.constant 0 : i32
    %c0_i32_0 = arith.constant 0 : i32
    return %arg0, %c0_i32 : i32, i32
  }
  func.func @transform_1(%arg0: i32) -> (i32, i32) {
    %c0_i32 = arith.constant 0 : i32
    %c0_i32_0 = arith.constant 0 : i32
    return %arg0, %c0_i32 : i32, i32
  }
  func.func @transform_2(%arg0: i32) -> (i32, i32) {
    %c0_i32 = arith.constant 0 : i32
    %c0_i32_0 = arith.constant 0 : i32
    %c0_i32_1 = arith.constant 0 : i32
    return %c0_i32, %c0_i32_0 : i32, i32
  }
  func.func @transform_3(%arg0: i32) -> (i32, i32) {
    %c0_i32 = arith.constant 0 : i32
    %c0_i32_0 = arith.constant 0 : i32
    %c0_i32_1 = arith.constant 0 : i32
    return %c0_i32, %c0_i32_0 : i32, i32
  }
  func.func @transform_4(%arg0: i32) -> (i32, i32) {
    %c0_i32 = arith.constant 0 : i32
    %c0_i32_0 = arith.constant 0 : i32
    %c0_i32_1 = arith.constant 0 : i32
    return %c0_i32, %c0_i32_0 : i32, i32
  }
  func.func @transform_5(%arg0: i32) -> (i32, i32) {
    %c0_i32 = arith.constant 0 : i32
    %c0_i32_0 = arith.constant 0 : i32
    %c0_i32_1 = arith.constant 0 : i32
    return %c0_i32, %c0_i32_0 : i32, i32
  }
  func.func @transform_6(%arg0: i32) -> (i32, i32) {
    %c0_i32 = arith.constant 0 : i32
    %c0_i32_0 = arith.constant 0 : i32
    return %arg0, %c0_i32 : i32, i32
  }
  func.func @transform_7(%arg0: i32) -> (i32, i32) {
    %c0_i32 = arith.constant 0 : i32
    %c0_i32_0 = arith.constant 0 : i32
    %c0_i32_1 = arith.constant 0 : i32
    return %c0_i32, %c0_i32_0 : i32, i32
  }
}

module attributes {stable_mosaic.version = 14 : i64} {
  func.func @_nodeB_body(%arg0: i32, %arg1: memref<1000x64xf32, #tpu.memory_space<vmem>>, %arg2: memref<1000x64xf32, #tpu.memory_space<vmem>>, %arg3: memref<2x64xf32, #tpu.memory_space<vmem>>, %arg4: memref<2x64xf32, #tpu.memory_space<vmem>>, %arg5: memref<64x64xf32, #tpu.memory_space<vmem>>, %arg6: memref<64x64xf32, #tpu.memory_space<vmem>>, %arg7: memref<1000x64xf32, #tpu.memory_space<vmem>>, %arg8: memref<1000x64xf32, #tpu.memory_space<vmem>>, %arg9: memref<1000x64xf32, #tpu.memory_space<vmem>>) attributes {dimension_semantics = [#tpu.dimension_semantics<arbitrary>], iteration_bounds = array<i64: 50>, scalar_prefetch = 0 : i64, scratch_operands = 0 : i64, tpu.core_type = #tpu.core_type<tc>, window_params = [{transform_indices = @transform_0, window_bounds = array<i64: 1000, 64>}, {transform_indices = @transform_1, window_bounds = array<i64: 1000, 64>}, {pipeline_mode = #tpu.pipeline_mode<synchronous>, transform_indices = @transform_2, window_bounds = array<i64: 2, 64>}, {pipeline_mode = #tpu.pipeline_mode<synchronous>, transform_indices = @transform_3, window_bounds = array<i64: 2, 64>}, {pipeline_mode = #tpu.pipeline_mode<synchronous>, transform_indices = @transform_4, window_bounds = array<i64: 64, 64>}, {pipeline_mode = #tpu.pipeline_mode<synchronous>, transform_indices = @transform_5, window_bounds = array<i64: 64, 64>}, {transform_indices = @transform_6, window_bounds = array<i64: 1000, 64>}, {transform_indices = @transform_7, window_bounds = array<i64: 1000, 64>}, {transform_indices = @transform_8, window_bounds = array<i64: 1000, 64>}]} {
    %get3A = arith.constant 0 : index
    %get3A_0 = arith.constant 0 : index
    %get3A_1 = vector.load %arg3[%get3A, %get3A_0] : memref<2x64xf32, #tpu.memory_space<vmem>>, vector<2x64xf32>
    %slice3A = vector.extract_strided_slice %get3A_1 {offsets = [0, 0], sizes = [1, 64], strides = [1, 1]} : vector<2x64xf32> to vector<1x64xf32>
    %div3A = arith.constant 5.000000e+04 : f32
    %div3A_2 = vector.broadcast %div3A : f32 to vector<1x64xf32>
    %div3A_3 = arith.divf %slice3A, %div3A_2 : vector<1x64xf32>
    %slice3A_4 = vector.extract_strided_slice %get3A_1 {offsets = [1, 0], sizes = [1, 64], strides = [1, 1]} : vector<2x64xf32> to vector<1x64xf32>
    %div3A_5 = arith.constant 5.000000e+04 : f32
    %div3A_6 = vector.broadcast %div3A_5 : f32 to vector<1x64xf32>
    %div3A_7 = arith.divf %slice3A_4, %div3A_6 : vector<1x64xf32>
    %mul3A = arith.mulf %div3A_3, %div3A_3 : vector<1x64xf32>
    %sub3A = arith.subf %div3A_7, %mul3A : vector<1x64xf32>
    %get3A_8 = arith.constant 0 : index
    %get3A_9 = arith.constant 0 : index
    %get3A_10 = vector.load %arg2[%get3A_8, %get3A_9] : memref<1000x64xf32, #tpu.memory_space<vmem>>, vector<1000x64xf32>
    %sub3A_11 = vector.broadcast %div3A_3 : vector<1x64xf32> to vector<1000x64xf32>
    %sub3A_12 = arith.subf %get3A_10, %sub3A_11 : vector<1000x64xf32>
    %add3A = arith.constant 9.99999974E-6 : f32
    %add3A_13 = vector.broadcast %add3A : f32 to vector<1x64xf32>
    %add3A_14 = arith.addf %sub3A, %add3A_13 : vector<1x64xf32>
    %rsqrt3A = math.rsqrt %add3A_14 : vector<1x64xf32>
    %mul3A_15 = vector.broadcast %rsqrt3A : vector<1x64xf32> to vector<1000x64xf32>
    %mul3A_16 = arith.mulf %sub3A_12, %mul3A_15 : vector<1000x64xf32>
    %get3A_17 = arith.constant 0 : index
    %get3A_18 = arith.constant 0 : index
    %get3A_19 = vector.load %arg4[%get3A_17, %get3A_18] : memref<2x64xf32, #tpu.memory_space<vmem>>, vector<1x64xf32>
    %mul3A_20 = vector.broadcast %get3A_19 : vector<1x64xf32> to vector<1000x64xf32>
    %mul3A_21 = arith.mulf %mul3A_16, %mul3A_20 : vector<1000x64xf32>
    %get3A_22 = arith.constant 1 : index
    %get3A_23 = arith.constant 0 : index
    %get3A_24 = vector.load %arg4[%get3A_22, %get3A_23] : memref<2x64xf32, #tpu.memory_space<vmem>>, vector<1x64xf32>
    %add3A_25 = vector.broadcast %get3A_24 : vector<1x64xf32> to vector<1000x64xf32>
    %add3A_26 = arith.addf %mul3A_21, %add3A_25 : vector<1000x64xf32>
    %get3A_27 = arith.constant 0 : index
    %get3A_28 = arith.constant 0 : index
    %get3A_29 = vector.load %arg1[%get3A_27, %get3A_28] : memref<1000x64xf32, #tpu.memory_space<vmem>>, vector<1000x64xf32>
    %max3A = arith.constant 0.000000e+00 : f32
    %max3A_30 = vector.broadcast %max3A : f32 to vector<1000x64xf32>
    %max3A_31 = arith.maximumf %add3A_26, %max3A_30 : vector<1000x64xf32>
    %add3A_32 = arith.addf %get3A_29, %max3A_31 : vector<1000x64xf32>
    %mul3A_33 = arith.constant 5.000000e-01 : f32
    %mul3A_34 = vector.broadcast %mul3A_33 : f32 to vector<1000x64xf32>
    %mul3A_35 = arith.mulf %add3A_32, %mul3A_34 : vector<1000x64xf32>
    %swap3A = arith.constant 0 : index
    %swap3A_36 = arith.constant 0 : index
    %swap3A_37 = vector.load %arg7[%swap3A, %swap3A_36] : memref<1000x64xf32, #tpu.memory_space<vmem>>, vector<1000x64xf32>
    tpu.vector_store %arg7[%swap3A, %swap3A_36], %mul3A_35 {strides = array<i32>} : memref<1000x64xf32, #tpu.memory_space<vmem>>, vector<1000x64xf32>,
    %get3A_38 = arith.constant 0 : index
    %get3A_39 = arith.constant 0 : index
    %get3A_40 = vector.load %arg5[%get3A_38, %get3A_39] : memref<64x64xf32, #tpu.memory_space<vmem>>, vector<64x64xf32>
    %dot_general3A = arith.constant dense<0.000000e+00> : vector<1000x64xf32>
    %dot_general3A_41 = tpu.matmul %mul3A_35, %get3A_40, %dot_general3A {dimension_numbers = #tpu.dot_dimension_numbers<[1], [0], [0], [1], [0, 0, 1, 1], [], []>, transpose_lhs_hint = false} : vector<1000x64xf32>, vector<64x64xf32>, vector<1000x64xf32> -> vector<1000x64xf32>
    %swap3A_42 = arith.constant 0 : index
    %swap3A_43 = arith.constant 0 : index
    %swap3A_44 = vector.load %arg8[%swap3A_42, %swap3A_43] : memref<1000x64xf32, #tpu.memory_space<vmem>>, vector<1000x64xf32>
    tpu.vector_store %arg8[%swap3A_42, %swap3A_43], %dot_general3A_41 {strides = array<i32>} : memref<1000x64xf32, #tpu.memory_space<vmem>>, vector<1000x64xf32>,
    %get3A_45 = arith.constant 0 : index
    %get3A_46 = arith.constant 0 : index
    %get3A_47 = vector.load %arg6[%get3A_45, %get3A_46] : memref<64x64xf32, #tpu.memory_space<vmem>>, vector<64x64xf32>
    %dot_general3A_48 = arith.constant dense<0.000000e+00> : vector<1000x64xf32>
    %dot_general3A_49 = tpu.matmul %mul3A_35, %get3A_47, %dot_general3A_48 {dimension_numbers = #tpu.dot_dimension_numbers<[1], [0], [0], [1], [0, 0, 1, 1], [], []>, transpose_lhs_hint = false} : vector<1000x64xf32>, vector<64x64xf32>, vector<1000x64xf32> -> vector<1000x64xf32>
    %swap3A_50 = arith.constant 0 : index
    %swap3A_51 = arith.constant 0 : index
    %swap3A_52 = vector.load %arg9[%swap3A_50, %swap3A_51] : memref<1000x64xf32, #tpu.memory_space<vmem>>, vector<1000x64xf32>
    tpu.vector_store %arg9[%swap3A_50, %swap3A_51], %dot_general3A_49 {strides = array<i32>} : memref<1000x64xf32, #tpu.memory_space<vmem>>, vector<1000x64xf32>,
    return
  }
  func.func @transform_0(%arg0: i32) -> (i32, i32) {
    %c0_i32 = arith.constant 0 : i32
    %c0_i32_0 = arith.constant 0 : i32
    return %arg0, %c0_i32 : i32, i32
  }
  func.func @transform_1(%arg0: i32) -> (i32, i32) {
    %c0_i32 = arith.constant 0 : i32
    %c0_i32_0 = arith.constant 0 : i32
    return %arg0, %c0_i32 : i32, i32
  }
  func.func @transform_2(%arg0: i32) -> (i32, i32) {
    %c0_i32 = arith.constant 0 : i32
    %c0_i32_0 = arith.constant 0 : i32
    %c0_i32_1 = arith.constant 0 : i32
    return %c0_i32, %c0_i32_0 : i32, i32
  }
  func.func @transform_3(%arg0: i32) -> (i32, i32) {
    %c0_i32 = arith.constant 0 : i32
    %c0_i32_0 = arith.constant 0 : i32
    %c0_i32_1 = arith.constant 0 : i32
    return %c0_i32, %c0_i32_0 : i32, i32
  }
  func.func @transform_4(%arg0: i32) -> (i32, i32) {
    %c0_i32 = arith.constant 0 : i32
    %c0_i32_0 = arith.constant 0 : i32
    %c0_i32_1 = arith.constant 0 : i32
    return %c0_i32, %c0_i32_0 : i32, i32
  }
  func.func @transform_5(%arg0: i32) -> (i32, i32) {
    %c0_i32 = arith.constant 0 : i32
    %c0_i32_0 = arith.constant 0 : i32
    %c0_i32_1 = arith.constant 0 : i32
    return %c0_i32, %c0_i32_0 : i32, i32
  }
  func.func @transform_6(%arg0: i32) -> (i32, i32) {
    %c0_i32 = arith.constant 0 : i32
    %c0_i32_0 = arith.constant 0 : i32
    return %arg0, %c0_i32 : i32, i32
  }
  func.func @transform_7(%arg0: i32) -> (i32, i32) {
    %c0_i32 = arith.constant 0 : i32
    %c0_i32_0 = arith.constant 0 : i32
    return %arg0, %c0_i32 : i32, i32
  }
  func.func @transform_8(%arg0: i32) -> (i32, i32) {
    %c0_i32 = arith.constant 0 : i32
    %c0_i32_0 = arith.constant 0 : i32
    return %arg0, %c0_i32 : i32, i32
  }
}

module attributes {stable_mosaic.version = 14 : i64} {
  func.func @_edge_body(%arg0: i32, %arg1: memref<4000x64xf32, #tpu.memory_space<vmem>>, %arg2: memref<4000x64xf32, #tpu.memory_space<vmem>>, %arg3: memref<64x64xf32, #tpu.memory_space<vmem>>, %arg4: memref<1x64xf32, #tpu.memory_space<vmem>>, %arg5: memref<64x64xf32, #tpu.memory_space<vmem>>, %arg6: memref<1x64xf32, #tpu.memory_space<vmem>>, %arg7: memref<4000x64xf32, #tpu.memory_space<vmem>>) attributes {dimension_semantics = [#tpu.dimension_semantics<arbitrary>], iteration_bounds = array<i64: 200>, scalar_prefetch = 0 : i64, scratch_operands = 0 : i64, tpu.core_type = #tpu.core_type<tc>, window_params = [{transform_indices = @transform_0, window_bounds = array<i64: 4000, 64>}, {transform_indices = @transform_1, window_bounds = array<i64: 4000, 64>}, {pipeline_mode = #tpu.pipeline_mode<synchronous>, transform_indices = @transform_2, window_bounds = array<i64: 64, 64>}, {pipeline_mode = #tpu.pipeline_mode<synchronous>, transform_indices = @transform_3, window_bounds = array<i64: 1, 64>}, {pipeline_mode = #tpu.pipeline_mode<synchronous>, transform_indices = @transform_4, window_bounds = array<i64: 64, 64>}, {pipeline_mode = #tpu.pipeline_mode<synchronous>, transform_indices = @transform_5, window_bounds = array<i64: 1, 64>}, {transform_indices = @transform_6, window_bounds = array<i64: 4000, 64>}]} {
    %get3A = arith.constant 0 : index
    %get3A_0 = arith.constant 0 : index
    %get3A_1 = vector.load %arg1[%get3A, %get3A_0] : memref<4000x64xf32, #tpu.memory_space<vmem>>, vector<4000x64xf32>
    %get3A_2 = arith.constant 0 : index
    %get3A_3 = arith.constant 0 : index
    %get3A_4 = vector.load %arg2[%get3A_2, %get3A_3] : memref<4000x64xf32, #tpu.memory_space<vmem>>, vector<4000x64xf32>
    %get3A_5 = arith.constant 0 : index
    %get3A_6 = arith.constant 0 : index
    %get3A_7 = vector.load %arg3[%get3A_5, %get3A_6] : memref<64x64xf32, #tpu.memory_space<vmem>>, vector<64x64xf32>
    %dot_general3A = arith.constant dense<0.000000e+00> : vector<4000x64xf32>
    %dot_general3A_8 = tpu.matmul %get3A_4, %get3A_7, %dot_general3A {dimension_numbers = #tpu.dot_dimension_numbers<[1], [0], [0], [1], [0, 0, 1, 1], [], []>, transpose_lhs_hint = false} : vector<4000x64xf32>, vector<64x64xf32>, vector<4000x64xf32> -> vector<4000x64xf32>
    %add3A = arith.addf %get3A_1, %dot_general3A_8 : vector<4000x64xf32>
    %get3A_9 = arith.constant 0 : index
    %get3A_10 = arith.constant 0 : index
    %get3A_11 = vector.load %arg4[%get3A_9, %get3A_10] : memref<1x64xf32, #tpu.memory_space<vmem>>, vector<1x64xf32>
    %get3A_12 = vector.shape_cast %get3A_11 : vector<1x64xf32> to vector<64xf32>
    %broadcast_in_dim3A = vector.shape_cast %get3A_12 : vector<64xf32> to vector<1x64xf32>
    %add3A_13 = vector.broadcast %broadcast_in_dim3A : vector<1x64xf32> to vector<4000x64xf32>
    %add3A_14 = arith.addf %add3A, %add3A_13 : vector<4000x64xf32>
    %max3A = arith.constant 0.000000e+00 : f32
    %max3A_15 = vector.broadcast %max3A : f32 to vector<4000x64xf32>
    %max3A_16 = arith.maximumf %add3A_14, %max3A_15 : vector<4000x64xf32>
    %get3A_17 = arith.constant 0 : index
    %get3A_18 = arith.constant 0 : index
    %get3A_19 = vector.load %arg5[%get3A_17, %get3A_18] : memref<64x64xf32, #tpu.memory_space<vmem>>, vector<64x64xf32>
    %dot_general3A_20 = arith.constant dense<0.000000e+00> : vector<4000x64xf32>
    %dot_general3A_21 = tpu.matmul %max3A_16, %get3A_19, %dot_general3A_20 {dimension_numbers = #tpu.dot_dimension_numbers<[1], [0], [0], [1], [0, 0, 1, 1], [], []>, transpose_lhs_hint = false} : vector<4000x64xf32>, vector<64x64xf32>, vector<4000x64xf32> -> vector<4000x64xf32>
    %get3A_22 = arith.constant 0 : index
    %get3A_23 = arith.constant 0 : index
    %get3A_24 = vector.load %arg6[%get3A_22, %get3A_23] : memref<1x64xf32, #tpu.memory_space<vmem>>, vector<1x64xf32>
    %get3A_25 = vector.shape_cast %get3A_24 : vector<1x64xf32> to vector<64xf32>
    %broadcast_in_dim3A_26 = vector.shape_cast %get3A_25 : vector<64xf32> to vector<1x64xf32>
    %add3A_27 = vector.broadcast %broadcast_in_dim3A_26 : vector<1x64xf32> to vector<4000x64xf32>
    %add3A_28 = arith.addf %dot_general3A_21, %add3A_27 : vector<4000x64xf32>
    %get3A_29 = arith.constant 0 : index
    %get3A_30 = arith.constant 0 : index
    %get3A_31 = vector.load %arg2[%get3A_29, %get3A_30] : memref<4000x64xf32, #tpu.memory_space<vmem>>, vector<4000x64xf32>
    %mul3A = arith.constant 5.000000e-01 : f32
    %mul3A_32 = vector.broadcast %mul3A : f32 to vector<4000x64xf32>
    %mul3A_33 = arith.mulf %add3A_28, %mul3A_32 : vector<4000x64xf32>
    %add3A_34 = arith.addf %get3A_31, %mul3A_33 : vector<4000x64xf32>
    %swap3A = arith.constant 0 : index
    %swap3A_35 = arith.constant 0 : index
    %swap3A_36 = vector.load %arg7[%swap3A, %swap3A_35] : memref<4000x64xf32, #tpu.memory_space<vmem>>, vector<4000x64xf32>
    tpu.vector_store %arg7[%swap3A, %swap3A_35], %add3A_34 {strides = array<i32>} : memref<4000x64xf32, #tpu.memory_space<vmem>>, vector<4000x64xf32>,
    return
  }
  func.func @transform_0(%arg0: i32) -> (i32, i32) {
    %c0_i32 = arith.constant 0 : i32
    %c0_i32_0 = arith.constant 0 : i32
    return %arg0, %c0_i32 : i32, i32
  }
  func.func @transform_1(%arg0: i32) -> (i32, i32) {
    %c0_i32 = arith.constant 0 : i32
    %c0_i32_0 = arith.constant 0 : i32
    return %arg0, %c0_i32 : i32, i32
  }
  func.func @transform_2(%arg0: i32) -> (i32, i32) {
    %c0_i32 = arith.constant 0 : i32
    %c0_i32_0 = arith.constant 0 : i32
    %c0_i32_1 = arith.constant 0 : i32
    return %c0_i32, %c0_i32_0 : i32, i32
  }
  func.func @transform_3(%arg0: i32) -> (i32, i32) {
    %c0_i32 = arith.constant 0 : i32
    %c0_i32_0 = arith.constant 0 : i32
    %c0_i32_1 = arith.constant 0 : i32
    return %c0_i32, %c0_i32_0 : i32, i32
  }
  func.func @transform_4(%arg0: i32) -> (i32, i32) {
    %c0_i32 = arith.constant 0 : i32
    %c0_i32_0 = arith.constant 0 : i32
    %c0_i32_1 = arith.constant 0 : i32
    return %c0_i32, %c0_i32_0 : i32, i32
  }
  func.func @transform_5(%arg0: i32) -> (i32, i32) {
    %c0_i32 = arith.constant 0 : i32
    %c0_i32_0 = arith.constant 0 : i32
    %c0_i32_1 = arith.constant 0 : i32
    return %c0_i32, %c0_i32_0 : i32, i32
  }
  func.func @transform_6(%arg0: i32) -> (i32, i32) {
    %c0_i32 = arith.constant 0 : i32
    %c0_i32_0 = arith.constant 0 : i32
    return %arg0, %c0_i32 : i32, i32
  }
}

</mosaic_0001>

<sc_bundles>
// kernel: kernel.18.cloned.1.call-start
scs
__scs_entry_jumppad:
0x0: {  	(pc) =	sbr.rel $0x88, $3  }
0x1: {  	(tag) =	ssettag $0x0;
	lr =	simm.s32 $0x1  }
0x2: {  	[smem:$0x3F82] =	sst lr;
	_ =	strace $0xD0000000  }
0x3: {  	_ = 	snop  }
0x4: {  	_ = 	snop  }
0x5: {  	_ = 	snop  }
0x6: {  	_ = 	snop  }
0x7: {  	_ = 	snop  }
__scs_overlays_trampoline_lowered:
0x8: {  	[smem:$0x3F91] =	sst s0  }
0x9: {  	[smem:$0x3F92] =	sst s1  }
0xa: {  	[smem:$0x3F93] =	sst s2  }
0xb: {  	[smem:$0x3F94] =	sst s3  }
0xc: {  	[smem:$0x3F95] =	sst s4  }
0xd: {  	[smem:$0x3F96] =	sst s5  }
0xe: {  	[smem:$0x3F97] =	sst s6  }
0xf: {  	[smem:$0x3F98] =	sst s7  }
0x10: {  	[smem:$0x3F99] =	sst s8  }
0x11: {  	[smem:$0x3F9A] =	sst s9;
	s0 =	simm.s32 @!p0 $0x0  }
0x12: {  	s1 =	sld [smem:$0x3F80];
	s0 =	simm.s32 @p0 $0x1  }
0x13: {  	[smem:$0x3F9B] =	sst s0;
	s0 =	simm.s32 @!p1 $0x0  }
0x14: {  	s2 =	sld [smem:$0x3F7F];
	s0 =	simm.s32 @p1 $0x1  }
0x15: {  	[smem:$0x3F9C] =	sst s0;
	s0 =	simm.s32 @!p2 $0x0  }
0x16: {  	s3 =	sld [smem:$0x3FDB];
	s0 =	simm.s32 @p2 $0x1  }
0x17: {  	s4 =	simm.s32 $0x1BF5;
	[smem:$0x3F9E] =	sst s0  }
0x18: {  	s0 =	sld [smem:$0x3F81];
	_ =	swait.ge [sflag:s4], $0x0  }
0x19: {  	s7 =	sld [smem:$0x3F82]  }
0x1a: {  	s8 =	sadd.s32 $0xFFFFE003, lr  }
0x1b: {  	s9 =	sadd.s32 $0xFFFFFEF7, lr;
	s5 =	simm.s32 $0xFFFFFFFF;
	p2 =	slt.u32 s8, $0xFFFFF086  }
0x1c: {  	p1 =	slt.u32 s9, $0xF7A;
	s5 =	simm.s32 @!p2 $0x0  }
0x1d: {  	s5 =	simm.s32 @p1 $0x1;
	p0 =	seq.s32 s7, s2  }
0x1e: {  	s7 =	smul.u32 @!p0 $0xF7A, s2;
	p2 =	seq.s32 @!p0 s5, $0x0  }
0x1f: {  	s9 =	smul.u32 $0xF7A, s1;
	s8 =	simm.s32 @!p0 $0x1BF5;
	p2 =	por !p2, p0  }
0x20: {  	[sflag:s8] =	ssyncset.s32 @!p0 $0xFFFFF086;
	s6 =	sadd.s32 @!p0 s3, s7;
	s7 =	simm.s32 @!p0 $0x108  }
0x21: {  	s3 =	sadd.s32 s3, s9;
	s6 =	sadd.s32 @!p0 $0x88, s6;
	s7 =	simm.s32 @p2 $0x1082  }
0x22: {  	[simem:s7], [sflag:s8] =	dma.local @!p0 [hbm:s6], $0xF7A  }
0x23: {  	s9 =	sor.u32 $0xD0000000, s2;
	s6 =	simm.s32 $0x108;
	_ =	swait.ge @!p0 [sflag:s8], $0x0  }
0x24: {  	s3 =	sadd.s32 $0x88, s3;
	s6 =	simm.s32 @!p1 $0x1082;
	[sflag:s4] =	ssyncset.s32 $0xFFFFF086  }
0x25: {  	[simem:s6], [sflag:s4] =	dma.local [hbm:s3], $0xF7A  }
0x26: {  	[smem:$0x3F82] =	sst s1;
	(tag) =	ssettag s2;
	_ =	strace s9  }
0x27: {  	s1 =	sld [smem:$0x3F92]  }
0x28: {  	s2 =	sld [smem:$0x3F93]  }
0x29: {  	s4 =	sld [smem:$0x3F95]  }
0x2a: {  	p0 =	seq.s32 s5, $0x0;
	s5 =	sld [smem:$0x3F96]  }
0x2b: {  	s6 =	sld [smem:$0x3F97]  }
0x2c: {  	s7 =	sld [smem:$0x3F98]  }
0x2d: {  	s3 =	simm.s32 $0x108;
	s8 =	sld [smem:$0x3F99]  }
0x2e: {  	s3 =	simm.s32 @!p0 $0x1082;
	s9 =	sld [smem:$0x3F9A]  }
0x2f: {  	lr =	sadd.s32 s0, s3;
	s0 =	sld [smem:$0x3F91]  }
0x30: {  	s3 =	sld [smem:$0x3F94]  }
0x31: {  	[smem:$0x3F9D] =	sst s10  }
0x32: {  	s10 =	sld [smem:$0x3F9B];
	_ =	sdelay $0x3  }
0x33: {  	p0 =	seq.s32 s10, $0x1;
	s10 =	sld [smem:$0x3F9D];
	_ =	sdelay $0x3  }
0x34: {  	[smem:$0x3F9D] =	sst s10  }
0x35: {  	s10 =	sld [smem:$0x3F9C];
	_ =	sdelay $0x3  }
0x36: {  	p1 =	seq.s32 s10, $0x1;
	s10 =	sld [smem:$0x3F9D];
	_ =	sdelay $0x3  }
0x37: {  	[smem:$0x3F9D] =	sst s10  }
0x38: {  	s10 =	sld [smem:$0x3F9E]  }
0x39: {  	_ = 	snop;
	(pc) =	sbr.ind lr, $3  }
0x3a: {  	_ = 	snop  }
0x3b: {  	_ = 	snop  }
0x3c: {  	p2 =	seq.s32 s10, $0x1;
	s10 =	sld [smem:$0x3F9D]  }
0x3d: {  	_ =	shalt  }
0x3e: {  	_ =	shalt  }
0x3f: {  	_ =	shalt  }
0x40: {  	_ =	shalt  }
0x41: {  	_ =	shalt  }
0x42: {  	_ =	shalt  }
0x43: {  	_ =	shalt  }
0x44: {  	_ =	shalt  }
0x45: {  	_ =	shalt  }
0x46: {  	_ =	shalt  }
0x47: {  	_ =	shalt  }
0x48: {  	_ =	shalt  }
0x49: {  	_ =	shalt  }
0x4a: {  	_ =	shalt  }
0x4b: {  	_ =	shalt  }
0x4c: {  	_ =	shalt  }
0x4d: {  	_ =	shalt  }
0x4e: {  	_ =	shalt  }
0x4f: {  	_ =	shalt  }
0x50: {  	_ =	shalt  }
0x51: {  	_ =	shalt  }
0x52: {  	_ =	shalt  }
0x53: {  	_ =	shalt  }
0x54: {  	_ =	shalt  }
0x55: {  	_ =	shalt  }
0x56: {  	_ =	shalt  }
0x57: {  	_ =	shalt  }
0x58: {  	_ =	shalt  }
0x59: {  	_ =	shalt  }
0x5a: {  	_ =	shalt  }
0x5b: {  	_ =	shalt  }
0x5c: {  	_ =	shalt  }
0x5d: {  	_ =	shalt  }
0x5e: {  	_ =	shalt  }
0x5f: {  	_ =	shalt  }
0x60: {  	_ =	shalt  }
0x61: {  	_ =	shalt  }
0x62: {  	_ =	shalt  }
0x63: {  	_ =	shalt  }
0x64: {  	_ =	shalt  }
0x65: {  	_ =	shalt  }
0x66: {  	_ =	shalt  }
0x67: {  	_ =	shalt  }
0x68: {  	_ =	shalt  }
0x69: {  	_ =	shalt  }
0x6a: {  	_ =	shalt  }
0x6b: {  	_ =	shalt  }
0x6c: {  	_ =	shalt  }
0x6d: {  	_ =	shalt  }
0x6e: {  	_ =	shalt  }
0x6f: {  	_ =	shalt  }
0x70: {  	_ =	shalt  }
0x71: {  	_ =	shalt  }
0x72: {  	_ =	shalt  }
0x73: {  	_ =	shalt  }
0x74: {  	_ =	shalt  }
0x75: {  	_ =	shalt  }
0x76: {  	_ =	shalt  }
0x77: {  	_ =	shalt  }
0x78: {  	_ =	shalt  }
0x79: {  	_ =	shalt  }
0x7a: {  	_ =	shalt  }
0x7b: {  	_ =	shalt  }
0x7c: {  	_ =	shalt  }
0x7d: {  	_ =	shalt  }
0x7e: {  	_ =	shalt  }
0x7f: {  	_ =	shalt  }
0x80: {  	_ =	shalt  }
0x81: {  	_ =	shalt  }
0x82: {  	_ =	shalt  }
0x83: {  	_ =	shalt  }
0x84: {  	_ =	shalt  }
0x85: {  	_ =	shalt  }
0x86: {  	_ =	shalt  }
0x87: {  	_ =	shalt  }
.Lfunc_end0:
.L_simem_size_0:
called_computation_lowered:
.L_overlay_start_0:
0x88: {  	s2 =	sld [smem:$0x3FD9]  }
0x89: {  	s3 =	sld [smem:$0x3FFE];
	_ =	sdelay $0x1  }
0x8a: {  	s1 =	srdreg.scid  }
0x8b: {  	s0 =	sand.u32 $0x1, s1  }
0x8c: {  	s14 =	sshll.u32 s0, $0xA;
	s2 =	sadd.s32 s3, s2  }
0x8d: {  	s2 =	sadd.s32 s2, s14  }
0x8e: {  	[smem:$0x3FA9] =	sst s2  }
0x8f: {  	_ = 	snop  }
0x90: {  	s2 =	sld [smem:$0x3FD0];
	_ =	sdelay $0x2  }
0x91: {  	s15 =	simm.s32 $0xA;
	s4 =	simm.s32 $0x10  }
0x92: {  	[smem:s4], [sflag:s15] =	dma.local [hbm:s2], $0x1  }
0x93: {  	_ =	swait.eq [sflag:s15], $0x1  }
0x94: {  	[sflag:s15] =	ssyncset.done $0x0  }
0x95: {  	s16 =	sld [smem:$0x10];
	[sflag:s15] =	ssyncadd.s32 $0xFFFFFFFF  }
0x96: {  	s17 =	sld [smem:$0x11];
	(tm) =	ssettm $0x1  }
0x97: {  	s18 =	sld [smem:$0x3FFB];
	_ =	sdelay $0x3  }
0x98: {  	_ =	strace s18  }
0x99: {  	s4 =	sld [smem:$0x3FFC];
	_ =	sdelay $0x3  }
0x9a: {  	_ =	strace s4  }
0x9b: {  	s4 =	sld [smem:$0x3FFD];
	_ =	sdelay $0x3  }
0x9c: {  	_ =	strace s4  }
0x9d: {  	_ =	strace $0x8FFFFFFF  }
0x9e: {  	s19 =	sld [smem:$0x3FDB];
	_ =	sdelay $0x1  }
0x9f: {  	s5 =	simm.s32 $_scs_section_size  }
0xa0: {  	s6 =	simm.s32 $_size__tile_overlayer_lowered;
	s7 =	simm.s32 $_tile_overlayer_lowered  }
0xa1: {  	s22 =	simm.s32 $0x1BFF;
	s21 =	sshll.u32 s7, $0x1;
	s4 =	sadd.s32 s5, s19  }
0xa2: {  	s8 =	simm.s32 $0x0;
	s20 =	sshll.u32 s6, $0x1;
	s6 =	sadd.s32 s21, s4  }
0xa3: {  	[timem:s8], [sflag:s22] =	dma.local [hbm:s6], s20  }
0xa4: {  	_ =	swait.ge [sflag:s22], s20  }
0xa5: {  	s5 =	ssub.s32 $0x0, s20;
	[sflag:s22] =	ssyncset.done $0x0  }
0xa6: {  	[sflag:s22] =	ssyncadd.s32 s5;
	_ =	sdelay $0x1  }
0xa7: {  	s23 =	simm.s32 $0x1B8B  }
0xa8: {  	_ =	swait.ge [sflag:s23], $0x1  }
0xa9: {  	[sflag:s23] =	ssyncset.done $0x0  }
0xaa: {  	s25 =	simm.s32 $0x1B8E;
	s24 =	sld [smem:$0x3FFE];
	[sflag:s23] =	ssyncadd.s32 $0xFFFFFFFF  }
0xab: {  	s26 =	simm.s32 $execute0_lowered;
	[smem:$0x3FD2] =	sst s25  }
0xac: {  	s6 =	sshll.u32 s26, $0x1;
	_ =	strace $0x80000046;
	[dreg:$0x1] =	wrdreg $0xFFFFFFFF  }
0xad: {  	s28 =	simm.s32 $_size_execute0_lowered;
	s4 =	sadd.s32 s4, s6;
	[dreg:$0x0] =	wrdreg $0x0  }
0xae: {  	s6 =	sshll.u32 s28, $0x1;
	[dreg:$0x2] =	wrdreg s4  }
0xaf: {  	[dreg:$0x3] =	wrdreg s6  }
0xb0: {  	[dreg:$0x4] =	wrdreg $0xC0  }
0xb1: {  	_ =	task [dreg:s8], $0x5FFFF  }
0xb2: {  	[dreg:$0x1] =	wrdreg $0xFFFFFFFF  }
0xb3: {  	[dreg:$0x0] =	wrdreg $0x60  }
0xb4: {  	[dreg:$0x2] =	wrdreg s16  }
0xb5: {  	[dreg:$0x3] =	wrdreg s17  }
0xb6: {  	[dreg:$0x4] =	wrdreg s24  }
0xb7: {  	[dreg:$0x5] =	wrdreg $0x9  }
0xb8: {  	_ =	task.clear_ibuf [dreg:s8], $0x6FFFF;
	_ =	strace $0x90000046  }
0xb9: {  	s29 =	simm.s32 $0x9;
	_ =	strace $0x80000048  }
0xba: {  	_ =	swait.ge [sflag:s29], $0x1  }
0xbb: {  	[sflag:s29] =	ssyncadd.s32 $0xFFFFFFFF  }
0xbc: {  	_ =	strace $0x90000048  }
0xbd: {  	_ =	sfence  }
0xbe: {  	s30 =	sld [smem:$0x0];
	_ =	sdelay $0x2  }
0xbf: {  	s31 =	sshll.u32 s1, $0xD;
	s1 =	sshrl.u32 s1, $0x2  }
0xc0: {  	s3 =	sand.u32 $0x4000, s31;
	s1 =	sadd.s32 s1, s30  }
0xc1: {  	s0 =	sor.u32 s3, s0;
	s1 =	sshll.u32 s1, $0x11  }
0xc2: {  	s0 =	sor.u32 s1, s0  }
0xc3: {  	s0 =	sadd.s32 $0x8F2B, s0  }
0xc4: {  	[sflag:s0] =	ssyncadd.remote.s32 $0x1  }
0xc5: {  	_ =	sfence.sel $0xFFFF  }
0xc6: {  	[dreg:$0x0] =	wrdreg $0xFFFFFFFF;
	(pc) =	sbr.abs _section_cstart, $3  }
0xc7: {  	[dreg:$0x1] =	wrdreg $0xFFFFFFFF  }
0xc8: {  	_ =	task.clear_ibuf [dreg:s8], $0x2FFFF;
	_ =	strace $0x9FFFFFFF  }
0xc9: {  	(tm) =	ssettm $0x7FFFFFFF  }
tec
execute0_lowered:
.L_overlay_start_1:
0x0: {  	(tag) =	ssettag $0x1  }
0x1: {  	s1 =	rddreg [dreg:$0x0]  }
0x2: {  	s2 =	rddreg [dreg:$0x1]  }
0x3: {  	s6 =	rddreg [dreg:$0x2]  }
0x4: {  	s0 =	rddreg [dreg:$0x3];
	s4 =	simm.s32 $0x0;
	s5 =	srdreg.scid  }
0x5: {  	s3 =	stileid.u32;
	s11 =	simm.s32 $0x2080;
	s12 =	simm.s32 $0x80  }
0x6: {  	s13 =	simm.s32 $0x1;
	s14 =	simm.s32 $0x4080;
	s15 =	simm.s32 $0x0  }
0x7: {  	[smem:$0x7FF] =	sst s4;
	s7 =	sand.u32 $0x1, s5;
	s9 =	sshll.u32 s3, $0x1  }
0x8: {  	s5 =	sadd.s32 $0x1EA00, s6;
	s6 =	sadd.s32 $0xFA800, s6;
	s8 =	ssub.s32 $0x2, s7  }
0x9: {  	_ =	strace $0x80000047;
	s7 =	sor.u32 s7, s9;
	s10 =	sshrl.u32 s8, $0x1  }
0xa: {  	s31 =	ssub.s32 $0x1889, s7;
	s7 =	sshll.u32 s7, $0x7;
	s30 =	ssub.s32 s8, s10  }
0xb: {  	s8 =	sshrl.u32 s31, $0x5;
	s10 =	simm.s32 $0x2;
	s9 =	smax.u32 s30, $0x1  }
.LBB2_1:
0xc: {  	s16 =	simm.s32 $0x0  }
.LBB2_2:
0xd: {  	s17 =	sshll.u32 s16, $0xC  }
0xe: {  	s17 =	sor.u32 s7, s17  }
0xf: {  	s18 =	sshrl.u32 s17, $0x3  }
0x10: {  	s19 =	simm.s32 $0x0;
	s18 =	sadd.s32 s5, s18  }
0x11: {  	[tilespmem:s19], [sflag:$0x2] =	stream.linear.gather [hbm4b:s18+s19], $0x80, $0x38;
	[tilespmem:$0x6080] =	vst v63  }
0x12: {  	s17 =	sshll.u32 s17, $0x3;
	_ =	swait.ge [sflag:s10], $0x80  }
0x13: {  	s17 =	sand.u32 $0x1FFFFC00, s17;
	[sflag:s10] =	ssyncset.done $0x0  }
0x14: {  	s31 =	sadd.s32 s2, s17;
	[sflag:s10] =	ssyncadd.s32 $0xFFFFFF80  }
0x15: {  	[tilespmem:s11], [sflag:$0x2] =	stream.linear.gather [hbm4b:s31+s19], $0x2000, $0x38;
	[tilespmem:$0x6080] =	vst v63  }
0x16: {  	_ =	swait.ge [sflag:s10], $0x2000  }
0x17: {  	[sflag:s10] =	ssyncset.done $0x0  }
0x18: {  	[sflag:s10] =	ssyncadd.s32 $0xFFFFE000  }
0x19: {  	[tilespmem:s12], [sflag:$0x1] =	stream.indirect.gather [hbm4b:s1+s12], $0x40, s19, s12, $0xb8;
	[tilespmem:$0x6080] =	vst v63  }
0x1a: {  	_ =	swait.ge [sflag:s13], $0x2000  }
0x1b: {  	[sflag:s13] =	ssyncset.done $0x0  }
0x1c: {  	s19 =	simm.s32 $0x0;
	[sflag:s13] =	ssyncadd.s32 $0xFFFFE000  }
0x1d: {  	v2 =	vld [tilespmem:s19+$0xB0]  }
0x1e: {  	v3 =	vld [tilespmem:s19+$0x20B0]  }
0x1f: {  	v5 =	vld [tilespmem:s19+$0x80]  }
0x20: {  	v6 =	vld [tilespmem:s19+$0x2080]  }
0x21: {  	v1 =	vld [tilespmem:s19+$0x90]  }
0x22: {  	v4 =	vld [tilespmem:s19+$0x2090]  }
0x23: {  	v0 =	vld [tilespmem:s19+$0xA0];
	v7 =	vadd.f32 v3, v2  }
0x24: {  	s18 =	simm.s32 $0x40;
	v3 =	vld [tilespmem:s19+$0x20A0]  }
0x25: {  	s20 =	simm.s32 $0x200;
	v2 =	vld [tilespmem:s18+$0xB0];
	v5 =	vadd.f32 v6, v5;
	v6 =	vmax.f32 v7, $0.0e+00  }
.LBB2_3:
0x26: {  	p0 =	sne.s32 s20, $0x7F00;
	v7 =	vld [tilespmem:s18+$0x20B0];
	[tilespmem:s19+$0x40B0] =	vst v6  }
0x27: {  	v6 =	vld [tilespmem:s18+$0x80];
	v5 =	vmax.f32 v5, $0.0e+00;
	v4 =	vadd.f32 v4, v1  }
0x28: {  	v8 =	vld [tilespmem:s18+$0x2080];
	[tilespmem:s19+$0x4080] =	vst v5  }
.Ltmp0:
0x29: {  	v1 =	vld [tilespmem:s18+$0x90];
	v5 =	vmax.f32 v4, $0.0e+00;
	v3 =	vadd.f32 v3, v0;
	(pc) =	sbr.rel @p0 .LBB2_3-.Ltmp0, $4  }
0x2a: {  	v4 =	vld [tilespmem:s18+$0x2090];
	[tilespmem:s19+$0x4090] =	vst v5  }
0x2b: {  	v0 =	vld [tilespmem:s18+$0xA0];
	v7 =	vadd.f32 v7, v2;
	v2 =	vmax.f32 v3, $0.0e+00  }
0x2c: {  	v3 =	vld [tilespmem:s18+$0x20A0];
	[tilespmem:s19+$0x40A0] =	vst v2;
	s19 =	smov.u32 s18;
	s18 =	sshra.s32 s20, $0x2  }
0x2d: {  	s20 =	sadd.s32 $0x100, s20;
	v2 =	vld [tilespmem:s18+$0xB0];
	v5 =	vadd.f32 v8, v6;
	v6 =	vmax.f32 v7, $0.0e+00  }
0x2e: {  	v7 =	vld [tilespmem:s18+$0x20B0];
	[tilespmem:s19+$0x40B0] =	vst v6  }
0x2f: {  	v6 =	vld [tilespmem:s18+$0x80];
	v5 =	vmax.f32 v5, $0.0e+00;
	v1 =	vadd.f32 v4, v1  }
0x30: {  	v8 =	vld [tilespmem:s18+$0x2080];
	[tilespmem:s19+$0x4080] =	vst v5  }
0x31: {  	v57 =	vld [tilespmem:s18+$0x90];
	v1 =	vmax.f32 v1, $0.0e+00  }
0x32: {  	v5 =	vld [tilespmem:s18+$0x2090];
	[tilespmem:s19+$0x4090] =	vst v1  }
0x33: {  	v1 =	vld [tilespmem:s18+$0xA0]  }
0x34: {  	v9 =	vld [tilespmem:s18+$0x20A0]  }
0x35: {  	v0 =	vadd.f32 v3, v0  }
0x36: {  	v2 =	vadd.f32 v7, v2  }
0x37: {  	v0 =	vmax.f32 v0, $0.0e+00;
	v58 =	vadd.f32 v8, v6  }
0x38: {  	[tilespmem:s19+$0x40A0] =	vst v0;
	v59 =	vmax.f32 v2, $0.0e+00;
	v60 =	vadd.f32 v5, v57  }
0x39: {  	[tilespmem:s18+$0x40B0] =	vst v59;
	v61 =	vmax.f32 v58, $0.0e+00;
	v1 =	vadd.f32 v9, v1  }
0x3a: {  	s16 =	sadd.s32 $0x1, s16;
	[tilespmem:s18+$0x4080] =	vst v61;
	v62 =	vmax.f32 v60, $0.0e+00  }
0x3b: {  	p0 =	sne.s32 s16, s8;
	[tilespmem:s18+$0x4090] =	vst v62;
	v63 =	vmax.f32 v1, $0.0e+00  }
.Ltmp1:
0x3c: {  	s17 =	sadd.s32 s6, s17;
	[tilespmem:s18+$0x40A0] =	vst v63;
	(pc) =	sbr.rel @p0 .LBB2_2-.Ltmp1, $4  }
0x3d: {  	[hbm4b:s17+s4] =	stream.linear.scatter [tilespmem:s14], [sflag:$0x2], $0x2000, $0x38;
	[tilespmem:$0x6080] =	vst v63  }
0x3e: {  	_ =	swait.ge [sflag:s10], $0x2000  }
0x3f: {  	[sflag:s10] =	ssyncset.done $0x0  }
0x40: {  	[sflag:s10] =	ssyncadd.s32 $0xFFFFE000  }
0x41: {  	s15 =	sadd.s32 $0x1, s15  }
0x42: {  	p0 =	sne.s32 s15, s9  }
.Ltmp2:
0x43: {  	_ = 	snop;
	(pc) =	sbr.rel @p0 .LBB2_1-.Ltmp2, $1  }
0x44: {  	_ =	sdelay $0x3  }
0x45: {  	_ =	sfence.sel $0x180000  }
0x46: {  	[bflag:$0x0] =	sbarrier.arrive $0xFFFF  }
0x47: {  	p0 =	sne.s32 s3, $0x0;
	_ =	strace $0x90000047  }
0x48: {  	s0 =	sadd.s32 @!p0 $0x100000, s0;
	[bflag:$0x2] =	sbarrier.arrive $0xFFFF  }
0x49: {  	[sflag:s0] =	ssyncadd.tile.s32 @!p0 $0x1;
	_ =	shalt  }
.Lfunc_end2:
_tile_overlayer_lowered:
.L_overlay_start_2:
0x4a: {  	(tag) =	ssettag $0x2  }
0x4b: {  	s0 =	rddreg [dreg:$0x0];
	s2 =	stileid.u32  }
0x4c: {  	s1 =	rddreg [dreg:$0x1];
	p0 =	sne.s32 s2, $0x0  }
0x4d: {  	s3 =	rddreg [dreg:$0x2];
	[bflag:$0x3] =	sbarrier.arrive $0xFFFF;
	s2 =	simm.s32 @!p0 $0x1C02  }
0x4e: {  	[timem:s3], [sflag:s2] =	dma.local @!p0 [hbm:s0], s1  }
0x4f: {  	s0 =	simm.s32 @!p0 $0x2  }
0x50: {  	_ =	swait.ge @!p0 [sflag:s0], s1  }
0x51: {  	s1 =	ssub.s32 @!p0 $0x0, s1;
	[sflag:s0] =	ssyncset.done @!p0 $0x0  }
0x52: {  	[sflag:s0] =	ssyncadd.s32 @!p0 s1  }
0x53: {  	[bflag:$0x3] =	sbarrier.arrive $0xFFFF  }
0x54: {  	_ =	shalt  }

// kernel: kernel.21.cloned.1.call-start
scs
__scs_entry_jumppad:
0x0: {  	(pc) =	sbr.rel $0x88, $3  }
0x1: {  	(tag) =	ssettag $0x0;
	lr =	simm.s32 $0x1  }
0x2: {  	[smem:$0x3F82] =	sst lr;
	_ =	strace $0xD0000000  }
0x3: {  	_ = 	snop  }
0x4: {  	_ = 	snop  }
0x5: {  	_ = 	snop  }
0x6: {  	_ = 	snop  }
0x7: {  	_ = 	snop  }
__scs_overlays_trampoline_lowered:
0x8: {  	[smem:$0x3F91] =	sst s0  }
0x9: {  	[smem:$0x3F92] =	sst s1  }
0xa: {  	[smem:$0x3F93] =	sst s2  }
0xb: {  	[smem:$0x3F94] =	sst s3  }
0xc: {  	[smem:$0x3F95] =	sst s4  }
0xd: {  	[smem:$0x3F96] =	sst s5  }
0xe: {  	[smem:$0x3F97] =	sst s6  }
0xf: {  	[smem:$0x3F98] =	sst s7  }
0x10: {  	[smem:$0x3F99] =	sst s8  }
0x11: {  	[smem:$0x3F9A] =	sst s9;
	s0 =	simm.s32 @!p0 $0x0  }
0x12: {  	s1 =	sld [smem:$0x3F80];
	s0 =	simm.s32 @p0 $0x1  }
0x13: {  	[smem:$0x3F9B] =	sst s0;
	s0 =	simm.s32 @!p1 $0x0  }
0x14: {  	s2 =	sld [smem:$0x3F7F];
	s0 =	simm.s32 @p1 $0x1  }
0x15: {  	[smem:$0x3F9C] =	sst s0;
	s0 =	simm.s32 @!p2 $0x0  }
0x16: {  	s3 =	sld [smem:$0x3FDB];
	s0 =	simm.s32 @p2 $0x1  }
0x17: {  	s4 =	simm.s32 $0x1BF5;
	[smem:$0x3F9E] =	sst s0  }
0x18: {  	s0 =	sld [smem:$0x3F81];
	_ =	swait.ge [sflag:s4], $0x0  }
0x19: {  	s7 =	sld [smem:$0x3F82]  }
0x1a: {  	s8 =	sadd.s32 $0xFFFFE003, lr  }
0x1b: {  	s9 =	sadd.s32 $0xFFFFFEF7, lr;
	s5 =	simm.s32 $0xFFFFFFFF;
	p2 =	slt.u32 s8, $0xFFFFF086  }
0x1c: {  	p1 =	slt.u32 s9, $0xF7A;
	s5 =	simm.s32 @!p2 $0x0  }
0x1d: {  	s5 =	simm.s32 @p1 $0x1;
	p0 =	seq.s32 s7, s2  }
0x1e: {  	s7 =	smul.u32 @!p0 $0xF7A, s2;
	p2 =	seq.s32 @!p0 s5, $0x0  }
0x1f: {  	s9 =	smul.u32 $0xF7A, s1;
	s8 =	simm.s32 @!p0 $0x1BF5;
	p2 =	por !p2, p0  }
0x20: {  	[sflag:s8] =	ssyncset.s32 @!p0 $0xFFFFF086;
	s6 =	sadd.s32 @!p0 s3, s7;
	s7 =	simm.s32 @!p0 $0x108  }
0x21: {  	s3 =	sadd.s32 s3, s9;
	s6 =	sadd.s32 @!p0 $0x88, s6;
	s7 =	simm.s32 @p2 $0x1082  }
0x22: {  	[simem:s7], [sflag:s8] =	dma.local @!p0 [hbm:s6], $0xF7A  }
0x23: {  	s9 =	sor.u32 $0xD0000000, s2;
	s6 =	simm.s32 $0x108;
	_ =	swait.ge @!p0 [sflag:s8], $0x0  }
0x24: {  	s3 =	sadd.s32 $0x88, s3;
	s6 =	simm.s32 @!p1 $0x1082;
	[sflag:s4] =	ssyncset.s32 $0xFFFFF086  }
0x25: {  	[simem:s6], [sflag:s4] =	dma.local [hbm:s3], $0xF7A  }
0x26: {  	[smem:$0x3F82] =	sst s1;
	(tag) =	ssettag s2;
	_ =	strace s9  }
0x27: {  	s1 =	sld [smem:$0x3F92]  }
0x28: {  	s2 =	sld [smem:$0x3F93]  }
0x29: {  	s4 =	sld [smem:$0x3F95]  }
0x2a: {  	p0 =	seq.s32 s5, $0x0;
	s5 =	sld [smem:$0x3F96]  }
0x2b: {  	s6 =	sld [smem:$0x3F97]  }
0x2c: {  	s7 =	sld [smem:$0x3F98]  }
0x2d: {  	s3 =	simm.s32 $0x108;
	s8 =	sld [smem:$0x3F99]  }
0x2e: {  	s3 =	simm.s32 @!p0 $0x1082;
	s9 =	sld [smem:$0x3F9A]  }
0x2f: {  	lr =	sadd.s32 s0, s3;
	s0 =	sld [smem:$0x3F91]  }
0x30: {  	s3 =	sld [smem:$0x3F94]  }
0x31: {  	[smem:$0x3F9D] =	sst s10  }
0x32: {  	s10 =	sld [smem:$0x3F9B];
	_ =	sdelay $0x3  }
0x33: {  	p0 =	seq.s32 s10, $0x1;
	s10 =	sld [smem:$0x3F9D];
	_ =	sdelay $0x3  }
0x34: {  	[smem:$0x3F9D] =	sst s10  }
0x35: {  	s10 =	sld [smem:$0x3F9C];
	_ =	sdelay $0x3  }
0x36: {  	p1 =	seq.s32 s10, $0x1;
	s10 =	sld [smem:$0x3F9D];
	_ =	sdelay $0x3  }
0x37: {  	[smem:$0x3F9D] =	sst s10  }
0x38: {  	s10 =	sld [smem:$0x3F9E]  }
0x39: {  	_ = 	snop;
	(pc) =	sbr.ind lr, $3  }
0x3a: {  	_ = 	snop  }
0x3b: {  	_ = 	snop  }
0x3c: {  	p2 =	seq.s32 s10, $0x1;
	s10 =	sld [smem:$0x3F9D]  }
0x3d: {  	_ =	shalt  }
0x3e: {  	_ =	shalt  }
0x3f: {  	_ =	shalt  }
0x40: {  	_ =	shalt  }
0x41: {  	_ =	shalt  }
0x42: {  	_ =	shalt  }
0x43: {  	_ =	shalt  }
0x44: {  	_ =	shalt  }
0x45: {  	_ =	shalt  }
0x46: {  	_ =	shalt  }
0x47: {  	_ =	shalt  }
0x48: {  	_ =	shalt  }
0x49: {  	_ =	shalt  }
0x4a: {  	_ =	shalt  }
0x4b: {  	_ =	shalt  }
0x4c: {  	_ =	shalt  }
0x4d: {  	_ =	shalt  }
0x4e: {  	_ =	shalt  }
0x4f: {  	_ =	shalt  }
0x50: {  	_ =	shalt  }
0x51: {  	_ =	shalt  }
0x52: {  	_ =	shalt  }
0x53: {  	_ =	shalt  }
0x54: {  	_ =	shalt  }
0x55: {  	_ =	shalt  }
0x56: {  	_ =	shalt  }
0x57: {  	_ =	shalt  }
0x58: {  	_ =	shalt  }
0x59: {  	_ =	shalt  }
0x5a: {  	_ =	shalt  }
0x5b: {  	_ =	shalt  }
0x5c: {  	_ =	shalt  }
0x5d: {  	_ =	shalt  }
0x5e: {  	_ =	shalt  }
0x5f: {  	_ =	shalt  }
0x60: {  	_ =	shalt  }
0x61: {  	_ =	shalt  }
0x62: {  	_ =	shalt  }
0x63: {  	_ =	shalt  }
0x64: {  	_ =	shalt  }
0x65: {  	_ =	shalt  }
0x66: {  	_ =	shalt  }
0x67: {  	_ =	shalt  }
0x68: {  	_ =	shalt  }
0x69: {  	_ =	shalt  }
0x6a: {  	_ =	shalt  }
0x6b: {  	_ =	shalt  }
0x6c: {  	_ =	shalt  }
0x6d: {  	_ =	shalt  }
0x6e: {  	_ =	shalt  }
0x6f: {  	_ =	shalt  }
0x70: {  	_ =	shalt  }
0x71: {  	_ =	shalt  }
0x72: {  	_ =	shalt  }
0x73: {  	_ =	shalt  }
0x74: {  	_ =	shalt  }
0x75: {  	_ =	shalt  }
0x76: {  	_ =	shalt  }
0x77: {  	_ =	shalt  }
0x78: {  	_ =	shalt  }
0x79: {  	_ =	shalt  }
0x7a: {  	_ =	shalt  }
0x7b: {  	_ =	shalt  }
0x7c: {  	_ =	shalt  }
0x7d: {  	_ =	shalt  }
0x7e: {  	_ =	shalt  }
0x7f: {  	_ =	shalt  }
0x80: {  	_ =	shalt  }
0x81: {  	_ =	shalt  }
0x82: {  	_ =	shalt  }
0x83: {  	_ =	shalt  }
0x84: {  	_ =	shalt  }
0x85: {  	_ =	shalt  }
0x86: {  	_ =	shalt  }
0x87: {  	_ =	shalt  }
.Lfunc_end0:
.L_simem_size_0:
called_computation.1_lowered:
.L_overlay_start_0:
0x88: {  	s2 =	sld [smem:$0x3FD9]  }
0x89: {  	s3 =	sld [smem:$0x3FFE];
	_ =	sdelay $0x1  }
0x8a: {  	s1 =	srdreg.scid  }
0x8b: {  	s0 =	sand.u32 $0x1, s1  }
0x8c: {  	s14 =	sshll.u32 s0, $0xA;
	s2 =	sadd.s32 s3, s2  }
0x8d: {  	s2 =	sadd.s32 s2, s14  }
0x8e: {  	[smem:$0x3FA9] =	sst s2  }
0x8f: {  	_ = 	snop  }
0x90: {  	s2 =	sld [smem:$0x3FD0];
	_ =	sdelay $0x2  }
0x91: {  	s15 =	simm.s32 $0xA;
	s4 =	simm.s32 $0x10  }
0x92: {  	[smem:s4], [sflag:s15] =	dma.local [hbm:s2], $0x1  }
0x93: {  	_ =	swait.eq [sflag:s15], $0x1  }
0x94: {  	[sflag:s15] =	ssyncset.done $0x0  }
0x95: {  	[sflag:s15] =	ssyncadd.s32 $0xFFFFFFFF  }
0x96: {  	s16 =	sld [smem:$0x10];
	(tm) =	ssettm $0x1  }
0x97: {  	s17 =	sld [smem:$0x3FFB];
	_ =	sdelay $0x3  }
0x98: {  	_ =	strace s17  }
0x99: {  	s3 =	sld [smem:$0x3FFC];
	_ =	sdelay $0x3  }
0x9a: {  	_ =	strace s3  }
0x9b: {  	s3 =	sld [smem:$0x3FFD];
	_ =	sdelay $0x3  }
0x9c: {  	_ =	strace s3  }
0x9d: {  	_ =	strace $0x8FFFFFFF  }
0x9e: {  	s18 =	sld [smem:$0x3FDB];
	_ =	sdelay $0x1  }
0x9f: {  	s19 =	simm.s32 $_scs_section_size  }
0xa0: {  	s5 =	simm.s32 $_size__tile_overlayer_lowered;
	s6 =	simm.s32 $_tile_overlayer_lowered  }
0xa1: {  	s22 =	simm.s32 $0x1BFF;
	s21 =	sshll.u32 s6, $0x1;
	s3 =	sadd.s32 s19, s18  }
0xa2: {  	s7 =	simm.s32 $0x0;
	s20 =	sshll.u32 s5, $0x1;
	s5 =	sadd.s32 s21, s3  }
0xa3: {  	[timem:s7], [sflag:s22] =	dma.local [hbm:s5], s20  }
0xa4: {  	_ =	swait.ge [sflag:s22], s20  }
0xa5: {  	s4 =	ssub.s32 $0x0, s20;
	[sflag:s22] =	ssyncset.done $0x0  }
0xa6: {  	[sflag:s22] =	ssyncadd.s32 s4;
	_ =	sdelay $0x1  }
0xa7: {  	s23 =	simm.s32 $0x1B8B  }
0xa8: {  	_ =	swait.ge [sflag:s23], $0x1  }
0xa9: {  	[sflag:s23] =	ssyncset.done $0x0  }
0xaa: {  	s25 =	simm.s32 $0x1B8E;
	s24 =	sld [smem:$0x3FFE];
	[sflag:s23] =	ssyncadd.s32 $0xFFFFFFFF  }
0xab: {  	s26 =	simm.s32 $execute0_lowered;
	[smem:$0x3FD2] =	sst s25  }
0xac: {  	s5 =	sshll.u32 s26, $0x1;
	_ =	strace $0x80000049;
	[dreg:$0x1] =	wrdreg $0xFFFFFFFF  }
0xad: {  	s28 =	simm.s32 $_size_execute0_lowered;
	s3 =	sadd.s32 s3, s5;
	[dreg:$0x0] =	wrdreg $0x0  }
0xae: {  	s5 =	sshll.u32 s28, $0x1;
	[dreg:$0x2] =	wrdreg s3  }
0xaf: {  	[dreg:$0x3] =	wrdreg s5  }
0xb0: {  	[dreg:$0x4] =	wrdreg $0xC0  }
0xb1: {  	_ =	task [dreg:s7], $0x5FFFF  }
0xb2: {  	[dreg:$0x1] =	wrdreg $0xFFFFFFFF  }
0xb3: {  	[dreg:$0x0] =	wrdreg $0x60  }
0xb4: {  	[dreg:$0x2] =	wrdreg s24  }
0xb5: {  	[dreg:$0x3] =	wrdreg s16  }
0xb6: {  	[dreg:$0x4] =	wrdreg $0x2B000  }
0xb7: {  	[dreg:$0x5] =	wrdreg $0x9  }
0xb8: {  	_ =	task.clear_ibuf [dreg:s7], $0x6FFFF;
	_ =	strace $0x90000049  }
0xb9: {  	s29 =	simm.s32 $0x9;
	_ =	strace $0x8000004B  }
0xba: {  	_ =	swait.ge [sflag:s29], $0x1  }
0xbb: {  	[sflag:s29] =	ssyncadd.s32 $0xFFFFFFFF  }
0xbc: {  	_ =	strace $0x9000004B  }
0xbd: {  	_ =	sfence  }
0xbe: {  	s30 =	sld [smem:$0x0];
	_ =	sdelay $0x2  }
0xbf: {  	s31 =	sshll.u32 s1, $0xD;
	s1 =	sshrl.u32 s1, $0x2  }
0xc0: {  	s3 =	sand.u32 $0x4000, s31;
	s1 =	sadd.s32 s1, s30  }
0xc1: {  	s0 =	sor.u32 s3, s0;
	s1 =	sshll.u32 s1, $0x11  }
0xc2: {  	s0 =	sor.u32 s1, s0  }
0xc3: {  	s0 =	sadd.s32 $0x8F2B, s0  }
0xc4: {  	[sflag:s0] =	ssyncadd.remote.s32 $0x1  }
0xc5: {  	_ =	sfence.sel $0xFFFF  }
0xc6: {  	[dreg:$0x0] =	wrdreg $0xFFFFFFFF;
	(pc) =	sbr.abs _section_cstart, $3  }
0xc7: {  	[dreg:$0x1] =	wrdreg $0xFFFFFFFF  }
0xc8: {  	_ =	task.clear_ibuf [dreg:s7], $0x2FFFF;
	_ =	strace $0x9FFFFFFF  }
0xc9: {  	(tm) =	ssettm $0x7FFFFFFF  }
tec
execute0_lowered:
.L_overlay_start_1:
0x0: {  	(tag) =	ssettag $0x1  }
0x1: {  	s4 =	rddreg [dreg:$0x0]  }
0x2: {  	s12 =	rddreg [dreg:$0x1]  }
0x3: {  	s1 =	rddreg [dreg:$0x2]  }
0x4: {  	s0 =	rddreg [dreg:$0x3]  }
0x5: {  	s3 =	simm.s32 $0x0;
	s5 =	srdreg.scid;
	s2 =	stileid.u32  }
0x6: {  	s16 =	simm.s32 $0x80;
	s17 =	simm.s32 $0x0;
	[smem:$0x7FF] =	sst s3  }
0x7: {  	s8 =	sand.u32 $0x1, s5;
	s25 =	sshll.u32 s2, $0xA;
	s6 =	sshll.u32 s2, $0x4  }
0x8: {  	s28 =	ssub.s32 $0x28A, s2;
	s29 =	ssub.s32 $0x1879, s2;
	s13 =	smul.u32 $0x2800, s2  }
0x9: {  	s30 =	ssub.s32 $0x280, s2;
	s31 =	smul.u32 $0x140, s2;
	_ =	strace $0x8000004A  }
0xa: {  	s7 =	ssub.s32 $0x2, s8;
	s11 =	sadd.s32 s25, s4;
	s10 =	sadd.s32 s6, s4  }
0xb: {  	s4 =	sadd.s32 $0x715000, s4;
	s15 =	smul.u32 $0x61A8, s8;
	s5 =	sshrl.u32 s28, $0x4  }
0xc: {  	s6 =	sshrl.u32 s29, $0x4;
	s14 =	smul.u32 $0x30D40, s8;
	s26 =	sshrl.u32 s7, $0x1  }
0xd: {  	s13 =	sshrl.u32 s13, $0x2;
	s10 =	sadd.s32 $0x6200, s10;
	s11 =	sadd.s32 $0xFA800, s11  }
0xe: {  	s9 =	ssub.s32 s7, s26;
	s7 =	sshrl.u32 s30, $0x4;
	s12 =	sadd.s32 s14, s12  }
0xf: {  	s14 =	simm.s32 $0x1;
	v0 =	vmov s15;
	s15 =	simm.s32 $0x100;
	s8 =	smax.u32 s9, $0x1  }
0x10: {  	s9 =	sadd.s32 s13, s1;
	s12 =	sadd.s32 s31, s12;
	s13 =	simm.s32 $0x2100  }
.LBB2_1:
0x11: {  	[tilespmem:s13], [sflag:$0x1] =	stream.linear.gather [hbm4b:s4+s3], $0xA00, $0x38;
	[tilespmem:$0x1B7E0] =	vst v63  }
0x12: {  	p0 =	sne.s32 s5, $0x1;
	_ =	swait.ge [sflag:s14], $0xA00  }
.Ltmp0:
0x13: {  	[sflag:s14] =	ssyncset.done $0x0;
	(pc) =	sbr.rel @!p0 .LBB2_3-.Ltmp0, $4  }
0x14: {  	[sflag:s14] =	ssyncadd.s32 $0xFFFFF600  }
0x15: {  	[spmem:s9] =	stream.linear.scatter [tilespmem:s13], [sflag:$0x1], $0xA00, $0x38;
	[tilespmem:$0x1B7E0] =	vst v63  }
0x16: {  	_ =	swait.ge [sflag:s14], $0xA00  }
0x17: {  	s18 =	sadd.s32 $0xFFFFFFFF, s5;
	s19 =	smov.u32 s9;
	[sflag:s14] =	ssyncset.done $0x0  }
.LBB2_2:
0x18: {  	p0 =	sne.s32 s18, $0x1;
	[sflag:s14] =	ssyncadd.s32 $0xFFFFF600;
	s19 =	sadd.s32 $0xA000, s19  }
.Ltmp1:
0x19: {  	s18 =	sadd.s32 $0xFFFFFFFF, s18;
	(pc) =	sbr.rel @p0 .LBB2_2-.Ltmp1, $4  }
0x1a: {  	_ = 	snop  }
0x1b: {  	[spmem:s19] =	stream.linear.scatter [tilespmem:s13], [sflag:$0x1], $0xA00, $0x38;
	[tilespmem:$0x1B7E0] =	vst v63  }
0x1c: {  	_ =	swait.ge [sflag:s14], $0xA00  }
0x1d: {  	[sflag:s14] =	ssyncset.done $0x0  }
.LBB2_3:
0x1e: {  	[sflag:s14] =	ssyncadd.s32 $0xFFFFF600  }
0x1f: {  	[bflag:$0x0] =	sbarrier.arrive $0xFFFF  }
0x20: {  	[tilespmem:s3], [sflag:$0x1] =	stream.linear.gather [hbm4b:s10+s3], $0x80, $0x38;
	[tilespmem:$0x1B7E0] =	vst v63  }
0x21: {  	_ =	swait.ge [sflag:s14], $0x80  }
0x22: {  	[sflag:s14] =	ssyncset.done $0x0  }
0x23: {  	[sflag:s14] =	ssyncadd.s32 $0xFFFFFF80  }
0x24: {  	v2 =	vld [tilespmem:$0x70]  }
0x25: {  	v3 =	vld [tilespmem:$0x60]  }
0x26: {  	v5 =	vld [tilespmem:$0x20]  }
0x27: {  	v4 =	vld [tilespmem:$0x0]  }
0x28: {  	v6 =	vld [tilespmem:$0x10]  }
0x29: {  	v11 =	vld [tilespmem:$0x40];
	_ =	sdelay $0x1  }
0x2a: {  	v1 =	vsub.s32 v2, v0;
	v2 =	vand.u32 $0xFF, v2  }
0x2b: {  	v8 =	vsub.s32 v3, v0;
	v3 =	vand.u32 $0xFF, v3;
	v9 =	vand.u32 $0xFF, v5  }
0x2c: {  	v7 =	vld [tilespmem:$0x30];
	v12 =	vsub.s32 v4, v0;
	v13 =	vand.u32 $0xFF, v4;
	v4 =	vand.u32 $0xFF, v6  }
0x2d: {  	v63 =	vsub.s32 v11, v0;
	vm1 =	vlt.u32 v8, $0x61A8;
	v3 =	vadd.s32 $0x61A8, v3  }
0x2e: {  	v10 =	vld [tilespmem:$0x50];
	vm0 =	vlt.u32 v1, $0x61A8;
	v8 =	vsel vm1, v8, v3;
	vm1 =	vlt.u32 v12, $0x61A8  }
0x2f: {  	p0 =	sne.s32 s6, $0x1;
	v3 =	vsub.s32 v6, v0;
	v6 =	vsub.s32 v5, v0;
	v5 =	vadd.s32 $0x61A8, v13  }
.Ltmp2:
0x30: {  	v9 =	vadd.s32 $0x61A8, v9;
	vm3 =	vlt.u32 v63, $0x61A8;
	v12 =	vsel vm1, v12, v5;
	(pc) =	sbr.rel @!p0 .LBB2_5-.Ltmp2, $4  }
0x31: {  	v5 =	vsub.s32 v7, v0;
	vm2 =	vlt.u32 v6, $0x61A8;
	[tilespmem:$0xE0] =	vst v8;
	v8 =	vand.u32 $0xFF, v7  }
0x32: {  	v7 =	vand.u32 $0xFF, v11;
	vm1 =	vlt.u32 v5, $0x61A8;
	v9 =	vsel vm2, v6, v9  }
0x33: {  	s19 =	sadd.s32 $0xFFFFFFFF, s6;
	v6 =	vand.u32 $0xFF, v10;
	vm2 =	vlt.u32 v3, $0x61A8;
	[tilespmem:$0xA0] =	vst v9;
	v9 =	vadd.s32 $0x61A8, v7  }
0x34: {  	s20 =	smov.u32 s10;
	s21 =	smov.u32 s11;
	s18 =	smov.u32 s11;
	[tilespmem:$0x80] =	vst v12;
	v8 =	vadd.s32 $0x61A8, v8;
	v7 =	vsub.s32 v10, v0;
	v9 =	vsel vm3, v63, v9  }
.LBB2_4:
0x35: {  	p0 =	sne.s32 s19, $0x1;
	v5 =	vsel vm1, v5, v8;
	vm1 =	vlt.u32 v7, $0x61A8;
	v6 =	vadd.s32 $0x61A8, v6;
	s20 =	sadd.s32 $0x100, s20;
	s21 =	sadd.s32 $0x4000, s21  }
0x36: {  	s19 =	sadd.s32 $0xFFFFFFFF, s19;
	v4 =	vadd.s32 $0x61A8, v4;
	v2 =	vadd.s32 $0x61A8, v2;
	[tilespmem:$0xC0] =	vst v9;
	v6 =	vsel vm1, v7, v6  }
0x37: {  	v3 =	vsel vm2, v3, v4;
	v1 =	vsel vm0, v1, v2;
	[tilespmem:$0xD0] =	vst v6  }
0x38: {  	[tilespmem:$0xF0] =	vst v1  }
0x39: {  	[tilespmem:$0x90] =	vst v3  }
0x3a: {  	[tilespmem:$0xB0] =	vst v5  }
0x3b: {  	[tilespmem:s15], [sflag:$0x1] =	stream.linear.gather [hbm4b:s18+s3], $0x2000, $0x38;
	[tilespmem:$0x1B7E0] =	vst v63  }
0x3c: {  	s18 =	smov.u32 s21;
	_ =	swait.ge [sflag:s14], $0x2000  }
0x3d: {  	[sflag:s14] =	ssyncset.done $0x0  }
0x3e: {  	[sflag:s14] =	ssyncadd.s32 $0xFFFFE000  }
0x3f: {  	[spmem:s1] =	stream.indirect.scatter.add.f32 [tilespmem:s15], [sflag:$0x1], $0x40, s16, s16, $0xb8;
	[tilespmem:$0x1B7E0] =	vst v63  }
0x40: {  	_ =	swait.ge [sflag:s14], $0x2000  }
0x41: {  	[sflag:s14] =	ssyncset.done $0x0  }
0x42: {  	[sflag:s14] =	ssyncadd.s32 $0xFFFFE000  }
0x43: {  	[tilespmem:s3], [sflag:$0x1] =	stream.linear.gather [hbm4b:s20+s3], $0x80, $0x38;
	[tilespmem:$0x1B7E0] =	vst v63  }
0x44: {  	_ =	swait.ge [sflag:s14], $0x80  }
0x45: {  	[sflag:s14] =	ssyncset.done $0x0  }
0x46: {  	[sflag:s14] =	ssyncadd.s32 $0xFFFFFF80  }
0x47: {  	v2 =	vld [tilespmem:$0x70]  }
0x48: {  	v3 =	vld [tilespmem:$0x60]  }
0x49: {  	v5 =	vld [tilespmem:$0x20]  }
0x4a: {  	v6 =	vld [tilespmem:$0x0]  }
0x4b: {  	v4 =	vld [tilespmem:$0x10]  }
0x4c: {  	v7 =	vld [tilespmem:$0x30];
	v1 =	vsub.s32 v2, v0;
	v2 =	vand.u32 $0xFF, v2  }
0x4d: {  	v8 =	vld [tilespmem:$0x40];
	v9 =	vsub.s32 v3, v0;
	v3 =	vand.u32 $0xFF, v3;
	vm0 =	vlt.u32 v1, $0x61A8  }
0x4e: {  	v10 =	vand.u32 $0xFF, v5;
	v11 =	vld [tilespmem:$0x50];
	vm1 =	vlt.u32 v9, $0x61A8;
	v3 =	vadd.s32 $0x61A8, v3  }
0x4f: {  	v12 =	vsub.s32 v6, v0;
	v10 =	vadd.s32 $0x61A8, v10;
	v9 =	vsel vm1, v9, v3  }
0x50: {  	vm2 =	vlt.u32 v12, $0x61A8;
	v3 =	vsub.s32 v4, v0;
	v4 =	vand.u32 $0xFF, v4;
	[tilespmem:$0xE0] =	vst v9  }
0x51: {  	v6 =	vand.u32 $0xFF, v6;
	v9 =	vsub.s32 v5, v0;
	v5 =	vsub.s32 v7, v0  }
.Ltmp3:
0x52: {  	v6 =	vadd.s32 $0x61A8, v6;
	vm3 =	vlt.u32 v9, $0x61A8;
	vm1 =	vlt.u32 v5, $0x61A8;
	(pc) =	sbr.rel @p0 .LBB2_4-.Ltmp3, $4  }
0x53: {  	v12 =	vsel vm2, v12, v6;
	v9 =	vsel vm3, v9, v10;
	v6 =	vand.u32 $0xFF, v11  }
0x54: {  	v10 =	vsub.s32 v8, v0;
	[tilespmem:$0xA0] =	vst v9;
	v9 =	vand.u32 $0xFF, v7;
	v7 =	vand.u32 $0xFF, v8  }
0x55: {  	vm3 =	vlt.u32 v10, $0x61A8;
	[tilespmem:$0x80] =	vst v12;
	v12 =	vadd.s32 $0x61A8, v7;
	v7 =	vsub.s32 v11, v0  }
0x56: {  	vm2 =	vlt.u32 v3, $0x61A8;
	v8 =	vadd.s32 $0x61A8, v9;
	v9 =	vsel vm3, v10, v12  }
.LBB2_5:
0x57: {  	vm3 =	vlt.u32 v7, $0x61A8;
	v6 =	vadd.s32 $0x61A8, v6  }
0x58: {  	[tilespmem:$0xC0] =	vst v9;
	v2 =	vadd.s32 $0x61A8, v2;
	v6 =	vsel vm3, v7, v6  }
0x59: {  	v4 =	vadd.s32 $0x61A8, v4;
	v1 =	vsel vm0, v1, v2;
	[tilespmem:$0xD0] =	vst v6  }
0x5a: {  	v2 =	vsel vm2, v3, v4;
	[tilespmem:$0xF0] =	vst v1  }
0x5b: {  	v1 =	vsel vm1, v5, v8;
	[tilespmem:$0x90] =	vst v2  }
0x5c: {  	[tilespmem:$0xB0] =	vst v1  }
0x5d: {  	[tilespmem:s15], [sflag:$0x1] =	stream.linear.gather [hbm4b:s18+s3], $0x2000, $0x38;
	[tilespmem:$0x1B7E0] =	vst v63  }
0x5e: {  	_ =	swait.ge [sflag:s14], $0x2000  }
0x5f: {  	[sflag:s14] =	ssyncset.done $0x0  }
0x60: {  	[sflag:s14] =	ssyncadd.s32 $0xFFFFE000  }
0x61: {  	[spmem:s1] =	stream.indirect.scatter.add.f32 [tilespmem:s15], [sflag:$0x1], $0x40, s16, s16, $0xb8;
	[tilespmem:$0x1B7E0] =	vst v63  }
0x62: {  	_ =	swait.ge [sflag:s14], $0x2000  }
0x63: {  	[sflag:s14] =	ssyncset.done $0x0  }
0x64: {  	[sflag:s14] =	ssyncadd.s32 $0xFFFFE000  }
0x65: {  	[bflag:$0x0] =	sbarrier.arrive $0xFFFF  }
0x66: {  	[tilespmem:s13], [sflag:$0x1] =	stream.linear.gather [spmem:s9], $0xA00, $0x38;
	[tilespmem:$0x1B7E0] =	vst v63  }
0x67: {  	p0 =	sne.s32 s7, $0x1;
	_ =	swait.ge [sflag:s14], $0xA00  }
.Ltmp4:
0x68: {  	[sflag:s14] =	ssyncset.done $0x0;
	(pc) =	sbr.rel @!p0 .LBB2_7-.Ltmp4, $4  }
0x69: {  	[sflag:s14] =	ssyncadd.s32 $0xFFFFF600  }
0x6a: {  	[hbm4b:s12+s3] =	stream.linear.scatter [tilespmem:s13], [sflag:$0x1], $0xA00, $0x38;
	[tilespmem:$0x1B7E0] =	vst v63  }
0x6b: {  	s19 =	smov.u32 s12;
	_ =	swait.ge [sflag:s14], $0xA00  }
0x6c: {  	s20 =	smov.u32 s9;
	s18 =	sadd.s32 $0xFFFFFFFF, s7;
	[sflag:s14] =	ssyncset.done $0x0  }
.LBB2_6:
0x6d: {  	[sflag:s14] =	ssyncadd.s32 $0xFFFFF600;
	s19 =	sadd.s32 $0x1400, s19;
	s20 =	sadd.s32 $0xA000, s20  }
0x6e: {  	[tilespmem:s13], [sflag:$0x1] =	stream.linear.gather [spmem:s20], $0xA00, $0x38;
	[tilespmem:$0x1B7E0] =	vst v63  }
0x6f: {  	p0 =	sne.s32 s18, $0x1;
	s18 =	sadd.s32 $0xFFFFFFFF, s18;
	_ =	swait.ge [sflag:s14], $0xA00  }
.Ltmp5:
0x70: {  	[sflag:s14] =	ssyncset.done $0x0;
	(pc) =	sbr.rel @p0 .LBB2_6-.Ltmp5, $4  }
0x71: {  	[sflag:s14] =	ssyncadd.s32 $0xFFFFF600  }
0x72: {  	[hbm4b:s19+s3] =	stream.linear.scatter [tilespmem:s13], [sflag:$0x1], $0xA00, $0x38;
	[tilespmem:$0x1B7E0] =	vst v63  }
0x73: {  	_ =	swait.ge [sflag:s14], $0xA00  }
0x74: {  	[sflag:s14] =	ssyncset.done $0x0  }
.LBB2_7:
0x75: {  	s17 =	sadd.s32 $0x1, s17  }
0x76: {  	p0 =	sne.s32 s17, s8  }
.Ltmp6:
0x77: {  	_ = 	snop;
	(pc) =	sbr.rel @p0 .LBB2_1-.Ltmp6, $2  }
0x78: {  	_ =	sdelay $0x2  }
0x79: {  	[sflag:s14] =	ssyncadd.s32 $0xFFFFF600  }
0x7a: {  	_ =	sfence.sel $0x180000  }
0x7b: {  	[bflag:$0x0] =	sbarrier.arrive $0xFFFF  }
0x7c: {  	p0 =	sne.s32 s2, $0x0;
	_ =	strace $0x9000004A  }
0x7d: {  	s0 =	sadd.s32 @!p0 $0x100000, s0;
	[bflag:$0x2] =	sbarrier.arrive $0xFFFF  }
0x7e: {  	[sflag:s0] =	ssyncadd.tile.s32 @!p0 $0x1;
	_ =	shalt  }
.Lfunc_end2:
_tile_overlayer_lowered:
.L_overlay_start_2:
0x7f: {  	(tag) =	ssettag $0x2  }
0x80: {  	s0 =	rddreg [dreg:$0x0];
	s2 =	stileid.u32  }
0x81: {  	s1 =	rddreg [dreg:$0x1];
	p0 =	sne.s32 s2, $0x0  }
0x82: {  	s3 =	rddreg [dreg:$0x2];
	[bflag:$0x3] =	sbarrier.arrive $0xFFFF;
	s2 =	simm.s32 @!p0 $0x1C01  }
0x83: {  	[timem:s3], [sflag:s2] =	dma.local @!p0 [hbm:s0], s1  }
0x84: {  	s0 =	simm.s32 @!p0 $0x1  }
0x85: {  	_ =	swait.ge @!p0 [sflag:s0], s1  }
0x86: {  	s1 =	ssub.s32 @!p0 $0x0, s1;
	[sflag:s0] =	ssyncset.done @!p0 $0x0  }
0x87: {  	[sflag:s0] =	ssyncadd.s32 @!p0 s1  }
0x88: {  	[bflag:$0x3] =	sbarrier.arrive $0xFFFF  }
0x89: {  	_ =	shalt  }

// kernel: kernel.24.cloned.1.call-start
scs
__scs_entry_jumppad:
0x0: {  	(pc) =	sbr.rel $0x88, $3  }
0x1: {  	(tag) =	ssettag $0x0;
	lr =	simm.s32 $0x1  }
0x2: {  	[smem:$0x3F82] =	sst lr;
	_ =	strace $0xD0000000  }
0x3: {  	_ = 	snop  }
0x4: {  	_ = 	snop  }
0x5: {  	_ = 	snop  }
0x6: {  	_ = 	snop  }
0x7: {  	_ = 	snop  }
__scs_overlays_trampoline_lowered:
0x8: {  	[smem:$0x3F91] =	sst s0  }
0x9: {  	[smem:$0x3F92] =	sst s1  }
0xa: {  	[smem:$0x3F93] =	sst s2  }
0xb: {  	[smem:$0x3F94] =	sst s3  }
0xc: {  	[smem:$0x3F95] =	sst s4  }
0xd: {  	[smem:$0x3F96] =	sst s5  }
0xe: {  	[smem:$0x3F97] =	sst s6  }
0xf: {  	[smem:$0x3F98] =	sst s7  }
0x10: {  	[smem:$0x3F99] =	sst s8  }
0x11: {  	[smem:$0x3F9A] =	sst s9;
	s0 =	simm.s32 @!p0 $0x0  }
0x12: {  	s1 =	sld [smem:$0x3F80];
	s0 =	simm.s32 @p0 $0x1  }
0x13: {  	[smem:$0x3F9B] =	sst s0;
	s0 =	simm.s32 @!p1 $0x0  }
0x14: {  	s2 =	sld [smem:$0x3F7F];
	s0 =	simm.s32 @p1 $0x1  }
0x15: {  	[smem:$0x3F9C] =	sst s0;
	s0 =	simm.s32 @!p2 $0x0  }
0x16: {  	s3 =	sld [smem:$0x3FDB];
	s0 =	simm.s32 @p2 $0x1  }
0x17: {  	s4 =	simm.s32 $0x1BF5;
	[smem:$0x3F9E] =	sst s0  }
0x18: {  	s0 =	sld [smem:$0x3F81];
	_ =	swait.ge [sflag:s4], $0x0  }
0x19: {  	s7 =	sld [smem:$0x3F82]  }
0x1a: {  	s8 =	sadd.s32 $0xFFFFE003, lr  }
0x1b: {  	s9 =	sadd.s32 $0xFFFFFEF7, lr;
	s5 =	simm.s32 $0xFFFFFFFF;
	p2 =	slt.u32 s8, $0xFFFFF086  }
0x1c: {  	p1 =	slt.u32 s9, $0xF7A;
	s5 =	simm.s32 @!p2 $0x0  }
0x1d: {  	s5 =	simm.s32 @p1 $0x1;
	p0 =	seq.s32 s7, s2  }
0x1e: {  	s7 =	smul.u32 @!p0 $0xF7A, s2;
	p2 =	seq.s32 @!p0 s5, $0x0  }
0x1f: {  	s9 =	smul.u32 $0xF7A, s1;
	s8 =	simm.s32 @!p0 $0x1BF5;
	p2 =	por !p2, p0  }
0x20: {  	[sflag:s8] =	ssyncset.s32 @!p0 $0xFFFFF086;
	s6 =	sadd.s32 @!p0 s3, s7;
	s7 =	simm.s32 @!p0 $0x108  }
0x21: {  	s3 =	sadd.s32 s3, s9;
	s6 =	sadd.s32 @!p0 $0x88, s6;
	s7 =	simm.s32 @p2 $0x1082  }
0x22: {  	[simem:s7], [sflag:s8] =	dma.local @!p0 [hbm:s6], $0xF7A  }
0x23: {  	s9 =	sor.u32 $0xD0000000, s2;
	s6 =	simm.s32 $0x108;
	_ =	swait.ge @!p0 [sflag:s8], $0x0  }
0x24: {  	s3 =	sadd.s32 $0x88, s3;
	s6 =	simm.s32 @!p1 $0x1082;
	[sflag:s4] =	ssyncset.s32 $0xFFFFF086  }
0x25: {  	[simem:s6], [sflag:s4] =	dma.local [hbm:s3], $0xF7A  }
0x26: {  	[smem:$0x3F82] =	sst s1;
	(tag) =	ssettag s2;
	_ =	strace s9  }
0x27: {  	s1 =	sld [smem:$0x3F92]  }
0x28: {  	s2 =	sld [smem:$0x3F93]  }
0x29: {  	s4 =	sld [smem:$0x3F95]  }
0x2a: {  	p0 =	seq.s32 s5, $0x0;
	s5 =	sld [smem:$0x3F96]  }
0x2b: {  	s6 =	sld [smem:$0x3F97]  }
0x2c: {  	s7 =	sld [smem:$0x3F98]  }
0x2d: {  	s3 =	simm.s32 $0x108;
	s8 =	sld [smem:$0x3F99]  }
0x2e: {  	s3 =	simm.s32 @!p0 $0x1082;
	s9 =	sld [smem:$0x3F9A]  }
0x2f: {  	lr =	sadd.s32 s0, s3;
	s0 =	sld [smem:$0x3F91]  }
0x30: {  	s3 =	sld [smem:$0x3F94]  }
0x31: {  	[smem:$0x3F9D] =	sst s10  }
0x32: {  	s10 =	sld [smem:$0x3F9B];
	_ =	sdelay $0x3  }
0x33: {  	p0 =	seq.s32 s10, $0x1;
	s10 =	sld [smem:$0x3F9D];
	_ =	sdelay $0x3  }
0x34: {  	[smem:$0x3F9D] =	sst s10  }
0x35: {  	s10 =	sld [smem:$0x3F9C];
	_ =	sdelay $0x3  }
0x36: {  	p1 =	seq.s32 s10, $0x1;
	s10 =	sld [smem:$0x3F9D];
	_ =	sdelay $0x3  }
0x37: {  	[smem:$0x3F9D] =	sst s10  }
0x38: {  	s10 =	sld [smem:$0x3F9E]  }
0x39: {  	_ = 	snop;
	(pc) =	sbr.ind lr, $3  }
0x3a: {  	_ = 	snop  }
0x3b: {  	_ = 	snop  }
0x3c: {  	p2 =	seq.s32 s10, $0x1;
	s10 =	sld [smem:$0x3F9D]  }
0x3d: {  	_ =	shalt  }
0x3e: {  	_ =	shalt  }
0x3f: {  	_ =	shalt  }
0x40: {  	_ =	shalt  }
0x41: {  	_ =	shalt  }
0x42: {  	_ =	shalt  }
0x43: {  	_ =	shalt  }
0x44: {  	_ =	shalt  }
0x45: {  	_ =	shalt  }
0x46: {  	_ =	shalt  }
0x47: {  	_ =	shalt  }
0x48: {  	_ =	shalt  }
0x49: {  	_ =	shalt  }
0x4a: {  	_ =	shalt  }
0x4b: {  	_ =	shalt  }
0x4c: {  	_ =	shalt  }
0x4d: {  	_ =	shalt  }
0x4e: {  	_ =	shalt  }
0x4f: {  	_ =	shalt  }
0x50: {  	_ =	shalt  }
0x51: {  	_ =	shalt  }
0x52: {  	_ =	shalt  }
0x53: {  	_ =	shalt  }
0x54: {  	_ =	shalt  }
0x55: {  	_ =	shalt  }
0x56: {  	_ =	shalt  }
0x57: {  	_ =	shalt  }
0x58: {  	_ =	shalt  }
0x59: {  	_ =	shalt  }
0x5a: {  	_ =	shalt  }
0x5b: {  	_ =	shalt  }
0x5c: {  	_ =	shalt  }
0x5d: {  	_ =	shalt  }
0x5e: {  	_ =	shalt  }
0x5f: {  	_ =	shalt  }
0x60: {  	_ =	shalt  }
0x61: {  	_ =	shalt  }
0x62: {  	_ =	shalt  }
0x63: {  	_ =	shalt  }
0x64: {  	_ =	shalt  }
0x65: {  	_ =	shalt  }
0x66: {  	_ =	shalt  }
0x67: {  	_ =	shalt  }
0x68: {  	_ =	shalt  }
0x69: {  	_ =	shalt  }
0x6a: {  	_ =	shalt  }
0x6b: {  	_ =	shalt  }
0x6c: {  	_ =	shalt  }
0x6d: {  	_ =	shalt  }
0x6e: {  	_ =	shalt  }
0x6f: {  	_ =	shalt  }
0x70: {  	_ =	shalt  }
0x71: {  	_ =	shalt  }
0x72: {  	_ =	shalt  }
0x73: {  	_ =	shalt  }
0x74: {  	_ =	shalt  }
0x75: {  	_ =	shalt  }
0x76: {  	_ =	shalt  }
0x77: {  	_ =	shalt  }
0x78: {  	_ =	shalt  }
0x79: {  	_ =	shalt  }
0x7a: {  	_ =	shalt  }
0x7b: {  	_ =	shalt  }
0x7c: {  	_ =	shalt  }
0x7d: {  	_ =	shalt  }
0x7e: {  	_ =	shalt  }
0x7f: {  	_ =	shalt  }
0x80: {  	_ =	shalt  }
0x81: {  	_ =	shalt  }
0x82: {  	_ =	shalt  }
0x83: {  	_ =	shalt  }
0x84: {  	_ =	shalt  }
0x85: {  	_ =	shalt  }
0x86: {  	_ =	shalt  }
0x87: {  	_ =	shalt  }
.Lfunc_end0:
.L_simem_size_0:
called_computation.2_lowered:
.L_overlay_start_0:
0x88: {  	s2 =	sld [smem:$0x3FD9]  }
0x89: {  	s3 =	sld [smem:$0x3FFE];
	_ =	sdelay $0x1  }
0x8a: {  	s1 =	srdreg.scid  }
0x8b: {  	s0 =	sand.u32 $0x1, s1  }
0x8c: {  	s14 =	sshll.u32 s0, $0xA;
	s2 =	sadd.s32 s3, s2  }
0x8d: {  	s2 =	sadd.s32 s2, s14  }
0x8e: {  	[smem:$0x3FA9] =	sst s2  }
0x8f: {  	_ = 	snop  }
0x90: {  	s2 =	sld [smem:$0x3FD0];
	_ =	sdelay $0x2  }
0x91: {  	s15 =	simm.s32 $0xA;
	s4 =	simm.s32 $0x10  }
0x92: {  	[smem:s4], [sflag:s15] =	dma.local [hbm:s2], $0x1  }
0x93: {  	_ =	swait.eq [sflag:s15], $0x1  }
0x94: {  	[sflag:s15] =	ssyncset.done $0x0  }
0x95: {  	[sflag:s15] =	ssyncadd.s32 $0xFFFFFFFF  }
0x96: {  	s16 =	sld [smem:$0x11];
	(tm) =	ssettm $0x1  }
0x97: {  	s17 =	sld [smem:$0x3FFB];
	_ =	sdelay $0x3  }
0x98: {  	_ =	strace s17  }
0x99: {  	s3 =	sld [smem:$0x3FFC];
	_ =	sdelay $0x3  }
0x9a: {  	_ =	strace s3  }
0x9b: {  	s3 =	sld [smem:$0x3FFD];
	_ =	sdelay $0x3  }
0x9c: {  	_ =	strace s3  }
0x9d: {  	_ =	strace $0x8FFFFFFF  }
0x9e: {  	s18 =	sld [smem:$0x3FDB];
	_ =	sdelay $0x1  }
0x9f: {  	s19 =	simm.s32 $_scs_section_size  }
0xa0: {  	s5 =	simm.s32 $_size__tile_overlayer_lowered;
	s6 =	simm.s32 $_tile_overlayer_lowered  }
0xa1: {  	s22 =	simm.s32 $0x1BFF;
	s21 =	sshll.u32 s6, $0x1;
	s3 =	sadd.s32 s19, s18  }
0xa2: {  	s7 =	simm.s32 $0x0;
	s20 =	sshll.u32 s5, $0x1;
	s5 =	sadd.s32 s21, s3  }
0xa3: {  	[timem:s7], [sflag:s22] =	dma.local [hbm:s5], s20  }
0xa4: {  	_ =	swait.ge [sflag:s22], s20  }
0xa5: {  	s4 =	ssub.s32 $0x0, s20;
	[sflag:s22] =	ssyncset.done $0x0  }
0xa6: {  	[sflag:s22] =	ssyncadd.s32 s4;
	_ =	sdelay $0x1  }
0xa7: {  	s23 =	simm.s32 $0x1B8B  }
0xa8: {  	_ =	swait.ge [sflag:s23], $0x1  }
0xa9: {  	[sflag:s23] =	ssyncset.done $0x0  }
0xaa: {  	s25 =	simm.s32 $0x1B8E;
	s24 =	sld [smem:$0x3FFE];
	[sflag:s23] =	ssyncadd.s32 $0xFFFFFFFF  }
0xab: {  	s26 =	simm.s32 $execute0_lowered;
	[smem:$0x3FD2] =	sst s25  }
0xac: {  	s5 =	sshll.u32 s26, $0x1;
	_ =	strace $0x8000004C;
	[dreg:$0x1] =	wrdreg $0xFFFFFFFF  }
0xad: {  	s28 =	simm.s32 $_size_execute0_lowered;
	s3 =	sadd.s32 s3, s5;
	[dreg:$0x0] =	wrdreg $0x0  }
0xae: {  	s5 =	sshll.u32 s28, $0x1;
	[dreg:$0x2] =	wrdreg s3  }
0xaf: {  	[dreg:$0x3] =	wrdreg s5  }
0xb0: {  	[dreg:$0x4] =	wrdreg $0xC0  }
0xb1: {  	_ =	task [dreg:s7], $0x5FFFF  }
0xb2: {  	[dreg:$0x1] =	wrdreg $0xFFFFFFFF  }
0xb3: {  	[dreg:$0x0] =	wrdreg $0x60  }
0xb4: {  	[dreg:$0x2] =	wrdreg s24  }
0xb5: {  	[dreg:$0x3] =	wrdreg s16  }
0xb6: {  	[dreg:$0x4] =	wrdreg $0x9  }
0xb7: {  	_ =	task.clear_ibuf [dreg:s7], $0x5FFFF;
	_ =	strace $0x9000004C  }
0xb8: {  	s29 =	simm.s32 $0x9;
	_ =	strace $0x8000004E  }
0xb9: {  	_ =	swait.ge [sflag:s29], $0x1  }
0xba: {  	[sflag:s29] =	ssyncadd.s32 $0xFFFFFFFF  }
0xbb: {  	_ =	strace $0x9000004E  }
0xbc: {  	_ =	sfence  }
0xbd: {  	s30 =	sld [smem:$0x0];
	_ =	sdelay $0x2  }
0xbe: {  	s31 =	sshll.u32 s1, $0xD;
	s1 =	sshrl.u32 s1, $0x2  }
0xbf: {  	s3 =	sand.u32 $0x4000, s31;
	s1 =	sadd.s32 s1, s30  }
0xc0: {  	s0 =	sor.u32 s3, s0;
	s1 =	sshll.u32 s1, $0x11  }
0xc1: {  	s0 =	sor.u32 s1, s0  }
0xc2: {  	s0 =	sadd.s32 $0x8F2B, s0  }
0xc3: {  	[sflag:s0] =	ssyncadd.remote.s32 $0x1  }
0xc4: {  	_ =	sfence.sel $0xFFFF  }
0xc5: {  	[dreg:$0x0] =	wrdreg $0xFFFFFFFF;
	(pc) =	sbr.abs _section_cstart, $3  }
0xc6: {  	[dreg:$0x1] =	wrdreg $0xFFFFFFFF  }
0xc7: {  	_ =	task.clear_ibuf [dreg:s7], $0x2FFFF;
	_ =	strace $0x9FFFFFFF  }
0xc8: {  	(tm) =	ssettm $0x7FFFFFFF  }
0xc9: {  	_ =	shalt  }
tec
execute0_lowered:
.L_overlay_start_1:
0x0: {  	(tag) =	ssettag $0x1  }
0x1: {  	s7 =	rddreg [dreg:$0x0]  }
0x2: {  	s1 =	rddreg [dreg:$0x1]  }
0x3: {  	s0 =	rddreg [dreg:$0x2];
	s2 =	simm.s32 $0x0;
	s6 =	srdreg.scid  }
0x4: {  	s3 =	stileid.u32;
	s12 =	simm.s32 $0x80;
	s13 =	simm.s32 $0x100  }
0x5: {  	s14 =	simm.s32 $0x1;
	s15 =	simm.s32 $0x2100;
	s16 =	simm.s32 $0x4100  }
0x6: {  	s17 =	simm.s32 $0x0;
	[smem:$0x7FF] =	sst s2;
	s4 =	sadd.s32 $0x777200, s7  }
0x7: {  	s5 =	sadd.s32 $0x715600, s7;
	s8 =	sand.u32 $0x1, s6;
	s6 =	sadd.s32 $0x1EA00, s7  }
0x8: {  	s10 =	sshll.u32 s3, $0x1;
	s7 =	sadd.s32 $0x6200, s7;
	s9 =	ssub.s32 $0x2, s8  }
0x9: {  	_ =	strace $0x8000004D;
	s10 =	sor.u32 s8, s10;
	s11 =	sshrl.u32 s9, $0x1  }
0xa: {  	s8 =	sshll.u32 s10, $0x7;
	s31 =	ssub.s32 $0x1889, s10;
	s11 =	ssub.s32 s9, s11  }
0xb: {  	s9 =	sshrl.u32 s31, $0x5;
	s10 =	smax.u32 s11, $0x1;
	s11 =	simm.s32 $0x2  }
.LBB2_1:
0xc: {  	s18 =	simm.s32 $0x0  }
.LBB2_2:
0xd: {  	s19 =	sshll.u32 s18, $0xC  }
0xe: {  	s19 =	sor.u32 s8, s19  }
0xf: {  	s20 =	sshrl.u32 s19, $0x3  }
0x10: {  	s22 =	simm.s32 $0x0;
	s21 =	sadd.s32 s6, s20  }
0x11: {  	[tilespmem:s22], [sflag:$0x2] =	stream.linear.gather [hbm4b:s21+s22], $0x80, $0x38;
	[tilespmem:$0x6100] =	vst v63  }
0x12: {  	_ =	swait.ge [sflag:s11], $0x80  }
0x13: {  	[sflag:s11] =	ssyncset.done $0x0  }
0x14: {  	s20 =	sadd.s32 s7, s20;
	[sflag:s11] =	ssyncadd.s32 $0xFFFFFF80  }
0x15: {  	[tilespmem:s12], [sflag:$0x2] =	stream.linear.gather [hbm4b:s20+s22], $0x80, $0x38;
	[tilespmem:$0x6100] =	vst v63  }
0x16: {  	_ =	swait.ge [sflag:s11], $0x80  }
0x17: {  	[sflag:s11] =	ssyncset.done $0x0  }
0x18: {  	[sflag:s11] =	ssyncadd.s32 $0xFFFFFF80  }
0x19: {  	[tilespmem:s13], [sflag:$0x1] =	stream.indirect.gather [hbm4b:s4+s12], $0x40, s22, s12, $0xb8;
	[tilespmem:$0x6100] =	vst v63  }
0x1a: {  	_ =	swait.ge [sflag:s14], $0x2000  }
0x1b: {  	[sflag:s14] =	ssyncset.done $0x0  }
0x1c: {  	[sflag:s14] =	ssyncadd.s32 $0xFFFFE000  }
0x1d: {  	[tilespmem:s15], [sflag:$0x1] =	stream.indirect.gather [hbm4b:s5+s12], $0x40, s12, s12, $0xb8;
	[tilespmem:$0x6100] =	vst v63  }
0x1e: {  	_ =	swait.ge [sflag:s14], $0x2000  }
0x1f: {  	[sflag:s14] =	ssyncset.done $0x0  }
0x20: {  	s21 =	simm.s32 $0x0;
	[sflag:s14] =	ssyncadd.s32 $0xFFFFE000  }
0x21: {  	v2 =	vld [tilespmem:s21+$0x130]  }
0x22: {  	v4 =	vld [tilespmem:s21+$0x2130]  }
0x23: {  	v5 =	vld [tilespmem:s21+$0x100]  }
0x24: {  	v6 =	vld [tilespmem:s21+$0x2100]  }
0x25: {  	v1 =	vld [tilespmem:s21+$0x110]  }
0x26: {  	v3 =	vld [tilespmem:s21+$0x2110]  }
0x27: {  	v0 =	vld [tilespmem:s21+$0x120];
	v7 =	vadd.f32 v4, v2  }
0x28: {  	s20 =	simm.s32 $0x40;
	v4 =	vld [tilespmem:s21+$0x2120]  }
0x29: {  	s22 =	simm.s32 $0x200;
	v2 =	vld [tilespmem:s20+$0x130];
	v5 =	vadd.f32 v6, v5;
	[tilespmem:s21+$0x4130] =	vst v7  }
.LBB2_3:
0x2a: {  	p0 =	sne.s32 s22, $0x7F00;
	v6 =	vld [tilespmem:s20+$0x2130]  }
0x2b: {  	v7 =	vld [tilespmem:s20+$0x100];
	[tilespmem:s21+$0x4100] =	vst v5;
	v3 =	vadd.f32 v3, v1  }
0x2c: {  	v5 =	vld [tilespmem:s20+$0x2100]  }
.Ltmp0:
0x2d: {  	v1 =	vld [tilespmem:s20+$0x110];
	[tilespmem:s21+$0x4110] =	vst v3;
	v4 =	vadd.f32 v4, v0;
	(pc) =	sbr.rel @p0 .LBB2_3-.Ltmp0, $4  }
0x2e: {  	v3 =	vld [tilespmem:s20+$0x2110]  }
0x2f: {  	v0 =	vld [tilespmem:s20+$0x120];
	v6 =	vadd.f32 v6, v2;
	[tilespmem:s21+$0x4120] =	vst v4;
	s21 =	smov.u32 s20  }
0x30: {  	s20 =	sshra.s32 s22, $0x2;
	v4 =	vld [tilespmem:s21+$0x2120]  }
0x31: {  	s22 =	sadd.s32 $0x100, s22;
	v2 =	vld [tilespmem:s20+$0x130];
	v5 =	vadd.f32 v5, v7;
	[tilespmem:s21+$0x4130] =	vst v6  }
0x32: {  	v6 =	vld [tilespmem:s20+$0x2130]  }
0x33: {  	v7 =	vld [tilespmem:s20+$0x100];
	[tilespmem:s21+$0x4100] =	vst v5;
	v1 =	vadd.f32 v3, v1  }
0x34: {  	v62 =	vld [tilespmem:s20+$0x2100]  }
0x35: {  	v5 =	vld [tilespmem:s20+$0x110];
	[tilespmem:s21+$0x4110] =	vst v1;
	v0 =	vadd.f32 v4, v0  }
0x36: {  	v1 =	vld [tilespmem:s20+$0x2110]  }
0x37: {  	v63 =	vld [tilespmem:s20+$0x120];
	[tilespmem:s21+$0x4120] =	vst v0  }
0x38: {  	v0 =	vld [tilespmem:s20+$0x2120];
	_ =	sdelay $0x1  }
0x39: {  	v2 =	vadd.f32 v6, v2  }
0x3a: {  	v3 =	vadd.f32 v62, v7  }
0x3b: {  	[tilespmem:s20+$0x4130] =	vst v2;
	v1 =	vadd.f32 v1, v5  }
0x3c: {  	s19 =	sshll.u32 s19, $0x3;
	s18 =	sadd.s32 $0x1, s18;
	[tilespmem:s20+$0x4100] =	vst v3;
	v0 =	vadd.f32 v0, v63  }
0x3d: {  	s19 =	sand.u32 $0x1FFFFC00, s19;
	p0 =	sne.s32 s18, s9;
	[tilespmem:s20+$0x4110] =	vst v1  }
.Ltmp1:
0x3e: {  	s19 =	sadd.s32 s1, s19;
	[tilespmem:s20+$0x4120] =	vst v0;
	(pc) =	sbr.rel @p0 .LBB2_2-.Ltmp1, $4  }
0x3f: {  	[hbm4b:s19+s2] =	stream.linear.scatter [tilespmem:s16], [sflag:$0x2], $0x2000, $0x38;
	[tilespmem:$0x6100] =	vst v63  }
0x40: {  	_ =	swait.ge [sflag:s11], $0x2000  }
0x41: {  	[sflag:s11] =	ssyncset.done $0x0  }
0x42: {  	[sflag:s11] =	ssyncadd.s32 $0xFFFFE000  }
0x43: {  	s17 =	sadd.s32 $0x1, s17  }
0x44: {  	p0 =	sne.s32 s17, s10  }
.Ltmp2:
0x45: {  	_ = 	snop;
	(pc) =	sbr.rel @p0 .LBB2_1-.Ltmp2, $1  }
0x46: {  	_ =	sdelay $0x3  }
0x47: {  	_ =	sfence.sel $0x180000  }
0x48: {  	[bflag:$0x0] =	sbarrier.arrive $0xFFFF  }
0x49: {  	p0 =	sne.s32 s3, $0x0;
	_ =	strace $0x9000004D  }
0x4a: {  	s0 =	sadd.s32 @!p0 $0x100000, s0;
	[bflag:$0x2] =	sbarrier.arrive $0xFFFF  }
0x4b: {  	[sflag:s0] =	ssyncadd.tile.s32 @!p0 $0x1;
	_ =	shalt  }
.Lfunc_end2:
_tile_overlayer_lowered:
.L_overlay_start_2:
0x4c: {  	(tag) =	ssettag $0x2  }
0x4d: {  	s0 =	rddreg [dreg:$0x0];
	s2 =	stileid.u32  }
0x4e: {  	s1 =	rddreg [dreg:$0x1];
	p0 =	sne.s32 s2, $0x0  }
0x4f: {  	s3 =	rddreg [dreg:$0x2];
	[bflag:$0x3] =	sbarrier.arrive $0xFFFF;
	s2 =	simm.s32 @!p0 $0x1C02  }
0x50: {  	[timem:s3], [sflag:s2] =	dma.local @!p0 [hbm:s0], s1  }
0x51: {  	s0 =	simm.s32 @!p0 $0x2  }
0x52: {  	_ =	swait.ge @!p0 [sflag:s0], s1  }
0x53: {  	s1 =	ssub.s32 @!p0 $0x0, s1;
	[sflag:s0] =	ssyncset.done @!p0 $0x0  }
0x54: {  	[sflag:s0] =	ssyncadd.s32 @!p0 s1  }
0x55: {  	[bflag:$0x3] =	sbarrier.arrive $0xFFFF  }
0x56: {  	_ =	shalt  }

// kernel: kernel.27.cloned.1.call-start
scs
__scs_entry_jumppad:
0x0: {  	(pc) =	sbr.rel $0x88, $3  }
0x1: {  	(tag) =	ssettag $0x0;
	lr =	simm.s32 $0x1  }
0x2: {  	[smem:$0x3F82] =	sst lr;
	_ =	strace $0xD0000000  }
0x3: {  	_ = 	snop  }
0x4: {  	_ = 	snop  }
0x5: {  	_ = 	snop  }
0x6: {  	_ = 	snop  }
0x7: {  	_ = 	snop  }
__scs_overlays_trampoline_lowered:
0x8: {  	[smem:$0x3F91] =	sst s0  }
0x9: {  	[smem:$0x3F92] =	sst s1  }
0xa: {  	[smem:$0x3F93] =	sst s2  }
0xb: {  	[smem:$0x3F94] =	sst s3  }
0xc: {  	[smem:$0x3F95] =	sst s4  }
0xd: {  	[smem:$0x3F96] =	sst s5  }
0xe: {  	[smem:$0x3F97] =	sst s6  }
0xf: {  	[smem:$0x3F98] =	sst s7  }
0x10: {  	[smem:$0x3F99] =	sst s8  }
0x11: {  	[smem:$0x3F9A] =	sst s9;
	s0 =	simm.s32 @!p0 $0x0  }
0x12: {  	s1 =	sld [smem:$0x3F80];
	s0 =	simm.s32 @p0 $0x1  }
0x13: {  	[smem:$0x3F9B] =	sst s0;
	s0 =	simm.s32 @!p1 $0x0  }
0x14: {  	s2 =	sld [smem:$0x3F7F];
	s0 =	simm.s32 @p1 $0x1  }
0x15: {  	[smem:$0x3F9C] =	sst s0;
	s0 =	simm.s32 @!p2 $0x0  }
0x16: {  	s3 =	sld [smem:$0x3FDB];
	s0 =	simm.s32 @p2 $0x1  }
0x17: {  	s4 =	simm.s32 $0x1BF5;
	[smem:$0x3F9E] =	sst s0  }
0x18: {  	s0 =	sld [smem:$0x3F81];
	_ =	swait.ge [sflag:s4], $0x0  }
0x19: {  	s7 =	sld [smem:$0x3F82]  }
0x1a: {  	s8 =	sadd.s32 $0xFFFFE003, lr  }
0x1b: {  	s9 =	sadd.s32 $0xFFFFFEF7, lr;
	s5 =	simm.s32 $0xFFFFFFFF;
	p2 =	slt.u32 s8, $0xFFFFF086  }
0x1c: {  	p1 =	slt.u32 s9, $0xF7A;
	s5 =	simm.s32 @!p2 $0x0  }
0x1d: {  	s5 =	simm.s32 @p1 $0x1;
	p0 =	seq.s32 s7, s2  }
0x1e: {  	s7 =	smul.u32 @!p0 $0xF7A, s2;
	p2 =	seq.s32 @!p0 s5, $0x0  }
0x1f: {  	s9 =	smul.u32 $0xF7A, s1;
	s8 =	simm.s32 @!p0 $0x1BF5;
	p2 =	por !p2, p0  }
0x20: {  	[sflag:s8] =	ssyncset.s32 @!p0 $0xFFFFF086;
	s6 =	sadd.s32 @!p0 s3, s7;
	s7 =	simm.s32 @!p0 $0x108  }
0x21: {  	s3 =	sadd.s32 s3, s9;
	s6 =	sadd.s32 @!p0 $0x88, s6;
	s7 =	simm.s32 @p2 $0x1082  }
0x22: {  	[simem:s7], [sflag:s8] =	dma.local @!p0 [hbm:s6], $0xF7A  }
0x23: {  	s9 =	sor.u32 $0xD0000000, s2;
	s6 =	simm.s32 $0x108;
	_ =	swait.ge @!p0 [sflag:s8], $0x0  }
0x24: {  	s3 =	sadd.s32 $0x88, s3;
	s6 =	simm.s32 @!p1 $0x1082;
	[sflag:s4] =	ssyncset.s32 $0xFFFFF086  }
0x25: {  	[simem:s6], [sflag:s4] =	dma.local [hbm:s3], $0xF7A  }
0x26: {  	[smem:$0x3F82] =	sst s1;
	(tag) =	ssettag s2;
	_ =	strace s9  }
0x27: {  	s1 =	sld [smem:$0x3F92]  }
0x28: {  	s2 =	sld [smem:$0x3F93]  }
0x29: {  	s4 =	sld [smem:$0x3F95]  }
0x2a: {  	p0 =	seq.s32 s5, $0x0;
	s5 =	sld [smem:$0x3F96]  }
0x2b: {  	s6 =	sld [smem:$0x3F97]  }
0x2c: {  	s7 =	sld [smem:$0x3F98]  }
0x2d: {  	s3 =	simm.s32 $0x108;
	s8 =	sld [smem:$0x3F99]  }
0x2e: {  	s3 =	simm.s32 @!p0 $0x1082;
	s9 =	sld [smem:$0x3F9A]  }
0x2f: {  	lr =	sadd.s32 s0, s3;
	s0 =	sld [smem:$0x3F91]  }
0x30: {  	s3 =	sld [smem:$0x3F94]  }
0x31: {  	[smem:$0x3F9D] =	sst s10  }
0x32: {  	s10 =	sld [smem:$0x3F9B];
	_ =	sdelay $0x3  }
0x33: {  	p0 =	seq.s32 s10, $0x1;
	s10 =	sld [smem:$0x3F9D];
	_ =	sdelay $0x3  }
0x34: {  	[smem:$0x3F9D] =	sst s10  }
0x35: {  	s10 =	sld [smem:$0x3F9C];
	_ =	sdelay $0x3  }
0x36: {  	p1 =	seq.s32 s10, $0x1;
	s10 =	sld [smem:$0x3F9D];
	_ =	sdelay $0x3  }
0x37: {  	[smem:$0x3F9D] =	sst s10  }
0x38: {  	s10 =	sld [smem:$0x3F9E]  }
0x39: {  	_ = 	snop;
	(pc) =	sbr.ind lr, $3  }
0x3a: {  	_ = 	snop  }
0x3b: {  	_ = 	snop  }
0x3c: {  	p2 =	seq.s32 s10, $0x1;
	s10 =	sld [smem:$0x3F9D]  }
0x3d: {  	_ =	shalt  }
0x3e: {  	_ =	shalt  }
0x3f: {  	_ =	shalt  }
0x40: {  	_ =	shalt  }
0x41: {  	_ =	shalt  }
0x42: {  	_ =	shalt  }
0x43: {  	_ =	shalt  }
0x44: {  	_ =	shalt  }
0x45: {  	_ =	shalt  }
0x46: {  	_ =	shalt  }
0x47: {  	_ =	shalt  }
0x48: {  	_ =	shalt  }
0x49: {  	_ =	shalt  }
0x4a: {  	_ =	shalt  }
0x4b: {  	_ =	shalt  }
0x4c: {  	_ =	shalt  }
0x4d: {  	_ =	shalt  }
0x4e: {  	_ =	shalt  }
0x4f: {  	_ =	shalt  }
0x50: {  	_ =	shalt  }
0x51: {  	_ =	shalt  }
0x52: {  	_ =	shalt  }
0x53: {  	_ =	shalt  }
0x54: {  	_ =	shalt  }
0x55: {  	_ =	shalt  }
0x56: {  	_ =	shalt  }
0x57: {  	_ =	shalt  }
0x58: {  	_ =	shalt  }
0x59: {  	_ =	shalt  }
0x5a: {  	_ =	shalt  }
0x5b: {  	_ =	shalt  }
0x5c: {  	_ =	shalt  }
0x5d: {  	_ =	shalt  }
0x5e: {  	_ =	shalt  }
0x5f: {  	_ =	shalt  }
0x60: {  	_ =	shalt  }
0x61: {  	_ =	shalt  }
0x62: {  	_ =	shalt  }
0x63: {  	_ =	shalt  }
0x64: {  	_ =	shalt  }
0x65: {  	_ =	shalt  }
0x66: {  	_ =	shalt  }
0x67: {  	_ =	shalt  }
0x68: {  	_ =	shalt  }
0x69: {  	_ =	shalt  }
0x6a: {  	_ =	shalt  }
0x6b: {  	_ =	shalt  }
0x6c: {  	_ =	shalt  }
0x6d: {  	_ =	shalt  }
0x6e: {  	_ =	shalt  }
0x6f: {  	_ =	shalt  }
0x70: {  	_ =	shalt  }
0x71: {  	_ =	shalt  }
0x72: {  	_ =	shalt  }
0x73: {  	_ =	shalt  }
0x74: {  	_ =	shalt  }
0x75: {  	_ =	shalt  }
0x76: {  	_ =	shalt  }
0x77: {  	_ =	shalt  }
0x78: {  	_ =	shalt  }
0x79: {  	_ =	shalt  }
0x7a: {  	_ =	shalt  }
0x7b: {  	_ =	shalt  }
0x7c: {  	_ =	shalt  }
0x7d: {  	_ =	shalt  }
0x7e: {  	_ =	shalt  }
0x7f: {  	_ =	shalt  }
0x80: {  	_ =	shalt  }
0x81: {  	_ =	shalt  }
0x82: {  	_ =	shalt  }
0x83: {  	_ =	shalt  }
0x84: {  	_ =	shalt  }
0x85: {  	_ =	shalt  }
0x86: {  	_ =	shalt  }
0x87: {  	_ =	shalt  }
.Lfunc_end0:
.L_simem_size_0:
called_computation.3_lowered:
.L_overlay_start_0:
0x88: {  	s2 =	sld [smem:$0x3FD9]  }
0x89: {  	s3 =	sld [smem:$0x3FFE];
	_ =	sdelay $0x1  }
0x8a: {  	s1 =	srdreg.scid  }
0x8b: {  	s0 =	sand.u32 $0x1, s1  }
0x8c: {  	s14 =	sshll.u32 s0, $0xA;
	s2 =	sadd.s32 s3, s2  }
0x8d: {  	s2 =	sadd.s32 s2, s14  }
0x8e: {  	[smem:$0x3FA9] =	sst s2  }
0x8f: {  	_ = 	snop  }
0x90: {  	s2 =	sld [smem:$0x3FD0];
	_ =	sdelay $0x2  }
0x91: {  	s15 =	simm.s32 $0xA;
	s4 =	simm.s32 $0x10  }
0x92: {  	[smem:s4], [sflag:s15] =	dma.local [hbm:s2], $0x1  }
0x93: {  	_ =	swait.eq [sflag:s15], $0x1  }
0x94: {  	[sflag:s15] =	ssyncset.done $0x0  }
0x95: {  	s16 =	sld [smem:$0x10];
	[sflag:s15] =	ssyncadd.s32 $0xFFFFFFFF  }
0x96: {  	s17 =	sld [smem:$0x11];
	(tm) =	ssettm $0x1  }
0x97: {  	s18 =	sld [smem:$0x3FFB];
	_ =	sdelay $0x3  }
0x98: {  	_ =	strace s18  }
0x99: {  	s4 =	sld [smem:$0x3FFC];
	_ =	sdelay $0x3  }
0x9a: {  	_ =	strace s4  }
0x9b: {  	s4 =	sld [smem:$0x3FFD];
	_ =	sdelay $0x3  }
0x9c: {  	_ =	strace s4  }
0x9d: {  	_ =	strace $0x8FFFFFFF  }
0x9e: {  	s19 =	sld [smem:$0x3FDB];
	_ =	sdelay $0x1  }
0x9f: {  	s5 =	simm.s32 $_scs_section_size  }
0xa0: {  	s6 =	simm.s32 $_size__tile_overlayer_lowered;
	s7 =	simm.s32 $_tile_overlayer_lowered  }
0xa1: {  	s22 =	simm.s32 $0x1BFF;
	s21 =	sshll.u32 s7, $0x1;
	s4 =	sadd.s32 s5, s19  }
0xa2: {  	s8 =	simm.s32 $0x0;
	s20 =	sshll.u32 s6, $0x1;
	s6 =	sadd.s32 s21, s4  }
0xa3: {  	[timem:s8], [sflag:s22] =	dma.local [hbm:s6], s20  }
0xa4: {  	_ =	swait.ge [sflag:s22], s20  }
0xa5: {  	s5 =	ssub.s32 $0x0, s20;
	[sflag:s22] =	ssyncset.done $0x0  }
0xa6: {  	[sflag:s22] =	ssyncadd.s32 s5;
	_ =	sdelay $0x1  }
0xa7: {  	s23 =	simm.s32 $0x1B8B  }
0xa8: {  	_ =	swait.ge [sflag:s23], $0x1  }
0xa9: {  	[sflag:s23] =	ssyncset.done $0x0  }
0xaa: {  	s25 =	simm.s32 $0x1B8E;
	s24 =	sld [smem:$0x3FFE];
	[sflag:s23] =	ssyncadd.s32 $0xFFFFFFFF  }
0xab: {  	s26 =	simm.s32 $execute0_lowered;
	[smem:$0x3FD2] =	sst s25  }
0xac: {  	s6 =	sshll.u32 s26, $0x1;
	_ =	strace $0x8000004F;
	[dreg:$0x1] =	wrdreg $0xFFFFFFFF  }
0xad: {  	s28 =	simm.s32 $_size_execute0_lowered;
	s4 =	sadd.s32 s4, s6;
	[dreg:$0x0] =	wrdreg $0x0  }
0xae: {  	s6 =	sshll.u32 s28, $0x1;
	[dreg:$0x2] =	wrdreg s4  }
0xaf: {  	[dreg:$0x3] =	wrdreg s6  }
0xb0: {  	[dreg:$0x4] =	wrdreg $0xC0  }
0xb1: {  	_ =	task [dreg:s8], $0x5FFFF  }
0xb2: {  	[dreg:$0x1] =	wrdreg $0xFFFFFFFF  }
0xb3: {  	[dreg:$0x0] =	wrdreg $0x60  }
0xb4: {  	[dreg:$0x2] =	wrdreg s16  }
0xb5: {  	[dreg:$0x3] =	wrdreg s17  }
0xb6: {  	[dreg:$0x4] =	wrdreg s24  }
0xb7: {  	[dreg:$0x5] =	wrdreg $0x9  }
0xb8: {  	_ =	task.clear_ibuf [dreg:s8], $0x6FFFF;
	_ =	strace $0x9000004F  }
0xb9: {  	s29 =	simm.s32 $0x9;
	_ =	strace $0x80000051  }
0xba: {  	_ =	swait.ge [sflag:s29], $0x1  }
0xbb: {  	[sflag:s29] =	ssyncadd.s32 $0xFFFFFFFF  }
0xbc: {  	_ =	strace $0x90000051  }
0xbd: {  	_ =	sfence  }
0xbe: {  	s30 =	sld [smem:$0x0];
	_ =	sdelay $0x2  }
0xbf: {  	s31 =	sshll.u32 s1, $0xD;
	s1 =	sshrl.u32 s1, $0x2  }
0xc0: {  	s3 =	sand.u32 $0x4000, s31;
	s1 =	sadd.s32 s1, s30  }
0xc1: {  	s0 =	sor.u32 s3, s0;
	s1 =	sshll.u32 s1, $0x11  }
0xc2: {  	s0 =	sor.u32 s1, s0  }
0xc3: {  	s0 =	sadd.s32 $0x8F2B, s0  }
0xc4: {  	[sflag:s0] =	ssyncadd.remote.s32 $0x1  }
0xc5: {  	_ =	sfence.sel $0xFFFF  }
0xc6: {  	[dreg:$0x0] =	wrdreg $0xFFFFFFFF;
	(pc) =	sbr.abs _section_cstart, $3  }
0xc7: {  	[dreg:$0x1] =	wrdreg $0xFFFFFFFF  }
0xc8: {  	_ =	task.clear_ibuf [dreg:s8], $0x2FFFF;
	_ =	strace $0x9FFFFFFF  }
0xc9: {  	(tm) =	ssettm $0x7FFFFFFF  }
tec
execute0_lowered:
.L_overlay_start_1:
0x0: {  	(tag) =	ssettag $0x1  }
0x1: {  	s1 =	rddreg [dreg:$0x0]  }
0x2: {  	s2 =	rddreg [dreg:$0x1]  }
0x3: {  	s6 =	rddreg [dreg:$0x2]  }
0x4: {  	s0 =	rddreg [dreg:$0x3];
	s4 =	simm.s32 $0x0;
	s5 =	srdreg.scid  }
0x5: {  	s3 =	stileid.u32;
	s11 =	simm.s32 $0x2080;
	s12 =	simm.s32 $0x80  }
0x6: {  	s13 =	simm.s32 $0x1;
	s14 =	simm.s32 $0x4080;
	s15 =	simm.s32 $0x0  }
0x7: {  	[smem:$0x7FF] =	sst s4;
	s7 =	sand.u32 $0x1, s5;
	s9 =	sshll.u32 s3, $0x1  }
0x8: {  	s5 =	sadd.s32 $0x1EA00, s6;
	s6 =	sadd.s32 $0x37200, s6;
	s8 =	ssub.s32 $0x2, s7  }
0x9: {  	_ =	strace $0x80000050;
	s7 =	sor.u32 s7, s9;
	s10 =	sshrl.u32 s8, $0x1  }
0xa: {  	s31 =	ssub.s32 $0x1889, s7;
	s7 =	sshll.u32 s7, $0x7;
	s30 =	ssub.s32 s8, s10  }
0xb: {  	s8 =	sshrl.u32 s31, $0x5;
	s10 =	simm.s32 $0x2;
	s9 =	smax.u32 s30, $0x1  }
.LBB2_1:
0xc: {  	s16 =	simm.s32 $0x0  }
.LBB2_2:
0xd: {  	s17 =	sshll.u32 s16, $0xC  }
0xe: {  	s17 =	sor.u32 s7, s17  }
0xf: {  	s18 =	sshrl.u32 s17, $0x3  }
0x10: {  	s19 =	simm.s32 $0x0;
	s18 =	sadd.s32 s5, s18  }
0x11: {  	[tilespmem:s19], [sflag:$0x2] =	stream.linear.gather [hbm4b:s18+s19], $0x80, $0x38;
	[tilespmem:$0x6080] =	vst v63  }
0x12: {  	s17 =	sshll.u32 s17, $0x3;
	_ =	swait.ge [sflag:s10], $0x80  }
0x13: {  	s17 =	sand.u32 $0x1FFFFC00, s17;
	[sflag:s10] =	ssyncset.done $0x0  }
0x14: {  	s31 =	sadd.s32 s2, s17;
	[sflag:s10] =	ssyncadd.s32 $0xFFFFFF80  }
0x15: {  	[tilespmem:s11], [sflag:$0x2] =	stream.linear.gather [hbm4b:s31+s19], $0x2000, $0x38;
	[tilespmem:$0x6080] =	vst v63  }
0x16: {  	_ =	swait.ge [sflag:s10], $0x2000  }
0x17: {  	[sflag:s10] =	ssyncset.done $0x0  }
0x18: {  	[sflag:s10] =	ssyncadd.s32 $0xFFFFE000  }
0x19: {  	[tilespmem:s12], [sflag:$0x1] =	stream.indirect.gather [hbm4b:s1+s12], $0x40, s19, s12, $0xb8;
	[tilespmem:$0x6080] =	vst v63  }
0x1a: {  	_ =	swait.ge [sflag:s13], $0x2000  }
0x1b: {  	[sflag:s13] =	ssyncset.done $0x0  }
0x1c: {  	s19 =	simm.s32 $0x0;
	[sflag:s13] =	ssyncadd.s32 $0xFFFFE000  }
0x1d: {  	v2 =	vld [tilespmem:s19+$0xB0]  }
0x1e: {  	v3 =	vld [tilespmem:s19+$0x20B0]  }
0x1f: {  	v5 =	vld [tilespmem:s19+$0x80]  }
0x20: {  	v6 =	vld [tilespmem:s19+$0x2080]  }
0x21: {  	v1 =	vld [tilespmem:s19+$0x90]  }
0x22: {  	v4 =	vld [tilespmem:s19+$0x2090]  }
0x23: {  	v0 =	vld [tilespmem:s19+$0xA0];
	v7 =	vadd.f32 v3, v2  }
0x24: {  	s18 =	simm.s32 $0x40;
	v3 =	vld [tilespmem:s19+$0x20A0]  }
0x25: {  	s20 =	simm.s32 $0x200;
	v2 =	vld [tilespmem:s18+$0xB0];
	v5 =	vadd.f32 v6, v5;
	v6 =	vmax.f32 v7, $0.0e+00  }
.LBB2_3:
0x26: {  	p0 =	sne.s32 s20, $0x7F00;
	v7 =	vld [tilespmem:s18+$0x20B0];
	[tilespmem:s19+$0x40B0] =	vst v6  }
0x27: {  	v6 =	vld [tilespmem:s18+$0x80];
	v5 =	vmax.f32 v5, $0.0e+00;
	v4 =	vadd.f32 v4, v1  }
0x28: {  	v8 =	vld [tilespmem:s18+$0x2080];
	[tilespmem:s19+$0x4080] =	vst v5  }
.Ltmp0:
0x29: {  	v1 =	vld [tilespmem:s18+$0x90];
	v5 =	vmax.f32 v4, $0.0e+00;
	v3 =	vadd.f32 v3, v0;
	(pc) =	sbr.rel @p0 .LBB2_3-.Ltmp0, $4  }
0x2a: {  	v4 =	vld [tilespmem:s18+$0x2090];
	[tilespmem:s19+$0x4090] =	vst v5  }
0x2b: {  	v0 =	vld [tilespmem:s18+$0xA0];
	v7 =	vadd.f32 v7, v2;
	v2 =	vmax.f32 v3, $0.0e+00  }
0x2c: {  	v3 =	vld [tilespmem:s18+$0x20A0];
	[tilespmem:s19+$0x40A0] =	vst v2;
	s19 =	smov.u32 s18;
	s18 =	sshra.s32 s20, $0x2  }
0x2d: {  	s20 =	sadd.s32 $0x100, s20;
	v2 =	vld [tilespmem:s18+$0xB0];
	v5 =	vadd.f32 v8, v6;
	v6 =	vmax.f32 v7, $0.0e+00  }
0x2e: {  	v7 =	vld [tilespmem:s18+$0x20B0];
	[tilespmem:s19+$0x40B0] =	vst v6  }
0x2f: {  	v6 =	vld [tilespmem:s18+$0x80];
	v5 =	vmax.f32 v5, $0.0e+00;
	v1 =	vadd.f32 v4, v1  }
0x30: {  	v8 =	vld [tilespmem:s18+$0x2080];
	[tilespmem:s19+$0x4080] =	vst v5  }
0x31: {  	v57 =	vld [tilespmem:s18+$0x90];
	v1 =	vmax.f32 v1, $0.0e+00  }
0x32: {  	v5 =	vld [tilespmem:s18+$0x2090];
	[tilespmem:s19+$0x4090] =	vst v1  }
0x33: {  	v1 =	vld [tilespmem:s18+$0xA0]  }
0x34: {  	v9 =	vld [tilespmem:s18+$0x20A0]  }
0x35: {  	v0 =	vadd.f32 v3, v0  }
0x36: {  	v2 =	vadd.f32 v7, v2  }
0x37: {  	v0 =	vmax.f32 v0, $0.0e+00;
	v58 =	vadd.f32 v8, v6  }
0x38: {  	[tilespmem:s19+$0x40A0] =	vst v0;
	v59 =	vmax.f32 v2, $0.0e+00;
	v60 =	vadd.f32 v5, v57  }
0x39: {  	[tilespmem:s18+$0x40B0] =	vst v59;
	v61 =	vmax.f32 v58, $0.0e+00;
	v1 =	vadd.f32 v9, v1  }
0x3a: {  	s16 =	sadd.s32 $0x1, s16;
	[tilespmem:s18+$0x4080] =	vst v61;
	v62 =	vmax.f32 v60, $0.0e+00  }
0x3b: {  	p0 =	sne.s32 s16, s8;
	[tilespmem:s18+$0x4090] =	vst v62;
	v63 =	vmax.f32 v1, $0.0e+00  }
.Ltmp1:
0x3c: {  	s17 =	sadd.s32 s6, s17;
	[tilespmem:s18+$0x40A0] =	vst v63;
	(pc) =	sbr.rel @p0 .LBB2_2-.Ltmp1, $4  }
0x3d: {  	[hbm4b:s17+s4] =	stream.linear.scatter [tilespmem:s14], [sflag:$0x2], $0x2000, $0x38;
	[tilespmem:$0x6080] =	vst v63  }
0x3e: {  	_ =	swait.ge [sflag:s10], $0x2000  }
0x3f: {  	[sflag:s10] =	ssyncset.done $0x0  }
0x40: {  	[sflag:s10] =	ssyncadd.s32 $0xFFFFE000  }
0x41: {  	s15 =	sadd.s32 $0x1, s15  }
0x42: {  	p0 =	sne.s32 s15, s9  }
.Ltmp2:
0x43: {  	_ = 	snop;
	(pc) =	sbr.rel @p0 .LBB2_1-.Ltmp2, $1  }
0x44: {  	_ =	sdelay $0x3  }
0x45: {  	_ =	sfence.sel $0x180000  }
0x46: {  	[bflag:$0x0] =	sbarrier.arrive $0xFFFF  }
0x47: {  	p0 =	sne.s32 s3, $0x0;
	_ =	strace $0x90000050  }
0x48: {  	s0 =	sadd.s32 @!p0 $0x100000, s0;
	[bflag:$0x2] =	sbarrier.arrive $0xFFFF  }
0x49: {  	[sflag:s0] =	ssyncadd.tile.s32 @!p0 $0x1;
	_ =	shalt  }
.Lfunc_end2:
_tile_overlayer_lowered:
.L_overlay_start_2:
0x4a: {  	(tag) =	ssettag $0x2  }
0x4b: {  	s0 =	rddreg [dreg:$0x0];
	s2 =	stileid.u32  }
0x4c: {  	s1 =	rddreg [dreg:$0x1];
	p0 =	sne.s32 s2, $0x0  }
0x4d: {  	s3 =	rddreg [dreg:$0x2];
	[bflag:$0x3] =	sbarrier.arrive $0xFFFF;
	s2 =	simm.s32 @!p0 $0x1C02  }
0x4e: {  	[timem:s3], [sflag:s2] =	dma.local @!p0 [hbm:s0], s1  }
0x4f: {  	s0 =	simm.s32 @!p0 $0x2  }
0x50: {  	_ =	swait.ge @!p0 [sflag:s0], s1  }
0x51: {  	s1 =	ssub.s32 @!p0 $0x0, s1;
	[sflag:s0] =	ssyncset.done @!p0 $0x0  }
0x52: {  	[sflag:s0] =	ssyncadd.s32 @!p0 s1  }
0x53: {  	[bflag:$0x3] =	sbarrier.arrive $0xFFFF  }
0x54: {  	_ =	shalt  }

// kernel: kernel.30.cloned.1.call-start
scs
__scs_entry_jumppad:
0x0: {  	(pc) =	sbr.rel $0x88, $3  }
0x1: {  	(tag) =	ssettag $0x0;
	lr =	simm.s32 $0x1  }
0x2: {  	[smem:$0x3F82] =	sst lr;
	_ =	strace $0xD0000000  }
0x3: {  	_ = 	snop  }
0x4: {  	_ = 	snop  }
0x5: {  	_ = 	snop  }
0x6: {  	_ = 	snop  }
0x7: {  	_ = 	snop  }
__scs_overlays_trampoline_lowered:
0x8: {  	[smem:$0x3F91] =	sst s0  }
0x9: {  	[smem:$0x3F92] =	sst s1  }
0xa: {  	[smem:$0x3F93] =	sst s2  }
0xb: {  	[smem:$0x3F94] =	sst s3  }
0xc: {  	[smem:$0x3F95] =	sst s4  }
0xd: {  	[smem:$0x3F96] =	sst s5  }
0xe: {  	[smem:$0x3F97] =	sst s6  }
0xf: {  	[smem:$0x3F98] =	sst s7  }
0x10: {  	[smem:$0x3F99] =	sst s8  }
0x11: {  	[smem:$0x3F9A] =	sst s9;
	s0 =	simm.s32 @!p0 $0x0  }
0x12: {  	s1 =	sld [smem:$0x3F80];
	s0 =	simm.s32 @p0 $0x1  }
0x13: {  	[smem:$0x3F9B] =	sst s0;
	s0 =	simm.s32 @!p1 $0x0  }
0x14: {  	s2 =	sld [smem:$0x3F7F];
	s0 =	simm.s32 @p1 $0x1  }
0x15: {  	[smem:$0x3F9C] =	sst s0;
	s0 =	simm.s32 @!p2 $0x0  }
0x16: {  	s3 =	sld [smem:$0x3FDB];
	s0 =	simm.s32 @p2 $0x1  }
0x17: {  	s4 =	simm.s32 $0x1BF5;
	[smem:$0x3F9E] =	sst s0  }
0x18: {  	s0 =	sld [smem:$0x3F81];
	_ =	swait.ge [sflag:s4], $0x0  }
0x19: {  	s7 =	sld [smem:$0x3F82]  }
0x1a: {  	s8 =	sadd.s32 $0xFFFFE003, lr  }
0x1b: {  	s9 =	sadd.s32 $0xFFFFFEF7, lr;
	s5 =	simm.s32 $0xFFFFFFFF;
	p2 =	slt.u32 s8, $0xFFFFF086  }
0x1c: {  	p1 =	slt.u32 s9, $0xF7A;
	s5 =	simm.s32 @!p2 $0x0  }
0x1d: {  	s5 =	simm.s32 @p1 $0x1;
	p0 =	seq.s32 s7, s2  }
0x1e: {  	s7 =	smul.u32 @!p0 $0xF7A, s2;
	p2 =	seq.s32 @!p0 s5, $0x0  }
0x1f: {  	s9 =	smul.u32 $0xF7A, s1;
	s8 =	simm.s32 @!p0 $0x1BF5;
	p2 =	por !p2, p0  }
0x20: {  	[sflag:s8] =	ssyncset.s32 @!p0 $0xFFFFF086;
	s6 =	sadd.s32 @!p0 s3, s7;
	s7 =	simm.s32 @!p0 $0x108  }
0x21: {  	s3 =	sadd.s32 s3, s9;
	s6 =	sadd.s32 @!p0 $0x88, s6;
	s7 =	simm.s32 @p2 $0x1082  }
0x22: {  	[simem:s7], [sflag:s8] =	dma.local @!p0 [hbm:s6], $0xF7A  }
0x23: {  	s9 =	sor.u32 $0xD0000000, s2;
	s6 =	simm.s32 $0x108;
	_ =	swait.ge @!p0 [sflag:s8], $0x0  }
0x24: {  	s3 =	sadd.s32 $0x88, s3;
	s6 =	simm.s32 @!p1 $0x1082;
	[sflag:s4] =	ssyncset.s32 $0xFFFFF086  }
0x25: {  	[simem:s6], [sflag:s4] =	dma.local [hbm:s3], $0xF7A  }
0x26: {  	[smem:$0x3F82] =	sst s1;
	(tag) =	ssettag s2;
	_ =	strace s9  }
0x27: {  	s1 =	sld [smem:$0x3F92]  }
0x28: {  	s2 =	sld [smem:$0x3F93]  }
0x29: {  	s4 =	sld [smem:$0x3F95]  }
0x2a: {  	p0 =	seq.s32 s5, $0x0;
	s5 =	sld [smem:$0x3F96]  }
0x2b: {  	s6 =	sld [smem:$0x3F97]  }
0x2c: {  	s7 =	sld [smem:$0x3F98]  }
0x2d: {  	s3 =	simm.s32 $0x108;
	s8 =	sld [smem:$0x3F99]  }
0x2e: {  	s3 =	simm.s32 @!p0 $0x1082;
	s9 =	sld [smem:$0x3F9A]  }
0x2f: {  	lr =	sadd.s32 s0, s3;
	s0 =	sld [smem:$0x3F91]  }
0x30: {  	s3 =	sld [smem:$0x3F94]  }
0x31: {  	[smem:$0x3F9D] =	sst s10  }
0x32: {  	s10 =	sld [smem:$0x3F9B];
	_ =	sdelay $0x3  }
0x33: {  	p0 =	seq.s32 s10, $0x1;
	s10 =	sld [smem:$0x3F9D];
	_ =	sdelay $0x3  }
0x34: {  	[smem:$0x3F9D] =	sst s10  }
0x35: {  	s10 =	sld [smem:$0x3F9C];
	_ =	sdelay $0x3  }
0x36: {  	p1 =	seq.s32 s10, $0x1;
	s10 =	sld [smem:$0x3F9D];
	_ =	sdelay $0x3  }
0x37: {  	[smem:$0x3F9D] =	sst s10  }
0x38: {  	s10 =	sld [smem:$0x3F9E]  }
0x39: {  	_ = 	snop;
	(pc) =	sbr.ind lr, $3  }
0x3a: {  	_ = 	snop  }
0x3b: {  	_ = 	snop  }
0x3c: {  	p2 =	seq.s32 s10, $0x1;
	s10 =	sld [smem:$0x3F9D]  }
0x3d: {  	_ =	shalt  }
0x3e: {  	_ =	shalt  }
0x3f: {  	_ =	shalt  }
0x40: {  	_ =	shalt  }
0x41: {  	_ =	shalt  }
0x42: {  	_ =	shalt  }
0x43: {  	_ =	shalt  }
0x44: {  	_ =	shalt  }
0x45: {  	_ =	shalt  }
0x46: {  	_ =	shalt  }
0x47: {  	_ =	shalt  }
0x48: {  	_ =	shalt  }
0x49: {  	_ =	shalt  }
0x4a: {  	_ =	shalt  }
0x4b: {  	_ =	shalt  }
0x4c: {  	_ =	shalt  }
0x4d: {  	_ =	shalt  }
0x4e: {  	_ =	shalt  }
0x4f: {  	_ =	shalt  }
0x50: {  	_ =	shalt  }
0x51: {  	_ =	shalt  }
0x52: {  	_ =	shalt  }
0x53: {  	_ =	shalt  }
0x54: {  	_ =	shalt  }
0x55: {  	_ =	shalt  }
0x56: {  	_ =	shalt  }
0x57: {  	_ =	shalt  }
0x58: {  	_ =	shalt  }
0x59: {  	_ =	shalt  }
0x5a: {  	_ =	shalt  }
0x5b: {  	_ =	shalt  }
0x5c: {  	_ =	shalt  }
0x5d: {  	_ =	shalt  }
0x5e: {  	_ =	shalt  }
0x5f: {  	_ =	shalt  }
0x60: {  	_ =	shalt  }
0x61: {  	_ =	shalt  }
0x62: {  	_ =	shalt  }
0x63: {  	_ =	shalt  }
0x64: {  	_ =	shalt  }
0x65: {  	_ =	shalt  }
0x66: {  	_ =	shalt  }
0x67: {  	_ =	shalt  }
0x68: {  	_ =	shalt  }
0x69: {  	_ =	shalt  }
0x6a: {  	_ =	shalt  }
0x6b: {  	_ =	shalt  }
0x6c: {  	_ =	shalt  }
0x6d: {  	_ =	shalt  }
0x6e: {  	_ =	shalt  }
0x6f: {  	_ =	shalt  }
0x70: {  	_ =	shalt  }
0x71: {  	_ =	shalt  }
0x72: {  	_ =	shalt  }
0x73: {  	_ =	shalt  }
0x74: {  	_ =	shalt  }
0x75: {  	_ =	shalt  }
0x76: {  	_ =	shalt  }
0x77: {  	_ =	shalt  }
0x78: {  	_ =	shalt  }
0x79: {  	_ =	shalt  }
0x7a: {  	_ =	shalt  }
0x7b: {  	_ =	shalt  }
0x7c: {  	_ =	shalt  }
0x7d: {  	_ =	shalt  }
0x7e: {  	_ =	shalt  }
0x7f: {  	_ =	shalt  }
0x80: {  	_ =	shalt  }
0x81: {  	_ =	shalt  }
0x82: {  	_ =	shalt  }
0x83: {  	_ =	shalt  }
0x84: {  	_ =	shalt  }
0x85: {  	_ =	shalt  }
0x86: {  	_ =	shalt  }
0x87: {  	_ =	shalt  }
.Lfunc_end0:
.L_simem_size_0:
called_computation.4_lowered:
.L_overlay_start_0:
0x88: {  	s2 =	sld [smem:$0x3FD9]  }
0x89: {  	s3 =	sld [smem:$0x3FFE];
	_ =	sdelay $0x1  }
0x8a: {  	s1 =	srdreg.scid  }
0x8b: {  	s0 =	sand.u32 $0x1, s1  }
0x8c: {  	s14 =	sshll.u32 s0, $0xA;
	s2 =	sadd.s32 s3, s2  }
0x8d: {  	s2 =	sadd.s32 s2, s14  }
0x8e: {  	[smem:$0x3FA9] =	sst s2  }
0x8f: {  	_ = 	snop  }
0x90: {  	s2 =	sld [smem:$0x3FD0];
	_ =	sdelay $0x2  }
0x91: {  	s15 =	simm.s32 $0xA;
	s4 =	simm.s32 $0x10  }
0x92: {  	[smem:s4], [sflag:s15] =	dma.local [hbm:s2], $0x1  }
0x93: {  	_ =	swait.eq [sflag:s15], $0x1  }
0x94: {  	[sflag:s15] =	ssyncset.done $0x0  }
0x95: {  	[sflag:s15] =	ssyncadd.s32 $0xFFFFFFFF  }
0x96: {  	s16 =	sld [smem:$0x10];
	(tm) =	ssettm $0x1  }
0x97: {  	s17 =	sld [smem:$0x3FFB];
	_ =	sdelay $0x3  }
0x98: {  	_ =	strace s17  }
0x99: {  	s3 =	sld [smem:$0x3FFC];
	_ =	sdelay $0x3  }
0x9a: {  	_ =	strace s3  }
0x9b: {  	s3 =	sld [smem:$0x3FFD];
	_ =	sdelay $0x3  }
0x9c: {  	_ =	strace s3  }
0x9d: {  	_ =	strace $0x8FFFFFFF  }
0x9e: {  	s18 =	sld [smem:$0x3FDB];
	_ =	sdelay $0x1  }
0x9f: {  	s19 =	simm.s32 $_scs_section_size  }
0xa0: {  	s5 =	simm.s32 $_size__tile_overlayer_lowered;
	s6 =	simm.s32 $_tile_overlayer_lowered  }
0xa1: {  	s22 =	simm.s32 $0x1BFF;
	s21 =	sshll.u32 s6, $0x1;
	s3 =	sadd.s32 s19, s18  }
0xa2: {  	s7 =	simm.s32 $0x0;
	s20 =	sshll.u32 s5, $0x1;
	s5 =	sadd.s32 s21, s3  }
0xa3: {  	[timem:s7], [sflag:s22] =	dma.local [hbm:s5], s20  }
0xa4: {  	_ =	swait.ge [sflag:s22], s20  }
0xa5: {  	s4 =	ssub.s32 $0x0, s20;
	[sflag:s22] =	ssyncset.done $0x0  }
0xa6: {  	[sflag:s22] =	ssyncadd.s32 s4;
	_ =	sdelay $0x1  }
0xa7: {  	s23 =	simm.s32 $0x1B8B  }
0xa8: {  	_ =	swait.ge [sflag:s23], $0x1  }
0xa9: {  	[sflag:s23] =	ssyncset.done $0x0  }
0xaa: {  	s25 =	simm.s32 $0x1B8E;
	s24 =	sld [smem:$0x3FFE];
	[sflag:s23] =	ssyncadd.s32 $0xFFFFFFFF  }
0xab: {  	s26 =	simm.s32 $execute0_lowered;
	[smem:$0x3FD2] =	sst s25  }
0xac: {  	s5 =	sshll.u32 s26, $0x1;
	_ =	strace $0x80000052;
	[dreg:$0x1] =	wrdreg $0xFFFFFFFF  }
0xad: {  	s28 =	simm.s32 $_size_execute0_lowered;
	s3 =	sadd.s32 s3, s5;
	[dreg:$0x0] =	wrdreg $0x0  }
0xae: {  	s5 =	sshll.u32 s28, $0x1;
	[dreg:$0x2] =	wrdreg s3  }
0xaf: {  	[dreg:$0x3] =	wrdreg s5  }
0xb0: {  	[dreg:$0x4] =	wrdreg $0xC0  }
0xb1: {  	_ =	task [dreg:s7], $0x5FFFF  }
0xb2: {  	[dreg:$0x1] =	wrdreg $0xFFFFFFFF  }
0xb3: {  	[dreg:$0x0] =	wrdreg $0x60  }
0xb4: {  	[dreg:$0x2] =	wrdreg s24  }
0xb5: {  	[dreg:$0x3] =	wrdreg s16  }
0xb6: {  	[dreg:$0x4] =	wrdreg $0x2B000  }
0xb7: {  	[dreg:$0x5] =	wrdreg $0x9  }
0xb8: {  	_ =	task.clear_ibuf [dreg:s7], $0x6FFFF;
	_ =	strace $0x90000052  }
0xb9: {  	s29 =	simm.s32 $0x9;
	_ =	strace $0x80000054  }
0xba: {  	_ =	swait.ge [sflag:s29], $0x1  }
0xbb: {  	[sflag:s29] =	ssyncadd.s32 $0xFFFFFFFF  }
0xbc: {  	_ =	strace $0x90000054  }
0xbd: {  	_ =	sfence  }
0xbe: {  	s30 =	sld [smem:$0x0];
	_ =	sdelay $0x2  }
0xbf: {  	s31 =	sshll.u32 s1, $0xD;
	s1 =	sshrl.u32 s1, $0x2  }
0xc0: {  	s3 =	sand.u32 $0x4000, s31;
	s1 =	sadd.s32 s1, s30  }
0xc1: {  	s0 =	sor.u32 s3, s0;
	s1 =	sshll.u32 s1, $0x11  }
0xc2: {  	s0 =	sor.u32 s1, s0  }
0xc3: {  	s0 =	sadd.s32 $0x8F2B, s0  }
0xc4: {  	[sflag:s0] =	ssyncadd.remote.s32 $0x1  }
0xc5: {  	_ =	sfence.sel $0xFFFF  }
0xc6: {  	[dreg:$0x0] =	wrdreg $0xFFFFFFFF;
	(pc) =	sbr.abs _section_cstart, $3  }
0xc7: {  	[dreg:$0x1] =	wrdreg $0xFFFFFFFF  }
0xc8: {  	_ =	task.clear_ibuf [dreg:s7], $0x2FFFF;
	_ =	strace $0x9FFFFFFF  }
0xc9: {  	(tm) =	ssettm $0x7FFFFFFF  }
tec
execute0_lowered:
.L_overlay_start_1:
0x0: {  	(tag) =	ssettag $0x1  }
0x1: {  	s4 =	rddreg [dreg:$0x0]  }
0x2: {  	s12 =	rddreg [dreg:$0x1]  }
0x3: {  	s1 =	rddreg [dreg:$0x2]  }
0x4: {  	s0 =	rddreg [dreg:$0x3]  }
0x5: {  	s3 =	simm.s32 $0x0;
	s5 =	srdreg.scid;
	s2 =	stileid.u32  }
0x6: {  	s16 =	simm.s32 $0x80;
	s17 =	simm.s32 $0x0;
	[smem:$0x7FF] =	sst s3  }
0x7: {  	s8 =	sand.u32 $0x1, s5;
	s25 =	sshll.u32 s2, $0xA;
	s6 =	sshll.u32 s2, $0x4  }
0x8: {  	s28 =	ssub.s32 $0x28A, s2;
	s29 =	ssub.s32 $0x1879, s2;
	s13 =	smul.u32 $0x2800, s2  }
0x9: {  	s30 =	ssub.s32 $0x280, s2;
	s31 =	smul.u32 $0x140, s2;
	_ =	strace $0x80000053  }
0xa: {  	s7 =	ssub.s32 $0x2, s8;
	s11 =	sadd.s32 s25, s4;
	s10 =	sadd.s32 s6, s4  }
0xb: {  	s4 =	sadd.s32 $0x715000, s4;
	s15 =	smul.u32 $0x61A8, s8;
	s5 =	sshrl.u32 s28, $0x4  }
0xc: {  	s6 =	sshrl.u32 s29, $0x4;
	s14 =	smul.u32 $0x30D40, s8;
	s26 =	sshrl.u32 s7, $0x1  }
0xd: {  	s13 =	sshrl.u32 s13, $0x2;
	s10 =	sadd.s32 $0x6200, s10;
	s11 =	sadd.s32 $0x37200, s11  }
0xe: {  	s9 =	ssub.s32 s7, s26;
	s7 =	sshrl.u32 s30, $0x4;
	s12 =	sadd.s32 s14, s12  }
0xf: {  	s14 =	simm.s32 $0x1;
	v0 =	vmov s15;
	s15 =	simm.s32 $0x100;
	s8 =	smax.u32 s9, $0x1  }
0x10: {  	s9 =	sadd.s32 s13, s1;
	s12 =	sadd.s32 s31, s12;
	s13 =	simm.s32 $0x2100  }
.LBB2_1:
0x11: {  	[tilespmem:s13], [sflag:$0x1] =	stream.linear.gather [hbm4b:s4+s3], $0xA00, $0x38;
	[tilespmem:$0x1B7E0] =	vst v63  }
0x12: {  	p0 =	sne.s32 s5, $0x1;
	_ =	swait.ge [sflag:s14], $0xA00  }
.Ltmp0:
0x13: {  	[sflag:s14] =	ssyncset.done $0x0;
	(pc) =	sbr.rel @!p0 .LBB2_3-.Ltmp0, $4  }
0x14: {  	[sflag:s14] =	ssyncadd.s32 $0xFFFFF600  }
0x15: {  	[spmem:s9] =	stream.linear.scatter [tilespmem:s13], [sflag:$0x1], $0xA00, $0x38;
	[tilespmem:$0x1B7E0] =	vst v63  }
0x16: {  	_ =	swait.ge [sflag:s14], $0xA00  }
0x17: {  	s18 =	sadd.s32 $0xFFFFFFFF, s5;
	s19 =	smov.u32 s9;
	[sflag:s14] =	ssyncset.done $0x0  }
.LBB2_2:
0x18: {  	p0 =	sne.s32 s18, $0x1;
	[sflag:s14] =	ssyncadd.s32 $0xFFFFF600;
	s19 =	sadd.s32 $0xA000, s19  }
.Ltmp1:
0x19: {  	s18 =	sadd.s32 $0xFFFFFFFF, s18;
	(pc) =	sbr.rel @p0 .LBB2_2-.Ltmp1, $4  }
0x1a: {  	_ = 	snop  }
0x1b: {  	[spmem:s19] =	stream.linear.scatter [tilespmem:s13], [sflag:$0x1], $0xA00, $0x38;
	[tilespmem:$0x1B7E0] =	vst v63  }
0x1c: {  	_ =	swait.ge [sflag:s14], $0xA00  }
0x1d: {  	[sflag:s14] =	ssyncset.done $0x0  }
.LBB2_3:
0x1e: {  	[sflag:s14] =	ssyncadd.s32 $0xFFFFF600  }
0x1f: {  	[bflag:$0x0] =	sbarrier.arrive $0xFFFF  }
0x20: {  	[tilespmem:s3], [sflag:$0x1] =	stream.linear.gather [hbm4b:s10+s3], $0x80, $0x38;
	[tilespmem:$0x1B7E0] =	vst v63  }
0x21: {  	_ =	swait.ge [sflag:s14], $0x80  }
0x22: {  	[sflag:s14] =	ssyncset.done $0x0  }
0x23: {  	[sflag:s14] =	ssyncadd.s32 $0xFFFFFF80  }
0x24: {  	v2 =	vld [tilespmem:$0x70]  }
0x25: {  	v3 =	vld [tilespmem:$0x60]  }
0x26: {  	v5 =	vld [tilespmem:$0x20]  }
0x27: {  	v4 =	vld [tilespmem:$0x0]  }
0x28: {  	v6 =	vld [tilespmem:$0x10]  }
0x29: {  	v11 =	vld [tilespmem:$0x40];
	_ =	sdelay $0x1  }
0x2a: {  	v1 =	vsub.s32 v2, v0;
	v2 =	vand.u32 $0xFF, v2  }
0x2b: {  	v8 =	vsub.s32 v3, v0;
	v3 =	vand.u32 $0xFF, v3;
	v9 =	vand.u32 $0xFF, v5  }
0x2c: {  	v7 =	vld [tilespmem:$0x30];
	v12 =	vsub.s32 v4, v0;
	v13 =	vand.u32 $0xFF, v4;
	v4 =	vand.u32 $0xFF, v6  }
0x2d: {  	v63 =	vsub.s32 v11, v0;
	vm1 =	vlt.u32 v8, $0x61A8;
	v3 =	vadd.s32 $0x61A8, v3  }
0x2e: {  	v10 =	vld [tilespmem:$0x50];
	vm0 =	vlt.u32 v1, $0x61A8;
	v8 =	vsel vm1, v8, v3;
	vm1 =	vlt.u32 v12, $0x61A8  }
0x2f: {  	p0 =	sne.s32 s6, $0x1;
	v3 =	vsub.s32 v6, v0;
	v6 =	vsub.s32 v5, v0;
	v5 =	vadd.s32 $0x61A8, v13  }
.Ltmp2:
0x30: {  	v9 =	vadd.s32 $0x61A8, v9;
	vm3 =	vlt.u32 v63, $0x61A8;
	v12 =	vsel vm1, v12, v5;
	(pc) =	sbr.rel @!p0 .LBB2_5-.Ltmp2, $4  }
0x31: {  	v5 =	vsub.s32 v7, v0;
	vm2 =	vlt.u32 v6, $0x61A8;
	[tilespmem:$0xE0] =	vst v8;
	v8 =	vand.u32 $0xFF, v7  }
0x32: {  	v7 =	vand.u32 $0xFF, v11;
	vm1 =	vlt.u32 v5, $0x61A8;
	v9 =	vsel vm2, v6, v9  }
0x33: {  	s19 =	sadd.s32 $0xFFFFFFFF, s6;
	v6 =	vand.u32 $0xFF, v10;
	vm2 =	vlt.u32 v3, $0x61A8;
	[tilespmem:$0xA0] =	vst v9;
	v9 =	vadd.s32 $0x61A8, v7  }
0x34: {  	s20 =	smov.u32 s10;
	s21 =	smov.u32 s11;
	s18 =	smov.u32 s11;
	[tilespmem:$0x80] =	vst v12;
	v8 =	vadd.s32 $0x61A8, v8;
	v7 =	vsub.s32 v10, v0;
	v9 =	vsel vm3, v63, v9  }
.LBB2_4:
0x35: {  	p0 =	sne.s32 s19, $0x1;
	v5 =	vsel vm1, v5, v8;
	vm1 =	vlt.u32 v7, $0x61A8;
	v6 =	vadd.s32 $0x61A8, v6;
	s20 =	sadd.s32 $0x100, s20;
	s21 =	sadd.s32 $0x4000, s21  }
0x36: {  	s19 =	sadd.s32 $0xFFFFFFFF, s19;
	v4 =	vadd.s32 $0x61A8, v4;
	v2 =	vadd.s32 $0x61A8, v2;
	[tilespmem:$0xC0] =	vst v9;
	v6 =	vsel vm1, v7, v6  }
0x37: {  	v3 =	vsel vm2, v3, v4;
	v1 =	vsel vm0, v1, v2;
	[tilespmem:$0xD0] =	vst v6  }
0x38: {  	[tilespmem:$0xF0] =	vst v1  }
0x39: {  	[tilespmem:$0x90] =	vst v3  }
0x3a: {  	[tilespmem:$0xB0] =	vst v5  }
0x3b: {  	[tilespmem:s15], [sflag:$0x1] =	stream.linear.gather [hbm4b:s18+s3], $0x2000, $0x38;
	[tilespmem:$0x1B7E0] =	vst v63  }
0x3c: {  	s18 =	smov.u32 s21;
	_ =	swait.ge [sflag:s14], $0x2000  }
0x3d: {  	[sflag:s14] =	ssyncset.done $0x0  }
0x3e: {  	[sflag:s14] =	ssyncadd.s32 $0xFFFFE000  }
0x3f: {  	[spmem:s1] =	stream.indirect.scatter.add.f32 [tilespmem:s15], [sflag:$0x1], $0x40, s16, s16, $0xb8;
	[tilespmem:$0x1B7E0] =	vst v63  }
0x40: {  	_ =	swait.ge [sflag:s14], $0x2000  }
0x41: {  	[sflag:s14] =	ssyncset.done $0x0  }
0x42: {  	[sflag:s14] =	ssyncadd.s32 $0xFFFFE000  }
0x43: {  	[tilespmem:s3], [sflag:$0x1] =	stream.linear.gather [hbm4b:s20+s3], $0x80, $0x38;
	[tilespmem:$0x1B7E0] =	vst v63  }
0x44: {  	_ =	swait.ge [sflag:s14], $0x80  }
0x45: {  	[sflag:s14] =	ssyncset.done $0x0  }
0x46: {  	[sflag:s14] =	ssyncadd.s32 $0xFFFFFF80  }
0x47: {  	v2 =	vld [tilespmem:$0x70]  }
0x48: {  	v3 =	vld [tilespmem:$0x60]  }
0x49: {  	v5 =	vld [tilespmem:$0x20]  }
0x4a: {  	v6 =	vld [tilespmem:$0x0]  }
0x4b: {  	v4 =	vld [tilespmem:$0x10]  }
0x4c: {  	v7 =	vld [tilespmem:$0x30];
	v1 =	vsub.s32 v2, v0;
	v2 =	vand.u32 $0xFF, v2  }
0x4d: {  	v8 =	vld [tilespmem:$0x40];
	v9 =	vsub.s32 v3, v0;
	v3 =	vand.u32 $0xFF, v3;
	vm0 =	vlt.u32 v1, $0x61A8  }
0x4e: {  	v10 =	vand.u32 $0xFF, v5;
	v11 =	vld [tilespmem:$0x50];
	vm1 =	vlt.u32 v9, $0x61A8;
	v3 =	vadd.s32 $0x61A8, v3  }
0x4f: {  	v12 =	vsub.s32 v6, v0;
	v10 =	vadd.s32 $0x61A8, v10;
	v9 =	vsel vm1, v9, v3  }
0x50: {  	vm2 =	vlt.u32 v12, $0x61A8;
	v3 =	vsub.s32 v4, v0;
	v4 =	vand.u32 $0xFF, v4;
	[tilespmem:$0xE0] =	vst v9  }
0x51: {  	v6 =	vand.u32 $0xFF, v6;
	v9 =	vsub.s32 v5, v0;
	v5 =	vsub.s32 v7, v0  }
.Ltmp3:
0x52: {  	v6 =	vadd.s32 $0x61A8, v6;
	vm3 =	vlt.u32 v9, $0x61A8;
	vm1 =	vlt.u32 v5, $0x61A8;
	(pc) =	sbr.rel @p0 .LBB2_4-.Ltmp3, $4  }
0x53: {  	v12 =	vsel vm2, v12, v6;
	v9 =	vsel vm3, v9, v10;
	v6 =	vand.u32 $0xFF, v11  }
0x54: {  	v10 =	vsub.s32 v8, v0;
	[tilespmem:$0xA0] =	vst v9;
	v9 =	vand.u32 $0xFF, v7;
	v7 =	vand.u32 $0xFF, v8  }
0x55: {  	vm3 =	vlt.u32 v10, $0x61A8;
	[tilespmem:$0x80] =	vst v12;
	v12 =	vadd.s32 $0x61A8, v7;
	v7 =	vsub.s32 v11, v0  }
0x56: {  	vm2 =	vlt.u32 v3, $0x61A8;
	v8 =	vadd.s32 $0x61A8, v9;
	v9 =	vsel vm3, v10, v12  }
.LBB2_5:
0x57: {  	vm3 =	vlt.u32 v7, $0x61A8;
	v6 =	vadd.s32 $0x61A8, v6  }
0x58: {  	[tilespmem:$0xC0] =	vst v9;
	v2 =	vadd.s32 $0x61A8, v2;
	v6 =	vsel vm3, v7, v6  }
0x59: {  	v4 =	vadd.s32 $0x61A8, v4;
	v1 =	vsel vm0, v1, v2;
	[tilespmem:$0xD0] =	vst v6  }
0x5a: {  	v2 =	vsel vm2, v3, v4;
	[tilespmem:$0xF0] =	vst v1  }
0x5b: {  	v1 =	vsel vm1, v5, v8;
	[tilespmem:$0x90] =	vst v2  }
0x5c: {  	[tilespmem:$0xB0] =	vst v1  }
0x5d: {  	[tilespmem:s15], [sflag:$0x1] =	stream.linear.gather [hbm4b:s18+s3], $0x2000, $0x38;
	[tilespmem:$0x1B7E0] =	vst v63  }
0x5e: {  	_ =	swait.ge [sflag:s14], $0x2000  }
0x5f: {  	[sflag:s14] =	ssyncset.done $0x0  }
0x60: {  	[sflag:s14] =	ssyncadd.s32 $0xFFFFE000  }
0x61: {  	[spmem:s1] =	stream.indirect.scatter.add.f32 [tilespmem:s15], [sflag:$0x1], $0x40, s16, s16, $0xb8;
	[tilespmem:$0x1B7E0] =	vst v63  }
0x62: {  	_ =	swait.ge [sflag:s14], $0x2000  }
0x63: {  	[sflag:s14] =	ssyncset.done $0x0  }
0x64: {  	[sflag:s14] =	ssyncadd.s32 $0xFFFFE000  }
0x65: {  	[bflag:$0x0] =	sbarrier.arrive $0xFFFF  }
0x66: {  	[tilespmem:s13], [sflag:$0x1] =	stream.linear.gather [spmem:s9], $0xA00, $0x38;
	[tilespmem:$0x1B7E0] =	vst v63  }
0x67: {  	p0 =	sne.s32 s7, $0x1;
	_ =	swait.ge [sflag:s14], $0xA00  }
.Ltmp4:
0x68: {  	[sflag:s14] =	ssyncset.done $0x0;
	(pc) =	sbr.rel @!p0 .LBB2_7-.Ltmp4, $4  }
0x69: {  	[sflag:s14] =	ssyncadd.s32 $0xFFFFF600  }
0x6a: {  	[hbm4b:s12+s3] =	stream.linear.scatter [tilespmem:s13], [sflag:$0x1], $0xA00, $0x38;
	[tilespmem:$0x1B7E0] =	vst v63  }
0x6b: {  	s19 =	smov.u32 s12;
	_ =	swait.ge [sflag:s14], $0xA00  }
0x6c: {  	s20 =	smov.u32 s9;
	s18 =	sadd.s32 $0xFFFFFFFF, s7;
	[sflag:s14] =	ssyncset.done $0x0  }
.LBB2_6:
0x6d: {  	[sflag:s14] =	ssyncadd.s32 $0xFFFFF600;
	s19 =	sadd.s32 $0x1400, s19;
	s20 =	sadd.s32 $0xA000, s20  }
0x6e: {  	[tilespmem:s13], [sflag:$0x1] =	stream.linear.gather [spmem:s20], $0xA00, $0x38;
	[tilespmem:$0x1B7E0] =	vst v63  }
0x6f: {  	p0 =	sne.s32 s18, $0x1;
	s18 =	sadd.s32 $0xFFFFFFFF, s18;
	_ =	swait.ge [sflag:s14], $0xA00  }
.Ltmp5:
0x70: {  	[sflag:s14] =	ssyncset.done $0x0;
	(pc) =	sbr.rel @p0 .LBB2_6-.Ltmp5, $4  }
0x71: {  	[sflag:s14] =	ssyncadd.s32 $0xFFFFF600  }
0x72: {  	[hbm4b:s19+s3] =	stream.linear.scatter [tilespmem:s13], [sflag:$0x1], $0xA00, $0x38;
	[tilespmem:$0x1B7E0] =	vst v63  }
0x73: {  	_ =	swait.ge [sflag:s14], $0xA00  }
0x74: {  	[sflag:s14] =	ssyncset.done $0x0  }
.LBB2_7:
0x75: {  	s17 =	sadd.s32 $0x1, s17  }
0x76: {  	p0 =	sne.s32 s17, s8  }
.Ltmp6:
0x77: {  	_ = 	snop;
	(pc) =	sbr.rel @p0 .LBB2_1-.Ltmp6, $2  }
0x78: {  	_ =	sdelay $0x2  }
0x79: {  	[sflag:s14] =	ssyncadd.s32 $0xFFFFF600  }
0x7a: {  	_ =	sfence.sel $0x180000  }
0x7b: {  	[bflag:$0x0] =	sbarrier.arrive $0xFFFF  }
0x7c: {  	p0 =	sne.s32 s2, $0x0;
	_ =	strace $0x90000053  }
0x7d: {  	s0 =	sadd.s32 @!p0 $0x100000, s0;
	[bflag:$0x2] =	sbarrier.arrive $0xFFFF  }
0x7e: {  	[sflag:s0] =	ssyncadd.tile.s32 @!p0 $0x1;
	_ =	shalt  }
.Lfunc_end2:
_tile_overlayer_lowered:
.L_overlay_start_2:
0x7f: {  	(tag) =	ssettag $0x2  }
0x80: {  	s0 =	rddreg [dreg:$0x0];
	s2 =	stileid.u32  }
0x81: {  	s1 =	rddreg [dreg:$0x1];
	p0 =	sne.s32 s2, $0x0  }
0x82: {  	s3 =	rddreg [dreg:$0x2];
	[bflag:$0x3] =	sbarrier.arrive $0xFFFF;
	s2 =	simm.s32 @!p0 $0x1C01  }
0x83: {  	[timem:s3], [sflag:s2] =	dma.local @!p0 [hbm:s0], s1  }
0x84: {  	s0 =	simm.s32 @!p0 $0x1  }
0x85: {  	_ =	swait.ge @!p0 [sflag:s0], s1  }
0x86: {  	s1 =	ssub.s32 @!p0 $0x0, s1;
	[sflag:s0] =	ssyncset.done @!p0 $0x0  }
0x87: {  	[sflag:s0] =	ssyncadd.s32 @!p0 s1  }
0x88: {  	[bflag:$0x3] =	sbarrier.arrive $0xFFFF  }
0x89: {  	_ =	shalt  }

// kernel: kernel.33.cloned.1.call-start
scs
__scs_entry_jumppad:
0x0: {  	(pc) =	sbr.rel $0x88, $3  }
0x1: {  	(tag) =	ssettag $0x0;
	lr =	simm.s32 $0x1  }
0x2: {  	[smem:$0x3F82] =	sst lr;
	_ =	strace $0xD0000000  }
0x3: {  	_ = 	snop  }
0x4: {  	_ = 	snop  }
0x5: {  	_ = 	snop  }
0x6: {  	_ = 	snop  }
0x7: {  	_ = 	snop  }
__scs_overlays_trampoline_lowered:
0x8: {  	[smem:$0x3F91] =	sst s0  }
0x9: {  	[smem:$0x3F92] =	sst s1  }
0xa: {  	[smem:$0x3F93] =	sst s2  }
0xb: {  	[smem:$0x3F94] =	sst s3  }
0xc: {  	[smem:$0x3F95] =	sst s4  }
0xd: {  	[smem:$0x3F96] =	sst s5  }
0xe: {  	[smem:$0x3F97] =	sst s6  }
0xf: {  	[smem:$0x3F98] =	sst s7  }
0x10: {  	[smem:$0x3F99] =	sst s8  }
0x11: {  	[smem:$0x3F9A] =	sst s9;
	s0 =	simm.s32 @!p0 $0x0  }
0x12: {  	s1 =	sld [smem:$0x3F80];
	s0 =	simm.s32 @p0 $0x1  }
0x13: {  	[smem:$0x3F9B] =	sst s0;
	s0 =	simm.s32 @!p1 $0x0  }
0x14: {  	s2 =	sld [smem:$0x3F7F];
	s0 =	simm.s32 @p1 $0x1  }
0x15: {  	[smem:$0x3F9C] =	sst s0;
	s0 =	simm.s32 @!p2 $0x0  }
0x16: {  	s3 =	sld [smem:$0x3FDB];
	s0 =	simm.s32 @p2 $0x1  }
0x17: {  	s4 =	simm.s32 $0x1BF5;
	[smem:$0x3F9E] =	sst s0  }
0x18: {  	s0 =	sld [smem:$0x3F81];
	_ =	swait.ge [sflag:s4], $0x0  }
0x19: {  	s7 =	sld [smem:$0x3F82]  }
0x1a: {  	s8 =	sadd.s32 $0xFFFFE003, lr  }
0x1b: {  	s9 =	sadd.s32 $0xFFFFFEF7, lr;
	s5 =	simm.s32 $0xFFFFFFFF;
	p2 =	slt.u32 s8, $0xFFFFF086  }
0x1c: {  	p1 =	slt.u32 s9, $0xF7A;
	s5 =	simm.s32 @!p2 $0x0  }
0x1d: {  	s5 =	simm.s32 @p1 $0x1;
	p0 =	seq.s32 s7, s2  }
0x1e: {  	s7 =	smul.u32 @!p0 $0xF7A, s2;
	p2 =	seq.s32 @!p0 s5, $0x0  }
0x1f: {  	s9 =	smul.u32 $0xF7A, s1;
	s8 =	simm.s32 @!p0 $0x1BF5;
	p2 =	por !p2, p0  }
0x20: {  	[sflag:s8] =	ssyncset.s32 @!p0 $0xFFFFF086;
	s6 =	sadd.s32 @!p0 s3, s7;
	s7 =	simm.s32 @!p0 $0x108  }
0x21: {  	s3 =	sadd.s32 s3, s9;
	s6 =	sadd.s32 @!p0 $0x88, s6;
	s7 =	simm.s32 @p2 $0x1082  }
0x22: {  	[simem:s7], [sflag:s8] =	dma.local @!p0 [hbm:s6], $0xF7A  }
0x23: {  	s9 =	sor.u32 $0xD0000000, s2;
	s6 =	simm.s32 $0x108;
	_ =	swait.ge @!p0 [sflag:s8], $0x0  }
0x24: {  	s3 =	sadd.s32 $0x88, s3;
	s6 =	simm.s32 @!p1 $0x1082;
	[sflag:s4] =	ssyncset.s32 $0xFFFFF086  }
0x25: {  	[simem:s6], [sflag:s4] =	dma.local [hbm:s3], $0xF7A  }
0x26: {  	[smem:$0x3F82] =	sst s1;
	(tag) =	ssettag s2;
	_ =	strace s9  }
0x27: {  	s1 =	sld [smem:$0x3F92]  }
0x28: {  	s2 =	sld [smem:$0x3F93]  }
0x29: {  	s4 =	sld [smem:$0x3F95]  }
0x2a: {  	p0 =	seq.s32 s5, $0x0;
	s5 =	sld [smem:$0x3F96]  }
0x2b: {  	s6 =	sld [smem:$0x3F97]  }
0x2c: {  	s7 =	sld [smem:$0x3F98]  }
0x2d: {  	s3 =	simm.s32 $0x108;
	s8 =	sld [smem:$0x3F99]  }
0x2e: {  	s3 =	simm.s32 @!p0 $0x1082;
	s9 =	sld [smem:$0x3F9A]  }
0x2f: {  	lr =	sadd.s32 s0, s3;
	s0 =	sld [smem:$0x3F91]  }
0x30: {  	s3 =	sld [smem:$0x3F94]  }
0x31: {  	[smem:$0x3F9D] =	sst s10  }
0x32: {  	s10 =	sld [smem:$0x3F9B];
	_ =	sdelay $0x3  }
0x33: {  	p0 =	seq.s32 s10, $0x1;
	s10 =	sld [smem:$0x3F9D];
	_ =	sdelay $0x3  }
0x34: {  	[smem:$0x3F9D] =	sst s10  }
0x35: {  	s10 =	sld [smem:$0x3F9C];
	_ =	sdelay $0x3  }
0x36: {  	p1 =	seq.s32 s10, $0x1;
	s10 =	sld [smem:$0x3F9D];
	_ =	sdelay $0x3  }
0x37: {  	[smem:$0x3F9D] =	sst s10  }
0x38: {  	s10 =	sld [smem:$0x3F9E]  }
0x39: {  	_ = 	snop;
	(pc) =	sbr.ind lr, $3  }
0x3a: {  	_ = 	snop  }
0x3b: {  	_ = 	snop  }
0x3c: {  	p2 =	seq.s32 s10, $0x1;
	s10 =	sld [smem:$0x3F9D]  }
0x3d: {  	_ =	shalt  }
0x3e: {  	_ =	shalt  }
0x3f: {  	_ =	shalt  }
0x40: {  	_ =	shalt  }
0x41: {  	_ =	shalt  }
0x42: {  	_ =	shalt  }
0x43: {  	_ =	shalt  }
0x44: {  	_ =	shalt  }
0x45: {  	_ =	shalt  }
0x46: {  	_ =	shalt  }
0x47: {  	_ =	shalt  }
0x48: {  	_ =	shalt  }
0x49: {  	_ =	shalt  }
0x4a: {  	_ =	shalt  }
0x4b: {  	_ =	shalt  }
0x4c: {  	_ =	shalt  }
0x4d: {  	_ =	shalt  }
0x4e: {  	_ =	shalt  }
0x4f: {  	_ =	shalt  }
0x50: {  	_ =	shalt  }
0x51: {  	_ =	shalt  }
0x52: {  	_ =	shalt  }
0x53: {  	_ =	shalt  }
0x54: {  	_ =	shalt  }
0x55: {  	_ =	shalt  }
0x56: {  	_ =	shalt  }
0x57: {  	_ =	shalt  }
0x58: {  	_ =	shalt  }
0x59: {  	_ =	shalt  }
0x5a: {  	_ =	shalt  }
0x5b: {  	_ =	shalt  }
0x5c: {  	_ =	shalt  }
0x5d: {  	_ =	shalt  }
0x5e: {  	_ =	shalt  }
0x5f: {  	_ =	shalt  }
0x60: {  	_ =	shalt  }
0x61: {  	_ =	shalt  }
0x62: {  	_ =	shalt  }
0x63: {  	_ =	shalt  }
0x64: {  	_ =	shalt  }
0x65: {  	_ =	shalt  }
0x66: {  	_ =	shalt  }
0x67: {  	_ =	shalt  }
0x68: {  	_ =	shalt  }
0x69: {  	_ =	shalt  }
0x6a: {  	_ =	shalt  }
0x6b: {  	_ =	shalt  }
0x6c: {  	_ =	shalt  }
0x6d: {  	_ =	shalt  }
0x6e: {  	_ =	shalt  }
0x6f: {  	_ =	shalt  }
0x70: {  	_ =	shalt  }
0x71: {  	_ =	shalt  }
0x72: {  	_ =	shalt  }
0x73: {  	_ =	shalt  }
0x74: {  	_ =	shalt  }
0x75: {  	_ =	shalt  }
0x76: {  	_ =	shalt  }
0x77: {  	_ =	shalt  }
0x78: {  	_ =	shalt  }
0x79: {  	_ =	shalt  }
0x7a: {  	_ =	shalt  }
0x7b: {  	_ =	shalt  }
0x7c: {  	_ =	shalt  }
0x7d: {  	_ =	shalt  }
0x7e: {  	_ =	shalt  }
0x7f: {  	_ =	shalt  }
0x80: {  	_ =	shalt  }
0x81: {  	_ =	shalt  }
0x82: {  	_ =	shalt  }
0x83: {  	_ =	shalt  }
0x84: {  	_ =	shalt  }
0x85: {  	_ =	shalt  }
0x86: {  	_ =	shalt  }
0x87: {  	_ =	shalt  }
.Lfunc_end0:
.L_simem_size_0:
called_computation.5_lowered:
.L_overlay_start_0:
0x88: {  	s2 =	sld [smem:$0x3FD9]  }
0x89: {  	s3 =	sld [smem:$0x3FFE];
	_ =	sdelay $0x1  }
0x8a: {  	s1 =	srdreg.scid  }
0x8b: {  	s0 =	sand.u32 $0x1, s1  }
0x8c: {  	s14 =	sshll.u32 s0, $0xA;
	s2 =	sadd.s32 s3, s2  }
0x8d: {  	s2 =	sadd.s32 s2, s14  }
0x8e: {  	[smem:$0x3FA9] =	sst s2  }
0x8f: {  	_ = 	snop  }
0x90: {  	s2 =	sld [smem:$0x3FD0];
	_ =	sdelay $0x2  }
0x91: {  	s15 =	simm.s32 $0xA;
	s4 =	simm.s32 $0x10  }
0x92: {  	[smem:s4], [sflag:s15] =	dma.local [hbm:s2], $0x1  }
0x93: {  	_ =	swait.eq [sflag:s15], $0x1  }
0x94: {  	[sflag:s15] =	ssyncset.done $0x0  }
0x95: {  	[sflag:s15] =	ssyncadd.s32 $0xFFFFFFFF  }
0x96: {  	s16 =	sld [smem:$0x11];
	(tm) =	ssettm $0x1  }
0x97: {  	s17 =	sld [smem:$0x3FFB];
	_ =	sdelay $0x3  }
0x98: {  	_ =	strace s17  }
0x99: {  	s3 =	sld [smem:$0x3FFC];
	_ =	sdelay $0x3  }
0x9a: {  	_ =	strace s3  }
0x9b: {  	s3 =	sld [smem:$0x3FFD];
	_ =	sdelay $0x3  }
0x9c: {  	_ =	strace s3  }
0x9d: {  	_ =	strace $0x8FFFFFFF  }
0x9e: {  	s18 =	sld [smem:$0x3FDB];
	_ =	sdelay $0x1  }
0x9f: {  	s19 =	simm.s32 $_scs_section_size  }
0xa0: {  	s5 =	simm.s32 $_size__tile_overlayer_lowered;
	s6 =	simm.s32 $_tile_overlayer_lowered  }
0xa1: {  	s22 =	simm.s32 $0x1BFF;
	s21 =	sshll.u32 s6, $0x1;
	s3 =	sadd.s32 s19, s18  }
0xa2: {  	s7 =	simm.s32 $0x0;
	s20 =	sshll.u32 s5, $0x1;
	s5 =	sadd.s32 s21, s3  }
0xa3: {  	[timem:s7], [sflag:s22] =	dma.local [hbm:s5], s20  }
0xa4: {  	_ =	swait.ge [sflag:s22], s20  }
0xa5: {  	s4 =	ssub.s32 $0x0, s20;
	[sflag:s22] =	ssyncset.done $0x0  }
0xa6: {  	[sflag:s22] =	ssyncadd.s32 s4;
	_ =	sdelay $0x1  }
0xa7: {  	s23 =	simm.s32 $0x1B8B  }
0xa8: {  	_ =	swait.ge [sflag:s23], $0x1  }
0xa9: {  	[sflag:s23] =	ssyncset.done $0x0  }
0xaa: {  	s25 =	simm.s32 $0x1B8E;
	s24 =	sld [smem:$0x3FFE];
	[sflag:s23] =	ssyncadd.s32 $0xFFFFFFFF  }
0xab: {  	s26 =	simm.s32 $execute0_lowered;
	[smem:$0x3FD2] =	sst s25  }
0xac: {  	s5 =	sshll.u32 s26, $0x1;
	_ =	strace $0x80000055;
	[dreg:$0x1] =	wrdreg $0xFFFFFFFF  }
0xad: {  	s28 =	simm.s32 $_size_execute0_lowered;
	s3 =	sadd.s32 s3, s5;
	[dreg:$0x0] =	wrdreg $0x0  }
0xae: {  	s5 =	sshll.u32 s28, $0x1;
	[dreg:$0x2] =	wrdreg s3  }
0xaf: {  	[dreg:$0x3] =	wrdreg s5  }
0xb0: {  	[dreg:$0x4] =	wrdreg $0xC0  }
0xb1: {  	_ =	task [dreg:s7], $0x5FFFF  }
0xb2: {  	[dreg:$0x1] =	wrdreg $0xFFFFFFFF  }
0xb3: {  	[dreg:$0x0] =	wrdreg $0x60  }
0xb4: {  	[dreg:$0x2] =	wrdreg s24  }
0xb5: {  	[dreg:$0x3] =	wrdreg s16  }
0xb6: {  	[dreg:$0x4] =	wrdreg $0x9  }
0xb7: {  	_ =	task.clear_ibuf [dreg:s7], $0x5FFFF;
	_ =	strace $0x90000055  }
0xb8: {  	s29 =	simm.s32 $0x9;
	_ =	strace $0x80000057  }
0xb9: {  	_ =	swait.ge [sflag:s29], $0x1  }
0xba: {  	[sflag:s29] =	ssyncadd.s32 $0xFFFFFFFF  }
0xbb: {  	_ =	strace $0x90000057  }
0xbc: {  	_ =	sfence  }
0xbd: {  	s30 =	sld [smem:$0x0];
	_ =	sdelay $0x2  }
0xbe: {  	s31 =	sshll.u32 s1, $0xD;
	s1 =	sshrl.u32 s1, $0x2  }
0xbf: {  	s3 =	sand.u32 $0x4000, s31;
	s1 =	sadd.s32 s1, s30  }
0xc0: {  	s0 =	sor.u32 s3, s0;
	s1 =	sshll.u32 s1, $0x11  }
0xc1: {  	s0 =	sor.u32 s1, s0  }
0xc2: {  	s0 =	sadd.s32 $0x8F2B, s0  }
0xc3: {  	[sflag:s0] =	ssyncadd.remote.s32 $0x1  }
0xc4: {  	_ =	sfence.sel $0xFFFF  }
0xc5: {  	[dreg:$0x0] =	wrdreg $0xFFFFFFFF;
	(pc) =	sbr.abs _section_cstart, $3  }
0xc6: {  	[dreg:$0x1] =	wrdreg $0xFFFFFFFF  }
0xc7: {  	_ =	task.clear_ibuf [dreg:s7], $0x2FFFF;
	_ =	strace $0x9FFFFFFF  }
0xc8: {  	(tm) =	ssettm $0x7FFFFFFF  }
0xc9: {  	_ =	shalt  }
tec
execute0_lowered:
.L_overlay_start_1:
0x0: {  	(tag) =	ssettag $0x1  }
0x1: {  	s7 =	rddreg [dreg:$0x0]  }
0x2: {  	s1 =	rddreg [dreg:$0x1]  }
0x3: {  	s0 =	rddreg [dreg:$0x2];
	s2 =	simm.s32 $0x0;
	s6 =	srdreg.scid  }
0x4: {  	s3 =	stileid.u32;
	s12 =	simm.s32 $0x80;
	s13 =	simm.s32 $0x100  }
0x5: {  	s14 =	simm.s32 $0x1;
	s15 =	simm.s32 $0x2100;
	s16 =	simm.s32 $0x4100  }
0x6: {  	s17 =	simm.s32 $0x0;
	[smem:$0x7FF] =	sst s2;
	s4 =	sadd.s32 $0x6B3A00, s7  }
0x7: {  	s5 =	sadd.s32 $0x651E00, s7;
	s8 =	sand.u32 $0x1, s6;
	s6 =	sadd.s32 $0x1EA00, s7  }
0x8: {  	s10 =	sshll.u32 s3, $0x1;
	s7 =	sadd.s32 $0x6200, s7;
	s9 =	ssub.s32 $0x2, s8  }
0x9: {  	_ =	strace $0x80000056;
	s10 =	sor.u32 s8, s10;
	s11 =	sshrl.u32 s9, $0x1  }
0xa: {  	s8 =	sshll.u32 s10, $0x7;
	s31 =	ssub.s32 $0x1889, s10;
	s11 =	ssub.s32 s9, s11  }
0xb: {  	s9 =	sshrl.u32 s31, $0x5;
	s10 =	smax.u32 s11, $0x1;
	s11 =	simm.s32 $0x2  }
.LBB2_1:
0xc: {  	s18 =	simm.s32 $0x0  }
.LBB2_2:
0xd: {  	s19 =	sshll.u32 s18, $0xC  }
0xe: {  	s19 =	sor.u32 s8, s19  }
0xf: {  	s20 =	sshrl.u32 s19, $0x3  }
0x10: {  	s22 =	simm.s32 $0x0;
	s21 =	sadd.s32 s6, s20  }
0x11: {  	[tilespmem:s22], [sflag:$0x2] =	stream.linear.gather [hbm4b:s21+s22], $0x80, $0x38;
	[tilespmem:$0x6100] =	vst v63  }
0x12: {  	_ =	swait.ge [sflag:s11], $0x80  }
0x13: {  	[sflag:s11] =	ssyncset.done $0x0  }
0x14: {  	s20 =	sadd.s32 s7, s20;
	[sflag:s11] =	ssyncadd.s32 $0xFFFFFF80  }
0x15: {  	[tilespmem:s12], [sflag:$0x2] =	stream.linear.gather [hbm4b:s20+s22], $0x80, $0x38;
	[tilespmem:$0x6100] =	vst v63  }
0x16: {  	_ =	swait.ge [sflag:s11], $0x80  }
0x17: {  	[sflag:s11] =	ssyncset.done $0x0  }
0x18: {  	[sflag:s11] =	ssyncadd.s32 $0xFFFFFF80  }
0x19: {  	[tilespmem:s13], [sflag:$0x1] =	stream.indirect.gather [hbm4b:s4+s12], $0x40, s22, s12, $0xb8;
	[tilespmem:$0x6100] =	vst v63  }
0x1a: {  	_ =	swait.ge [sflag:s14], $0x2000  }
0x1b: {  	[sflag:s14] =	ssyncset.done $0x0  }
0x1c: {  	[sflag:s14] =	ssyncadd.s32 $0xFFFFE000  }
0x1d: {  	[tilespmem:s15], [sflag:$0x1] =	stream.indirect.gather [hbm4b:s5+s12], $0x40, s12, s12, $0xb8;
	[tilespmem:$0x6100] =	vst v63  }
0x1e: {  	_ =	swait.ge [sflag:s14], $0x2000  }
0x1f: {  	[sflag:s14] =	ssyncset.done $0x0  }
0x20: {  	s21 =	simm.s32 $0x0;
	[sflag:s14] =	ssyncadd.s32 $0xFFFFE000  }
0x21: {  	v2 =	vld [tilespmem:s21+$0x130]  }
0x22: {  	v4 =	vld [tilespmem:s21+$0x2130]  }
0x23: {  	v5 =	vld [tilespmem:s21+$0x100]  }
0x24: {  	v6 =	vld [tilespmem:s21+$0x2100]  }
0x25: {  	v1 =	vld [tilespmem:s21+$0x110]  }
0x26: {  	v3 =	vld [tilespmem:s21+$0x2110]  }
0x27: {  	v0 =	vld [tilespmem:s21+$0x120];
	v7 =	vadd.f32 v4, v2  }
0x28: {  	s20 =	simm.s32 $0x40;
	v4 =	vld [tilespmem:s21+$0x2120]  }
0x29: {  	s22 =	simm.s32 $0x200;
	v2 =	vld [tilespmem:s20+$0x130];
	v5 =	vadd.f32 v6, v5;
	[tilespmem:s21+$0x4130] =	vst v7  }
.LBB2_3:
0x2a: {  	p0 =	sne.s32 s22, $0x7F00;
	v6 =	vld [tilespmem:s20+$0x2130]  }
0x2b: {  	v7 =	vld [tilespmem:s20+$0x100];
	[tilespmem:s21+$0x4100] =	vst v5;
	v3 =	vadd.f32 v3, v1  }
0x2c: {  	v5 =	vld [tilespmem:s20+$0x2100]  }
.Ltmp0:
0x2d: {  	v1 =	vld [tilespmem:s20+$0x110];
	[tilespmem:s21+$0x4110] =	vst v3;
	v4 =	vadd.f32 v4, v0;
	(pc) =	sbr.rel @p0 .LBB2_3-.Ltmp0, $4  }
0x2e: {  	v3 =	vld [tilespmem:s20+$0x2110]  }
0x2f: {  	v0 =	vld [tilespmem:s20+$0x120];
	v6 =	vadd.f32 v6, v2;
	[tilespmem:s21+$0x4120] =	vst v4;
	s21 =	smov.u32 s20  }
0x30: {  	s20 =	sshra.s32 s22, $0x2;
	v4 =	vld [tilespmem:s21+$0x2120]  }
0x31: {  	s22 =	sadd.s32 $0x100, s22;
	v2 =	vld [tilespmem:s20+$0x130];
	v5 =	vadd.f32 v5, v7;
	[tilespmem:s21+$0x4130] =	vst v6  }
0x32: {  	v6 =	vld [tilespmem:s20+$0x2130]  }
0x33: {  	v7 =	vld [tilespmem:s20+$0x100];
	[tilespmem:s21+$0x4100] =	vst v5;
	v1 =	vadd.f32 v3, v1  }
0x34: {  	v62 =	vld [tilespmem:s20+$0x2100]  }
0x35: {  	v5 =	vld [tilespmem:s20+$0x110];
	[tilespmem:s21+$0x4110] =	vst v1;
	v0 =	vadd.f32 v4, v0  }
0x36: {  	v1 =	vld [tilespmem:s20+$0x2110]  }
0x37: {  	v63 =	vld [tilespmem:s20+$0x120];
	[tilespmem:s21+$0x4120] =	vst v0  }
0x38: {  	v0 =	vld [tilespmem:s20+$0x2120];
	_ =	sdelay $0x1  }
0x39: {  	v2 =	vadd.f32 v6, v2  }
0x3a: {  	v3 =	vadd.f32 v62, v7  }
0x3b: {  	[tilespmem:s20+$0x4130] =	vst v2;
	v1 =	vadd.f32 v1, v5  }
0x3c: {  	s19 =	sshll.u32 s19, $0x3;
	s18 =	sadd.s32 $0x1, s18;
	[tilespmem:s20+$0x4100] =	vst v3;
	v0 =	vadd.f32 v0, v63  }
0x3d: {  	s19 =	sand.u32 $0x1FFFFC00, s19;
	p0 =	sne.s32 s18, s9;
	[tilespmem:s20+$0x4110] =	vst v1  }
.Ltmp1:
0x3e: {  	s19 =	sadd.s32 s1, s19;
	[tilespmem:s20+$0x4120] =	vst v0;
	(pc) =	sbr.rel @p0 .LBB2_2-.Ltmp1, $4  }
0x3f: {  	[hbm4b:s19+s2] =	stream.linear.scatter [tilespmem:s16], [sflag:$0x2], $0x2000, $0x38;
	[tilespmem:$0x6100] =	vst v63  }
0x40: {  	_ =	swait.ge [sflag:s11], $0x2000  }
0x41: {  	[sflag:s11] =	ssyncset.done $0x0  }
0x42: {  	[sflag:s11] =	ssyncadd.s32 $0xFFFFE000  }
0x43: {  	s17 =	sadd.s32 $0x1, s17  }
0x44: {  	p0 =	sne.s32 s17, s10  }
.Ltmp2:
0x45: {  	_ = 	snop;
	(pc) =	sbr.rel @p0 .LBB2_1-.Ltmp2, $1  }
0x46: {  	_ =	sdelay $0x3  }
0x47: {  	_ =	sfence.sel $0x180000  }
0x48: {  	[bflag:$0x0] =	sbarrier.arrive $0xFFFF  }
0x49: {  	p0 =	sne.s32 s3, $0x0;
	_ =	strace $0x90000056  }
0x4a: {  	s0 =	sadd.s32 @!p0 $0x100000, s0;
	[bflag:$0x2] =	sbarrier.arrive $0xFFFF  }
0x4b: {  	[sflag:s0] =	ssyncadd.tile.s32 @!p0 $0x1;
	_ =	shalt  }
.Lfunc_end2:
_tile_overlayer_lowered:
.L_overlay_start_2:
0x4c: {  	(tag) =	ssettag $0x2  }
0x4d: {  	s0 =	rddreg [dreg:$0x0];
	s2 =	stileid.u32  }
0x4e: {  	s1 =	rddreg [dreg:$0x1];
	p0 =	sne.s32 s2, $0x0  }
0x4f: {  	s3 =	rddreg [dreg:$0x2];
	[bflag:$0x3] =	sbarrier.arrive $0xFFFF;
	s2 =	simm.s32 @!p0 $0x1C02  }
0x50: {  	[timem:s3], [sflag:s2] =	dma.local @!p0 [hbm:s0], s1  }
0x51: {  	s0 =	simm.s32 @!p0 $0x2  }
0x52: {  	_ =	swait.ge @!p0 [sflag:s0], s1  }
0x53: {  	s1 =	ssub.s32 @!p0 $0x0, s1;
	[sflag:s0] =	ssyncset.done @!p0 $0x0  }
0x54: {  	[sflag:s0] =	ssyncadd.s32 @!p0 s1  }
0x55: {  	[bflag:$0x3] =	sbarrier.arrive $0xFFFF  }
0x56: {  	_ =	shalt  }

</sc_bundles>
